<compile_context>
chip_gen: v7x
topology: tpu7x:2x2x1
jax: 0.10.2.dev20260603
libtpu: 0.0.44.dev20260713+nightly
codegen_flags: <defaults>
</compile_context>

<pallas_src>
import functools

import jax
import jax.numpy as jnp
from jax import lax
from jax.experimental import pallas as pl
from jax.experimental.pallas import tpu as pltpu
from jax.experimental.pallas import tpu_sc as plsc

_Q_DENOM = 1.00001
_TOP_P = 0.75
_KEEP_TOP_K = 2
_ENT_THRESH = 0.5
_DYN_COEF = 0.01
_AUX_COEF = 0.001

_NC, _NS, _L = 2, 16, 16
_NW = _NC * _NS
_CHUNK = 256
_NBUF = 2


def _build_partials(n_tokens, mask_len):
    tpw = n_tokens // _NW
    chunks = tpw // _CHUNK
    cgroups = _CHUNK // _L
    mgroups = tpw // _L
    theta = 1.0 - _ENT_THRESH * _Q_DENOM

    mesh = plsc.VectorSubcoreMesh(
        core_axis_name="c", subcore_axis_name="s",
        num_cores=_NC, num_subcores=_NS,
    )

    @functools.partial(
        pl.kernel,
        out_type=jax.ShapeDtypeStruct((_NW, 4, _L), jnp.float32),
        mesh=mesh,
        scratch_types=[
            pltpu.VMEM((_NBUF, _CHUNK, _L), jnp.float32),
            pltpu.VMEM((tpw,), jnp.float32),
            pltpu.VMEM((_L,), jnp.float32),
            pltpu.VMEM((_L,), jnp.float32),
            pltpu.VMEM((_L,), jnp.float32),
            pltpu.VMEM((_L,), jnp.float32),
            pltpu.SemaphoreType.DMA((_NBUF,)),
        ],
        compiler_params=pltpu.CompilerParams(needs_layout_passes=False),
    )
    def body(logits_hbm, maskf_hbm, out_hbm, logits_v, mask_v,
             a_v, b_v, sq_v, m_v, sems):
        wid = lax.axis_index("s") * _NC + lax.axis_index("c")
        base = wid * tpw
        pltpu.sync_copy(maskf_hbm.at[pl.ds(lax.rem(base, mask_len), tpw)],
                        mask_v)

        zeros = jnp.zeros((_L,), jnp.float32)
        a_v[...] = zeros
        b_v[...] = zeros

        lane = lax.iota(jnp.int32, _L)
        keep_k = lane < _KEEP_TOP_K
        last = jnp.full((_L,), _L - 1, jnp.int32)
        bfly = [lane ^ (1 << k) for k in range(4)]

        def lane_sum(x):
            for idx in bfly:
                x = x + jnp.take_along_axis(x, idx, axis=0,
                                            mode="promise_in_bounds")
            return x

        def chunk_copy(c, slot):
            return pltpu.make_async_copy(
                logits_hbm.at[pl.ds(base + c * _CHUNK, _CHUNK), :],
                logits_v.at[slot], sems.at[slot])

        for b in range(_NBUF):
            chunk_copy(b, b).start()

        @pl.loop(0, chunks, init_carry=zeros)
        def sq_total(c, sq_carry):
            slot = lax.rem(c, _NBUF)
            chunk_copy(c, slot).wait()

            @plsc.parallel_loop(0, cgroups, carry=sq_carry)
            def chunk_sq(g, sq_acc):
                tbase = g * _L
                for i in range(_L):
                    v = logits_v[slot, tbase + i]
                    ev = jnp.exp(v)
                    skey, sval = plsc.sort_key_val(ev, lane, descending=True)
                    cum = plsc.cumsum(skey)
                    s_spl = jnp.take_along_axis(cum, last, axis=0,
                                                mode="promise_in_bounds")
                    p = skey / s_spl
                    sq = p * p
                    sqs = jnp.take_along_axis(plsc.cumsum(sq), last, axis=0,
                                              mode="promise_in_bounds")
                    keep = ((cum <= s_spl * _TOP_P) | keep_k) | (sqs < theta)
                    plsc.addupdate_scatter(a_v, [sval], jnp.where(keep, p, 0.0))
                    plsc.addupdate_scatter(b_v, [sval], p)
                    sq_acc = sq_acc + sq
                return sq_acc

            @pl.when(c + _NBUF < chunks)
            def _():
                chunk_copy(c + _NBUF, slot).start()

            return chunk_sq

        @plsc.parallel_loop(0, mgroups, carry=zeros)
        def m_total(g, m_acc):
            return m_acc + mask_v[pl.ds(g * _L, _L)]

        sq_v[...] = sq_total
        m_v[...] = m_total
        pltpu.sync_copy(a_v, out_hbm.at[wid, 0])
        pltpu.sync_copy(b_v, out_hbm.at[wid, 1])
        pltpu.sync_copy(sq_v, out_hbm.at[wid, 2])
        pltpu.sync_copy(m_v, out_hbm.at[wid, 3])

    return body


def kernel(gate_logits, attention_mask):
    n_tokens, n_experts = gate_logits.shape
    maskf = attention_mask.reshape(-1).astype(jnp.float32)
    parts = _build_partials(n_tokens, maskf.shape[0])(gate_logits, maskf)
    a = parts[:, 0, :].sum(axis=0)
    b = parts[:, 1, :].sum(axis=0)
    sq_sum = parts[:, 2, :].sum()
    m_sum = parts[:, 3, :].sum()
    denom = m_sum + 1e-8
    entropy_loss = (n_tokens - sq_sum) / _Q_DENOM / n_tokens
    load_balance = n_experts * jnp.sum((a / denom) * (b / denom))
    return _DYN_COEF * entropy_loss + _AUX_COEF * load_balance

# --- scband reference (transcript-rebuilt; emitter-appended) ---
"""Pipeline reference for scband-dyn-mole-router-loss-76063870812350 (READ-ONLY COPY).

The authoritative reference and input builder live on the scoring server;
editing this copy changes nothing except your own understanding.
"""

import jax, jax.numpy as jnp
import numpy as np

ENTROPY_THRESHOLD = 0.5
ENTROPY_INDEX = 2.0
ENTROPY_EPS = 1e-05
KEEP_TOP_K = 2
TOP_P = 0.75
DYN_LOSS_COEF = 0.01
AUX_LOSS_COEF = 0.001


def tsallis_entropy(p, q, eps):
    # Standard Tsallis entropy: S_q(p) = (1 - sum_i p_i^q) / (q - 1), eps for stability
    return (1.0 - jnp.sum(jnp.power(p, q), axis=-1)) / (q - 1.0 + eps)


def setup_inputs(seed: int = 0) -> dict:
    key = jax.random.key(seed)
    k1, k2 = jax.random.split(key)
    # num_hidden_layers=4, batch=4, seq_len=2048, num_experts=16 -> [4*4*2048, 16]
    gate_logits = jax.random.normal(k1, (32768, 16), dtype=jnp.float32)
    attention_mask = jnp.ones((4, 2048), dtype=jnp.float32)
    return {"gate_logits": gate_logits, "attention_mask": attention_mask}


def reference(gate_logits, attention_mask):
    orig_routing_weights = jax.nn.softmax(gate_logits, axis=-1)

    # _dynamic_routing
    sorted_logits = -jnp.sort(-orig_routing_weights, axis=-1)  # descending
    sorted_indices = jnp.argsort(-orig_routing_weights, axis=-1)
    cumulative_probs = jnp.cumsum(sorted_logits, axis=-1)
    expert_mask = (cumulative_probs <= TOP_P).astype(orig_routing_weights.dtype)
    expert_mask = expert_mask.at[..., :KEEP_TOP_K].set(1.0)
    rows = jnp.arange(orig_routing_weights.shape[0])[:, None]
    final_mask = jnp.zeros_like(orig_routing_weights).at[rows, sorted_indices].set(expert_mask)
    router_entropy = tsallis_entropy(orig_routing_weights, ENTROPY_INDEX, ENTROPY_EPS)
    high_entropy_mask = router_entropy > ENTROPY_THRESHOLD
    final_mask = jnp.where(high_entropy_mask[:, None], 1.0, final_mask)
    routing_weights = orig_routing_weights * final_mask

    entropy_loss = jnp.mean(router_entropy)
    num_experts = routing_weights.shape[-1]

    batch_size, sequence_length = attention_mask.shape
    num_hidden_layers = routing_weights.shape[0] // (batch_size * sequence_length)
    per_expert_attention_mask = jnp.broadcast_to(
        attention_mask[None, :, :, None],
        (num_hidden_layers, batch_size, sequence_length, num_experts),
    ).reshape(-1, num_experts)
    sum_per_expert_attention_mask = jnp.sum(per_expert_attention_mask, axis=0)
    tokens_per_expert = jnp.sum(routing_weights * per_expert_attention_mask, axis=0) / (sum_per_expert_attention_mask + 1e-08)
    router_prob_per_expert = jnp.sum(orig_routing_weights * per_expert_attention_mask, axis=0) / (sum_per_expert_attention_mask + 1e-08)
    load_balance_loss = num_experts * jnp.sum(tokens_per_expert * router_prob_per_expert)

    return DYN_LOSS_COEF * entropy_loss + AUX_LOSS_COEF * load_balance_loss

if __name__ == "__main__":
    import jax
    _d = setup_inputs()
    print(jax.jit(kernel)(*tuple(_d.values())))

</pallas_src>

<mosaic_0001>
#map = affine_map<(d0, d1) -> (0, 0)>
#map1 = affine_map<(d0, d1) -> (0)>
#map2 = affine_map<(d0, d1) -> (0, 0, 0)>
module attributes {stable_mosaic.version = 14 : i64} {
  func.func @body(%arg0: i32, %arg1: i32, %arg2: memref<32768x16xf32, #tpu.memory_space<hbm>>, %arg3: memref<8192xf32, #tpu.memory_space<hbm>>, %arg4: memref<32x4x16xf32, #tpu.memory_space<hbm>>, %arg5: memref<2x256x16xf32, #tpu.memory_space<vmem>>, %arg6: memref<1024xf32, #tpu.memory_space<vmem>>, %arg7: memref<16xf32, #tpu.memory_space<vmem>>, %arg8: memref<16xf32, #tpu.memory_space<vmem>>, %arg9: memref<16xf32, #tpu.memory_space<vmem>>, %arg10: memref<16xf32, #tpu.memory_space<vmem>>, %arg11: memref<2x!tpu.dma_semaphore, #tpu.memory_space<semaphore_mem>>) attributes {dimension_semantics = [#tpu.dimension_semantics<core_parallel>, #tpu.dimension_semantics<subcore_parallel>], iteration_bounds = array<i64: 2, 16>, scalar_prefetch = 0 : i64, scratch_operands = 7 : i64, tpu.core_type = #tpu.core_type<sc_vector_subcore>, window_params = [{transform_indices = #map}, {transform_indices = #map1}, {transform_indices = #map2}]} {
    %mul3A = arith.constant 2 : i32
    %mul3A_0 = arith.muli %arg1, %mul3A : i32
    %add3A = arith.addi %mul3A_0, %arg0 : i32
    %mul3A_1 = arith.constant 1024 : i32
    %mul3A_2 = arith.muli %add3A, %mul3A_1 : i32
    %rem3A = arith.constant 8192 : i32
    %rem3A_3 = arith.remsi %mul3A_2, %rem3A : i32
    "tpu.region"() ({
      %run_scoped3A_73 = tpu.sem_alloc : memref<!tpu.dma_semaphore, #tpu.memory_space<semaphore_mem>>
      %dma_start3A_74 = tpu.memref_slice %arg3[%rem3A_3] : memref<8192xf32, #tpu.memory_space<hbm>> -> memref<1024xf32, #tpu.memory_space<hbm>>
      %dma_start3A_75 = tpu.memref_slice %arg3[%rem3A_3] : memref<8192xf32, #tpu.memory_space<hbm>> -> memref<1024xf32, #tpu.memory_space<hbm>>
      tpu.enqueue_dma source(%dma_start3A_75 : memref<1024xf32, #tpu.memory_space<hbm>>) target(%arg6 : memref<1024xf32, #tpu.memory_space<vmem>>) target_semaphore(%run_scoped3A_73 : memref<!tpu.dma_semaphore, #tpu.memory_space<semaphore_mem>>)
      %dma_wait3A = tpu.memref_slice %arg3[%rem3A_3] : memref<8192xf32, #tpu.memory_space<hbm>> -> memref<1024xf32, #tpu.memory_space<hbm>>
      %dma_wait3A_76 = tpu.memref_slice %arg3[%rem3A_3] : memref<8192xf32, #tpu.memory_space<hbm>> -> memref<1024xf32, #tpu.memory_space<hbm>>
      tpu.wait_dma2 semaphore(%run_scoped3A_73 : memref<!tpu.dma_semaphore, #tpu.memory_space<semaphore_mem>>) src(%dma_wait3A_76 : memref<1024xf32, #tpu.memory_space<hbm>>) dst(%arg6 : memref<1024xf32, #tpu.memory_space<vmem>>)
      tpu.yield
    }) : () -> ()
    %broadcast_in_dim3A = arith.constant 0.000000e+00 : f32
    %broadcast_in_dim3A_4 = vector.broadcast %broadcast_in_dim3A : f32 to vector<16xf32>
    %swap3A = arith.constant 0 : index
    %swap3A_5 = tpu.vector_load %arg7[%swap3A] {strides = array<i32>} : memref<16xf32, #tpu.memory_space<vmem>>, vector<16xf32>,
    tpu.vector_store %arg7[%swap3A], %broadcast_in_dim3A_4 {strides = array<i32>} : memref<16xf32, #tpu.memory_space<vmem>>, vector<16xf32>,
    %swap3A_6 = arith.constant 0 : index
    %swap3A_7 = tpu.vector_load %arg8[%swap3A_6] {strides = array<i32>} : memref<16xf32, #tpu.memory_space<vmem>>, vector<16xf32>,
    tpu.vector_store %arg8[%swap3A_6], %broadcast_in_dim3A_4 {strides = array<i32>} : memref<16xf32, #tpu.memory_space<vmem>>, vector<16xf32>,
    %iota3A = tpu.iota {dimensions = array<i32: 0>} : vector<16xi32>
    %lt3A = arith.constant 2 : i32
    %lt3A_8 = vector.broadcast %lt3A : i32 to vector<16xi32>
    %lt3A_9 = arith.cmpi slt, %iota3A, %lt3A_8 : vector<16xi32>
    %broadcast_in_dim3A_10 = arith.constant 15 : i32
    %broadcast_in_dim3A_11 = vector.broadcast %broadcast_in_dim3A_10 : i32 to vector<16xi32>
    %xor3A = arith.constant 1 : i32
    %xor3A_12 = vector.broadcast %xor3A : i32 to vector<16xi32>
    %xor3A_13 = arith.xori %iota3A, %xor3A_12 : vector<16xi32>
    %xor3A_14 = arith.constant 2 : i32
    %xor3A_15 = vector.broadcast %xor3A_14 : i32 to vector<16xi32>
    %xor3A_16 = arith.xori %iota3A, %xor3A_15 : vector<16xi32>
    %xor3A_17 = arith.constant 4 : i32
    %xor3A_18 = vector.broadcast %xor3A_17 : i32 to vector<16xi32>
    %xor3A_19 = arith.xori %iota3A, %xor3A_18 : vector<16xi32>
    %xor3A_20 = arith.constant 8 : i32
    %xor3A_21 = vector.broadcast %xor3A_20 : i32 to vector<16xi32>
    %xor3A_22 = arith.xori %iota3A, %xor3A_21 : vector<16xi32>
    %add3A_23 = arith.constant 0 : i32
    %add3A_24 = arith.addi %mul3A_2, %add3A_23 : i32
    %dma_start3A = arith.constant 0 : i32
    %dma_start3A_25 = arith.constant 0 : i32
    %dma_start3A_26 = arith.constant 0 : i32
    %dma_start3A_27 = arith.constant 0 : i32
    %dma_start3A_28 = tpu.memref_slice %arg5[%dma_start3A, %dma_start3A_26, %dma_start3A_27] : memref<2x256x16xf32, #tpu.memory_space<vmem>> -> memref<1x256x16xf32, #tpu.memory_space<vmem>>
    %dma_start3A_29 = tpu.memref_squeeze %dma_start3A_28 : memref<1x256x16xf32, #tpu.memory_space<vmem>> -> memref<256x16xf32, #tpu.memory_space<vmem>>
    %dma_start3A_30 = arith.constant 0 : i32
    %dma_start3A_31 = tpu.memref_slice %arg2[%add3A_24, %dma_start3A_30] : memref<32768x16xf32, #tpu.memory_space<hbm>> -> memref<256x16xf32, #tpu.memory_space<hbm>>
    %dma_start3A_32 = tpu.memref_slice %arg11[%dma_start3A_25] : memref<2x!tpu.dma_semaphore, #tpu.memory_space<semaphore_mem>> -> memref<1x!tpu.dma_semaphore, #tpu.memory_space<semaphore_mem>>
    %dma_start3A_33 = tpu.memref_squeeze %dma_start3A_32 : memref<1x!tpu.dma_semaphore, #tpu.memory_space<semaphore_mem>> -> memref<!tpu.dma_semaphore, #tpu.memory_space<semaphore_mem>>
    %dma_start3A_34 = arith.constant 0 : i32
    %dma_start3A_35 = arith.constant 0 : i32
    %dma_start3A_36 = tpu.memref_slice %arg5[%dma_start3A, %dma_start3A_34, %dma_start3A_35] : memref<2x256x16xf32, #tpu.memory_space<vmem>> -> memref<1x256x16xf32, #tpu.memory_space<vmem>>
    %dma_start3A_37 = tpu.memref_squeeze %dma_start3A_36 : memref<1x256x16xf32, #tpu.memory_space<vmem>> -> memref<256x16xf32, #tpu.memory_space<vmem>>
    %dma_start3A_38 = arith.constant 0 : i32
    %dma_start3A_39 = tpu.memref_slice %arg2[%add3A_24, %dma_start3A_38] : memref<32768x16xf32, #tpu.memory_space<hbm>> -> memref<256x16xf32, #tpu.memory_space<hbm>>
    tpu.enqueue_dma source(%dma_start3A_39 : memref<256x16xf32, #tpu.memory_space<hbm>>) target(%dma_start3A_37 : memref<256x16xf32, #tpu.memory_space<vmem>>) target_semaphore(%dma_start3A_33 : memref<!tpu.dma_semaphore, #tpu.memory_space<semaphore_mem>>)
    %add3A_40 = arith.constant 256 : i32
    %add3A_41 = arith.addi %mul3A_2, %add3A_40 : i32
    %dma_start3A_42 = arith.constant 1 : i32
    %dma_start3A_43 = arith.constant 1 : i32
    %dma_start3A_44 = arith.constant 0 : i32
    %dma_start3A_45 = arith.constant 0 : i32
    %dma_start3A_46 = tpu.memref_slice %arg5[%dma_start3A_42, %dma_start3A_44, %dma_start3A_45] : memref<2x256x16xf32, #tpu.memory_space<vmem>> -> memref<1x256x16xf32, #tpu.memory_space<vmem>>
    %dma_start3A_47 = tpu.memref_squeeze %dma_start3A_46 : memref<1x256x16xf32, #tpu.memory_space<vmem>> -> memref<256x16xf32, #tpu.memory_space<vmem>>
    %dma_start3A_48 = arith.constant 0 : i32
    %dma_start3A_49 = tpu.memref_slice %arg2[%add3A_41, %dma_start3A_48] : memref<32768x16xf32, #tpu.memory_space<hbm>> -> memref<256x16xf32, #tpu.memory_space<hbm>>
    %dma_start3A_50 = tpu.memref_slice %arg11[%dma_start3A_43] : memref<2x!tpu.dma_semaphore, #tpu.memory_space<semaphore_mem>> -> memref<1x!tpu.dma_semaphore, #tpu.memory_space<semaphore_mem>>
    %dma_start3A_51 = tpu.memref_squeeze %dma_start3A_50 : memref<1x!tpu.dma_semaphore, #tpu.memory_space<semaphore_mem>> -> memref<!tpu.dma_semaphore, #tpu.memory_space<semaphore_mem>>
    %dma_start3A_52 = arith.constant 0 : i32
    %dma_start3A_53 = arith.constant 0 : i32
    %dma_start3A_54 = tpu.memref_slice %arg5[%dma_start3A_42, %dma_start3A_52, %dma_start3A_53] : memref<2x256x16xf32, #tpu.memory_space<vmem>> -> memref<1x256x16xf32, #tpu.memory_space<vmem>>
    %dma_start3A_55 = tpu.memref_squeeze %dma_start3A_54 : memref<1x256x16xf32, #tpu.memory_space<vmem>> -> memref<256x16xf32, #tpu.memory_space<vmem>>
    %dma_start3A_56 = arith.constant 0 : i32
    %dma_start3A_57 = tpu.memref_slice %arg2[%add3A_41, %dma_start3A_56] : memref<32768x16xf32, #tpu.memory_space<hbm>> -> memref<256x16xf32, #tpu.memory_space<hbm>>
    tpu.enqueue_dma source(%dma_start3A_57 : memref<256x16xf32, #tpu.memory_space<hbm>>) target(%dma_start3A_55 : memref<256x16xf32, #tpu.memory_space<vmem>>) target_semaphore(%dma_start3A_51 : memref<!tpu.dma_semaphore, #tpu.memory_space<semaphore_mem>>)
    %scan3A = arith.constant 0 : i32
    %scan3A_58 = arith.constant 4 : i32
    %scan3A_59 = arith.addi %scan3A, %scan3A_58 : i32
    %scan3A_60 = arith.constant 1 : i32
    %scan3A_61 = scf.for %scan3A_73 = %scan3A to %scan3A_59 step %scan3A_60 iter_args(%scan3A_74 = %broadcast_in_dim3A_4) -> (vector<16xf32>)  : i32 {
      %mul3A_75 = arith.constant 1 : i32
      %mul3A_76 = arith.muli %scan3A_73, %mul3A_75 : i32
      %add3A_77 = arith.constant 0 : i32
      %add3A_78 = arith.addi %add3A_77, %mul3A_76 : i32
      %rem3A_79 = arith.constant 2 : i32
      %rem3A_80 = arith.remsi %add3A_78, %rem3A_79 : i32
      %mul3A_81 = arith.constant 256 : i32
      %mul3A_82 = arith.muli %add3A_78, %mul3A_81 : i32
      %add3A_83 = arith.addi %mul3A_2, %mul3A_82 : i32
      %dma_wait3A = arith.constant 0 : i32
      %dma_wait3A_84 = arith.constant 0 : i32
      %dma_wait3A_85 = tpu.memref_slice %arg5[%rem3A_80, %dma_wait3A, %dma_wait3A_84] : memref<2x256x16xf32, #tpu.memory_space<vmem>> -> memref<1x256x16xf32, #tpu.memory_space<vmem>>
      %dma_wait3A_86 = tpu.memref_squeeze %dma_wait3A_85 : memref<1x256x16xf32, #tpu.memory_space<vmem>> -> memref<256x16xf32, #tpu.memory_space<vmem>>
      %dma_wait3A_87 = arith.constant 0 : i32
      %dma_wait3A_88 = tpu.memref_slice %arg2[%add3A_83, %dma_wait3A_87] : memref<32768x16xf32, #tpu.memory_space<hbm>> -> memref<256x16xf32, #tpu.memory_space<hbm>>
      %dma_wait3A_89 = tpu.memref_slice %arg11[%rem3A_80] : memref<2x!tpu.dma_semaphore, #tpu.memory_space<semaphore_mem>> -> memref<1x!tpu.dma_semaphore, #tpu.memory_space<semaphore_mem>>
      %dma_wait3A_90 = tpu.memref_squeeze %dma_wait3A_89 : memref<1x!tpu.dma_semaphore, #tpu.memory_space<semaphore_mem>> -> memref<!tpu.dma_semaphore, #tpu.memory_space<semaphore_mem>>
      %dma_wait3A_91 = arith.constant 0 : i32
      %dma_wait3A_92 = arith.constant 0 : i32
      %dma_wait3A_93 = tpu.memref_slice %arg5[%rem3A_80, %dma_wait3A_91, %dma_wait3A_92] : memref<2x256x16xf32, #tpu.memory_space<vmem>> -> memref<1x256x16xf32, #tpu.memory_space<vmem>>
      %dma_wait3A_94 = tpu.memref_squeeze %dma_wait3A_93 : memref<1x256x16xf32, #tpu.memory_space<vmem>> -> memref<256x16xf32, #tpu.memory_space<vmem>>
      %dma_wait3A_95 = arith.constant 0 : i32
      %dma_wait3A_96 = tpu.memref_slice %arg2[%add3A_83, %dma_wait3A_95] : memref<32768x16xf32, #tpu.memory_space<hbm>> -> memref<256x16xf32, #tpu.memory_space<hbm>>
      tpu.wait_dma2 semaphore(%dma_wait3A_90 : memref<!tpu.dma_semaphore, #tpu.memory_space<semaphore_mem>>) src(%dma_wait3A_96 : memref<256x16xf32, #tpu.memory_space<hbm>>) dst(%dma_wait3A_94 : memref<256x16xf32, #tpu.memory_space<vmem>>)
      %parallel_loop3A_97 = arith.constant 0 : i32
      %parallel_loop3A_98 = arith.constant 16 : i32
      %parallel_loop3A_99 = arith.constant 1 : i32
      %parallel_loop3A_100 = scf.for %parallel_loop3A_106 = %parallel_loop3A_97 to %parallel_loop3A_98 step %parallel_loop3A_99 iter_args(%parallel_loop3A_107 = %scan3A_74) -> (vector<16xf32>)  : i32 {
        %parallel_loop3A_108 = arith.constant 16 : i32
        %parallel_loop3A_109 = arith.muli %parallel_loop3A_106, %parallel_loop3A_108 : i32
        %parallel_loop3A_110 = arith.constant 0 : i32
        %parallel_loop3A_111 = arith.addi %parallel_loop3A_109, %parallel_loop3A_110 : i32
        %parallel_loop3A_112 = arith.index_cast %rem3A_80 : i32 to index
        %parallel_loop3A_113 = arith.index_cast %parallel_loop3A_111 : i32 to index
        %parallel_loop3A_114 = arith.constant 0 : index
        %parallel_loop3A_115 = tpu.vector_load %arg5[%parallel_loop3A_112, %parallel_loop3A_113, %parallel_loop3A_114] {strides = array<i32>} : memref<2x256x16xf32, #tpu.memory_space<vmem>>, vector<16xf32>,
        %parallel_loop3A_116 = math.exp %parallel_loop3A_115 : vector<16xf32>
        %parallel_loop3A_117 = arith.constant dense<true> : vector<16xi1>
        %parallel_loop3A_118, %parallel_loop3A_119, %parallel_loop3A_120 = tpu.sort %parallel_loop3A_116, %iota3A masked %parallel_loop3A_117 {descending = true} : (vector<16xf32>, vector<16xi32>, vector<16xi1>) -> (vector<16xi1>, vector<16xf32>, vector<16xi32>)
        %parallel_loop3A_121 = arith.constant true
        %parallel_loop3A_122 = vector.broadcast %parallel_loop3A_121 : i1 to vector<16xi1>
        %parallel_loop3A_123 = tpu.scan <sum>, %parallel_loop3A_119 masked %parallel_loop3A_122 : vector<16xf32>, vector<16xi1> -> vector<16xf32>
        %parallel_loop3A_124 = vector.shape_cast %broadcast_in_dim3A_11 : vector<16xi32> to vector<16x1xi32>
        %parallel_loop3A_125 = vector.shape_cast %parallel_loop3A_124 : vector<16x1xi32> to vector<16xi32>
        %parallel_loop3A_126 = tpu.dynamic_gather %parallel_loop3A_123[%parallel_loop3A_125] in [0] : vector<16xf32>, vector<16xi32> -> vector<16xf32>
        %parallel_loop3A_127 = arith.divf %parallel_loop3A_119, %parallel_loop3A_126 : vector<16xf32>
        %parallel_loop3A_128 = arith.mulf %parallel_loop3A_127, %parallel_loop3A_127 : vector<16xf32>
        %parallel_loop3A_129 = arith.constant true
        %parallel_loop3A_130 = vector.broadcast %parallel_loop3A_129 : i1 to vector<16xi1>
        %parallel_loop3A_131 = tpu.scan <sum>, %parallel_loop3A_128 masked %parallel_loop3A_130 : vector<16xf32>, vector<16xi1> -> vector<16xf32>
        %parallel_loop3A_132 = vector.shape_cast %broadcast_in_dim3A_11 : vector<16xi32> to vector<16x1xi32>
        %parallel_loop3A_133 = vector.shape_cast %parallel_loop3A_132 : vector<16x1xi32> to vector<16xi32>
        %parallel_loop3A_134 = tpu.dynamic_gather %parallel_loop3A_131[%parallel_loop3A_133] in [0] : vector<16xf32>, vector<16xi32> -> vector<16xf32>
        %parallel_loop3A_135 = arith.constant 7.500000e-01 : f32
        %parallel_loop3A_136 = vector.broadcast %parallel_loop3A_135 : f32 to vector<16xf32>
        %parallel_loop3A_137 = arith.mulf %parallel_loop3A_126, %parallel_loop3A_136 : vector<16xf32>
        %parallel_loop3A_138 = arith.cmpf ole, %parallel_loop3A_123, %parallel_loop3A_137 : vector<16xf32>
        %parallel_loop3A_139 = arith.ori %parallel_loop3A_138, %lt3A_9 : vector<16xi1>
        %parallel_loop3A_140 = arith.constant 4.999950e-01 : f32
        %parallel_loop3A_141 = vector.broadcast %parallel_loop3A_140 : f32 to vector<16xf32>
        %parallel_loop3A_142 = arith.cmpf olt, %parallel_loop3A_134, %parallel_loop3A_141 : vector<16xf32>
        %parallel_loop3A_143 = arith.ori %parallel_loop3A_139, %parallel_loop3A_142 : vector<16xi1>
        %parallel_loop3A_144 = arith.constant 0.000000e+00 : f32
        %parallel_loop3A_145 = vector.broadcast %parallel_loop3A_144 : f32 to vector<16xf32>
        %parallel_loop3A_146 = arith.select %parallel_loop3A_143, %parallel_loop3A_127, %parallel_loop3A_145 : vector<16xi1>, vector<16xf32>
        tpu.vector_store_idx %arg7[%parallel_loop3A_120], %parallel_loop3A_146 {add = true} : memref<16xf32, #tpu.memory_space<vmem>>[vector<16xi32>], vector<16xf32>,
        tpu.vector_store_idx %arg8[%parallel_loop3A_120], %parallel_loop3A_127 {add = true} : memref<16xf32, #tpu.memory_space<vmem>>[vector<16xi32>], vector<16xf32>,
        %parallel_loop3A_147 = arith.addf %parallel_loop3A_107, %parallel_loop3A_128 : vector<16xf32>
        %parallel_loop3A_148 = arith.constant 1 : i32
        %parallel_loop3A_149 = arith.addi %parallel_loop3A_109, %parallel_loop3A_148 : i32
        %parallel_loop3A_150 = arith.index_cast %rem3A_80 : i32 to index
        %parallel_loop3A_151 = arith.index_cast %parallel_loop3A_149 : i32 to index
        %parallel_loop3A_152 = arith.constant 0 : index
        %parallel_loop3A_153 = tpu.vector_load %arg5[%parallel_loop3A_150, %parallel_loop3A_151, %parallel_loop3A_152] {strides = array<i32>} : memref<2x256x16xf32, #tpu.memory_space<vmem>>, vector<16xf32>,
        %parallel_loop3A_154 = math.exp %parallel_loop3A_153 : vector<16xf32>
        %parallel_loop3A_155 = arith.constant dense<true> : vector<16xi1>
        %parallel_loop3A_156, %parallel_loop3A_157, %parallel_loop3A_158 = tpu.sort %parallel_loop3A_154, %iota3A masked %parallel_loop3A_155 {descending = true} : (vector<16xf32>, vector<16xi32>, vector<16xi1>) -> (vector<16xi1>, vector<16xf32>, vector<16xi32>)
        %parallel_loop3A_159 = arith.constant true
        %parallel_loop3A_160 = vector.broadcast %parallel_loop3A_159 : i1 to vector<16xi1>
        %parallel_loop3A_161 = tpu.scan <sum>, %parallel_loop3A_157 masked %parallel_loop3A_160 : vector<16xf32>, vector<16xi1> -> vector<16xf32>
        %parallel_loop3A_162 = vector.shape_cast %broadcast_in_dim3A_11 : vector<16xi32> to vector<16x1xi32>
        %parallel_loop3A_163 = vector.shape_cast %parallel_loop3A_162 : vector<16x1xi32> to vector<16xi32>
        %parallel_loop3A_164 = tpu.dynamic_gather %parallel_loop3A_161[%parallel_loop3A_163] in [0] : vector<16xf32>, vector<16xi32> -> vector<16xf32>
        %parallel_loop3A_165 = arith.divf %parallel_loop3A_157, %parallel_loop3A_164 : vector<16xf32>
        %parallel_loop3A_166 = arith.mulf %parallel_loop3A_165, %parallel_loop3A_165 : vector<16xf32>
        %parallel_loop3A_167 = arith.constant true
        %parallel_loop3A_168 = vector.broadcast %parallel_loop3A_167 : i1 to vector<16xi1>
        %parallel_loop3A_169 = tpu.scan <sum>, %parallel_loop3A_166 masked %parallel_loop3A_168 : vector<16xf32>, vector<16xi1> -> vector<16xf32>
        %parallel_loop3A_170 = vector.shape_cast %broadcast_in_dim3A_11 : vector<16xi32> to vector<16x1xi32>
        %parallel_loop3A_171 = vector.shape_cast %parallel_loop3A_170 : vector<16x1xi32> to vector<16xi32>
        %parallel_loop3A_172 = tpu.dynamic_gather %parallel_loop3A_169[%parallel_loop3A_171] in [0] : vector<16xf32>, vector<16xi32> -> vector<16xf32>
        %parallel_loop3A_173 = arith.constant 7.500000e-01 : f32
        %parallel_loop3A_174 = vector.broadcast %parallel_loop3A_173 : f32 to vector<16xf32>
        %parallel_loop3A_175 = arith.mulf %parallel_loop3A_164, %parallel_loop3A_174 : vector<16xf32>
        %parallel_loop3A_176 = arith.cmpf ole, %parallel_loop3A_161, %parallel_loop3A_175 : vector<16xf32>
        %parallel_loop3A_177 = arith.ori %parallel_loop3A_176, %lt3A_9 : vector<16xi1>
        %parallel_loop3A_178 = arith.constant 4.999950e-01 : f32
        %parallel_loop3A_179 = vector.broadcast %parallel_loop3A_178 : f32 to vector<16xf32>
        %parallel_loop3A_180 = arith.cmpf olt, %parallel_loop3A_172, %parallel_loop3A_179 : vector<16xf32>
        %parallel_loop3A_181 = arith.ori %parallel_loop3A_177, %parallel_loop3A_180 : vector<16xi1>
        %parallel_loop3A_182 = arith.constant 0.000000e+00 : f32
        %parallel_loop3A_183 = vector.broadcast %parallel_loop3A_182 : f32 to vector<16xf32>
        %parallel_loop3A_184 = arith.select %parallel_loop3A_181, %parallel_loop3A_165, %parallel_loop3A_183 : vector<16xi1>, vector<16xf32>
        tpu.vector_store_idx %arg7[%parallel_loop3A_158], %parallel_loop3A_184 {add = true} : memref<16xf32, #tpu.memory_space<vmem>>[vector<16xi32>], vector<16xf32>,
        tpu.vector_store_idx %arg8[%parallel_loop3A_158], %parallel_loop3A_165 {add = true} : memref<16xf32, #tpu.memory_space<vmem>>[vector<16xi32>], vector<16xf32>,
        %parallel_loop3A_185 = arith.addf %parallel_loop3A_147, %parallel_loop3A_166 : vector<16xf32>
        %parallel_loop3A_186 = arith.constant 2 : i32
        %parallel_loop3A_187 = arith.addi %parallel_loop3A_109, %parallel_loop3A_186 : i32
        %parallel_loop3A_188 = arith.index_cast %rem3A_80 : i32 to index
        %parallel_loop3A_189 = arith.index_cast %parallel_loop3A_187 : i32 to index
        %parallel_loop3A_190 = arith.constant 0 : index
        %parallel_loop3A_191 = tpu.vector_load %arg5[%parallel_loop3A_188, %parallel_loop3A_189, %parallel_loop3A_190] {strides = array<i32>} : memref<2x256x16xf32, #tpu.memory_space<vmem>>, vector<16xf32>,
        %parallel_loop3A_192 = math.exp %parallel_loop3A_191 : vector<16xf32>
        %parallel_loop3A_193 = arith.constant dense<true> : vector<16xi1>
        %parallel_loop3A_194, %parallel_loop3A_195, %parallel_loop3A_196 = tpu.sort %parallel_loop3A_192, %iota3A masked %parallel_loop3A_193 {descending = true} : (vector<16xf32>, vector<16xi32>, vector<16xi1>) -> (vector<16xi1>, vector<16xf32>, vector<16xi32>)
        %parallel_loop3A_197 = arith.constant true
        %parallel_loop3A_198 = vector.broadcast %parallel_loop3A_197 : i1 to vector<16xi1>
        %parallel_loop3A_199 = tpu.scan <sum>, %parallel_loop3A_195 masked %parallel_loop3A_198 : vector<16xf32>, vector<16xi1> -> vector<16xf32>
        %parallel_loop3A_200 = vector.shape_cast %broadcast_in_dim3A_11 : vector<16xi32> to vector<16x1xi32>
        %parallel_loop3A_201 = vector.shape_cast %parallel_loop3A_200 : vector<16x1xi32> to vector<16xi32>
        %parallel_loop3A_202 = tpu.dynamic_gather %parallel_loop3A_199[%parallel_loop3A_201] in [0] : vector<16xf32>, vector<16xi32> -> vector<16xf32>
        %parallel_loop3A_203 = arith.divf %parallel_loop3A_195, %parallel_loop3A_202 : vector<16xf32>
        %parallel_loop3A_204 = arith.mulf %parallel_loop3A_203, %parallel_loop3A_203 : vector<16xf32>
        %parallel_loop3A_205 = arith.constant true
        %parallel_loop3A_206 = vector.broadcast %parallel_loop3A_205 : i1 to vector<16xi1>
        %parallel_loop3A_207 = tpu.scan <sum>, %parallel_loop3A_204 masked %parallel_loop3A_206 : vector<16xf32>, vector<16xi1> -> vector<16xf32>
        %parallel_loop3A_208 = vector.shape_cast %broadcast_in_dim3A_11 : vector<16xi32> to vector<16x1xi32>
        %parallel_loop3A_209 = vector.shape_cast %parallel_loop3A_208 : vector<16x1xi32> to vector<16xi32>
        %parallel_loop3A_210 = tpu.dynamic_gather %parallel_loop3A_207[%parallel_loop3A_209] in [0] : vector<16xf32>, vector<16xi32> -> vector<16xf32>
        %parallel_loop3A_211 = arith.constant 7.500000e-01 : f32
        %parallel_loop3A_212 = vector.broadcast %parallel_loop3A_211 : f32 to vector<16xf32>
        %parallel_loop3A_213 = arith.mulf %parallel_loop3A_202, %parallel_loop3A_212 : vector<16xf32>
        %parallel_loop3A_214 = arith.cmpf ole, %parallel_loop3A_199, %parallel_loop3A_213 : vector<16xf32>
        %parallel_loop3A_215 = arith.ori %parallel_loop3A_214, %lt3A_9 : vector<16xi1>
        %parallel_loop3A_216 = arith.constant 4.999950e-01 : f32
        %parallel_loop3A_217 = vector.broadcast %parallel_loop3A_216 : f32 to vector<16xf32>
        %parallel_loop3A_218 = arith.cmpf olt, %parallel_loop3A_210, %parallel_loop3A_217 : vector<16xf32>
        %parallel_loop3A_219 = arith.ori %parallel_loop3A_215, %parallel_loop3A_218 : vector<16xi1>
        %parallel_loop3A_220 = arith.constant 0.000000e+00 : f32
        %parallel_loop3A_221 = vector.broadcast %parallel_loop3A_220 : f32 to vector<16xf32>
        %parallel_loop3A_222 = arith.select %parallel_loop3A_219, %parallel_loop3A_203, %parallel_loop3A_221 : vector<16xi1>, vector<16xf32>
        tpu.vector_store_idx %arg7[%parallel_loop3A_196], %parallel_loop3A_222 {add = true} : memref<16xf32, #tpu.memory_space<vmem>>[vector<16xi32>], vector<16xf32>,
        tpu.vector_store_idx %arg8[%parallel_loop3A_196], %parallel_loop3A_203 {add = true} : memref<16xf32, #tpu.memory_space<vmem>>[vector<16xi32>], vector<16xf32>,
        %parallel_loop3A_223 = arith.addf %parallel_loop3A_185, %parallel_loop3A_204 : vector<16xf32>
        %parallel_loop3A_224 = arith.constant 3 : i32
        %parallel_loop3A_225 = arith.addi %parallel_loop3A_109, %parallel_loop3A_224 : i32
        %parallel_loop3A_226 = arith.index_cast %rem3A_80 : i32 to index
        %parallel_loop3A_227 = arith.index_cast %parallel_loop3A_225 : i32 to index
        %parallel_loop3A_228 = arith.constant 0 : index
        %parallel_loop3A_229 = tpu.vector_load %arg5[%parallel_loop3A_226, %parallel_loop3A_227, %parallel_loop3A_228] {strides = array<i32>} : memref<2x256x16xf32, #tpu.memory_space<vmem>>, vector<16xf32>,
        %parallel_loop3A_230 = math.exp %parallel_loop3A_229 : vector<16xf32>
        %parallel_loop3A_231 = arith.constant dense<true> : vector<16xi1>
        %parallel_loop3A_232, %parallel_loop3A_233, %parallel_loop3A_234 = tpu.sort %parallel_loop3A_230, %iota3A masked %parallel_loop3A_231 {descending = true} : (vector<16xf32>, vector<16xi32>, vector<16xi1>) -> (vector<16xi1>, vector<16xf32>, vector<16xi32>)
        %parallel_loop3A_235 = arith.constant true
        %parallel_loop3A_236 = vector.broadcast %parallel_loop3A_235 : i1 to vector<16xi1>
        %parallel_loop3A_237 = tpu.scan <sum>, %parallel_loop3A_233 masked %parallel_loop3A_236 : vector<16xf32>, vector<16xi1> -> vector<16xf32>
        %parallel_loop3A_238 = vector.shape_cast %broadcast_in_dim3A_11 : vector<16xi32> to vector<16x1xi32>
        %parallel_loop3A_239 = vector.shape_cast %parallel_loop3A_238 : vector<16x1xi32> to vector<16xi32>
        %parallel_loop3A_240 = tpu.dynamic_gather %parallel_loop3A_237[%parallel_loop3A_239] in [0] : vector<16xf32>, vector<16xi32> -> vector<16xf32>
        %parallel_loop3A_241 = arith.divf %parallel_loop3A_233, %parallel_loop3A_240 : vector<16xf32>
        %parallel_loop3A_242 = arith.mulf %parallel_loop3A_241, %parallel_loop3A_241 : vector<16xf32>
        %parallel_loop3A_243 = arith.constant true
        %parallel_loop3A_244 = vector.broadcast %parallel_loop3A_243 : i1 to vector<16xi1>
        %parallel_loop3A_245 = tpu.scan <sum>, %parallel_loop3A_242 masked %parallel_loop3A_244 : vector<16xf32>, vector<16xi1> -> vector<16xf32>
        %parallel_loop3A_246 = vector.shape_cast %broadcast_in_dim3A_11 : vector<16xi32> to vector<16x1xi32>
        %parallel_loop3A_247 = vector.shape_cast %parallel_loop3A_246 : vector<16x1xi32> to vector<16xi32>
        %parallel_loop3A_248 = tpu.dynamic_gather %parallel_loop3A_245[%parallel_loop3A_247] in [0] : vector<16xf32>, vector<16xi32> -> vector<16xf32>
        %parallel_loop3A_249 = arith.constant 7.500000e-01 : f32
        %parallel_loop3A_250 = vector.broadcast %parallel_loop3A_249 : f32 to vector<16xf32>
        %parallel_loop3A_251 = arith.mulf %parallel_loop3A_240, %parallel_loop3A_250 : vector<16xf32>
        %parallel_loop3A_252 = arith.cmpf ole, %parallel_loop3A_237, %parallel_loop3A_251 : vector<16xf32>
        %parallel_loop3A_253 = arith.ori %parallel_loop3A_252, %lt3A_9 : vector<16xi1>
        %parallel_loop3A_254 = arith.constant 4.999950e-01 : f32
        %parallel_loop3A_255 = vector.broadcast %parallel_loop3A_254 : f32 to vector<16xf32>
        %parallel_loop3A_256 = arith.cmpf olt, %parallel_loop3A_248, %parallel_loop3A_255 : vector<16xf32>
        %parallel_loop3A_257 = arith.ori %parallel_loop3A_253, %parallel_loop3A_256 : vector<16xi1>
        %parallel_loop3A_258 = arith.constant 0.000000e+00 : f32
        %parallel_loop3A_259 = vector.broadcast %parallel_loop3A_258 : f32 to vector<16xf32>
        %parallel_loop3A_260 = arith.select %parallel_loop3A_257, %parallel_loop3A_241, %parallel_loop3A_259 : vector<16xi1>, vector<16xf32>
        tpu.vector_store_idx %arg7[%parallel_loop3A_234], %parallel_loop3A_260 {add = true} : memref<16xf32, #tpu.memory_space<vmem>>[vector<16xi32>], vector<16xf32>,
        tpu.vector_store_idx %arg8[%parallel_loop3A_234], %parallel_loop3A_241 {add = true} : memref<16xf32, #tpu.memory_space<vmem>>[vector<16xi32>], vector<16xf32>,
        %parallel_loop3A_261 = arith.addf %parallel_loop3A_223, %parallel_loop3A_242 : vector<16xf32>
        %parallel_loop3A_262 = arith.constant 4 : i32
        %parallel_loop3A_263 = arith.addi %parallel_loop3A_109, %parallel_loop3A_262 : i32
        %parallel_loop3A_264 = arith.index_cast %rem3A_80 : i32 to index
        %parallel_loop3A_265 = arith.index_cast %parallel_loop3A_263 : i32 to index
        %parallel_loop3A_266 = arith.constant 0 : index
        %parallel_loop3A_267 = tpu.vector_load %arg5[%parallel_loop3A_264, %parallel_loop3A_265, %parallel_loop3A_266] {strides = array<i32>} : memref<2x256x16xf32, #tpu.memory_space<vmem>>, vector<16xf32>,
        %parallel_loop3A_268 = math.exp %parallel_loop3A_267 : vector<16xf32>
        %parallel_loop3A_269 = arith.constant dense<true> : vector<16xi1>
        %parallel_loop3A_270, %parallel_loop3A_271, %parallel_loop3A_272 = tpu.sort %parallel_loop3A_268, %iota3A masked %parallel_loop3A_269 {descending = true} : (vector<16xf32>, vector<16xi32>, vector<16xi1>) -> (vector<16xi1>, vector<16xf32>, vector<16xi32>)
        %parallel_loop3A_273 = arith.constant true
        %parallel_loop3A_274 = vector.broadcast %parallel_loop3A_273 : i1 to vector<16xi1>
        %parallel_loop3A_275 = tpu.scan <sum>, %parallel_loop3A_271 masked %parallel_loop3A_274 : vector<16xf32>, vector<16xi1> -> vector<16xf32>
        %parallel_loop3A_276 = vector.shape_cast %broadcast_in_dim3A_11 : vector<16xi32> to vector<16x1xi32>
        %parallel_loop3A_277 = vector.shape_cast %parallel_loop3A_276 : vector<16x1xi32> to vector<16xi32>
        %parallel_loop3A_278 = tpu.dynamic_gather %parallel_loop3A_275[%parallel_loop3A_277] in [0] : vector<16xf32>, vector<16xi32> -> vector<16xf32>
        %parallel_loop3A_279 = arith.divf %parallel_loop3A_271, %parallel_loop3A_278 : vector<16xf32>
        %parallel_loop3A_280 = arith.mulf %parallel_loop3A_279, %parallel_loop3A_279 : vector<16xf32>
        %parallel_loop3A_281 = arith.constant true
        %parallel_loop3A_282 = vector.broadcast %parallel_loop3A_281 : i1 to vector<16xi1>
        %parallel_loop3A_283 = tpu.scan <sum>, %parallel_loop3A_280 masked %parallel_loop3A_282 : vector<16xf32>, vector<16xi1> -> vector<16xf32>
        %parallel_loop3A_284 = vector.shape_cast %broadcast_in_dim3A_11 : vector<16xi32> to vector<16x1xi32>
        %parallel_loop3A_285 = vector.shape_cast %parallel_loop3A_284 : vector<16x1xi32> to vector<16xi32>
        %parallel_loop3A_286 = tpu.dynamic_gather %parallel_loop3A_283[%parallel_loop3A_285] in [0] : vector<16xf32>, vector<16xi32> -> vector<16xf32>
        %parallel_loop3A_287 = arith.constant 7.500000e-01 : f32
        %parallel_loop3A_288 = vector.broadcast %parallel_loop3A_287 : f32 to vector<16xf32>
        %parallel_loop3A_289 = arith.mulf %parallel_loop3A_278, %parallel_loop3A_288 : vector<16xf32>
        %parallel_loop3A_290 = arith.cmpf ole, %parallel_loop3A_275, %parallel_loop3A_289 : vector<16xf32>
        %parallel_loop3A_291 = arith.ori %parallel_loop3A_290, %lt3A_9 : vector<16xi1>
        %parallel_loop3A_292 = arith.constant 4.999950e-01 : f32
        %parallel_loop3A_293 = vector.broadcast %parallel_loop3A_292 : f32 to vector<16xf32>
        %parallel_loop3A_294 = arith.cmpf olt, %parallel_loop3A_286, %parallel_loop3A_293 : vector<16xf32>
        %parallel_loop3A_295 = arith.ori %parallel_loop3A_291, %parallel_loop3A_294 : vector<16xi1>
        %parallel_loop3A_296 = arith.constant 0.000000e+00 : f32
        %parallel_loop3A_297 = vector.broadcast %parallel_loop3A_296 : f32 to vector<16xf32>
        %parallel_loop3A_298 = arith.select %parallel_loop3A_295, %parallel_loop3A_279, %parallel_loop3A_297 : vector<16xi1>, vector<16xf32>
        tpu.vector_store_idx %arg7[%parallel_loop3A_272], %parallel_loop3A_298 {add = true} : memref<16xf32, #tpu.memory_space<vmem>>[vector<16xi32>], vector<16xf32>,
        tpu.vector_store_idx %arg8[%parallel_loop3A_272], %parallel_loop3A_279 {add = true} : memref<16xf32, #tpu.memory_space<vmem>>[vector<16xi32>], vector<16xf32>,
        %parallel_loop3A_299 = arith.addf %parallel_loop3A_261, %parallel_loop3A_280 : vector<16xf32>
        %parallel_loop3A_300 = arith.constant 5 : i32
        %parallel_loop3A_301 = arith.addi %parallel_loop3A_109, %parallel_loop3A_300 : i32
        %parallel_loop3A_302 = arith.index_cast %rem3A_80 : i32 to index
        %parallel_loop3A_303 = arith.index_cast %parallel_loop3A_301 : i32 to index
        %parallel_loop3A_304 = arith.constant 0 : index
        %parallel_loop3A_305 = tpu.vector_load %arg5[%parallel_loop3A_302, %parallel_loop3A_303, %parallel_loop3A_304] {strides = array<i32>} : memref<2x256x16xf32, #tpu.memory_space<vmem>>, vector<16xf32>,
        %parallel_loop3A_306 = math.exp %parallel_loop3A_305 : vector<16xf32>
        %parallel_loop3A_307 = arith.constant dense<true> : vector<16xi1>
        %parallel_loop3A_308, %parallel_loop3A_309, %parallel_loop3A_310 = tpu.sort %parallel_loop3A_306, %iota3A masked %parallel_loop3A_307 {descending = true} : (vector<16xf32>, vector<16xi32>, vector<16xi1>) -> (vector<16xi1>, vector<16xf32>, vector<16xi32>)
        %parallel_loop3A_311 = arith.constant true
        %parallel_loop3A_312 = vector.broadcast %parallel_loop3A_311 : i1 to vector<16xi1>
        %parallel_loop3A_313 = tpu.scan <sum>, %parallel_loop3A_309 masked %parallel_loop3A_312 : vector<16xf32>, vector<16xi1> -> vector<16xf32>
        %parallel_loop3A_314 = vector.shape_cast %broadcast_in_dim3A_11 : vector<16xi32> to vector<16x1xi32>
        %parallel_loop3A_315 = vector.shape_cast %parallel_loop3A_314 : vector<16x1xi32> to vector<16xi32>
        %parallel_loop3A_316 = tpu.dynamic_gather %parallel_loop3A_313[%parallel_loop3A_315] in [0] : vector<16xf32>, vector<16xi32> -> vector<16xf32>
        %parallel_loop3A_317 = arith.divf %parallel_loop3A_309, %parallel_loop3A_316 : vector<16xf32>
        %parallel_loop3A_318 = arith.mulf %parallel_loop3A_317, %parallel_loop3A_317 : vector<16xf32>
        %parallel_loop3A_319 = arith.constant true
        %parallel_loop3A_320 = vector.broadcast %parallel_loop3A_319 : i1 to vector<16xi1>
        %parallel_loop3A_321 = tpu.scan <sum>, %parallel_loop3A_318 masked %parallel_loop3A_320 : vector<16xf32>, vector<16xi1> -> vector<16xf32>
        %parallel_loop3A_322 = vector.shape_cast %broadcast_in_dim3A_11 : vector<16xi32> to vector<16x1xi32>
        %parallel_loop3A_323 = vector.shape_cast %parallel_loop3A_322 : vector<16x1xi32> to vector<16xi32>
        %parallel_loop3A_324 = tpu.dynamic_gather %parallel_loop3A_321[%parallel_loop3A_323] in [0] : vector<16xf32>, vector<16xi32> -> vector<16xf32>
        %parallel_loop3A_325 = arith.constant 7.500000e-01 : f32
        %parallel_loop3A_326 = vector.broadcast %parallel_loop3A_325 : f32 to vector<16xf32>
        %parallel_loop3A_327 = arith.mulf %parallel_loop3A_316, %parallel_loop3A_326 : vector<16xf32>
        %parallel_loop3A_328 = arith.cmpf ole, %parallel_loop3A_313, %parallel_loop3A_327 : vector<16xf32>
        %parallel_loop3A_329 = arith.ori %parallel_loop3A_328, %lt3A_9 : vector<16xi1>
        %parallel_loop3A_330 = arith.constant 4.999950e-01 : f32
        %parallel_loop3A_331 = vector.broadcast %parallel_loop3A_330 : f32 to vector<16xf32>
        %parallel_loop3A_332 = arith.cmpf olt, %parallel_loop3A_324, %parallel_loop3A_331 : vector<16xf32>
        %parallel_loop3A_333 = arith.ori %parallel_loop3A_329, %parallel_loop3A_332 : vector<16xi1>
        %parallel_loop3A_334 = arith.constant 0.000000e+00 : f32
        %parallel_loop3A_335 = vector.broadcast %parallel_loop3A_334 : f32 to vector<16xf32>
        %parallel_loop3A_336 = arith.select %parallel_loop3A_333, %parallel_loop3A_317, %parallel_loop3A_335 : vector<16xi1>, vector<16xf32>
        tpu.vector_store_idx %arg7[%parallel_loop3A_310], %parallel_loop3A_336 {add = true} : memref<16xf32, #tpu.memory_space<vmem>>[vector<16xi32>], vector<16xf32>,
        tpu.vector_store_idx %arg8[%parallel_loop3A_310], %parallel_loop3A_317 {add = true} : memref<16xf32, #tpu.memory_space<vmem>>[vector<16xi32>], vector<16xf32>,
        %parallel_loop3A_337 = arith.addf %parallel_loop3A_299, %parallel_loop3A_318 : vector<16xf32>
        %parallel_loop3A_338 = arith.constant 6 : i32
        %parallel_loop3A_339 = arith.addi %parallel_loop3A_109, %parallel_loop3A_338 : i32
        %parallel_loop3A_340 = arith.index_cast %rem3A_80 : i32 to index
        %parallel_loop3A_341 = arith.index_cast %parallel_loop3A_339 : i32 to index
        %parallel_loop3A_342 = arith.constant 0 : index
        %parallel_loop3A_343 = tpu.vector_load %arg5[%parallel_loop3A_340, %parallel_loop3A_341, %parallel_loop3A_342] {strides = array<i32>} : memref<2x256x16xf32, #tpu.memory_space<vmem>>, vector<16xf32>,
        %parallel_loop3A_344 = math.exp %parallel_loop3A_343 : vector<16xf32>
        %parallel_loop3A_345 = arith.constant dense<true> : vector<16xi1>
        %parallel_loop3A_346, %parallel_loop3A_347, %parallel_loop3A_348 = tpu.sort %parallel_loop3A_344, %iota3A masked %parallel_loop3A_345 {descending = true} : (vector<16xf32>, vector<16xi32>, vector<16xi1>) -> (vector<16xi1>, vector<16xf32>, vector<16xi32>)
        %parallel_loop3A_349 = arith.constant true
        %parallel_loop3A_350 = vector.broadcast %parallel_loop3A_349 : i1 to vector<16xi1>
        %parallel_loop3A_351 = tpu.scan <sum>, %parallel_loop3A_347 masked %parallel_loop3A_350 : vector<16xf32>, vector<16xi1> -> vector<16xf32>
        %parallel_loop3A_352 = vector.shape_cast %broadcast_in_dim3A_11 : vector<16xi32> to vector<16x1xi32>
        %parallel_loop3A_353 = vector.shape_cast %parallel_loop3A_352 : vector<16x1xi32> to vector<16xi32>
        %parallel_loop3A_354 = tpu.dynamic_gather %parallel_loop3A_351[%parallel_loop3A_353] in [0] : vector<16xf32>, vector<16xi32> -> vector<16xf32>
        %parallel_loop3A_355 = arith.divf %parallel_loop3A_347, %parallel_loop3A_354 : vector<16xf32>
        %parallel_loop3A_356 = arith.mulf %parallel_loop3A_355, %parallel_loop3A_355 : vector<16xf32>
        %parallel_loop3A_357 = arith.constant true
        %parallel_loop3A_358 = vector.broadcast %parallel_loop3A_357 : i1 to vector<16xi1>
        %parallel_loop3A_359 = tpu.scan <sum>, %parallel_loop3A_356 masked %parallel_loop3A_358 : vector<16xf32>, vector<16xi1> -> vector<16xf32>
        %parallel_loop3A_360 = vector.shape_cast %broadcast_in_dim3A_11 : vector<16xi32> to vector<16x1xi32>
        %parallel_loop3A_361 = vector.shape_cast %parallel_loop3A_360 : vector<16x1xi32> to vector<16xi32>
        %parallel_loop3A_362 = tpu.dynamic_gather %parallel_loop3A_359[%parallel_loop3A_361] in [0] : vector<16xf32>, vector<16xi32> -> vector<16xf32>
        %parallel_loop3A_363 = arith.constant 7.500000e-01 : f32
        %parallel_loop3A_364 = vector.broadcast %parallel_loop3A_363 : f32 to vector<16xf32>
        %parallel_loop3A_365 = arith.mulf %parallel_loop3A_354, %parallel_loop3A_364 : vector<16xf32>
        %parallel_loop3A_366 = arith.cmpf ole, %parallel_loop3A_351, %parallel_loop3A_365 : vector<16xf32>
        %parallel_loop3A_367 = arith.ori %parallel_loop3A_366, %lt3A_9 : vector<16xi1>
        %parallel_loop3A_368 = arith.constant 4.999950e-01 : f32
        %parallel_loop3A_369 = vector.broadcast %parallel_loop3A_368 : f32 to vector<16xf32>
        %parallel_loop3A_370 = arith.cmpf olt, %parallel_loop3A_362, %parallel_loop3A_369 : vector<16xf32>
        %parallel_loop3A_371 = arith.ori %parallel_loop3A_367, %parallel_loop3A_370 : vector<16xi1>
        %parallel_loop3A_372 = arith.constant 0.000000e+00 : f32
        %parallel_loop3A_373 = vector.broadcast %parallel_loop3A_372 : f32 to vector<16xf32>
        %parallel_loop3A_374 = arith.select %parallel_loop3A_371, %parallel_loop3A_355, %parallel_loop3A_373 : vector<16xi1>, vector<16xf32>
        tpu.vector_store_idx %arg7[%parallel_loop3A_348], %parallel_loop3A_374 {add = true} : memref<16xf32, #tpu.memory_space<vmem>>[vector<16xi32>], vector<16xf32>,
        tpu.vector_store_idx %arg8[%parallel_loop3A_348], %parallel_loop3A_355 {add = true} : memref<16xf32, #tpu.memory_space<vmem>>[vector<16xi32>], vector<16xf32>,
        %parallel_loop3A_375 = arith.addf %parallel_loop3A_337, %parallel_loop3A_356 : vector<16xf32>
        %parallel_loop3A_376 = arith.constant 7 : i32
        %parallel_loop3A_377 = arith.addi %parallel_loop3A_109, %parallel_loop3A_376 : i32
        %parallel_loop3A_378 = arith.index_cast %rem3A_80 : i32 to index
        %parallel_loop3A_379 = arith.index_cast %parallel_loop3A_377 : i32 to index
        %parallel_loop3A_380 = arith.constant 0 : index
        %parallel_loop3A_381 = tpu.vector_load %arg5[%parallel_loop3A_378, %parallel_loop3A_379, %parallel_loop3A_380] {strides = array<i32>} : memref<2x256x16xf32, #tpu.memory_space<vmem>>, vector<16xf32>,
        %parallel_loop3A_382 = math.exp %parallel_loop3A_381 : vector<16xf32>
        %parallel_loop3A_383 = arith.constant dense<true> : vector<16xi1>
        %parallel_loop3A_384, %parallel_loop3A_385, %parallel_loop3A_386 = tpu.sort %parallel_loop3A_382, %iota3A masked %parallel_loop3A_383 {descending = true} : (vector<16xf32>, vector<16xi32>, vector<16xi1>) -> (vector<16xi1>, vector<16xf32>, vector<16xi32>)
        %parallel_loop3A_387 = arith.constant true
        %parallel_loop3A_388 = vector.broadcast %parallel_loop3A_387 : i1 to vector<16xi1>
        %parallel_loop3A_389 = tpu.scan <sum>, %parallel_loop3A_385 masked %parallel_loop3A_388 : vector<16xf32>, vector<16xi1> -> vector<16xf32>
        %parallel_loop3A_390 = vector.shape_cast %broadcast_in_dim3A_11 : vector<16xi32> to vector<16x1xi32>
        %parallel_loop3A_391 = vector.shape_cast %parallel_loop3A_390 : vector<16x1xi32> to vector<16xi32>
        %parallel_loop3A_392 = tpu.dynamic_gather %parallel_loop3A_389[%parallel_loop3A_391] in [0] : vector<16xf32>, vector<16xi32> -> vector<16xf32>
        %parallel_loop3A_393 = arith.divf %parallel_loop3A_385, %parallel_loop3A_392 : vector<16xf32>
        %parallel_loop3A_394 = arith.mulf %parallel_loop3A_393, %parallel_loop3A_393 : vector<16xf32>
        %parallel_loop3A_395 = arith.constant true
        %parallel_loop3A_396 = vector.broadcast %parallel_loop3A_395 : i1 to vector<16xi1>
        %parallel_loop3A_397 = tpu.scan <sum>, %parallel_loop3A_394 masked %parallel_loop3A_396 : vector<16xf32>, vector<16xi1> -> vector<16xf32>
        %parallel_loop3A_398 = vector.shape_cast %broadcast_in_dim3A_11 : vector<16xi32> to vector<16x1xi32>
        %parallel_loop3A_399 = vector.shape_cast %parallel_loop3A_398 : vector<16x1xi32> to vector<16xi32>
        %parallel_loop3A_400 = tpu.dynamic_gather %parallel_loop3A_397[%parallel_loop3A_399] in [0] : vector<16xf32>, vector<16xi32> -> vector<16xf32>
        %parallel_loop3A_401 = arith.constant 7.500000e-01 : f32
        %parallel_loop3A_402 = vector.broadcast %parallel_loop3A_401 : f32 to vector<16xf32>
        %parallel_loop3A_403 = arith.mulf %parallel_loop3A_392, %parallel_loop3A_402 : vector<16xf32>
        %parallel_loop3A_404 = arith.cmpf ole, %parallel_loop3A_389, %parallel_loop3A_403 : vector<16xf32>
        %parallel_loop3A_405 = arith.ori %parallel_loop3A_404, %lt3A_9 : vector<16xi1>
        %parallel_loop3A_406 = arith.constant 4.999950e-01 : f32
        %parallel_loop3A_407 = vector.broadcast %parallel_loop3A_406 : f32 to vector<16xf32>
        %parallel_loop3A_408 = arith.cmpf olt, %parallel_loop3A_400, %parallel_loop3A_407 : vector<16xf32>
        %parallel_loop3A_409 = arith.ori %parallel_loop3A_405, %parallel_loop3A_408 : vector<16xi1>
        %parallel_loop3A_410 = arith.constant 0.000000e+00 : f32
        %parallel_loop3A_411 = vector.broadcast %parallel_loop3A_410 : f32 to vector<16xf32>
        %parallel_loop3A_412 = arith.select %parallel_loop3A_409, %parallel_loop3A_393, %parallel_loop3A_411 : vector<16xi1>, vector<16xf32>
        tpu.vector_store_idx %arg7[%parallel_loop3A_386], %parallel_loop3A_412 {add = true} : memref<16xf32, #tpu.memory_space<vmem>>[vector<16xi32>], vector<16xf32>,
        tpu.vector_store_idx %arg8[%parallel_loop3A_386], %parallel_loop3A_393 {add = true} : memref<16xf32, #tpu.memory_space<vmem>>[vector<16xi32>], vector<16xf32>,
        %parallel_loop3A_413 = arith.addf %parallel_loop3A_375, %parallel_loop3A_394 : vector<16xf32>
        %parallel_loop3A_414 = arith.constant 8 : i32
        %parallel_loop3A_415 = arith.addi %parallel_loop3A_109, %parallel_loop3A_414 : i32
        %parallel_loop3A_416 = arith.index_cast %rem3A_80 : i32 to index
        %parallel_loop3A_417 = arith.index_cast %parallel_loop3A_415 : i32 to index
        %parallel_loop3A_418 = arith.constant 0 : index
        %parallel_loop3A_419 = tpu.vector_load %arg5[%parallel_loop3A_416, %parallel_loop3A_417, %parallel_loop3A_418] {strides = array<i32>} : memref<2x256x16xf32, #tpu.memory_space<vmem>>, vector<16xf32>,
        %parallel_loop3A_420 = math.exp %parallel_loop3A_419 : vector<16xf32>
        %parallel_loop3A_421 = arith.constant dense<true> : vector<16xi1>
        %parallel_loop3A_422, %parallel_loop3A_423, %parallel_loop3A_424 = tpu.sort %parallel_loop3A_420, %iota3A masked %parallel_loop3A_421 {descending = true} : (vector<16xf32>, vector<16xi32>, vector<16xi1>) -> (vector<16xi1>, vector<16xf32>, vector<16xi32>)
        %parallel_loop3A_425 = arith.constant true
        %parallel_loop3A_426 = vector.broadcast %parallel_loop3A_425 : i1 to vector<16xi1>
        %parallel_loop3A_427 = tpu.scan <sum>, %parallel_loop3A_423 masked %parallel_loop3A_426 : vector<16xf32>, vector<16xi1> -> vector<16xf32>
        %parallel_loop3A_428 = vector.shape_cast %broadcast_in_dim3A_11 : vector<16xi32> to vector<16x1xi32>
        %parallel_loop3A_429 = vector.shape_cast %parallel_loop3A_428 : vector<16x1xi32> to vector<16xi32>
        %parallel_loop3A_430 = tpu.dynamic_gather %parallel_loop3A_427[%parallel_loop3A_429] in [0] : vector<16xf32>, vector<16xi32> -> vector<16xf32>
        %parallel_loop3A_431 = arith.divf %parallel_loop3A_423, %parallel_loop3A_430 : vector<16xf32>
        %parallel_loop3A_432 = arith.mulf %parallel_loop3A_431, %parallel_loop3A_431 : vector<16xf32>
        %parallel_loop3A_433 = arith.constant true
        %parallel_loop3A_434 = vector.broadcast %parallel_loop3A_433 : i1 to vector<16xi1>
        %parallel_loop3A_435 = tpu.scan <sum>, %parallel_loop3A_432 masked %parallel_loop3A_434 : vector<16xf32>, vector<16xi1> -> vector<16xf32>
        %parallel_loop3A_436 = vector.shape_cast %broadcast_in_dim3A_11 : vector<16xi32> to vector<16x1xi32>
        %parallel_loop3A_437 = vector.shape_cast %parallel_loop3A_436 : vector<16x1xi32> to vector<16xi32>
        %parallel_loop3A_438 = tpu.dynamic_gather %parallel_loop3A_435[%parallel_loop3A_437] in [0] : vector<16xf32>, vector<16xi32> -> vector<16xf32>
        %parallel_loop3A_439 = arith.constant 7.500000e-01 : f32
        %parallel_loop3A_440 = vector.broadcast %parallel_loop3A_439 : f32 to vector<16xf32>
        %parallel_loop3A_441 = arith.mulf %parallel_loop3A_430, %parallel_loop3A_440 : vector<16xf32>
        %parallel_loop3A_442 = arith.cmpf ole, %parallel_loop3A_427, %parallel_loop3A_441 : vector<16xf32>
        %parallel_loop3A_443 = arith.ori %parallel_loop3A_442, %lt3A_9 : vector<16xi1>
        %parallel_loop3A_444 = arith.constant 4.999950e-01 : f32
        %parallel_loop3A_445 = vector.broadcast %parallel_loop3A_444 : f32 to vector<16xf32>
        %parallel_loop3A_446 = arith.cmpf olt, %parallel_loop3A_438, %parallel_loop3A_445 : vector<16xf32>
        %parallel_loop3A_447 = arith.ori %parallel_loop3A_443, %parallel_loop3A_446 : vector<16xi1>
        %parallel_loop3A_448 = arith.constant 0.000000e+00 : f32
        %parallel_loop3A_449 = vector.broadcast %parallel_loop3A_448 : f32 to vector<16xf32>
        %parallel_loop3A_450 = arith.select %parallel_loop3A_447, %parallel_loop3A_431, %parallel_loop3A_449 : vector<16xi1>, vector<16xf32>
        tpu.vector_store_idx %arg7[%parallel_loop3A_424], %parallel_loop3A_450 {add = true} : memref<16xf32, #tpu.memory_space<vmem>>[vector<16xi32>], vector<16xf32>,
        tpu.vector_store_idx %arg8[%parallel_loop3A_424], %parallel_loop3A_431 {add = true} : memref<16xf32, #tpu.memory_space<vmem>>[vector<16xi32>], vector<16xf32>,
        %parallel_loop3A_451 = arith.addf %parallel_loop3A_413, %parallel_loop3A_432 : vector<16xf32>
        %parallel_loop3A_452 = arith.constant 9 : i32
        %parallel_loop3A_453 = arith.addi %parallel_loop3A_109, %parallel_loop3A_452 : i32
        %parallel_loop3A_454 = arith.index_cast %rem3A_80 : i32 to index
        %parallel_loop3A_455 = arith.index_cast %parallel_loop3A_453 : i32 to index
        %parallel_loop3A_456 = arith.constant 0 : index
        %parallel_loop3A_457 = tpu.vector_load %arg5[%parallel_loop3A_454, %parallel_loop3A_455, %parallel_loop3A_456] {strides = array<i32>} : memref<2x256x16xf32, #tpu.memory_space<vmem>>, vector<16xf32>,
        %parallel_loop3A_458 = math.exp %parallel_loop3A_457 : vector<16xf32>
        %parallel_loop3A_459 = arith.constant dense<true> : vector<16xi1>
        %parallel_loop3A_460, %parallel_loop3A_461, %parallel_loop3A_462 = tpu.sort %parallel_loop3A_458, %iota3A masked %parallel_loop3A_459 {descending = true} : (vector<16xf32>, vector<16xi32>, vector<16xi1>) -> (vector<16xi1>, vector<16xf32>, vector<16xi32>)
        %parallel_loop3A_463 = arith.constant true
        %parallel_loop3A_464 = vector.broadcast %parallel_loop3A_463 : i1 to vector<16xi1>
        %parallel_loop3A_465 = tpu.scan <sum>, %parallel_loop3A_461 masked %parallel_loop3A_464 : vector<16xf32>, vector<16xi1> -> vector<16xf32>
        %parallel_loop3A_466 = vector.shape_cast %broadcast_in_dim3A_11 : vector<16xi32> to vector<16x1xi32>
        %parallel_loop3A_467 = vector.shape_cast %parallel_loop3A_466 : vector<16x1xi32> to vector<16xi32>
        %parallel_loop3A_468 = tpu.dynamic_gather %parallel_loop3A_465[%parallel_loop3A_467] in [0] : vector<16xf32>, vector<16xi32> -> vector<16xf32>
        %parallel_loop3A_469 = arith.divf %parallel_loop3A_461, %parallel_loop3A_468 : vector<16xf32>
        %parallel_loop3A_470 = arith.mulf %parallel_loop3A_469, %parallel_loop3A_469 : vector<16xf32>
        %parallel_loop3A_471 = arith.constant true
        %parallel_loop3A_472 = vector.broadcast %parallel_loop3A_471 : i1 to vector<16xi1>
        %parallel_loop3A_473 = tpu.scan <sum>, %parallel_loop3A_470 masked %parallel_loop3A_472 : vector<16xf32>, vector<16xi1> -> vector<16xf32>
        %parallel_loop3A_474 = vector.shape_cast %broadcast_in_dim3A_11 : vector<16xi32> to vector<16x1xi32>
        %parallel_loop3A_475 = vector.shape_cast %parallel_loop3A_474 : vector<16x1xi32> to vector<16xi32>
        %parallel_loop3A_476 = tpu.dynamic_gather %parallel_loop3A_473[%parallel_loop3A_475] in [0] : vector<16xf32>, vector<16xi32> -> vector<16xf32>
        %parallel_loop3A_477 = arith.constant 7.500000e-01 : f32
        %parallel_loop3A_478 = vector.broadcast %parallel_loop3A_477 : f32 to vector<16xf32>
        %parallel_loop3A_479 = arith.mulf %parallel_loop3A_468, %parallel_loop3A_478 : vector<16xf32>
        %parallel_loop3A_480 = arith.cmpf ole, %parallel_loop3A_465, %parallel_loop3A_479 : vector<16xf32>
        %parallel_loop3A_481 = arith.ori %parallel_loop3A_480, %lt3A_9 : vector<16xi1>
        %parallel_loop3A_482 = arith.constant 4.999950e-01 : f32
        %parallel_loop3A_483 = vector.broadcast %parallel_loop3A_482 : f32 to vector<16xf32>
        %parallel_loop3A_484 = arith.cmpf olt, %parallel_loop3A_476, %parallel_loop3A_483 : vector<16xf32>
        %parallel_loop3A_485 = arith.ori %parallel_loop3A_481, %parallel_loop3A_484 : vector<16xi1>
        %parallel_loop3A_486 = arith.constant 0.000000e+00 : f32
        %parallel_loop3A_487 = vector.broadcast %parallel_loop3A_486 : f32 to vector<16xf32>
        %parallel_loop3A_488 = arith.select %parallel_loop3A_485, %parallel_loop3A_469, %parallel_loop3A_487 : vector<16xi1>, vector<16xf32>
        tpu.vector_store_idx %arg7[%parallel_loop3A_462], %parallel_loop3A_488 {add = true} : memref<16xf32, #tpu.memory_space<vmem>>[vector<16xi32>], vector<16xf32>,
        tpu.vector_store_idx %arg8[%parallel_loop3A_462], %parallel_loop3A_469 {add = true} : memref<16xf32, #tpu.memory_space<vmem>>[vector<16xi32>], vector<16xf32>,
        %parallel_loop3A_489 = arith.addf %parallel_loop3A_451, %parallel_loop3A_470 : vector<16xf32>
        %parallel_loop3A_490 = arith.constant 10 : i32
        %parallel_loop3A_491 = arith.addi %parallel_loop3A_109, %parallel_loop3A_490 : i32
        %parallel_loop3A_492 = arith.index_cast %rem3A_80 : i32 to index
        %parallel_loop3A_493 = arith.index_cast %parallel_loop3A_491 : i32 to index
        %parallel_loop3A_494 = arith.constant 0 : index
        %parallel_loop3A_495 = tpu.vector_load %arg5[%parallel_loop3A_492, %parallel_loop3A_493, %parallel_loop3A_494] {strides = array<i32>} : memref<2x256x16xf32, #tpu.memory_space<vmem>>, vector<16xf32>,
        %parallel_loop3A_496 = math.exp %parallel_loop3A_495 : vector<16xf32>
        %parallel_loop3A_497 = arith.constant dense<true> : vector<16xi1>
        %parallel_loop3A_498, %parallel_loop3A_499, %parallel_loop3A_500 = tpu.sort %parallel_loop3A_496, %iota3A masked %parallel_loop3A_497 {descending = true} : (vector<16xf32>, vector<16xi32>, vector<16xi1>) -> (vector<16xi1>, vector<16xf32>, vector<16xi32>)
        %parallel_loop3A_501 = arith.constant true
        %parallel_loop3A_502 = vector.broadcast %parallel_loop3A_501 : i1 to vector<16xi1>
        %parallel_loop3A_503 = tpu.scan <sum>, %parallel_loop3A_499 masked %parallel_loop3A_502 : vector<16xf32>, vector<16xi1> -> vector<16xf32>
        %parallel_loop3A_504 = vector.shape_cast %broadcast_in_dim3A_11 : vector<16xi32> to vector<16x1xi32>
        %parallel_loop3A_505 = vector.shape_cast %parallel_loop3A_504 : vector<16x1xi32> to vector<16xi32>
        %parallel_loop3A_506 = tpu.dynamic_gather %parallel_loop3A_503[%parallel_loop3A_505] in [0] : vector<16xf32>, vector<16xi32> -> vector<16xf32>
        %parallel_loop3A_507 = arith.divf %parallel_loop3A_499, %parallel_loop3A_506 : vector<16xf32>
        %parallel_loop3A_508 = arith.mulf %parallel_loop3A_507, %parallel_loop3A_507 : vector<16xf32>
        %parallel_loop3A_509 = arith.constant true
        %parallel_loop3A_510 = vector.broadcast %parallel_loop3A_509 : i1 to vector<16xi1>
        %parallel_loop3A_511 = tpu.scan <sum>, %parallel_loop3A_508 masked %parallel_loop3A_510 : vector<16xf32>, vector<16xi1> -> vector<16xf32>
        %parallel_loop3A_512 = vector.shape_cast %broadcast_in_dim3A_11 : vector<16xi32> to vector<16x1xi32>
        %parallel_loop3A_513 = vector.shape_cast %parallel_loop3A_512 : vector<16x1xi32> to vector<16xi32>
        %parallel_loop3A_514 = tpu.dynamic_gather %parallel_loop3A_511[%parallel_loop3A_513] in [0] : vector<16xf32>, vector<16xi32> -> vector<16xf32>
        %parallel_loop3A_515 = arith.constant 7.500000e-01 : f32
        %parallel_loop3A_516 = vector.broadcast %parallel_loop3A_515 : f32 to vector<16xf32>
        %parallel_loop3A_517 = arith.mulf %parallel_loop3A_506, %parallel_loop3A_516 : vector<16xf32>
        %parallel_loop3A_518 = arith.cmpf ole, %parallel_loop3A_503, %parallel_loop3A_517 : vector<16xf32>
        %parallel_loop3A_519 = arith.ori %parallel_loop3A_518, %lt3A_9 : vector<16xi1>
        %parallel_loop3A_520 = arith.constant 4.999950e-01 : f32
        %parallel_loop3A_521 = vector.broadcast %parallel_loop3A_520 : f32 to vector<16xf32>
        %parallel_loop3A_522 = arith.cmpf olt, %parallel_loop3A_514, %parallel_loop3A_521 : vector<16xf32>
        %parallel_loop3A_523 = arith.ori %parallel_loop3A_519, %parallel_loop3A_522 : vector<16xi1>
        %parallel_loop3A_524 = arith.constant 0.000000e+00 : f32
        %parallel_loop3A_525 = vector.broadcast %parallel_loop3A_524 : f32 to vector<16xf32>
        %parallel_loop3A_526 = arith.select %parallel_loop3A_523, %parallel_loop3A_507, %parallel_loop3A_525 : vector<16xi1>, vector<16xf32>
        tpu.vector_store_idx %arg7[%parallel_loop3A_500], %parallel_loop3A_526 {add = true} : memref<16xf32, #tpu.memory_space<vmem>>[vector<16xi32>], vector<16xf32>,
        tpu.vector_store_idx %arg8[%parallel_loop3A_500], %parallel_loop3A_507 {add = true} : memref<16xf32, #tpu.memory_space<vmem>>[vector<16xi32>], vector<16xf32>,
        %parallel_loop3A_527 = arith.addf %parallel_loop3A_489, %parallel_loop3A_508 : vector<16xf32>
        %parallel_loop3A_528 = arith.constant 11 : i32
        %parallel_loop3A_529 = arith.addi %parallel_loop3A_109, %parallel_loop3A_528 : i32
        %parallel_loop3A_530 = arith.index_cast %rem3A_80 : i32 to index
        %parallel_loop3A_531 = arith.index_cast %parallel_loop3A_529 : i32 to index
        %parallel_loop3A_532 = arith.constant 0 : index
        %parallel_loop3A_533 = tpu.vector_load %arg5[%parallel_loop3A_530, %parallel_loop3A_531, %parallel_loop3A_532] {strides = array<i32>} : memref<2x256x16xf32, #tpu.memory_space<vmem>>, vector<16xf32>,
        %parallel_loop3A_534 = math.exp %parallel_loop3A_533 : vector<16xf32>
        %parallel_loop3A_535 = arith.constant dense<true> : vector<16xi1>
        %parallel_loop3A_536, %parallel_loop3A_537, %parallel_loop3A_538 = tpu.sort %parallel_loop3A_534, %iota3A masked %parallel_loop3A_535 {descending = true} : (vector<16xf32>, vector<16xi32>, vector<16xi1>) -> (vector<16xi1>, vector<16xf32>, vector<16xi32>)
        %parallel_loop3A_539 = arith.constant true
        %parallel_loop3A_540 = vector.broadcast %parallel_loop3A_539 : i1 to vector<16xi1>
        %parallel_loop3A_541 = tpu.scan <sum>, %parallel_loop3A_537 masked %parallel_loop3A_540 : vector<16xf32>, vector<16xi1> -> vector<16xf32>
        %parallel_loop3A_542 = vector.shape_cast %broadcast_in_dim3A_11 : vector<16xi32> to vector<16x1xi32>
        %parallel_loop3A_543 = vector.shape_cast %parallel_loop3A_542 : vector<16x1xi32> to vector<16xi32>
        %parallel_loop3A_544 = tpu.dynamic_gather %parallel_loop3A_541[%parallel_loop3A_543] in [0] : vector<16xf32>, vector<16xi32> -> vector<16xf32>
        %parallel_loop3A_545 = arith.divf %parallel_loop3A_537, %parallel_loop3A_544 : vector<16xf32>
        %parallel_loop3A_546 = arith.mulf %parallel_loop3A_545, %parallel_loop3A_545 : vector<16xf32>
        %parallel_loop3A_547 = arith.constant true
        %parallel_loop3A_548 = vector.broadcast %parallel_loop3A_547 : i1 to vector<16xi1>
        %parallel_loop3A_549 = tpu.scan <sum>, %parallel_loop3A_546 masked %parallel_loop3A_548 : vector<16xf32>, vector<16xi1> -> vector<16xf32>
        %parallel_loop3A_550 = vector.shape_cast %broadcast_in_dim3A_11 : vector<16xi32> to vector<16x1xi32>
        %parallel_loop3A_551 = vector.shape_cast %parallel_loop3A_550 : vector<16x1xi32> to vector<16xi32>
        %parallel_loop3A_552 = tpu.dynamic_gather %parallel_loop3A_549[%parallel_loop3A_551] in [0] : vector<16xf32>, vector<16xi32> -> vector<16xf32>
        %parallel_loop3A_553 = arith.constant 7.500000e-01 : f32
        %parallel_loop3A_554 = vector.broadcast %parallel_loop3A_553 : f32 to vector<16xf32>
        %parallel_loop3A_555 = arith.mulf %parallel_loop3A_544, %parallel_loop3A_554 : vector<16xf32>
        %parallel_loop3A_556 = arith.cmpf ole, %parallel_loop3A_541, %parallel_loop3A_555 : vector<16xf32>
        %parallel_loop3A_557 = arith.ori %parallel_loop3A_556, %lt3A_9 : vector<16xi1>
        %parallel_loop3A_558 = arith.constant 4.999950e-01 : f32
        %parallel_loop3A_559 = vector.broadcast %parallel_loop3A_558 : f32 to vector<16xf32>
        %parallel_loop3A_560 = arith.cmpf olt, %parallel_loop3A_552, %parallel_loop3A_559 : vector<16xf32>
        %parallel_loop3A_561 = arith.ori %parallel_loop3A_557, %parallel_loop3A_560 : vector<16xi1>
        %parallel_loop3A_562 = arith.constant 0.000000e+00 : f32
        %parallel_loop3A_563 = vector.broadcast %parallel_loop3A_562 : f32 to vector<16xf32>
        %parallel_loop3A_564 = arith.select %parallel_loop3A_561, %parallel_loop3A_545, %parallel_loop3A_563 : vector<16xi1>, vector<16xf32>
        tpu.vector_store_idx %arg7[%parallel_loop3A_538], %parallel_loop3A_564 {add = true} : memref<16xf32, #tpu.memory_space<vmem>>[vector<16xi32>], vector<16xf32>,
        tpu.vector_store_idx %arg8[%parallel_loop3A_538], %parallel_loop3A_545 {add = true} : memref<16xf32, #tpu.memory_space<vmem>>[vector<16xi32>], vector<16xf32>,
        %parallel_loop3A_565 = arith.addf %parallel_loop3A_527, %parallel_loop3A_546 : vector<16xf32>
        %parallel_loop3A_566 = arith.constant 12 : i32
        %parallel_loop3A_567 = arith.addi %parallel_loop3A_109, %parallel_loop3A_566 : i32
        %parallel_loop3A_568 = arith.index_cast %rem3A_80 : i32 to index
        %parallel_loop3A_569 = arith.index_cast %parallel_loop3A_567 : i32 to index
        %parallel_loop3A_570 = arith.constant 0 : index
        %parallel_loop3A_571 = tpu.vector_load %arg5[%parallel_loop3A_568, %parallel_loop3A_569, %parallel_loop3A_570] {strides = array<i32>} : memref<2x256x16xf32, #tpu.memory_space<vmem>>, vector<16xf32>,
        %parallel_loop3A_572 = math.exp %parallel_loop3A_571 : vector<16xf32>
        %parallel_loop3A_573 = arith.constant dense<true> : vector<16xi1>
        %parallel_loop3A_574, %parallel_loop3A_575, %parallel_loop3A_576 = tpu.sort %parallel_loop3A_572, %iota3A masked %parallel_loop3A_573 {descending = true} : (vector<16xf32>, vector<16xi32>, vector<16xi1>) -> (vector<16xi1>, vector<16xf32>, vector<16xi32>)
        %parallel_loop3A_577 = arith.constant true
        %parallel_loop3A_578 = vector.broadcast %parallel_loop3A_577 : i1 to vector<16xi1>
        %parallel_loop3A_579 = tpu.scan <sum>, %parallel_loop3A_575 masked %parallel_loop3A_578 : vector<16xf32>, vector<16xi1> -> vector<16xf32>
        %parallel_loop3A_580 = vector.shape_cast %broadcast_in_dim3A_11 : vector<16xi32> to vector<16x1xi32>
        %parallel_loop3A_581 = vector.shape_cast %parallel_loop3A_580 : vector<16x1xi32> to vector<16xi32>
        %parallel_loop3A_582 = tpu.dynamic_gather %parallel_loop3A_579[%parallel_loop3A_581] in [0] : vector<16xf32>, vector<16xi32> -> vector<16xf32>
        %parallel_loop3A_583 = arith.divf %parallel_loop3A_575, %parallel_loop3A_582 : vector<16xf32>
        %parallel_loop3A_584 = arith.mulf %parallel_loop3A_583, %parallel_loop3A_583 : vector<16xf32>
        %parallel_loop3A_585 = arith.constant true
        %parallel_loop3A_586 = vector.broadcast %parallel_loop3A_585 : i1 to vector<16xi1>
        %parallel_loop3A_587 = tpu.scan <sum>, %parallel_loop3A_584 masked %parallel_loop3A_586 : vector<16xf32>, vector<16xi1> -> vector<16xf32>
        %parallel_loop3A_588 = vector.shape_cast %broadcast_in_dim3A_11 : vector<16xi32> to vector<16x1xi32>
        %parallel_loop3A_589 = vector.shape_cast %parallel_loop3A_588 : vector<16x1xi32> to vector<16xi32>
        %parallel_loop3A_590 = tpu.dynamic_gather %parallel_loop3A_587[%parallel_loop3A_589] in [0] : vector<16xf32>, vector<16xi32> -> vector<16xf32>
        %parallel_loop3A_591 = arith.constant 7.500000e-01 : f32
        %parallel_loop3A_592 = vector.broadcast %parallel_loop3A_591 : f32 to vector<16xf32>
        %parallel_loop3A_593 = arith.mulf %parallel_loop3A_582, %parallel_loop3A_592 : vector<16xf32>
        %parallel_loop3A_594 = arith.cmpf ole, %parallel_loop3A_579, %parallel_loop3A_593 : vector<16xf32>
        %parallel_loop3A_595 = arith.ori %parallel_loop3A_594, %lt3A_9 : vector<16xi1>
        %parallel_loop3A_596 = arith.constant 4.999950e-01 : f32
        %parallel_loop3A_597 = vector.broadcast %parallel_loop3A_596 : f32 to vector<16xf32>
        %parallel_loop3A_598 = arith.cmpf olt, %parallel_loop3A_590, %parallel_loop3A_597 : vector<16xf32>
        %parallel_loop3A_599 = arith.ori %parallel_loop3A_595, %parallel_loop3A_598 : vector<16xi1>
        %parallel_loop3A_600 = arith.constant 0.000000e+00 : f32
        %parallel_loop3A_601 = vector.broadcast %parallel_loop3A_600 : f32 to vector<16xf32>
        %parallel_loop3A_602 = arith.select %parallel_loop3A_599, %parallel_loop3A_583, %parallel_loop3A_601 : vector<16xi1>, vector<16xf32>
        tpu.vector_store_idx %arg7[%parallel_loop3A_576], %parallel_loop3A_602 {add = true} : memref<16xf32, #tpu.memory_space<vmem>>[vector<16xi32>], vector<16xf32>,
        tpu.vector_store_idx %arg8[%parallel_loop3A_576], %parallel_loop3A_583 {add = true} : memref<16xf32, #tpu.memory_space<vmem>>[vector<16xi32>], vector<16xf32>,
        %parallel_loop3A_603 = arith.addf %parallel_loop3A_565, %parallel_loop3A_584 : vector<16xf32>
        %parallel_loop3A_604 = arith.constant 13 : i32
        %parallel_loop3A_605 = arith.addi %parallel_loop3A_109, %parallel_loop3A_604 : i32
        %parallel_loop3A_606 = arith.index_cast %rem3A_80 : i32 to index
        %parallel_loop3A_607 = arith.index_cast %parallel_loop3A_605 : i32 to index
        %parallel_loop3A_608 = arith.constant 0 : index
        %parallel_loop3A_609 = tpu.vector_load %arg5[%parallel_loop3A_606, %parallel_loop3A_607, %parallel_loop3A_608] {strides = array<i32>} : memref<2x256x16xf32, #tpu.memory_space<vmem>>, vector<16xf32>,
        %parallel_loop3A_610 = math.exp %parallel_loop3A_609 : vector<16xf32>
        %parallel_loop3A_611 = arith.constant dense<true> : vector<16xi1>
        %parallel_loop3A_612, %parallel_loop3A_613, %parallel_loop3A_614 = tpu.sort %parallel_loop3A_610, %iota3A masked %parallel_loop3A_611 {descending = true} : (vector<16xf32>, vector<16xi32>, vector<16xi1>) -> (vector<16xi1>, vector<16xf32>, vector<16xi32>)
        %parallel_loop3A_615 = arith.constant true
        %parallel_loop3A_616 = vector.broadcast %parallel_loop3A_615 : i1 to vector<16xi1>
        %parallel_loop3A_617 = tpu.scan <sum>, %parallel_loop3A_613 masked %parallel_loop3A_616 : vector<16xf32>, vector<16xi1> -> vector<16xf32>
        %parallel_loop3A_618 = vector.shape_cast %broadcast_in_dim3A_11 : vector<16xi32> to vector<16x1xi32>
        %parallel_loop3A_619 = vector.shape_cast %parallel_loop3A_618 : vector<16x1xi32> to vector<16xi32>
        %parallel_loop3A_620 = tpu.dynamic_gather %parallel_loop3A_617[%parallel_loop3A_619] in [0] : vector<16xf32>, vector<16xi32> -> vector<16xf32>
        %parallel_loop3A_621 = arith.divf %parallel_loop3A_613, %parallel_loop3A_620 : vector<16xf32>
        %parallel_loop3A_622 = arith.mulf %parallel_loop3A_621, %parallel_loop3A_621 : vector<16xf32>
        %parallel_loop3A_623 = arith.constant true
        %parallel_loop3A_624 = vector.broadcast %parallel_loop3A_623 : i1 to vector<16xi1>
        %parallel_loop3A_625 = tpu.scan <sum>, %parallel_loop3A_622 masked %parallel_loop3A_624 : vector<16xf32>, vector<16xi1> -> vector<16xf32>
        %parallel_loop3A_626 = vector.shape_cast %broadcast_in_dim3A_11 : vector<16xi32> to vector<16x1xi32>
        %parallel_loop3A_627 = vector.shape_cast %parallel_loop3A_626 : vector<16x1xi32> to vector<16xi32>
        %parallel_loop3A_628 = tpu.dynamic_gather %parallel_loop3A_625[%parallel_loop3A_627] in [0] : vector<16xf32>, vector<16xi32> -> vector<16xf32>
        %parallel_loop3A_629 = arith.constant 7.500000e-01 : f32
        %parallel_loop3A_630 = vector.broadcast %parallel_loop3A_629 : f32 to vector<16xf32>
        %parallel_loop3A_631 = arith.mulf %parallel_loop3A_620, %parallel_loop3A_630 : vector<16xf32>
        %parallel_loop3A_632 = arith.cmpf ole, %parallel_loop3A_617, %parallel_loop3A_631 : vector<16xf32>
        %parallel_loop3A_633 = arith.ori %parallel_loop3A_632, %lt3A_9 : vector<16xi1>
        %parallel_loop3A_634 = arith.constant 4.999950e-01 : f32
        %parallel_loop3A_635 = vector.broadcast %parallel_loop3A_634 : f32 to vector<16xf32>
        %parallel_loop3A_636 = arith.cmpf olt, %parallel_loop3A_628, %parallel_loop3A_635 : vector<16xf32>
        %parallel_loop3A_637 = arith.ori %parallel_loop3A_633, %parallel_loop3A_636 : vector<16xi1>
        %parallel_loop3A_638 = arith.constant 0.000000e+00 : f32
        %parallel_loop3A_639 = vector.broadcast %parallel_loop3A_638 : f32 to vector<16xf32>
        %parallel_loop3A_640 = arith.select %parallel_loop3A_637, %parallel_loop3A_621, %parallel_loop3A_639 : vector<16xi1>, vector<16xf32>
        tpu.vector_store_idx %arg7[%parallel_loop3A_614], %parallel_loop3A_640 {add = true} : memref<16xf32, #tpu.memory_space<vmem>>[vector<16xi32>], vector<16xf32>,
        tpu.vector_store_idx %arg8[%parallel_loop3A_614], %parallel_loop3A_621 {add = true} : memref<16xf32, #tpu.memory_space<vmem>>[vector<16xi32>], vector<16xf32>,
        %parallel_loop3A_641 = arith.addf %parallel_loop3A_603, %parallel_loop3A_622 : vector<16xf32>
        %parallel_loop3A_642 = arith.constant 14 : i32
        %parallel_loop3A_643 = arith.addi %parallel_loop3A_109, %parallel_loop3A_642 : i32
        %parallel_loop3A_644 = arith.index_cast %rem3A_80 : i32 to index
        %parallel_loop3A_645 = arith.index_cast %parallel_loop3A_643 : i32 to index
        %parallel_loop3A_646 = arith.constant 0 : index
        %parallel_loop3A_647 = tpu.vector_load %arg5[%parallel_loop3A_644, %parallel_loop3A_645, %parallel_loop3A_646] {strides = array<i32>} : memref<2x256x16xf32, #tpu.memory_space<vmem>>, vector<16xf32>,
        %parallel_loop3A_648 = math.exp %parallel_loop3A_647 : vector<16xf32>
        %parallel_loop3A_649 = arith.constant dense<true> : vector<16xi1>
        %parallel_loop3A_650, %parallel_loop3A_651, %parallel_loop3A_652 = tpu.sort %parallel_loop3A_648, %iota3A masked %parallel_loop3A_649 {descending = true} : (vector<16xf32>, vector<16xi32>, vector<16xi1>) -> (vector<16xi1>, vector<16xf32>, vector<16xi32>)
        %parallel_loop3A_653 = arith.constant true
        %parallel_loop3A_654 = vector.broadcast %parallel_loop3A_653 : i1 to vector<16xi1>
        %parallel_loop3A_655 = tpu.scan <sum>, %parallel_loop3A_651 masked %parallel_loop3A_654 : vector<16xf32>, vector<16xi1> -> vector<16xf32>
        %parallel_loop3A_656 = vector.shape_cast %broadcast_in_dim3A_11 : vector<16xi32> to vector<16x1xi32>
        %parallel_loop3A_657 = vector.shape_cast %parallel_loop3A_656 : vector<16x1xi32> to vector<16xi32>
        %parallel_loop3A_658 = tpu.dynamic_gather %parallel_loop3A_655[%parallel_loop3A_657] in [0] : vector<16xf32>, vector<16xi32> -> vector<16xf32>
        %parallel_loop3A_659 = arith.divf %parallel_loop3A_651, %parallel_loop3A_658 : vector<16xf32>
        %parallel_loop3A_660 = arith.mulf %parallel_loop3A_659, %parallel_loop3A_659 : vector<16xf32>
        %parallel_loop3A_661 = arith.constant true
        %parallel_loop3A_662 = vector.broadcast %parallel_loop3A_661 : i1 to vector<16xi1>
        %parallel_loop3A_663 = tpu.scan <sum>, %parallel_loop3A_660 masked %parallel_loop3A_662 : vector<16xf32>, vector<16xi1> -> vector<16xf32>
        %parallel_loop3A_664 = vector.shape_cast %broadcast_in_dim3A_11 : vector<16xi32> to vector<16x1xi32>
        %parallel_loop3A_665 = vector.shape_cast %parallel_loop3A_664 : vector<16x1xi32> to vector<16xi32>
        %parallel_loop3A_666 = tpu.dynamic_gather %parallel_loop3A_663[%parallel_loop3A_665] in [0] : vector<16xf32>, vector<16xi32> -> vector<16xf32>
        %parallel_loop3A_667 = arith.constant 7.500000e-01 : f32
        %parallel_loop3A_668 = vector.broadcast %parallel_loop3A_667 : f32 to vector<16xf32>
        %parallel_loop3A_669 = arith.mulf %parallel_loop3A_658, %parallel_loop3A_668 : vector<16xf32>
        %parallel_loop3A_670 = arith.cmpf ole, %parallel_loop3A_655, %parallel_loop3A_669 : vector<16xf32>
        %parallel_loop3A_671 = arith.ori %parallel_loop3A_670, %lt3A_9 : vector<16xi1>
        %parallel_loop3A_672 = arith.constant 4.999950e-01 : f32
        %parallel_loop3A_673 = vector.broadcast %parallel_loop3A_672 : f32 to vector<16xf32>
        %parallel_loop3A_674 = arith.cmpf olt, %parallel_loop3A_666, %parallel_loop3A_673 : vector<16xf32>
        %parallel_loop3A_675 = arith.ori %parallel_loop3A_671, %parallel_loop3A_674 : vector<16xi1>
        %parallel_loop3A_676 = arith.constant 0.000000e+00 : f32
        %parallel_loop3A_677 = vector.broadcast %parallel_loop3A_676 : f32 to vector<16xf32>
        %parallel_loop3A_678 = arith.select %parallel_loop3A_675, %parallel_loop3A_659, %parallel_loop3A_677 : vector<16xi1>, vector<16xf32>
        tpu.vector_store_idx %arg7[%parallel_loop3A_652], %parallel_loop3A_678 {add = true} : memref<16xf32, #tpu.memory_space<vmem>>[vector<16xi32>], vector<16xf32>,
        tpu.vector_store_idx %arg8[%parallel_loop3A_652], %parallel_loop3A_659 {add = true} : memref<16xf32, #tpu.memory_space<vmem>>[vector<16xi32>], vector<16xf32>,
        %parallel_loop3A_679 = arith.addf %parallel_loop3A_641, %parallel_loop3A_660 : vector<16xf32>
        %parallel_loop3A_680 = arith.constant 15 : i32
        %parallel_loop3A_681 = arith.addi %parallel_loop3A_109, %parallel_loop3A_680 : i32
        %parallel_loop3A_682 = arith.index_cast %rem3A_80 : i32 to index
        %parallel_loop3A_683 = arith.index_cast %parallel_loop3A_681 : i32 to index
        %parallel_loop3A_684 = arith.constant 0 : index
        %parallel_loop3A_685 = tpu.vector_load %arg5[%parallel_loop3A_682, %parallel_loop3A_683, %parallel_loop3A_684] {strides = array<i32>} : memref<2x256x16xf32, #tpu.memory_space<vmem>>, vector<16xf32>,
        %parallel_loop3A_686 = math.exp %parallel_loop3A_685 : vector<16xf32>
        %parallel_loop3A_687 = arith.constant dense<true> : vector<16xi1>
        %parallel_loop3A_688, %parallel_loop3A_689, %parallel_loop3A_690 = tpu.sort %parallel_loop3A_686, %iota3A masked %parallel_loop3A_687 {descending = true} : (vector<16xf32>, vector<16xi32>, vector<16xi1>) -> (vector<16xi1>, vector<16xf32>, vector<16xi32>)
        %parallel_loop3A_691 = arith.constant true
        %parallel_loop3A_692 = vector.broadcast %parallel_loop3A_691 : i1 to vector<16xi1>
        %parallel_loop3A_693 = tpu.scan <sum>, %parallel_loop3A_689 masked %parallel_loop3A_692 : vector<16xf32>, vector<16xi1> -> vector<16xf32>
        %parallel_loop3A_694 = vector.shape_cast %broadcast_in_dim3A_11 : vector<16xi32> to vector<16x1xi32>
        %parallel_loop3A_695 = vector.shape_cast %parallel_loop3A_694 : vector<16x1xi32> to vector<16xi32>
        %parallel_loop3A_696 = tpu.dynamic_gather %parallel_loop3A_693[%parallel_loop3A_695] in [0] : vector<16xf32>, vector<16xi32> -> vector<16xf32>
        %parallel_loop3A_697 = arith.divf %parallel_loop3A_689, %parallel_loop3A_696 : vector<16xf32>
        %parallel_loop3A_698 = arith.mulf %parallel_loop3A_697, %parallel_loop3A_697 : vector<16xf32>
        %parallel_loop3A_699 = arith.constant true
        %parallel_loop3A_700 = vector.broadcast %parallel_loop3A_699 : i1 to vector<16xi1>
        %parallel_loop3A_701 = tpu.scan <sum>, %parallel_loop3A_698 masked %parallel_loop3A_700 : vector<16xf32>, vector<16xi1> -> vector<16xf32>
        %parallel_loop3A_702 = vector.shape_cast %broadcast_in_dim3A_11 : vector<16xi32> to vector<16x1xi32>
        %parallel_loop3A_703 = vector.shape_cast %parallel_loop3A_702 : vector<16x1xi32> to vector<16xi32>
        %parallel_loop3A_704 = tpu.dynamic_gather %parallel_loop3A_701[%parallel_loop3A_703] in [0] : vector<16xf32>, vector<16xi32> -> vector<16xf32>
        %parallel_loop3A_705 = arith.constant 7.500000e-01 : f32
        %parallel_loop3A_706 = vector.broadcast %parallel_loop3A_705 : f32 to vector<16xf32>
        %parallel_loop3A_707 = arith.mulf %parallel_loop3A_696, %parallel_loop3A_706 : vector<16xf32>
        %parallel_loop3A_708 = arith.cmpf ole, %parallel_loop3A_693, %parallel_loop3A_707 : vector<16xf32>
        %parallel_loop3A_709 = arith.ori %parallel_loop3A_708, %lt3A_9 : vector<16xi1>
        %parallel_loop3A_710 = arith.constant 4.999950e-01 : f32
        %parallel_loop3A_711 = vector.broadcast %parallel_loop3A_710 : f32 to vector<16xf32>
        %parallel_loop3A_712 = arith.cmpf olt, %parallel_loop3A_704, %parallel_loop3A_711 : vector<16xf32>
        %parallel_loop3A_713 = arith.ori %parallel_loop3A_709, %parallel_loop3A_712 : vector<16xi1>
        %parallel_loop3A_714 = arith.constant 0.000000e+00 : f32
        %parallel_loop3A_715 = vector.broadcast %parallel_loop3A_714 : f32 to vector<16xf32>
        %parallel_loop3A_716 = arith.select %parallel_loop3A_713, %parallel_loop3A_697, %parallel_loop3A_715 : vector<16xi1>, vector<16xf32>
        tpu.vector_store_idx %arg7[%parallel_loop3A_690], %parallel_loop3A_716 {add = true} : memref<16xf32, #tpu.memory_space<vmem>>[vector<16xi32>], vector<16xf32>,
        tpu.vector_store_idx %arg8[%parallel_loop3A_690], %parallel_loop3A_697 {add = true} : memref<16xf32, #tpu.memory_space<vmem>>[vector<16xi32>], vector<16xf32>,
        %parallel_loop3A_717 = arith.addf %parallel_loop3A_679, %parallel_loop3A_698 : vector<16xf32>
        scf.yield %parallel_loop3A_717 : vector<16xf32>
      } {sc.loop_unroll_factor = 1 : i64, sc.parallel_access}
      %add3A_101 = arith.constant 2 : i32
      %add3A_102 = arith.addi %add3A_78, %add3A_101 : i32
      %lt3A_103 = arith.constant 4 : i32
      %lt3A_104 = arith.cmpi slt, %add3A_102, %lt3A_103 : i32
      %convert_element_type3A = arith.extui %lt3A_104 : i1 to i32
      %cond3A = arith.constant 0 : i32
      %cond3A_105 = arith.cmpi ne, %convert_element_type3A, %cond3A : i32
      scf.if %cond3A_105 {
        %add3A_106 = arith.constant 2 : i32
        %add3A_107 = arith.addi %add3A_78, %add3A_106 : i32
        %mul3A_108 = arith.constant 256 : i32
        %mul3A_109 = arith.muli %add3A_107, %mul3A_108 : i32
        %add3A_110 = arith.addi %mul3A_2, %mul3A_109 : i32
        %dma_start3A_111 = arith.constant 0 : i32
        %dma_start3A_112 = arith.constant 0 : i32
        %dma_start3A_113 = tpu.memref_slice %arg5[%rem3A_80, %dma_start3A_111, %dma_start3A_112] : memref<2x256x16xf32, #tpu.memory_space<vmem>> -> memref<1x256x16xf32, #tpu.memory_space<vmem>>
        %dma_start3A_114 = tpu.memref_squeeze %dma_start3A_113 : memref<1x256x16xf32, #tpu.memory_space<vmem>> -> memref<256x16xf32, #tpu.memory_space<vmem>>
        %dma_start3A_115 = arith.constant 0 : i32
        %dma_start3A_116 = tpu.memref_slice %arg2[%add3A_110, %dma_start3A_115] : memref<32768x16xf32, #tpu.memory_space<hbm>> -> memref<256x16xf32, #tpu.memory_space<hbm>>
        %dma_start3A_117 = tpu.memref_slice %arg11[%rem3A_80] : memref<2x!tpu.dma_semaphore, #tpu.memory_space<semaphore_mem>> -> memref<1x!tpu.dma_semaphore, #tpu.memory_space<semaphore_mem>>
        %dma_start3A_118 = tpu.memref_squeeze %dma_start3A_117 : memref<1x!tpu.dma_semaphore, #tpu.memory_space<semaphore_mem>> -> memref<!tpu.dma_semaphore, #tpu.memory_space<semaphore_mem>>
        %dma_start3A_119 = arith.constant 0 : i32
        %dma_start3A_120 = arith.constant 0 : i32
        %dma_start3A_121 = tpu.memref_slice %arg5[%rem3A_80, %dma_start3A_119, %dma_start3A_120] : memref<2x256x16xf32, #tpu.memory_space<vmem>> -> memref<1x256x16xf32, #tpu.memory_space<vmem>>
        %dma_start3A_122 = tpu.memref_squeeze %dma_start3A_121 : memref<1x256x16xf32, #tpu.memory_space<vmem>> -> memref<256x16xf32, #tpu.memory_space<vmem>>
        %dma_start3A_123 = arith.constant 0 : i32
        %dma_start3A_124 = tpu.memref_slice %arg2[%add3A_110, %dma_start3A_123] : memref<32768x16xf32, #tpu.memory_space<hbm>> -> memref<256x16xf32, #tpu.memory_space<hbm>>
        tpu.enqueue_dma source(%dma_start3A_124 : memref<256x16xf32, #tpu.memory_space<hbm>>) target(%dma_start3A_122 : memref<256x16xf32, #tpu.memory_space<vmem>>) target_semaphore(%dma_start3A_118 : memref<!tpu.dma_semaphore, #tpu.memory_space<semaphore_mem>>)
      } else {
      }
      scf.yield %parallel_loop3A_100 : vector<16xf32>
    }
    %scan3A_62 = arith.constant 4 : i32
    %parallel_loop3A = arith.constant 0 : i32
    %parallel_loop3A_63 = arith.constant 64 : i32
    %parallel_loop3A_64 = arith.constant 1 : i32
    %parallel_loop3A_65 = scf.for %parallel_loop3A_73 = %parallel_loop3A to %parallel_loop3A_63 step %parallel_loop3A_64 iter_args(%parallel_loop3A_74 = %broadcast_in_dim3A_4) -> (vector<16xf32>)  : i32 {
      %parallel_loop3A_75 = arith.constant 16 : i32
      %parallel_loop3A_76 = arith.muli %parallel_loop3A_73, %parallel_loop3A_75 : i32
      %parallel_loop3A_77 = arith.index_cast %parallel_loop3A_76 : i32 to index
      %parallel_loop3A_78 = tpu.vector_load %arg6[%parallel_loop3A_77] {strides = array<i32>} : memref<1024xf32, #tpu.memory_space<vmem>>, vector<16xf32>,
      %parallel_loop3A_79 = arith.addf %parallel_loop3A_74, %parallel_loop3A_78 : vector<16xf32>
      scf.yield %parallel_loop3A_79 : vector<16xf32>
    } {sc.loop_unroll_factor = 1 : i64, sc.parallel_access}
    %swap3A_66 = arith.constant 0 : index
    %swap3A_67 = tpu.vector_load %arg9[%swap3A_66] {strides = array<i32>} : memref<16xf32, #tpu.memory_space<vmem>>, vector<16xf32>,
    tpu.vector_store %arg9[%swap3A_66], %scan3A_61 {strides = array<i32>} : memref<16xf32, #tpu.memory_space<vmem>>, vector<16xf32>,
    %swap3A_68 = arith.constant 0 : index
    %swap3A_69 = tpu.vector_load %arg10[%swap3A_68] {strides = array<i32>} : memref<16xf32, #tpu.memory_space<vmem>>, vector<16xf32>,
    tpu.vector_store %arg10[%swap3A_68], %parallel_loop3A_65 {strides = array<i32>} : memref<16xf32, #tpu.memory_space<vmem>>, vector<16xf32>,
    %run_scoped3A = arith.constant 0 : i32
    "tpu.region"() ({
      %run_scoped3A_73 = tpu.sem_alloc : memref<!tpu.dma_semaphore, #tpu.memory_space<semaphore_mem>>
      %dma_start3A_74 = arith.constant 0 : i32
      %dma_start3A_75 = tpu.memref_slice %arg4[%add3A, %run_scoped3A, %dma_start3A_74] : memref<32x4x16xf32, #tpu.memory_space<hbm>> -> memref<1x1x16xf32, #tpu.memory_space<hbm>>
      %dma_start3A_76 = tpu.memref_squeeze %dma_start3A_75 : memref<1x1x16xf32, #tpu.memory_space<hbm>> -> memref<16xf32, #tpu.memory_space<hbm>>
      %dma_start3A_77 = arith.constant 0 : i32
      %dma_start3A_78 = tpu.memref_slice %arg4[%add3A, %run_scoped3A, %dma_start3A_77] : memref<32x4x16xf32, #tpu.memory_space<hbm>> -> memref<1x1x16xf32, #tpu.memory_space<hbm>>
      %dma_start3A_79 = tpu.memref_squeeze %dma_start3A_78 : memref<1x1x16xf32, #tpu.memory_space<hbm>> -> memref<16xf32, #tpu.memory_space<hbm>>
      tpu.enqueue_dma source(%arg7 : memref<16xf32, #tpu.memory_space<vmem>>) target(%dma_start3A_79 : memref<16xf32, #tpu.memory_space<hbm>>) target_semaphore(%run_scoped3A_73 : memref<!tpu.dma_semaphore, #tpu.memory_space<semaphore_mem>>)
      %dma_wait3A = arith.constant 0 : i32
      %dma_wait3A_80 = tpu.memref_slice %arg4[%add3A, %run_scoped3A, %dma_wait3A] : memref<32x4x16xf32, #tpu.memory_space<hbm>> -> memref<1x1x16xf32, #tpu.memory_space<hbm>>
      %dma_wait3A_81 = tpu.memref_squeeze %dma_wait3A_80 : memref<1x1x16xf32, #tpu.memory_space<hbm>> -> memref<16xf32, #tpu.memory_space<hbm>>
      %dma_wait3A_82 = arith.constant 0 : i32
      %dma_wait3A_83 = tpu.memref_slice %arg4[%add3A, %run_scoped3A, %dma_wait3A_82] : memref<32x4x16xf32, #tpu.memory_space<hbm>> -> memref<1x1x16xf32, #tpu.memory_space<hbm>>
      %dma_wait3A_84 = tpu.memref_squeeze %dma_wait3A_83 : memref<1x1x16xf32, #tpu.memory_space<hbm>> -> memref<16xf32, #tpu.memory_space<hbm>>
      tpu.wait_dma2 semaphore(%run_scoped3A_73 : memref<!tpu.dma_semaphore, #tpu.memory_space<semaphore_mem>>) src(%arg7 : memref<16xf32, #tpu.memory_space<vmem>>) dst(%dma_wait3A_84 : memref<16xf32, #tpu.memory_space<hbm>>)
      tpu.yield
    }) : () -> ()
    %run_scoped3A_70 = arith.constant 1 : i32
    "tpu.region"() ({
      %run_scoped3A_73 = tpu.sem_alloc : memref<!tpu.dma_semaphore, #tpu.memory_space<semaphore_mem>>
      %dma_start3A_74 = arith.constant 0 : i32
      %dma_start3A_75 = tpu.memref_slice %arg4[%add3A, %run_scoped3A_70, %dma_start3A_74] : memref<32x4x16xf32, #tpu.memory_space<hbm>> -> memref<1x1x16xf32, #tpu.memory_space<hbm>>
      %dma_start3A_76 = tpu.memref_squeeze %dma_start3A_75 : memref<1x1x16xf32, #tpu.memory_space<hbm>> -> memref<16xf32, #tpu.memory_space<hbm>>
      %dma_start3A_77 = arith.constant 0 : i32
      %dma_start3A_78 = tpu.memref_slice %arg4[%add3A, %run_scoped3A_70, %dma_start3A_77] : memref<32x4x16xf32, #tpu.memory_space<hbm>> -> memref<1x1x16xf32, #tpu.memory_space<hbm>>
      %dma_start3A_79 = tpu.memref_squeeze %dma_start3A_78 : memref<1x1x16xf32, #tpu.memory_space<hbm>> -> memref<16xf32, #tpu.memory_space<hbm>>
      tpu.enqueue_dma source(%arg8 : memref<16xf32, #tpu.memory_space<vmem>>) target(%dma_start3A_79 : memref<16xf32, #tpu.memory_space<hbm>>) target_semaphore(%run_scoped3A_73 : memref<!tpu.dma_semaphore, #tpu.memory_space<semaphore_mem>>)
      %dma_wait3A = arith.constant 0 : i32
      %dma_wait3A_80 = tpu.memref_slice %arg4[%add3A, %run_scoped3A_70, %dma_wait3A] : memref<32x4x16xf32, #tpu.memory_space<hbm>> -> memref<1x1x16xf32, #tpu.memory_space<hbm>>
      %dma_wait3A_81 = tpu.memref_squeeze %dma_wait3A_80 : memref<1x1x16xf32, #tpu.memory_space<hbm>> -> memref<16xf32, #tpu.memory_space<hbm>>
      %dma_wait3A_82 = arith.constant 0 : i32
      %dma_wait3A_83 = tpu.memref_slice %arg4[%add3A, %run_scoped3A_70, %dma_wait3A_82] : memref<32x4x16xf32, #tpu.memory_space<hbm>> -> memref<1x1x16xf32, #tpu.memory_space<hbm>>
      %dma_wait3A_84 = tpu.memref_squeeze %dma_wait3A_83 : memref<1x1x16xf32, #tpu.memory_space<hbm>> -> memref<16xf32, #tpu.memory_space<hbm>>
      tpu.wait_dma2 semaphore(%run_scoped3A_73 : memref<!tpu.dma_semaphore, #tpu.memory_space<semaphore_mem>>) src(%arg8 : memref<16xf32, #tpu.memory_space<vmem>>) dst(%dma_wait3A_84 : memref<16xf32, #tpu.memory_space<hbm>>)
      tpu.yield
    }) : () -> ()
    %run_scoped3A_71 = arith.constant 2 : i32
    "tpu.region"() ({
      %run_scoped3A_73 = tpu.sem_alloc : memref<!tpu.dma_semaphore, #tpu.memory_space<semaphore_mem>>
      %dma_start3A_74 = arith.constant 0 : i32
      %dma_start3A_75 = tpu.memref_slice %arg4[%add3A, %run_scoped3A_71, %dma_start3A_74] : memref<32x4x16xf32, #tpu.memory_space<hbm>> -> memref<1x1x16xf32, #tpu.memory_space<hbm>>
      %dma_start3A_76 = tpu.memref_squeeze %dma_start3A_75 : memref<1x1x16xf32, #tpu.memory_space<hbm>> -> memref<16xf32, #tpu.memory_space<hbm>>
      %dma_start3A_77 = arith.constant 0 : i32
      %dma_start3A_78 = tpu.memref_slice %arg4[%add3A, %run_scoped3A_71, %dma_start3A_77] : memref<32x4x16xf32, #tpu.memory_space<hbm>> -> memref<1x1x16xf32, #tpu.memory_space<hbm>>
      %dma_start3A_79 = tpu.memref_squeeze %dma_start3A_78 : memref<1x1x16xf32, #tpu.memory_space<hbm>> -> memref<16xf32, #tpu.memory_space<hbm>>
      tpu.enqueue_dma source(%arg9 : memref<16xf32, #tpu.memory_space<vmem>>) target(%dma_start3A_79 : memref<16xf32, #tpu.memory_space<hbm>>) target_semaphore(%run_scoped3A_73 : memref<!tpu.dma_semaphore, #tpu.memory_space<semaphore_mem>>)
      %dma_wait3A = arith.constant 0 : i32
      %dma_wait3A_80 = tpu.memref_slice %arg4[%add3A, %run_scoped3A_71, %dma_wait3A] : memref<32x4x16xf32, #tpu.memory_space<hbm>> -> memref<1x1x16xf32, #tpu.memory_space<hbm>>
      %dma_wait3A_81 = tpu.memref_squeeze %dma_wait3A_80 : memref<1x1x16xf32, #tpu.memory_space<hbm>> -> memref<16xf32, #tpu.memory_space<hbm>>
      %dma_wait3A_82 = arith.constant 0 : i32
      %dma_wait3A_83 = tpu.memref_slice %arg4[%add3A, %run_scoped3A_71, %dma_wait3A_82] : memref<32x4x16xf32, #tpu.memory_space<hbm>> -> memref<1x1x16xf32, #tpu.memory_space<hbm>>
      %dma_wait3A_84 = tpu.memref_squeeze %dma_wait3A_83 : memref<1x1x16xf32, #tpu.memory_space<hbm>> -> memref<16xf32, #tpu.memory_space<hbm>>
      tpu.wait_dma2 semaphore(%run_scoped3A_73 : memref<!tpu.dma_semaphore, #tpu.memory_space<semaphore_mem>>) src(%arg9 : memref<16xf32, #tpu.memory_space<vmem>>) dst(%dma_wait3A_84 : memref<16xf32, #tpu.memory_space<hbm>>)
      tpu.yield
    }) : () -> ()
    %run_scoped3A_72 = arith.constant 3 : i32
    "tpu.region"() ({
      %run_scoped3A_73 = tpu.sem_alloc : memref<!tpu.dma_semaphore, #tpu.memory_space<semaphore_mem>>
      %dma_start3A_74 = arith.constant 0 : i32
      %dma_start3A_75 = tpu.memref_slice %arg4[%add3A, %run_scoped3A_72, %dma_start3A_74] : memref<32x4x16xf32, #tpu.memory_space<hbm>> -> memref<1x1x16xf32, #tpu.memory_space<hbm>>
      %dma_start3A_76 = tpu.memref_squeeze %dma_start3A_75 : memref<1x1x16xf32, #tpu.memory_space<hbm>> -> memref<16xf32, #tpu.memory_space<hbm>>
      %dma_start3A_77 = arith.constant 0 : i32
      %dma_start3A_78 = tpu.memref_slice %arg4[%add3A, %run_scoped3A_72, %dma_start3A_77] : memref<32x4x16xf32, #tpu.memory_space<hbm>> -> memref<1x1x16xf32, #tpu.memory_space<hbm>>
      %dma_start3A_79 = tpu.memref_squeeze %dma_start3A_78 : memref<1x1x16xf32, #tpu.memory_space<hbm>> -> memref<16xf32, #tpu.memory_space<hbm>>
      tpu.enqueue_dma source(%arg10 : memref<16xf32, #tpu.memory_space<vmem>>) target(%dma_start3A_79 : memref<16xf32, #tpu.memory_space<hbm>>) target_semaphore(%run_scoped3A_73 : memref<!tpu.dma_semaphore, #tpu.memory_space<semaphore_mem>>)
      %dma_wait3A = arith.constant 0 : i32
      %dma_wait3A_80 = tpu.memref_slice %arg4[%add3A, %run_scoped3A_72, %dma_wait3A] : memref<32x4x16xf32, #tpu.memory_space<hbm>> -> memref<1x1x16xf32, #tpu.memory_space<hbm>>
      %dma_wait3A_81 = tpu.memref_squeeze %dma_wait3A_80 : memref<1x1x16xf32, #tpu.memory_space<hbm>> -> memref<16xf32, #tpu.memory_space<hbm>>
      %dma_wait3A_82 = arith.constant 0 : i32
      %dma_wait3A_83 = tpu.memref_slice %arg4[%add3A, %run_scoped3A_72, %dma_wait3A_82] : memref<32x4x16xf32, #tpu.memory_space<hbm>> -> memref<1x1x16xf32, #tpu.memory_space<hbm>>
      %dma_wait3A_84 = tpu.memref_squeeze %dma_wait3A_83 : memref<1x1x16xf32, #tpu.memory_space<hbm>> -> memref<16xf32, #tpu.memory_space<hbm>>
      tpu.wait_dma2 semaphore(%run_scoped3A_73 : memref<!tpu.dma_semaphore, #tpu.memory_space<semaphore_mem>>) src(%arg10 : memref<16xf32, #tpu.memory_space<vmem>>) dst(%dma_wait3A_84 : memref<16xf32, #tpu.memory_space<hbm>>)
      tpu.yield
    }) : () -> ()
    return
  }
}

</mosaic_0001>

<sc_bundles>
// kernel: kernel.3.cloned.1.call-start
scs
__scs_entry_jumppad:
0x0: {  	(pc) =	sbr.rel $0x88, $3  }
0x1: {  	(tag) =	ssettag $0x0;
	lr =	simm.s32 $0x1  }
0x2: {  	[smem:$0x3F9F] =	sst lr;
	_ =	strace $0xD0000000  }
0x3: {  	_ = 	snop  }
0x4: {  	_ = 	snop  }
0x5: {  	_ = 	snop  }
0x6: {  	_ = 	snop  }
0x7: {  	_ = 	snop  }
__scs_overlays_trampoline_lowered:
0x8: {  	[smem:$0x3FAE] =	sst s0  }
0x9: {  	[smem:$0x3FAF] =	sst s1  }
0xa: {  	[smem:$0x3FB0] =	sst s2  }
0xb: {  	[smem:$0x3FB1] =	sst s3  }
0xc: {  	[smem:$0x3FB2] =	sst s4  }
0xd: {  	[smem:$0x3FB3] =	sst s5  }
0xe: {  	[smem:$0x3FB4] =	sst s6  }
0xf: {  	[smem:$0x3FB5] =	sst s7  }
0x10: {  	[smem:$0x3FB6] =	sst s8  }
0x11: {  	[smem:$0x3FB7] =	sst s9;
	s0 =	simm.s32 @!p0 $0x0  }
0x12: {  	s1 =	sld [smem:$0x3F9D];
	s0 =	simm.s32 @p0 $0x1  }
0x13: {  	[smem:$0x3FB8] =	sst s0;
	s0 =	simm.s32 @!p1 $0x0  }
0x14: {  	s2 =	sld [smem:$0x3F9C];
	s0 =	simm.s32 @p1 $0x1  }
0x15: {  	[smem:$0x3FB9] =	sst s0;
	s0 =	simm.s32 @!p2 $0x0  }
0x16: {  	s3 =	sld [smem:$0x3FDB];
	s0 =	simm.s32 @p2 $0x1  }
0x17: {  	s4 =	simm.s32 $0x1BF5;
	[smem:$0x3FBB] =	sst s0  }
0x18: {  	s0 =	sld [smem:$0x3F9E];
	_ =	swait.ge [sflag:s4], $0x0  }
0x19: {  	s7 =	sld [smem:$0x3F9F]  }
0x1a: {  	s8 =	sadd.s32 $0xFFFFE003, lr  }
0x1b: {  	s9 =	sadd.s32 $0xFFFFFEF7, lr;
	s5 =	simm.s32 $0xFFFFFFFF;
	p2 =	slt.u32 s8, $0xFFFFF086  }
0x1c: {  	p1 =	slt.u32 s9, $0xF7A;
	s5 =	simm.s32 @!p2 $0x0  }
0x1d: {  	s5 =	simm.s32 @p1 $0x1;
	p0 =	seq.s32 s7, s2  }
0x1e: {  	s7 =	smul.u32 @!p0 $0xF7A, s2;
	p2 =	seq.s32 @!p0 s5, $0x0  }
0x1f: {  	s9 =	smul.u32 $0xF7A, s1;
	s8 =	simm.s32 @!p0 $0x1BF5;
	p2 =	por !p2, p0  }
0x20: {  	[sflag:s8] =	ssyncset.s32 @!p0 $0xFFFFF086;
	s6 =	sadd.s32 @!p0 s3, s7;
	s7 =	simm.s32 @!p0 $0x108  }
0x21: {  	s3 =	sadd.s32 s3, s9;
	s6 =	sadd.s32 @!p0 $0x88, s6;
	s7 =	simm.s32 @p2 $0x1082  }
0x22: {  	[simem:s7], [sflag:s8] =	dma.local @!p0 [hbm:s6], $0xF7A  }
0x23: {  	s9 =	sor.u32 $0xD0000000, s2;
	s6 =	simm.s32 $0x108;
	_ =	swait.ge @!p0 [sflag:s8], $0x0  }
0x24: {  	s3 =	sadd.s32 $0x88, s3;
	s6 =	simm.s32 @!p1 $0x1082;
	[sflag:s4] =	ssyncset.s32 $0xFFFFF086  }
0x25: {  	[simem:s6], [sflag:s4] =	dma.local [hbm:s3], $0xF7A  }
0x26: {  	[smem:$0x3F9F] =	sst s1;
	(tag) =	ssettag s2;
	_ =	strace s9  }
0x27: {  	s1 =	sld [smem:$0x3FAF]  }
0x28: {  	s2 =	sld [smem:$0x3FB0]  }
0x29: {  	s4 =	sld [smem:$0x3FB2]  }
0x2a: {  	p0 =	seq.s32 s5, $0x0;
	s5 =	sld [smem:$0x3FB3]  }
0x2b: {  	s6 =	sld [smem:$0x3FB4]  }
0x2c: {  	s7 =	sld [smem:$0x3FB5]  }
0x2d: {  	s3 =	simm.s32 $0x108;
	s8 =	sld [smem:$0x3FB6]  }
0x2e: {  	s3 =	simm.s32 @!p0 $0x1082;
	s9 =	sld [smem:$0x3FB7]  }
0x2f: {  	lr =	sadd.s32 s0, s3;
	s0 =	sld [smem:$0x3FAE]  }
0x30: {  	s3 =	sld [smem:$0x3FB1]  }
0x31: {  	[smem:$0x3FBA] =	sst s10  }
0x32: {  	s10 =	sld [smem:$0x3FB8];
	_ =	sdelay $0x3  }
0x33: {  	p0 =	seq.s32 s10, $0x1;
	s10 =	sld [smem:$0x3FBA];
	_ =	sdelay $0x3  }
0x34: {  	[smem:$0x3FBA] =	sst s10  }
0x35: {  	s10 =	sld [smem:$0x3FB9];
	_ =	sdelay $0x3  }
0x36: {  	p1 =	seq.s32 s10, $0x1;
	s10 =	sld [smem:$0x3FBA];
	_ =	sdelay $0x3  }
0x37: {  	[smem:$0x3FBA] =	sst s10  }
0x38: {  	s10 =	sld [smem:$0x3FBB]  }
0x39: {  	_ = 	snop;
	(pc) =	sbr.ind lr, $3  }
0x3a: {  	_ = 	snop  }
0x3b: {  	_ = 	snop  }
0x3c: {  	p2 =	seq.s32 s10, $0x1;
	s10 =	sld [smem:$0x3FBA]  }
0x3d: {  	_ =	shalt  }
0x3e: {  	_ =	shalt  }
0x3f: {  	_ =	shalt  }
0x40: {  	_ =	shalt  }
0x41: {  	_ =	shalt  }
0x42: {  	_ =	shalt  }
0x43: {  	_ =	shalt  }
0x44: {  	_ =	shalt  }
0x45: {  	_ =	shalt  }
0x46: {  	_ =	shalt  }
0x47: {  	_ =	shalt  }
0x48: {  	_ =	shalt  }
0x49: {  	_ =	shalt  }
0x4a: {  	_ =	shalt  }
0x4b: {  	_ =	shalt  }
0x4c: {  	_ =	shalt  }
0x4d: {  	_ =	shalt  }
0x4e: {  	_ =	shalt  }
0x4f: {  	_ =	shalt  }
0x50: {  	_ =	shalt  }
0x51: {  	_ =	shalt  }
0x52: {  	_ =	shalt  }
0x53: {  	_ =	shalt  }
0x54: {  	_ =	shalt  }
0x55: {  	_ =	shalt  }
0x56: {  	_ =	shalt  }
0x57: {  	_ =	shalt  }
0x58: {  	_ =	shalt  }
0x59: {  	_ =	shalt  }
0x5a: {  	_ =	shalt  }
0x5b: {  	_ =	shalt  }
0x5c: {  	_ =	shalt  }
0x5d: {  	_ =	shalt  }
0x5e: {  	_ =	shalt  }
0x5f: {  	_ =	shalt  }
0x60: {  	_ =	shalt  }
0x61: {  	_ =	shalt  }
0x62: {  	_ =	shalt  }
0x63: {  	_ =	shalt  }
0x64: {  	_ =	shalt  }
0x65: {  	_ =	shalt  }
0x66: {  	_ =	shalt  }
0x67: {  	_ =	shalt  }
0x68: {  	_ =	shalt  }
0x69: {  	_ =	shalt  }
0x6a: {  	_ =	shalt  }
0x6b: {  	_ =	shalt  }
0x6c: {  	_ =	shalt  }
0x6d: {  	_ =	shalt  }
0x6e: {  	_ =	shalt  }
0x6f: {  	_ =	shalt  }
0x70: {  	_ =	shalt  }
0x71: {  	_ =	shalt  }
0x72: {  	_ =	shalt  }
0x73: {  	_ =	shalt  }
0x74: {  	_ =	shalt  }
0x75: {  	_ =	shalt  }
0x76: {  	_ =	shalt  }
0x77: {  	_ =	shalt  }
0x78: {  	_ =	shalt  }
0x79: {  	_ =	shalt  }
0x7a: {  	_ =	shalt  }
0x7b: {  	_ =	shalt  }
0x7c: {  	_ =	shalt  }
0x7d: {  	_ =	shalt  }
0x7e: {  	_ =	shalt  }
0x7f: {  	_ =	shalt  }
0x80: {  	_ =	shalt  }
0x81: {  	_ =	shalt  }
0x82: {  	_ =	shalt  }
0x83: {  	_ =	shalt  }
0x84: {  	_ =	shalt  }
0x85: {  	_ =	shalt  }
0x86: {  	_ =	shalt  }
0x87: {  	_ =	shalt  }
.Lfunc_end0:
.L_simem_size_0:
called_computation_lowered:
.L_overlay_start_0:
0x88: {  	s2 =	sld [smem:$0x3FD9]  }
0x89: {  	s3 =	sld [smem:$0x3FFE];
	_ =	sdelay $0x1  }
0x8a: {  	s1 =	srdreg.scid  }
0x8b: {  	s0 =	sand.u32 $0x1, s1  }
0x8c: {  	s16 =	sshll.u32 s0, $0xA;
	s2 =	sadd.s32 s3, s2  }
0x8d: {  	s2 =	sadd.s32 s2, s16  }
0x8e: {  	[smem:$0x3FC6] =	sst s2  }
0x8f: {  	_ = 	snop  }
0x90: {  	(tm) =	ssettm $0x1  }
0x91: {  	s17 =	sld [smem:$0x3FFB];
	_ =	sdelay $0x3  }
0x92: {  	_ =	strace s17  }
0x93: {  	s2 =	sld [smem:$0x3FFC];
	_ =	sdelay $0x3  }
0x94: {  	_ =	strace s2  }
0x95: {  	s2 =	sld [smem:$0x3FFD];
	_ =	sdelay $0x3  }
0x96: {  	_ =	strace s2  }
0x97: {  	_ =	strace $0x8FFFFFFF  }
0x98: {  	s18 =	sld [smem:$0x3FDB];
	_ =	sdelay $0x1  }
0x99: {  	s19 =	simm.s32 $_scs_section_size  }
0x9a: {  	s4 =	simm.s32 $_size__tile_overlayer_lowered;
	s5 =	simm.s32 $_tile_overlayer_lowered  }
0x9b: {  	s22 =	simm.s32 $0x1BFF;
	s21 =	sshll.u32 s5, $0x1;
	s2 =	sadd.s32 s19, s18  }
0x9c: {  	s6 =	simm.s32 $0x0;
	s20 =	sshll.u32 s4, $0x1;
	s4 =	sadd.s32 s21, s2  }
0x9d: {  	[timem:s6], [sflag:s22] =	dma.local [hbm:s4], s20  }
0x9e: {  	_ =	swait.ge [sflag:s22], s20  }
0x9f: {  	s3 =	ssub.s32 $0x0, s20;
	[sflag:s22] =	ssyncset.done $0x0  }
0xa0: {  	[sflag:s22] =	ssyncadd.s32 s3;
	_ =	sdelay $0x1  }
0xa1: {  	s23 =	simm.s32 $0x1B8B  }
0xa2: {  	_ =	swait.ge [sflag:s23], $0x1  }
0xa3: {  	[sflag:s23] =	ssyncset.done $0x0  }
0xa4: {  	s25 =	simm.s32 $0x1B8E;
	s24 =	sld [smem:$0x3FFE];
	[sflag:s23] =	ssyncadd.s32 $0xFFFFFFFF  }
0xa5: {  	s26 =	simm.s32 $execute0_lowered;
	[smem:$0x3FD2] =	sst s25  }
0xa6: {  	s4 =	sshll.u32 s26, $0x1;
	_ =	strace $0x80000046;
	[dreg:$0x1] =	wrdreg $0xFFFFFFFF  }
0xa7: {  	s28 =	simm.s32 $_size_execute0_lowered;
	s2 =	sadd.s32 s2, s4;
	[dreg:$0x0] =	wrdreg $0x0  }
0xa8: {  	s4 =	sshll.u32 s28, $0x1;
	[dreg:$0x2] =	wrdreg s2  }
0xa9: {  	[dreg:$0x3] =	wrdreg s4  }
0xaa: {  	[dreg:$0x4] =	wrdreg $0xC0  }
0xab: {  	_ =	task [dreg:s6], $0x5FFFF  }
0xac: {  	[dreg:$0x1] =	wrdreg $0xFFFFFFFF  }
0xad: {  	[dreg:$0x0] =	wrdreg $0x60  }
0xae: {  	[dreg:$0x2] =	wrdreg s24  }
0xaf: {  	[dreg:$0x3] =	wrdreg $0x9  }
0xb0: {  	_ =	task.clear_ibuf [dreg:s6], $0x4FFFF;
	_ =	strace $0x90000046  }
0xb1: {  	s29 =	simm.s32 $0x9;
	_ =	strace $0x80000048  }
0xb2: {  	_ =	swait.ge [sflag:s29], $0x1  }
0xb3: {  	[sflag:s29] =	ssyncadd.s32 $0xFFFFFFFF  }
0xb4: {  	_ =	strace $0x90000048  }
0xb5: {  	_ =	sfence  }
0xb6: {  	s30 =	sld [smem:$0x0];
	_ =	sdelay $0x2  }
0xb7: {  	s31 =	sshll.u32 s1, $0xD;
	s1 =	sshrl.u32 s1, $0x2  }
0xb8: {  	s3 =	sand.u32 $0x4000, s31;
	s1 =	sadd.s32 s1, s30  }
0xb9: {  	s0 =	sor.u32 s3, s0;
	s1 =	sshll.u32 s1, $0x11  }
0xba: {  	s0 =	sor.u32 s1, s0  }
0xbb: {  	s0 =	sadd.s32 $0x8F2B, s0  }
0xbc: {  	[sflag:s0] =	ssyncadd.remote.s32 $0x1  }
0xbd: {  	_ =	sfence.sel $0xFFFF  }
0xbe: {  	[dreg:$0x0] =	wrdreg $0xFFFFFFFF;
	(pc) =	sbr.abs _section_cstart, $3  }
0xbf: {  	[dreg:$0x1] =	wrdreg $0xFFFFFFFF  }
0xc0: {  	_ =	task.clear_ibuf [dreg:s6], $0x2FFFF;
	_ =	strace $0x9FFFFFFF  }
0xc1: {  	(tm) =	ssettm $0x7FFFFFFF  }
tec
execute0_lowered:
.L_overlay_start_1:
0x0: {  	(tag) =	ssettag $0x1  }
0x1: {  	s0 =	srdreg.scid  }
0x2: {  	s2 =	stileid.u32;
	s1 =	rddreg [dreg:$0x0];
	s13 =	simm.s32 $0x3  }
0x3: {  	s14 =	simm.s32 $0x8000;
	s15 =	simm.s32 $0x10400;
	s16 =	simm.s32 $0x10480  }
0x4: {  	s17 =	simm.s32 $0x10500;
	s18 =	simm.s32 $0x10580;
	s19 =	simm.s32 $0x0  }
0x5: {  	s0 =	sand.u32 $0x1, s0;
	s3 =	sshll.u32 s2, $0x1;
	s2 =	simm.s32 $0x0  }
0x6: {  	s3 =	sor.u32 s0, s3;
	[smem:$0x7FF] =	sst s2;
	s0 =	ssub.s32 $0x2, s0  }
0x7: {  	s4 =	sshll.u32 s3, $0xE;
	_ =	strace $0x80000047;
	s30 =	sshll.u32 s3, $0x6  }
0x8: {  	s3 =	sshll.u32 s3, $0x7;
	s31 =	sshrl.u32 s0, $0x1;
	s6 =	sadd.s32 s4, s1  }
0x9: {  	s10 =	sadd.s32 s30, s1;
	s3 =	sand.u32 $0x380, s3;
	s0 =	ssub.s32 s0, s31  }
0xa: {  	s3 =	sadd.s32 s1, s3;
	s4 =	sadd.s32 $0x400, s6;
	s5 =	sadd.s32 $0x1400, s6  }
0xb: {  	s6 =	sadd.s32 $0x2400, s6;
	s7 =	sadd.s32 $0x80400, s10;
	s8 =	sadd.s32 $0x80410, s10  }
0xc: {  	v0 =	vlaneseq.u32;
	v1 =	vimm.s32 $0xF;
	vm0 =	vmmov $0x3;
	s9 =	sadd.s32 $0x80420, s10;
	s10 =	sadd.s32 $0x80430, s10;
	s11 =	smax.u32 s0, $0x1  }
.LBB2_1:
0xd: {  	s0 =	simm.s32 $0x10000  }
0xe: {  	[tilespmem:s0], [sflag:$0x3] =	stream.linear.gather [hbm4b:s3+s2], $0x400, $0x38;
	[tilespmem:$0x10600] =	vst v63  }
0xf: {  	_ =	swait.ge [sflag:s13], $0x400  }
0x10: {  	[sflag:s13] =	ssyncset.done $0x0  }
0x11: {  	v51 =	vimm.f32 $0.0e+00;
	[sflag:s13] =	ssyncadd.s32 $0xFFFFFC00  }
0x12: {  	[tilespmem:$0x10400] =	vst v51  }
0x13: {  	[tilespmem:$0x10480] =	vst v51  }
0x14: {  	[tilespmem:s2], [sflag:$0x1] =	stream.linear.gather [hbm4b:s4+s2], $0x8000, $0x38;
	[tilespmem:$0x10600] =	vst v63  }
0x15: {  	p0 =	por $0x0, $0x0;
	s20 =	simm.s32 $0x0  }
0x16: {  	[tilespmem:s14], [sflag:$0x2] =	stream.linear.gather [hbm4b:s5+s2], $0x8000, $0x38;
	[tilespmem:$0x10600] =	vst v63  }
.LBB2_2:
0x17: {  	s0 =	simm.s32 $0x1  }
0x18: {  	s0 =	simm.s32 @!p0 $0x0  }
0x19: {  	s0 =	sshll.u32 s0, $0xF  }
0x1a: {  	s0 =	sor.u32 $0x400, s0  }
0x1b: {  	s1 =	sand.u32 $0x1, s20;
	v2 =	vmov s0  }
0x1c: {  	s21 =	sadd.s32 $0x1, s1  }
0x1d: {  	_ =	swait.ge [sflag:s21], $0x8000  }
0x1e: {  	[sflag:s21] =	ssyncset.done $0x0  }
0x1f: {  	[sflag:s21] =	ssyncadd.s32 $0xFFFF8000;
	s0 =	simm.s32 $0x0  }
0x20: {  	v3 =	vld.idx.msk [tilespmem:v2+s0+$0xFFFFFC00 ss:$0x1], $0xffff;
	_ =	sdelay $0x4  }
0x21: {  	v3 =	vmul.f32 $1.442695020e+00, v3;
	_ =	sdelay $0x1  }
0x22: {  	(erf) = vpow2.f32 v3;
	_ =	sdelay $0x8  }
0x23: {  	v3 =	vpop (erf)  }
0x24: {  	(xrf1) =	vsort.dscd.msk.f32 $0xffff, v3, v0;
	_ =	sdelay $0xd  }
0x25: {  	v3, v4, _ =	vpop (xrf1)  }
0x26: {  	(xrf2) =	vadd.scan.msk.f32 $0xffff, v3;
	_ =	sdelay $0x9  }
0x27: {  	v5, _, _ =	vpop (xrf2)  }
0x28: {  	v6 =	vperm.xlane v5, v1;
	_ =	sdelay $0x1  }
0x29: {  	(erf) = vrcp.f32 v6;
	_ =	sdelay $0x8  }
0x2a: {  	v7 =	vpop (erf)  }
0x2b: {  	v3 =	vmul.f32 v3, v7;
	_ =	sdelay $0x1  }
0x2c: {  	v47 =	vmul.f32 v3, v3;
	_ =	sdelay $0x1  }
0x2d: {  	(xrf2) =	vadd.scan.msk.f32 $0xffff, v47;
	_ =	sdelay $0x9  }
0x2e: {  	v7, _, _ =	vpop (xrf2)  }
0x2f: {  	v6 =	vmul.f32 $7.500000000e-01, v6;
	v7 =	vperm.xlane v7, v1;
	_ =	sdelay $0x1  }
0x30: {  	vm1 =	vle.f32 v5, v6;
	vm2 =	vlt.f32 v7, $4.999949930e-01  }
0x31: {  	vm1 =	vmor vm1, vm2  }
0x32: {  	vm1 =	vmor vm1, vm0  }
0x33: {  	v5 =	vnsel vm1, $0x0, v3  }
0x34: {  	[tilespmem:v4+s15+$0x0] =	vst.idx.add.f32.msk $0xffff, v5  }
0x35: {  	[tilespmem:v4+s16+$0x0] =	vst.idx.add.f32.msk $0xffff, v3  }
0x36: {  	v3 =	vld.idx.msk [tilespmem:v2+s0+$0xFFFFFC80 ss:$0x1], $0xffff;
	_ =	sdelay $0x4  }
0x37: {  	v3 =	vmul.f32 $1.442695020e+00, v3;
	_ =	sdelay $0x1  }
0x38: {  	(erf) = vpow2.f32 v3;
	_ =	sdelay $0x8  }
0x39: {  	v3 =	vpop (erf)  }
0x3a: {  	(xrf1) =	vsort.dscd.msk.f32 $0xffff, v3, v0;
	_ =	sdelay $0x5  }
0x3b: {  	s31 =	simm.s32 $0x800  }
0x3c: {  	v3 =	vld.idx.msk [tilespmem:v2+s31+$0xFFFFFC00 ss:$0x1], $0xffff;
	_ =	sdelay $0x4  }
0x3d: {  	v3 =	vmul.f32 $1.442695020e+00, v3;
	_ =	sdelay $0x1  }
0x3e: {  	(erf) = vpow2.f32 v3;
	v4, v5, _ =	vpop (xrf1)  }
0x3f: {  	(xrf2) =	vadd.scan.msk.f32 $0xffff, v4;
	_ =	sdelay $0x7  }
0x40: {  	v3 =	vpop (erf)  }
0x41: {  	(xrf1) =	vsort.dscd.msk.f32 $0xffff, v3, v0  }
0x42: {  	v3, _, _ =	vpop (xrf2)  }
0x43: {  	v6 =	vperm.xlane v3, v1;
	_ =	sdelay $0x1  }
0x44: {  	(erf) = vrcp.f32 v6;
	_ =	sdelay $0x8  }
0x45: {  	v7 =	vpop (erf)  }
0x46: {  	v8, v9, _ =	vpop (xrf1);
	v4 =	vmul.f32 v4, v7  }
0x47: {  	(xrf2) =	vadd.scan.msk.f32 $0xffff, v8  }
0x48: {  	v49 =	vmul.f32 v4, v4;
	_ =	sdelay $0x1  }
0x49: {  	(xrf2) =	vadd.scan.msk.f32 $0xffff, v49;
	_ =	sdelay $0x6  }
0x4a: {  	v7, _, _ =	vpop (xrf2)  }
0x4b: {  	v10 =	vperm.xlane v7, v1;
	_ =	sdelay $0x1  }
0x4c: {  	(erf) = vrcp.f32 v10;
	v11, _, _ =	vpop (xrf2)  }
0x4d: {  	v6 =	vmul.f32 $7.500000000e-01, v6;
	v11 =	vperm.xlane v11, v1;
	_ =	sdelay $0x1  }
0x4e: {  	vm1 =	vle.f32 v3, v6;
	vm2 =	vlt.f32 v11, $4.999949930e-01  }
0x4f: {  	vm1 =	vmor vm1, vm2  }
0x50: {  	vm1 =	vmor vm1, vm0  }
0x51: {  	v3 =	vnsel vm1, $0x0, v4  }
0x52: {  	[tilespmem:v5+s15+$0x0] =	vst.idx.add.f32.msk $0xffff, v3  }
0x53: {  	[tilespmem:v5+s16+$0x0] =	vst.idx.add.f32.msk $0xffff, v4  }
0x54: {  	v3 =	vpop (erf);
	v4 =	vld.idx.msk [tilespmem:v2+s0+$0xFFFFFD00 ss:$0x1], $0xffff  }
0x55: {  	v3 =	vmul.f32 v8, v3;
	_ =	sdelay $0x1  }
0x56: {  	v48 =	vmul.f32 v3, v3;
	_ =	sdelay $0x1  }
0x57: {  	(xrf2) =	vadd.scan.msk.f32 $0xffff, v48;
	v4 =	vmul.f32 $1.442695020e+00, v4;
	_ =	sdelay $0x1  }
0x58: {  	(erf) = vpow2.f32 v4;
	_ =	sdelay $0x7  }
0x59: {  	v4, _, _ =	vpop (xrf2)  }
0x5a: {  	v5 =	vpop (erf)  }
0x5b: {  	v6 =	vmul.f32 $7.500000000e-01, v10;
	v4 =	vperm.xlane v4, v1;
	(xrf1) =	vsort.dscd.msk.f32 $0xffff, v5, v0;
	_ =	sdelay $0x1  }
0x5c: {  	vm1 =	vle.f32 v7, v6;
	vm2 =	vlt.f32 v4, $4.999949930e-01  }
0x5d: {  	vm1 =	vmor vm1, vm2  }
0x5e: {  	vm1 =	vmor vm1, vm0  }
0x5f: {  	v4 =	vnsel vm1, $0x0, v3  }
0x60: {  	[tilespmem:v9+s15+$0x0] =	vst.idx.add.f32.msk $0xffff, v4  }
0x61: {  	[tilespmem:v9+s16+$0x0] =	vst.idx.add.f32.msk $0xffff, v3  }
0x62: {  	v3 =	vld.idx.msk [tilespmem:v2+s31+$0xFFFFFC80 ss:$0x1], $0xffff;
	_ =	sdelay $0x4  }
0x63: {  	v3 =	vmul.f32 $1.442695020e+00, v3  }
0x64: {  	v4, v5, _ =	vpop (xrf1)  }
0x65: {  	(erf) = vpow2.f32 v3;
	(xrf2) =	vadd.scan.msk.f32 $0xffff, v4;
	_ =	sdelay $0x5  }
0x66: {  	s29 =	simm.s32 $0x1000  }
0x67: {  	v3 =	vld.idx.msk [tilespmem:v2+s29+$0xFFFFFC00 ss:$0x1], $0xffff;
	_ =	sdelay $0x1  }
0x68: {  	v6 =	vpop (erf)  }
0x69: {  	v7, _, _ =	vpop (xrf2)  }
0x6a: {  	(xrf1) =	vsort.dscd.msk.f32 $0xffff, v6, v0;
	v6 =	vperm.xlane v7, v1  }
0x6b: {  	v3 =	vmul.f32 $1.442695020e+00, v3  }
0x6c: {  	(erf) = vrcp.f32 v6  }
0x6d: {  	(erf) = vpow2.f32 v3;
	_ =	sdelay $0x7  }
0x6e: {  	v3 =	vpop (erf)  }
0x6f: {  	v3 =	vmul.f32 v4, v3;
	v4 =	vpop (erf)  }
0x70: {  	(xrf1) =	vsort.dscd.msk.f32 $0xffff, v4, v0  }
0x71: {  	v4, v8, _ =	vpop (xrf1);
	v9 =	vmul.f32 v3, v3  }
0x72: {  	(xrf2) =	vadd.scan.msk.f32 $0xffff, v4  }
0x73: {  	(xrf2) =	vadd.scan.msk.f32 $0xffff, v9;
	_ =	sdelay $0x8  }
0x74: {  	[tilespmem:$0x1FD30] =	vst v9;
	v9, _, _ =	vpop (xrf2)  }
0x75: {  	v10, _, _ =	vpop (xrf2)  }
0x76: {  	v6 =	vmul.f32 $7.500000000e-01, v6;
	v10 =	vperm.xlane v10, v1;
	v11, v12, _ =	vpop (xrf1)  }
0x77: {  	(xrf2) =	vadd.scan.msk.f32 $0xffff, v11  }
0x78: {  	vm1 =	vle.f32 v7, v6;
	vm2 =	vlt.f32 v10, $4.999949930e-01  }
0x79: {  	vm1 =	vmor vm1, vm2  }
0x7a: {  	vm1 =	vmor vm1, vm0  }
0x7b: {  	v6 =	vnsel vm1, $0x0, v3  }
0x7c: {  	[tilespmem:v5+s15+$0x0] =	vst.idx.add.f32.msk $0xffff, v6  }
0x7d: {  	[tilespmem:v5+s16+$0x0] =	vst.idx.add.f32.msk $0xffff, v3  }
0x7e: {  	v3 =	vld.idx.msk [tilespmem:v2+s0+$0xFFFFFD80 ss:$0x1], $0xffff;
	_ =	sdelay $0x1  }
0x7f: {  	v5 =	vperm.xlane v9, v1  }
0x80: {  	v6, _, _ =	vpop (xrf2)  }
0x81: {  	(erf) = vrcp.f32 v5;
	v7 =	vperm.xlane v6, v1  }
0x82: {  	v3 =	vmul.f32 $1.442695020e+00, v3  }
0x83: {  	(erf) = vrcp.f32 v7  }
0x84: {  	(erf) = vpow2.f32 v3;
	_ =	sdelay $0x5  }
0x85: {  	v3 =	vpop (erf)  }
0x86: {  	v3 =	vmul.f32 v4, v3  }
0x87: {  	v4 =	vpop (erf)  }
0x88: {  	v13 =	vmul.f32 v3, v3;
	v10 =	vpop (erf)  }
0x89: {  	(xrf1) =	vsort.dscd.msk.f32 $0xffff, v10, v0  }
0x8a: {  	(xrf2) =	vadd.scan.msk.f32 $0xffff, v13;
	_ =	sdelay $0x8  }
0x8b: {  	v5 =	vmul.f32 $7.500000000e-01, v5;
	v4 =	vmul.f32 v11, v4  }
0x8c: {  	v10, _, _ =	vpop (xrf2)  }
0x8d: {  	v50 =	vmul.f32 v4, v4;
	v10 =	vperm.xlane v10, v1;
	_ =	sdelay $0x1  }
0x8e: {  	vm1 =	vle.f32 v9, v5;
	(xrf2) =	vadd.scan.msk.f32 $0xffff, v50;
	vm2 =	vlt.f32 v10, $4.999949930e-01;
	v5, v9, _ =	vpop (xrf1)  }
0x8f: {  	vm1 =	vmor vm1, vm2;
	(xrf2) =	vadd.scan.msk.f32 $0xffff, v5  }
0x90: {  	vm1 =	vmor vm1, vm0  }
0x91: {  	[tilespmem:$0x1FD40] =	vst v13;
	v10 =	vnsel vm1, $0x0, v3  }
0x92: {  	[tilespmem:v8+s15+$0x0] =	vst.idx.add.f32.msk $0xffff, v10  }
0x93: {  	[tilespmem:v8+s16+$0x0] =	vst.idx.add.f32.msk $0xffff, v3  }
0x94: {  	v3 =	vld.idx.msk [tilespmem:v2+s31+$0xFFFFFD00 ss:$0x1], $0xffff;
	_ =	sdelay $0x3  }
0x95: {  	v8, _, _ =	vpop (xrf2)  }
0x96: {  	v3 =	vmul.f32 $1.442695020e+00, v3;
	v10, _, _ =	vpop (xrf2)  }
0x97: {  	v11 =	vperm.xlane v10, v1  }
0x98: {  	(erf) = vpow2.f32 v3  }
0x99: {  	(erf) = vrcp.f32 v11;
	_ =	sdelay $0x7  }
0x9a: {  	v3 =	vpop (erf)  }
0x9b: {  	v13 =	vpop (erf)  }
0x9c: {  	v5 =	vmul.f32 v5, v13  }
0x9d: {  	(xrf1) =	vsort.dscd.msk.f32 $0xffff, v3, v0  }
0x9e: {  	v3 =	vmul.f32 v5, v5;
	_ =	sdelay $0x1  }
0x9f: {  	(xrf2) =	vadd.scan.msk.f32 $0xffff, v3;
	_ =	sdelay $0x5  }
0xa0: {  	[tilespmem:$0x1FD50] =	vst v3;
	v3 =	vmul.f32 $7.500000000e-01, v7;
	v7 =	vperm.xlane v8, v1;
	_ =	sdelay $0x3  }
0xa1: {  	vm1 =	vle.f32 v6, v3;
	vm2 =	vlt.f32 v7, $4.999949930e-01;
	v3, _, _ =	vpop (xrf2)  }
0xa2: {  	v8 =	vmul.f32 $7.500000000e-01, v11;
	vm1 =	vmor vm1, vm2;
	v6, v7, _ =	vpop (xrf1);
	v3 =	vperm.xlane v3, v1  }
0xa3: {  	vm1 =	vmor vm1, vm0;
	(xrf2) =	vadd.scan.msk.f32 $0xffff, v6  }
0xa4: {  	v11 =	vnsel vm1, $0x0, v4;
	vm1 =	vle.f32 v10, v8;
	vm2 =	vlt.f32 v3, $4.999949930e-01  }
0xa5: {  	[tilespmem:v12+s15+$0x0] =	vst.idx.add.f32.msk $0xffff, v11;
	vm1 =	vmor vm1, vm2  }
0xa6: {  	[tilespmem:v12+s16+$0x0] =	vst.idx.add.f32.msk $0xffff, v4;
	vm1 =	vmor vm1, vm0  }
0xa7: {  	v3 =	vld.idx.msk [tilespmem:v2+s29+$0xFFFFFC80 ss:$0x1], $0xffff;
	v4 =	vnsel vm1, $0x0, v5  }
0xa8: {  	[tilespmem:v9+s15+$0x0] =	vst.idx.add.f32.msk $0xffff, v4  }
0xa9: {  	[tilespmem:v9+s16+$0x0] =	vst.idx.add.f32.msk $0xffff, v5  }
0xaa: {  	v4 =	vld.idx.msk [tilespmem:v2+s0+$0xFFFFFE00 ss:$0x1], $0xffff;
	_ =	sdelay $0x1  }
0xab: {  	v3 =	vmul.f32 $1.442695020e+00, v3  }
0xac: {  	v5, _, _ =	vpop (xrf2)  }
0xad: {  	(erf) = vpow2.f32 v3;
	v3 =	vperm.xlane v5, v1  }
0xae: {  	v4 =	vmul.f32 $1.442695020e+00, v4  }
0xaf: {  	(erf) = vrcp.f32 v3  }
0xb0: {  	(erf) = vpow2.f32 v4;
	_ =	sdelay $0x1  }
0xb1: {  	s26 =	simm.s32 $0x1800  }
0xb2: {  	v4 =	vld.idx.msk [tilespmem:v2+s26+$0xFFFFFC00 ss:$0x1], $0xffff;
	_ =	sdelay $0x2  }
0xb3: {  	v8 =	vpop (erf)  }
0xb4: {  	(xrf1) =	vsort.dscd.msk.f32 $0xffff, v8, v0  }
0xb5: {  	v4 =	vmul.f32 $1.442695020e+00, v4;
	v8 =	vpop (erf)  }
0xb6: {  	v9 =	vpop (erf)  }
0xb7: {  	(erf) = vpow2.f32 v4;
	(xrf1) =	vsort.dscd.msk.f32 $0xffff, v9, v0;
	_ =	sdelay $0x7  }
0xb8: {  	v4 =	vmul.f32 v6, v8  }
0xb9: {  	v6 =	vpop (erf)  }
0xba: {  	v9 =	vmul.f32 v4, v4;
	(xrf1) =	vsort.dscd.msk.f32 $0xffff, v6, v0  }
0xbb: {  	v6, v8, _ =	vpop (xrf1)  }
0xbc: {  	(xrf2) =	vadd.scan.msk.f32 $0xffff, v6  }
0xbd: {  	(xrf2) =	vadd.scan.msk.f32 $0xffff, v9  }
0xbe: {  	[tilespmem:$0x1FD60] =	vst v9;
	v9, v10, _ =	vpop (xrf1)  }
0xbf: {  	(xrf2) =	vadd.scan.msk.f32 $0xffff, v9;
	_ =	sdelay $0x6  }
0xc0: {  	v11, _, _ =	vpop (xrf2)  }
0xc1: {  	v12, _, _ =	vpop (xrf2)  }
0xc2: {  	v3 =	vmul.f32 $7.500000000e-01, v3;
	v15 =	vperm.xlane v11, v1;
	v13, v14, _ =	vpop (xrf1)  }
0xc3: {  	v12 =	vperm.xlane v12, v1;
	v16, _, _ =	vpop (xrf2)  }
0xc4: {  	vm1 =	vle.f32 v5, v3;
	(xrf2) =	vadd.scan.msk.f32 $0xffff, v13;
	(erf) = vrcp.f32 v15;
	v3 =	vperm.xlane v16, v1;
	_ =	sdelay $0x1  }
0xc5: {  	vm2 =	vlt.f32 v12, $4.999949930e-01;
	(erf) = vrcp.f32 v3  }
0xc6: {  	vm1 =	vmor vm1, vm2  }
0xc7: {  	vm1 =	vmor vm1, vm0  }
0xc8: {  	v5 =	vnsel vm1, $0x0, v4  }
0xc9: {  	[tilespmem:v7+s15+$0x0] =	vst.idx.add.f32.msk $0xffff, v5  }
0xca: {  	[tilespmem:v7+s16+$0x0] =	vst.idx.add.f32.msk $0xffff, v4  }
0xcb: {  	v4 =	vld.idx.msk [tilespmem:v2+s31+$0xFFFFFD80 ss:$0x1], $0xffff  }
0xcc: {  	v7 =	vpop (erf)  }
0xcd: {  	v5, _, _ =	vpop (xrf2)  }
0xce: {  	v6 =	vmul.f32 v6, v7;
	v7 =	vpop (erf)  }
0xcf: {  	v12 =	vperm.xlane v5, v1;
	v7 =	vmul.f32 v9, v7  }
0xd0: {  	v4 =	vmul.f32 $1.442695020e+00, v4;
	v54 =	vmul.f32 v6, v6  }
0xd1: {  	(erf) = vrcp.f32 v12;
	v56 =	vmul.f32 v7, v7  }
0xd2: {  	(erf) = vpow2.f32 v4;
	(xrf2) =	vadd.scan.msk.f32 $0xffff, v54  }
0xd3: {  	(xrf2) =	vadd.scan.msk.f32 $0xffff, v56;
	_ =	sdelay $0x6  }
0xd4: {  	v4 =	vpop (erf)  }
0xd5: {  	v9 =	vpop (erf)  }
0xd6: {  	(xrf1) =	vsort.dscd.msk.f32 $0xffff, v9, v0;
	v9, _, _ =	vpop (xrf2)  }
0xd7: {  	v17, _, _ =	vpop (xrf2)  }
0xd8: {  	v3 =	vmul.f32 $7.500000000e-01, v3;
	v17 =	vperm.xlane v17, v1;
	_ =	sdelay $0x1  }
0xd9: {  	vm1 =	vle.f32 v16, v3;
	vm2 =	vlt.f32 v17, $4.999949930e-01  }
0xda: {  	vm1 =	vmor vm1, vm2  }
0xdb: {  	vm1 =	vmor vm1, vm0  }
0xdc: {  	v3 =	vmul.f32 v13, v4;
	v4 =	vnsel vm1, $0x0, v7  }
0xdd: {  	[tilespmem:v10+s15+$0x0] =	vst.idx.add.f32.msk $0xffff, v4  }
0xde: {  	[tilespmem:v10+s16+$0x0] =	vst.idx.add.f32.msk $0xffff, v7;
	v7 =	vperm.xlane v9, v1  }
0xdf: {  	v4 =	vmul.f32 $7.500000000e-01, v15;
	_ =	sdelay $0x1  }
0xe0: {  	v53 =	vmul.f32 v3, v3;
	_ =	sdelay $0x1  }
0xe1: {  	(xrf2) =	vadd.scan.msk.f32 $0xffff, v53;
	v9 =	vld.idx.msk [tilespmem:v2+s0+$0xFFFFFE80 ss:$0x1], $0xffff;
	vm1 =	vle.f32 v11, v4;
	vm2 =	vlt.f32 v7, $4.999949930e-01;
	v4, v7, _ =	vpop (xrf1)  }
0xe2: {  	vm1 =	vmor vm1, vm2;
	(xrf2) =	vadd.scan.msk.f32 $0xffff, v4  }
0xe3: {  	vm1 =	vmor vm1, vm0  }
0xe4: {  	v10 =	vnsel vm1, $0x0, v6  }
0xe5: {  	[tilespmem:v8+s15+$0x0] =	vst.idx.add.f32.msk $0xffff, v10  }
0xe6: {  	v9 =	vmul.f32 $1.442695020e+00, v9;
	[tilespmem:v8+s16+$0x0] =	vst.idx.add.f32.msk $0xffff, v6  }
0xe7: {  	v6 =	vld.idx.msk [tilespmem:v2+s29+$0xFFFFFD00 ss:$0x1], $0xffff  }
0xe8: {  	(erf) = vpow2.f32 v9;
	_ =	sdelay $0x2  }
0xe9: {  	v8, _, _ =	vpop (xrf2)  }
0xea: {  	v6 =	vmul.f32 $1.442695020e+00, v6;
	v9, _, _ =	vpop (xrf2)  }
0xeb: {  	v10 =	vperm.xlane v9, v1  }
0xec: {  	(erf) = vpow2.f32 v6  }
0xed: {  	(erf) = vrcp.f32 v10  }
0xee: {  	v11 =	vmul.f32 $7.500000000e-01, v12;
	v8 =	vperm.xlane v8, v1  }
0xef: {  	v6 =	vpop (erf)  }
0xf0: {  	vm1 =	vle.f32 v5, v11;
	vm2 =	vlt.f32 v8, $4.999949930e-01;
	(xrf1) =	vsort.dscd.msk.f32 $0xffff, v6, v0  }
0xf1: {  	vm1 =	vmor vm1, vm2  }
0xf2: {  	vm1 =	vmor vm1, vm0  }
0xf3: {  	v5 =	vnsel vm1, $0x0, v3  }
0xf4: {  	[tilespmem:v14+s15+$0x0] =	vst.idx.add.f32.msk $0xffff, v5  }
0xf5: {  	[tilespmem:v14+s16+$0x0] =	vst.idx.add.f32.msk $0xffff, v3;
	v3 =	vpop (erf)  }
0xf6: {  	(xrf1) =	vsort.dscd.msk.f32 $0xffff, v3, v0;
	v3 =	vpop (erf)  }
0xf7: {  	v3 =	vmul.f32 v4, v3  }
0xf8: {  	v5 =	vld.idx.msk [tilespmem:v2+s26+$0xFFFFFC80 ss:$0x1], $0xffff  }
0xf9: {  	v6 =	vmul.f32 v3, v3;
	_ =	sdelay $0x2  }
0xfa: {  	(xrf2) =	vadd.scan.msk.f32 $0xffff, v6  }
0xfb: {  	v4 =	vmul.f32 $1.442695020e+00, v5  }
0xfc: {  	[tilespmem:$0x1FD70] =	vst v6;
	v5, v6, _ =	vpop (xrf1)  }
0xfd: {  	(erf) = vpow2.f32 v4;
	(xrf2) =	vadd.scan.msk.f32 $0xffff, v5;
	_ =	sdelay $0x6  }
0xfe: {  	v11, _, _ =	vpop (xrf2)  }
0xff: {  	v10 =	vmul.f32 $7.500000000e-01, v10;
	v4, v8, _ =	vpop (xrf1);
	v11 =	vperm.xlane v11, v1  }
0x100: {  	v12 =	vpop (erf);
	(xrf2) =	vadd.scan.msk.f32 $0xffff, v4  }
0x101: {  	vm1 =	vle.f32 v9, v10;
	vm2 =	vlt.f32 v11, $4.999949930e-01;
	v13, _, _ =	vpop (xrf2)  }
0x102: {  	(xrf1) =	vsort.dscd.msk.f32 $0xffff, v12, v0;
	vm1 =	vmor vm1, vm2;
	v9 =	vperm.xlane v13, v1  }
0x103: {  	vm1 =	vmor vm1, vm0  }
0x104: {  	v10 =	vnsel vm1, $0x0, v3;
	(erf) = vrcp.f32 v9  }
0x105: {  	[tilespmem:v7+s15+$0x0] =	vst.idx.add.f32.msk $0xffff, v10  }
0x106: {  	[tilespmem:v7+s16+$0x0] =	vst.idx.add.f32.msk $0xffff, v3  }
0x107: {  	v3 =	vld.idx.msk [tilespmem:v2+s31+$0xFFFFFE00 ss:$0x1], $0xffff;
	_ =	sdelay $0x2  }
0x108: {  	v7, _, _ =	vpop (xrf2)  }
0x109: {  	v10 =	vperm.xlane v7, v1  }
0x10a: {  	v3 =	vmul.f32 $1.442695020e+00, v3  }
0x10b: {  	(erf) = vrcp.f32 v10;
	v11 =	vpop (erf)  }
0x10c: {  	(erf) = vpow2.f32 v3;
	v5 =	vmul.f32 v5, v11  }
0x10d: {  	s24 =	simm.s32 $0x2000  }
0x10e: {  	v12 =	vld.idx.msk [tilespmem:v2+s24+$0xFFFFFC00 ss:$0x1], $0xffff;
	v3, v11, _ =	vpop (xrf1);
	v14 =	vmul.f32 v5, v5  }
0x10f: {  	(xrf2) =	vadd.scan.msk.f32 $0xffff, v3  }
0x110: {  	(xrf2) =	vadd.scan.msk.f32 $0xffff, v14;
	_ =	sdelay $0x2  }
0x111: {  	v12 =	vmul.f32 $1.442695020e+00, v12  }
0x112: {  	[tilespmem:$0x1FD80] =	vst v14;
	v14 =	vpop (erf)  }
0x113: {  	(erf) = vpow2.f32 v12;
	v15 =	vpop (erf)  }
0x114: {  	(xrf1) =	vsort.dscd.msk.f32 $0xffff, v15, v0;
	_ =	sdelay $0x2  }
0x115: {  	v12, _, _ =	vpop (xrf2)  }
0x116: {  	v9 =	vmul.f32 $7.500000000e-01, v9;
	v15, _, _ =	vpop (xrf2)  }
0x117: {  	v15 =	vperm.xlane v15, v1;
	_ =	sdelay $0x1  }
0x118: {  	vm1 =	vle.f32 v13, v9;
	v4 =	vmul.f32 v4, v14;
	vm2 =	vlt.f32 v15, $4.999949930e-01  }
0x119: {  	v9 =	vpop (erf);
	vm1 =	vmor vm1, vm2  }
0x11a: {  	(xrf1) =	vsort.dscd.msk.f32 $0xffff, v9, v0;
	v9 =	vmul.f32 v4, v4;
	vm1 =	vmor vm1, vm0  }
0x11b: {  	v13 =	vnsel vm1, $0x0, v5  }
0x11c: {  	[tilespmem:v6+s15+$0x0] =	vst.idx.add.f32.msk $0xffff, v13  }
0x11d: {  	[tilespmem:v6+s16+$0x0] =	vst.idx.add.f32.msk $0xffff, v5  }
0x11e: {  	(xrf2) =	vadd.scan.msk.f32 $0xffff, v9;
	v5 =	vld.idx.msk [tilespmem:v2+s0+$0xFFFFFF00 ss:$0x1], $0xffff  }
0x11f: {  	[tilespmem:$0x1FD90] =	vst v9;
	v6, v9, _ =	vpop (xrf1)  }
0x120: {  	(xrf2) =	vadd.scan.msk.f32 $0xffff, v6;
	_ =	sdelay $0x1  }
0x121: {  	v13 =	vperm.xlane v12, v1  }
0x122: {  	v5 =	vmul.f32 $1.442695020e+00, v5  }
0x123: {  	(erf) = vrcp.f32 v13  }
0x124: {  	(erf) = vpow2.f32 v5;
	_ =	sdelay $0x2  }
0x125: {  	v5, _, _ =	vpop (xrf2)  }
0x126: {  	v14, v15, _ =	vpop (xrf1);
	v5 =	vperm.xlane v5, v1  }
0x127: {  	v10 =	vmul.f32 $7.500000000e-01, v10;
	v16, _, _ =	vpop (xrf2)  }
0x128: {  	(xrf2) =	vadd.scan.msk.f32 $0xffff, v14;
	vm2 =	vlt.f32 v5, $4.999949930e-01;
	v5 =	vperm.xlane v16, v1;
	_ =	sdelay $0x1  }
0x129: {  	vm1 =	vle.f32 v7, v10;
	v7 =	vpop (erf);
	(erf) = vrcp.f32 v5  }
0x12a: {  	vm1 =	vmor vm1, vm2;
	v10 =	vpop (erf)  }
0x12b: {  	vm1 =	vmor vm1, vm0;
	(xrf1) =	vsort.dscd.msk.f32 $0xffff, v10, v0  }
0x12c: {  	v17 =	vnsel vm1, $0x0, v4  }
0x12d: {  	[tilespmem:v8+s15+$0x0] =	vst.idx.add.f32.msk $0xffff, v17  }
0x12e: {  	[tilespmem:v8+s16+$0x0] =	vst.idx.add.f32.msk $0xffff, v4  }
0x12f: {  	v4 =	vld.idx.msk [tilespmem:v2+s29+$0xFFFFFD80 ss:$0x1], $0xffff;
	_ =	sdelay $0x1  }
0x130: {  	v8, _, _ =	vpop (xrf2)  }
0x131: {  	v3 =	vmul.f32 v3, v7;
	v7 =	vpop (erf)  }
0x132: {  	v10 =	vperm.xlane v8, v1;
	v6 =	vmul.f32 v6, v7  }
0x133: {  	v52 =	vmul.f32 v3, v3;
	v4 =	vmul.f32 $1.442695020e+00, v4  }
0x134: {  	(erf) = vrcp.f32 v10;
	v55 =	vmul.f32 v6, v6  }
0x135: {  	(xrf2) =	vadd.scan.msk.f32 $0xffff, v52;
	(erf) = vpow2.f32 v4  }
0x136: {  	(xrf2) =	vadd.scan.msk.f32 $0xffff, v55;
	_ =	sdelay $0x1  }
0x137: {  	v4, v7, _ =	vpop (xrf1)  }
0x138: {  	(xrf2) =	vadd.scan.msk.f32 $0xffff, v4;
	_ =	sdelay $0x3  }
0x139: {  	v17 =	vpop (erf)  }
0x13a: {  	v18 =	vpop (erf)  }
0x13b: {  	(xrf1) =	vsort.dscd.msk.f32 $0xffff, v18, v0;
	v18, _, _ =	vpop (xrf2)  }
0x13c: {  	v19, _, _ =	vpop (xrf2)  }
0x13d: {  	v5 =	vmul.f32 $7.500000000e-01, v5;
	v19 =	vperm.xlane v19, v1;
	_ =	sdelay $0x1  }
0x13e: {  	vm1 =	vle.f32 v16, v5;
	vm2 =	vlt.f32 v19, $4.999949930e-01;
	v20, _, _ =	vpop (xrf2)  }
0x13f: {  	vm1 =	vmor vm1, vm2;
	v5 =	vperm.xlane v20, v1  }
0x140: {  	vm1 =	vmor vm1, vm0  }
0x141: {  	v16 =	vnsel vm1, $0x0, v6;
	(erf) = vrcp.f32 v5  }
0x142: {  	[tilespmem:v9+s15+$0x0] =	vst.idx.add.f32.msk $0xffff, v16  }
0x143: {  	[tilespmem:v9+s16+$0x0] =	vst.idx.add.f32.msk $0xffff, v6;
	v9 =	vperm.xlane v18, v1  }
0x144: {  	v14 =	vmul.f32 v14, v17;
	v6 =	vmul.f32 $7.500000000e-01, v13;
	_ =	sdelay $0x1  }
0x145: {  	v60 =	vmul.f32 v14, v14  }
0x146: {  	v13 =	vld.idx.msk [tilespmem:v2+s31+$0xFFFFFE80 ss:$0x1], $0xffff  }
0x147: {  	(xrf2) =	vadd.scan.msk.f32 $0xffff, v60;
	vm1 =	vle.f32 v12, v6;
	vm2 =	vlt.f32 v9, $4.999949930e-01;
	v6, v9, _ =	vpop (xrf1)  }
0x148: {  	vm1 =	vmor vm1, vm2;
	(xrf2) =	vadd.scan.msk.f32 $0xffff, v6  }
0x149: {  	vm1 =	vmor vm1, vm0;
	v16 =	vpop (erf)  }
0x14a: {  	v12 =	vnsel vm1, $0x0, v3;
	v4 =	vmul.f32 v4, v16  }
0x14b: {  	v13 =	vmul.f32 $1.442695020e+00, v13;
	[tilespmem:v11+s15+$0x0] =	vst.idx.add.f32.msk $0xffff, v12  }
0x14c: {  	[tilespmem:v11+s16+$0x0] =	vst.idx.add.f32.msk $0xffff, v3;
	v11 =	vmul.f32 v4, v4  }
0x14d: {  	(erf) = vpow2.f32 v13;
	v3 =	vld.idx.msk [tilespmem:v2+s26+$0xFFFFFD00 ss:$0x1], $0xffff  }
0x14e: {  	(xrf2) =	vadd.scan.msk.f32 $0xffff, v11;
	_ =	sdelay $0x2  }
0x14f: {  	[tilespmem:$0x1FDA0] =	vst v11;
	v11, _, _ =	vpop (xrf2)  }
0x150: {  	v3 =	vmul.f32 $1.442695020e+00, v3;
	v12, _, _ =	vpop (xrf2)  }
0x151: {  	v13 =	vperm.xlane v12, v1  }
0x152: {  	v10 =	vmul.f32 $7.500000000e-01, v10;
	(erf) = vpow2.f32 v3  }
0x153: {  	v11 =	vperm.xlane v11, v1;
	(erf) = vrcp.f32 v13  }
0x154: {  	v3 =	vpop (erf)  }
0x155: {  	vm1 =	vle.f32 v8, v10;
	(xrf1) =	vsort.dscd.msk.f32 $0xffff, v3, v0;
	vm2 =	vlt.f32 v11, $4.999949930e-01  }
0x156: {  	vm1 =	vmor vm1, vm2;
	v3, _, _ =	vpop (xrf2)  }
0x157: {  	vm1 =	vmor vm1, vm0;
	v3 =	vperm.xlane v3, v1  }
0x158: {  	v8 =	vnsel vm1, $0x0, v14  }
0x159: {  	v5 =	vmul.f32 $7.500000000e-01, v5;
	[tilespmem:v15+s15+$0x0] =	vst.idx.add.f32.msk $0xffff, v8  }
0x15a: {  	[tilespmem:v15+s16+$0x0] =	vst.idx.add.f32.msk $0xffff, v14  }
0x15b: {  	vm1 =	vle.f32 v20, v5;
	v5 =	vld.idx.msk [tilespmem:v2+s24+$0xFFFFFC80 ss:$0x1], $0xffff;
	vm2 =	vlt.f32 v3, $4.999949930e-01;
	v3 =	vpop (erf)  }
0x15c: {  	vm1 =	vmor vm1, vm2;
	(xrf1) =	vsort.dscd.msk.f32 $0xffff, v3, v0;
	v3 =	vpop (erf)  }
0x15d: {  	vm1 =	vmor vm1, vm0;
	v3 =	vmul.f32 v6, v3  }
0x15e: {  	v6 =	vnsel vm1, $0x0, v4  }
0x15f: {  	[tilespmem:v7+s15+$0x0] =	vst.idx.add.f32.msk $0xffff, v6;
	v6 =	vmul.f32 v3, v3  }
0x160: {  	v5 =	vmul.f32 $1.442695020e+00, v5;
	_ =	sdelay $0x1  }
0x161: {  	(erf) = vpow2.f32 v5;
	[tilespmem:v7+s16+$0x0] =	vst.idx.add.f32.msk $0xffff, v4;
	(xrf2) =	vadd.scan.msk.f32 $0xffff, v6  }
0x162: {  	v4 =	vld.idx.msk [tilespmem:v2+s0+$0xFFFFFF80 ss:$0x1], $0xffff;
	[tilespmem:$0x1FDB0] =	vst v6;
	v6, v7, _ =	vpop (xrf1)  }
0x163: {  	(xrf2) =	vadd.scan.msk.f32 $0xffff, v6;
	_ =	sdelay $0x3  }
0x164: {  	v4 =	vmul.f32 $1.442695020e+00, v4;
	_ =	sdelay $0x1  }
0x165: {  	(erf) = vpow2.f32 v4  }
0x166: {  	v10 =	vpop (erf)  }
0x167: {  	v8, _, _ =	vpop (xrf2)  }
0x168: {  	v11 =	vmul.f32 $7.500000000e-01, v13;
	(xrf1) =	vsort.dscd.msk.f32 $0xffff, v10, v0;
	v4, v5, _ =	vpop (xrf1);
	v8 =	vperm.xlane v8, v1  }
0x169: {  	(xrf2) =	vadd.scan.msk.f32 $0xffff, v4;
	v10, _, _ =	vpop (xrf2)  }
0x16a: {  	vm1 =	vle.f32 v12, v11;
	vm2 =	vlt.f32 v8, $4.999949930e-01;
	v8 =	vperm.xlane v10, v1  }
0x16b: {  	vm1 =	vmor vm1, vm2  }
0x16c: {  	vm1 =	vmor vm1, vm0;
	(erf) = vrcp.f32 v8  }
0x16d: {  	v12 =	vnsel vm1, $0x0, v3  }
0x16e: {  	v11 =	vpop (erf);
	[tilespmem:v9+s15+$0x0] =	vst.idx.add.f32.msk $0xffff, v12  }
0x16f: {  	(xrf1) =	vsort.dscd.msk.f32 $0xffff, v11, v0;
	[tilespmem:v9+s16+$0x0] =	vst.idx.add.f32.msk $0xffff, v3  }
0x170: {  	v3 =	vld.idx.msk [tilespmem:v2+s29+$0xFFFFFE00 ss:$0x1], $0xffff;
	_ =	sdelay $0x1  }
0x171: {  	s22 =	simm.s32 $0x2800  }
0x172: {  	v9 =	vld.idx.msk [tilespmem:v2+s22+$0xFFFFFC00 ss:$0x1], $0xffff;
	v11, _, _ =	vpop (xrf2)  }
0x173: {  	v12 =	vperm.xlane v11, v1  }
0x174: {  	v3 =	vmul.f32 $1.442695020e+00, v3;
	v13 =	vpop (erf)  }
0x175: {  	(erf) = vrcp.f32 v12;
	v6 =	vmul.f32 v6, v13  }
0x176: {  	(erf) = vpow2.f32 v3  }
0x177: {  	v3 =	vmul.f32 $1.442695020e+00, v9;
	v9 =	vmul.f32 v6, v6;
	_ =	sdelay $0x1  }
0x178: {  	v13, v14, _ =	vpop (xrf1)  }
0x179: {  	(xrf2) =	vadd.scan.msk.f32 $0xffff, v13;
	_ =	sdelay $0x1  }
0x17a: {  	(erf) = vpow2.f32 v3;
	[tilespmem:$0x1FDC0] =	vst v9;
	(xrf2) =	vadd.scan.msk.f32 $0xffff, v9;
	v3, v9, _ =	vpop (xrf1)  }
0x17b: {  	(xrf2) =	vadd.scan.msk.f32 $0xffff, v3;
	_ =	sdelay $0x2  }
0x17c: {  	v15 =	vpop (erf)  }
0x17d: {  	v16 =	vpop (erf)  }
0x17e: {  	(xrf1) =	vsort.dscd.msk.f32 $0xffff, v16, v0;
	_ =	sdelay $0x1  }
0x17f: {  	v4 =	vmul.f32 v4, v15;
	v15, _, _ =	vpop (xrf2)  }
0x180: {  	v16 =	vpop (erf)  }
0x181: {  	v8 =	vmul.f32 $7.500000000e-01, v8;
	v18 =	vmul.f32 v4, v4;
	v17, _, _ =	vpop (xrf2)  }
0x182: {  	(xrf1) =	vsort.dscd.msk.f32 $0xffff, v16, v0;
	v16 =	vperm.xlane v17, v1;
	v17, _, _ =	vpop (xrf2)  }
0x183: {  	vm1 =	vle.f32 v10, v8;
	(xrf2) =	vadd.scan.msk.f32 $0xffff, v18;
	v8 =	vperm.xlane v17, v1  }
0x184: {  	vm2 =	vlt.f32 v16, $4.999949930e-01  }
0x185: {  	vm1 =	vmor vm1, vm2;
	(erf) = vrcp.f32 v8  }
0x186: {  	vm1 =	vmor vm1, vm0  }
0x187: {  	[tilespmem:$0x1FDD0] =	vst v18;
	v10 =	vnsel vm1, $0x0, v6  }
0x188: {  	[tilespmem:v7+s15+$0x0] =	vst.idx.add.f32.msk $0xffff, v10  }
0x189: {  	[tilespmem:v7+s16+$0x0] =	vst.idx.add.f32.msk $0xffff, v6  }
0x18a: {  	v6 =	vld.idx.msk [tilespmem:v2+s31+$0xFFFFFF00 ss:$0x1], $0xffff  }
0x18b: {  	v7, v10, _ =	vpop (xrf1)  }
0x18c: {  	(xrf2) =	vadd.scan.msk.f32 $0xffff, v7  }
0x18d: {  	v12 =	vmul.f32 $7.500000000e-01, v12;
	v16, _, _ =	vpop (xrf2)  }
0x18e: {  	v18 =	vperm.xlane v15, v1;
	v16 =	vperm.xlane v16, v1;
	v19 =	vpop (erf)  }
0x18f: {  	v6 =	vmul.f32 $1.442695020e+00, v6;
	v3 =	vmul.f32 v3, v19  }
0x190: {  	vm1 =	vle.f32 v11, v12;
	(erf) = vrcp.f32 v18;
	vm2 =	vlt.f32 v16, $4.999949930e-01  }
0x191: {  	vm1 =	vmor vm1, vm2;
	v20, v21, _ =	vpop (xrf1);
	(erf) = vpow2.f32 v6;
	v6 =	vmul.f32 v3, v3  }
0x192: {  	vm1 =	vmor vm1, vm0;
	(xrf2) =	vadd.scan.msk.f32 $0xffff, v20  }
0x193: {  	[tilespmem:$0x1FDE0] =	vst v6;
	(xrf2) =	vadd.scan.msk.f32 $0xffff, v6;
	v6 =	vnsel vm1, $0x0, v4;
	_ =	sdelay $0x2  }
0x194: {  	[tilespmem:v5+s15+$0x0] =	vst.idx.add.f32.msk $0xffff, v6;
	v6, _, _ =	vpop (xrf2)  }
0x195: {  	v11 =	vperm.xlane v6, v1  }
0x196: {  	[tilespmem:v5+s16+$0x0] =	vst.idx.add.f32.msk $0xffff, v4  }
0x197: {  	v4 =	vpop (erf);
	v5 =	vld.idx.msk [tilespmem:v2+s26+$0xFFFFFD80 ss:$0x1], $0xffff;
	(erf) = vrcp.f32 v11  }
0x198: {  	v12 =	vpop (erf)  }
0x199: {  	(xrf1) =	vsort.dscd.msk.f32 $0xffff, v12, v0;
	_ =	sdelay $0x2  }
0x19a: {  	v16, _, _ =	vpop (xrf2);
	v5 =	vmul.f32 $1.442695020e+00, v5  }
0x19b: {  	v12 =	vperm.xlane v16, v1  }
0x19c: {  	v8 =	vmul.f32 $7.500000000e-01, v8;
	v19, _, _ =	vpop (xrf2)  }
0x19d: {  	(erf) = vrcp.f32 v12;
	v19 =	vperm.xlane v19, v1  }
0x19e: {  	(erf) = vpow2.f32 v5;
	v5 =	vpop (erf)  }
0x19f: {  	vm1 =	vle.f32 v17, v8;
	vm2 =	vlt.f32 v19, $4.999949930e-01;
	v5 =	vmul.f32 v7, v5  }
0x1a0: {  	v4 =	vmul.f32 v13, v4;
	vm1 =	vmor vm1, vm2  }
0x1a1: {  	vm1 =	vmor vm1, vm0;
	v8 =	vmul.f32 v5, v5  }
0x1a2: {  	v58 =	vmul.f32 v4, v4;
	v7 =	vnsel vm1, $0x0, v3  }
0x1a3: {  	[tilespmem:v9+s15+$0x0] =	vst.idx.add.f32.msk $0xffff, v7  }
0x1a4: {  	(xrf2) =	vadd.scan.msk.f32 $0xffff, v58;
	[tilespmem:v9+s16+$0x0] =	vst.idx.add.f32.msk $0xffff, v3  }
0x1a5: {  	v3 =	vld.idx.msk [tilespmem:v2+s0+$0x0 ss:$0x1], $0xffff;
	[tilespmem:$0x1FDF0] =	vst v8;
	(xrf2) =	vadd.scan.msk.f32 $0xffff, v8;
	v8, v9, _ =	vpop (xrf1)  }
0x1a6: {  	(xrf2) =	vadd.scan.msk.f32 $0xffff, v8  }
0x1a7: {  	v7 =	vpop (erf)  }
0x1a8: {  	v13 =	vpop (erf)  }
0x1a9: {  	(xrf1) =	vsort.dscd.msk.f32 $0xffff, v13, v0  }
0x1aa: {  	v3 =	vmul.f32 $1.442695020e+00, v3;
	_ =	sdelay $0x1  }
0x1ab: {  	(erf) = vpow2.f32 v3;
	_ =	sdelay $0x1  }
0x1ac: {  	v3, _, _ =	vpop (xrf2)  }
0x1ad: {  	v11 =	vmul.f32 $7.500000000e-01, v11;
	v13, _, _ =	vpop (xrf2)  }
0x1ae: {  	v13 =	vperm.xlane v13, v1;
	v17, _, _ =	vpop (xrf2)  }
0x1af: {  	vm1 =	vle.f32 v6, v11;
	v6 =	vperm.xlane v17, v1  }
0x1b0: {  	v11 =	vmul.f32 $7.500000000e-01, v18;
	v7 =	vmul.f32 v20, v7;
	vm2 =	vlt.f32 v13, $4.999949930e-01  }
0x1b1: {  	v3 =	vperm.xlane v3, v1;
	vm1 =	vmor vm1, vm2;
	(erf) = vrcp.f32 v6  }
0x1b2: {  	v57 =	vmul.f32 v7, v7;
	vm1 =	vmor vm1, vm0  }
0x1b3: {  	vm3 =	vlt.f32 v3, $4.999949930e-01;
	v13 =	vpop (erf);
	v3 =	vnsel vm1, $0x0, v5  }
0x1b4: {  	(xrf2) =	vadd.scan.msk.f32 $0xffff, v57;
	vm2 =	vle.f32 v15, v11;
	[tilespmem:v10+s15+$0x0] =	vst.idx.add.f32.msk $0xffff, v3  }
0x1b5: {  	(xrf1) =	vsort.dscd.msk.f32 $0xffff, v13, v0;
	vm1 =	vmor vm2, vm3;
	v11, v13, _ =	vpop (xrf1);
	[tilespmem:v10+s16+$0x0] =	vst.idx.add.f32.msk $0xffff, v5  }
0x1b6: {  	vm1 =	vmor vm1, vm0;
	(xrf2) =	vadd.scan.msk.f32 $0xffff, v11;
	v5 =	vld.idx.msk [tilespmem:v2+s29+$0xFFFFFE80 ss:$0x1], $0xffff  }
0x1b7: {  	v3 =	vnsel vm1, $0x0, v4  }
0x1b8: {  	[tilespmem:v14+s15+$0x0] =	vst.idx.add.f32.msk $0xffff, v3  }
0x1b9: {  	[tilespmem:v14+s16+$0x0] =	vst.idx.add.f32.msk $0xffff, v4  }
0x1ba: {  	v3 =	vld.idx.msk [tilespmem:v2+s24+$0xFFFFFD00 ss:$0x1], $0xffff;
	v4 =	vpop (erf)  }
0x1bb: {  	v5 =	vmul.f32 $1.442695020e+00, v5;
	v4 =	vmul.f32 v8, v4;
	_ =	sdelay $0x1  }
0x1bc: {  	v59 =	vmul.f32 v4, v4;
	_ =	sdelay $0x1  }
0x1bd: {  	(erf) = vpow2.f32 v5;
	v3 =	vmul.f32 $1.442695020e+00, v3;
	v5, _, _ =	vpop (xrf2);
	(xrf2) =	vadd.scan.msk.f32 $0xffff, v59  }
0x1be: {  	v8, _, _ =	vpop (xrf2)  }
0x1bf: {  	(erf) = vpow2.f32 v3;
	v3 =	vperm.xlane v8, v1;
	_ =	sdelay $0x1  }
0x1c0: {  	(erf) = vrcp.f32 v3  }
0x1c1: {  	v10, v14, _ =	vpop (xrf1)  }
0x1c2: {  	v12 =	vmul.f32 $7.500000000e-01, v12;
	(xrf2) =	vadd.scan.msk.f32 $0xffff, v10;
	_ =	sdelay $0x1  }
0x1c3: {  	v5 =	vperm.xlane v5, v1  }
0x1c4: {  	v15 =	vpop (erf)  }
0x1c5: {  	vm1 =	vle.f32 v16, v12;
	vm2 =	vlt.f32 v5, $4.999949930e-01;
	v12, _, _ =	vpop (xrf2)  }
0x1c6: {  	v6 =	vmul.f32 $7.500000000e-01, v6;
	vm1 =	vmor vm1, vm2;
	(xrf1) =	vsort.dscd.msk.f32 $0xffff, v15, v0;
	v12 =	vperm.xlane v12, v1  }
0x1c7: {  	vm1 =	vmor vm1, vm0;
	v5 =	vpop (erf)  }
0x1c8: {  	v16 =	vnsel vm1, $0x0, v7;
	vm1 =	vle.f32 v17, v6;
	v15 =	vpop (erf);
	vm2 =	vlt.f32 v12, $4.999949930e-01  }
0x1c9: {  	v6 =	vmul.f32 v11, v15;
	vm1 =	vmor vm1, vm2  }
0x1ca: {  	[tilespmem:v21+s15+$0x0] =	vst.idx.add.f32.msk $0xffff, v16;
	vm1 =	vmor vm1, vm0  }
0x1cb: {  	[tilespmem:v21+s16+$0x0] =	vst.idx.add.f32.msk $0xffff, v7;
	(xrf1) =	vsort.dscd.msk.f32 $0xffff, v5, v0;
	v5, _, _ =	vpop (xrf2);
	v15 =	vmul.f32 v6, v6;
	v12 =	vnsel vm1, $0x0, v4  }
0x1cc: {  	v11 =	vperm.xlane v5, v1;
	[tilespmem:v9+s15+$0x0] =	vst.idx.add.f32.msk $0xffff, v12  }
0x1cd: {  	v7 =	vld.idx.msk [tilespmem:v2+s22+$0xFFFFFC80 ss:$0x1], $0xffff;
	[tilespmem:$0x1FE00] =	vst v15  }
0x1ce: {  	(erf) = vrcp.f32 v11;
	(xrf2) =	vadd.scan.msk.f32 $0xffff, v15;
	[tilespmem:v9+s16+$0x0] =	vst.idx.add.f32.msk $0xffff, v4  }
0x1cf: {  	v4 =	vld.idx.msk [tilespmem:v2+s31+$0xFFFFFF80 ss:$0x1], $0xffff;
	_ =	sdelay $0x2  }
0x1d0: {  	v7 =	vmul.f32 $1.442695020e+00, v7;
	_ =	sdelay $0x1  }
0x1d1: {  	(erf) = vpow2.f32 v7;
	v9, v12, _ =	vpop (xrf1);
	v4 =	vmul.f32 $1.442695020e+00, v4  }
0x1d2: {  	(xrf2) =	vadd.scan.msk.f32 $0xffff, v9;
	_ =	sdelay $0x1  }
0x1d3: {  	v7 =	vpop (erf)  }
0x1d4: {  	v7 =	vmul.f32 v10, v7;
	(erf) = vpow2.f32 v4;
	v4, _, _ =	vpop (xrf2)  }
0x1d5: {  	v3 =	vmul.f32 $7.500000000e-01, v3;
	v4 =	vperm.xlane v4, v1  }
0x1d6: {  	v10, v15, _ =	vpop (xrf1);
	v16 =	vmul.f32 v7, v7  }
0x1d7: {  	vm1 =	vle.f32 v8, v3;
	(xrf2) =	vadd.scan.msk.f32 $0xffff, v10;
	vm2 =	vlt.f32 v4, $4.999949930e-01  }
0x1d8: {  	(xrf2) =	vadd.scan.msk.f32 $0xffff, v16;
	vm1 =	vmor vm1, vm2  }
0x1d9: {  	v3 =	vpop (erf);
	vm1 =	vmor vm1, vm0  }
0x1da: {  	(xrf1) =	vsort.dscd.msk.f32 $0xffff, v3, v0;
	v3 =	vnsel vm1, $0x0, v6  }
0x1db: {  	v4, _, _ =	vpop (xrf2)  }
0x1dc: {  	[tilespmem:$0x1FE10] =	vst v16;
	v8 =	vperm.xlane v4, v1  }
0x1dd: {  	[tilespmem:v13+s15+$0x0] =	vst.idx.add.f32.msk $0xffff, v3;
	v3 =	vpop (erf)  }
0x1de: {  	(erf) = vrcp.f32 v8;
	[tilespmem:v13+s16+$0x0] =	vst.idx.add.f32.msk $0xffff, v6;
	(xrf1) =	vsort.dscd.msk.f32 $0xffff, v3, v0  }
0x1df: {  	v6 =	vld.idx.msk [tilespmem:v2+s26+$0xFFFFFE00 ss:$0x1], $0xffff;
	_ =	sdelay $0x1  }
0x1e0: {  	s23 =	simm.s32 $0x3000;
	v13, _, _ =	vpop (xrf2)  }
0x1e1: {  	v17 =	vld.idx.msk [tilespmem:v2+s23+$0xFFFFFC00 ss:$0x1], $0xffff;
	v3, _, _ =	vpop (xrf2)  }
0x1e2: {  	v16 =	vperm.xlane v13, v1;
	v3 =	vperm.xlane v3, v1  }
0x1e3: {  	v11 =	vmul.f32 $7.500000000e-01, v11;
	v6 =	vmul.f32 $1.442695020e+00, v6  }
0x1e4: {  	(erf) = vrcp.f32 v16  }
0x1e5: {  	vm1 =	vle.f32 v5, v11;
	vm2 =	vlt.f32 v3, $4.999949930e-01;
	(erf) = vpow2.f32 v6  }
0x1e6: {  	v11 =	vmul.f32 $1.442695020e+00, v17;
	vm1 =	vmor vm1, vm2;
	v3 =	vpop (erf)  }
0x1e7: {  	vm1 =	vmor vm1, vm0;
	v5 =	vmul.f32 v9, v3  }
0x1e8: {  	v9 =	vnsel vm1, $0x0, v7;
	v6, v3, _ =	vpop (xrf1)  }
0x1e9: {  	[tilespmem:v14+s15+$0x0] =	vst.idx.add.f32.msk $0xffff, v9;
	(xrf2) =	vadd.scan.msk.f32 $0xffff, v6;
	v17 =	vmul.f32 v5, v5  }
0x1ea: {  	[tilespmem:v14+s16+$0x0] =	vst.idx.add.f32.msk $0xffff, v7  }
0x1eb: {  	(erf) = vpow2.f32 v11;
	[tilespmem:$0x1FE20] =	vst v17;
	(xrf2) =	vadd.scan.msk.f32 $0xffff, v17;
	v9, v11, _ =	vpop (xrf1)  }
0x1ec: {  	v7 =	vld.idx.msk [tilespmem:v2+s0+$0x80 ss:$0x1], $0xffff;
	(xrf2) =	vadd.scan.msk.f32 $0xffff, v9  }
0x1ed: {  	v14 =	vpop (erf)  }
0x1ee: {  	v17 =	vpop (erf)  }
0x1ef: {  	(xrf1) =	vsort.dscd.msk.f32 $0xffff, v17, v0;
	_ =	sdelay $0x1  }
0x1f0: {  	v7 =	vmul.f32 $1.442695020e+00, v7;
	_ =	sdelay $0x1  }
0x1f1: {  	(erf) = vpow2.f32 v7;
	v7 =	vmul.f32 v10, v14;
	v10, _, _ =	vpop (xrf2)  }
0x1f2: {  	v14 =	vpop (erf)  }
0x1f3: {  	v8 =	vmul.f32 $7.500000000e-01, v8;
	v17, _, _ =	vpop (xrf2)  }
0x1f4: {  	(xrf1) =	vsort.dscd.msk.f32 $0xffff, v14, v0;
	v14 =	vperm.xlane v17, v1;
	v17, _, _ =	vpop (xrf2)  }
0x1f5: {  	vm1 =	vle.f32 v4, v8;
	v18 =	vmul.f32 v7, v7;
	v8 =	vperm.xlane v17, v1  }
0x1f6: {  	vm2 =	vlt.f32 v14, $4.999949930e-01  }
0x1f7: {  	(xrf2) =	vadd.scan.msk.f32 $0xffff, v18;
	vm1 =	vmor vm1, vm2;
	(erf) = vrcp.f32 v8  }
0x1f8: {  	vm1 =	vmor vm1, vm0  }
0x1f9: {  	[tilespmem:$0x1FE30] =	vst v18;
	v4 =	vnsel vm1, $0x0, v5  }
0x1fa: {  	v14 =	vpop (erf);
	[tilespmem:v12+s15+$0x0] =	vst.idx.add.f32.msk $0xffff, v4  }
0x1fb: {  	(xrf1) =	vsort.dscd.msk.f32 $0xffff, v14, v0;
	[tilespmem:v12+s16+$0x0] =	vst.idx.add.f32.msk $0xffff, v5;
	v5, v12, _ =	vpop (xrf1)  }
0x1fc: {  	v4 =	vld.idx.msk [tilespmem:v2+s29+$0xFFFFFF00 ss:$0x1], $0xffff;
	(xrf2) =	vadd.scan.msk.f32 $0xffff, v5;
	_ =	sdelay $0x3  }
0x1fd: {  	v16 =	vmul.f32 $7.500000000e-01, v16;
	v18 =	vperm.xlane v10, v1;
	v20 =	vpop (erf)  }
0x1fe: {  	v14, _, _ =	vpop (xrf2);
	v19 =	vmul.f32 $1.442695020e+00, v4;
	v9 =	vmul.f32 v9, v20  }
0x1ff: {  	(erf) = vrcp.f32 v18;
	v14 =	vperm.xlane v14, v1  }
0x200: {  	v21, v4, _ =	vpop (xrf1);
	(erf) = vpow2.f32 v19;
	v19 =	vmul.f32 v9, v9  }
0x201: {  	(xrf2) =	vadd.scan.msk.f32 $0xffff, v21  }
0x202: {  	vm1 =	vle.f32 v13, v16;
	vm2 =	vlt.f32 v14, $4.999949930e-01;
	(xrf2) =	vadd.scan.msk.f32 $0xffff, v19  }
0x203: {  	vm1 =	vmor vm1, vm2;
	v13, _, _ =	vpop (xrf2)  }
0x204: {  	vm1 =	vmor vm1, vm0;
	v14 =	vperm.xlane v13, v1  }
0x205: {  	v16 =	vnsel vm1, $0x0, v7;
	[tilespmem:$0x1FE40] =	vst v19  }
0x206: {  	[tilespmem:v15+s15+$0x0] =	vst.idx.add.f32.msk $0xffff, v16;
	v19, v20, _ =	vpop (xrf1);
	(erf) = vrcp.f32 v14  }
0x207: {  	[tilespmem:v15+s16+$0x0] =	vst.idx.add.f32.msk $0xffff, v7;
	(xrf2) =	vadd.scan.msk.f32 $0xffff, v19  }
0x208: {  	v15 =	vld.idx.msk [tilespmem:v2+s24+$0xFFFFFD80 ss:$0x1], $0xffff  }
0x209: {  	v7 =	vpop (erf)  }
0x20a: {  	v16 =	vpop (erf)  }
0x20b: {  	v22, _, _ =	vpop (xrf2);
	(xrf1) =	vsort.dscd.msk.f32 $0xffff, v16, v0  }
0x20c: {  	v8 =	vmul.f32 $7.500000000e-01, v8;
	v16 =	vperm.xlane v22, v1;
	v23, _, _ =	vpop (xrf2)  }
0x20d: {  	v15 =	vmul.f32 $1.442695020e+00, v15;
	v23 =	vperm.xlane v23, v1  }
0x20e: {  	v6 =	vmul.f32 v6, v7  }
0x20f: {  	vm1 =	vle.f32 v17, v8;
	(erf) = vrcp.f32 v16;
	v7 =	vpop (erf);
	vm2 =	vlt.f32 v23, $4.999949930e-01  }
0x210: {  	v17 =	vmul.f32 v6, v6;
	v5 =	vmul.f32 v5, v7;
	vm1 =	vmor vm1, vm2  }
0x211: {  	(erf) = vpow2.f32 v15;
	v15, _, _ =	vpop (xrf2);
	vm1 =	vmor vm1, vm0  }
0x212: {  	[tilespmem:$0x1FE50] =	vst v17;
	v7 =	vperm.xlane v15, v1;
	v23 =	vmul.f32 v5, v5;
	v8 =	vnsel vm1, $0x0, v9  }
0x213: {  	[tilespmem:v11+s15+$0x0] =	vst.idx.add.f32.msk $0xffff, v8  }
0x214: {  	(erf) = vrcp.f32 v7;
	[tilespmem:$0x1FE60] =	vst v23  }
0x215: {  	(xrf2) =	vadd.scan.msk.f32 $0xffff, v17;
	[tilespmem:v11+s16+$0x0] =	vst.idx.add.f32.msk $0xffff, v9  }
0x216: {  	(xrf2) =	vadd.scan.msk.f32 $0xffff, v23;
	v8 =	vld.idx.msk [tilespmem:v2+s31+$0x0 ss:$0x1], $0xffff;
	_ =	sdelay $0x1  }
0x217: {  	v9 =	vpop (erf)  }
0x218: {  	v11, v17, _ =	vpop (xrf1)  }
0x219: {  	v23 =	vpop (erf);
	(xrf2) =	vadd.scan.msk.f32 $0xffff, v11  }
0x21a: {  	(xrf1) =	vsort.dscd.msk.f32 $0xffff, v23, v0;
	v8 =	vmul.f32 $1.442695020e+00, v8;
	_ =	sdelay $0x1  }
0x21b: {  	v9 =	vmul.f32 v21, v9;
	v21 =	vpop (erf)  }
0x21c: {  	v19 =	vmul.f32 v19, v21  }
0x21d: {  	v23 =	vmul.f32 v9, v9;
	(erf) = vpow2.f32 v8;
	v8, _, _ =	vpop (xrf2)  }
0x21e: {  	v24 =	vmul.f32 v19, v19;
	v21, _, _ =	vpop (xrf2)  }
0x21f: {  	v14 =	vmul.f32 $7.500000000e-01, v14;
	(xrf2) =	vadd.scan.msk.f32 $0xffff, v23;
	v21 =	vperm.xlane v21, v1  }
0x220: {  	(xrf2) =	vadd.scan.msk.f32 $0xffff, v24  }
0x221: {  	vm1 =	vle.f32 v13, v14;
	vm2 =	vlt.f32 v21, $4.999949930e-01  }
0x222: {  	v18 =	vmul.f32 $7.500000000e-01, v18;
	v8 =	vperm.xlane v8, v1;
	v13, _, _ =	vpop (xrf2);
	vm1 =	vmor vm1, vm2  }
0x223: {  	v14 =	vperm.xlane v13, v1;
	vm1 =	vmor vm1, vm0  }
0x224: {  	[tilespmem:$0x1FE70] =	vst v23;
	vm2 =	vlt.f32 v8, $4.999949930e-01;
	v21 =	vnsel vm1, $0x0, v5;
	vm1 =	vle.f32 v10, v18  }
0x225: {  	[tilespmem:$0x1FE80] =	vst v24;
	vm1 =	vmor vm1, vm2  }
0x226: {  	(erf) = vrcp.f32 v14;
	[tilespmem:v12+s15+$0x0] =	vst.idx.add.f32.msk $0xffff, v21;
	vm1 =	vmor vm1, vm0  }
0x227: {  	[tilespmem:v12+s16+$0x0] =	vst.idx.add.f32.msk $0xffff, v5;
	v5, v8, _ =	vpop (xrf1);
	v18 =	vnsel vm1, $0x0, v6  }
0x228: {  	v21 =	vpop (erf);
	(xrf2) =	vadd.scan.msk.f32 $0xffff, v5  }
0x229: {  	v12, _, _ =	vpop (xrf2);
	(xrf1) =	vsort.dscd.msk.f32 $0xffff, v21, v0  }
0x22a: {  	[tilespmem:v3+s15+$0x0] =	vst.idx.add.f32.msk $0xffff, v18;
	v18, _, _ =	vpop (xrf2)  }
0x22b: {  	[tilespmem:v3+s16+$0x0] =	vst.idx.add.f32.msk $0xffff, v6;
	v3 =	vmul.f32 $7.500000000e-01, v7;
	v6 =	vperm.xlane v18, v1  }
0x22c: {  	v10 =	vld.idx.msk [tilespmem:v2+s26+$0xFFFFFE80 ss:$0x1], $0xffff  }
0x22d: {  	v7 =	vld.idx.msk [tilespmem:v2+s22+$0xFFFFFD00 ss:$0x1], $0xffff;
	vm1 =	vle.f32 v15, v3;
	vm2 =	vlt.f32 v6, $4.999949930e-01  }
0x22e: {  	vm1 =	vmor vm1, vm2  }
0x22f: {  	v3 =	vpop (erf);
	vm1 =	vmor vm1, vm0  }
0x230: {  	v3 =	vmul.f32 v11, v3;
	v6 =	vnsel vm1, $0x0, v19  }
0x231: {  	v10 =	vmul.f32 $1.442695020e+00, v10  }
0x232: {  	v7 =	vmul.f32 $1.442695020e+00, v7;
	v61 =	vmul.f32 v3, v3;
	[tilespmem:v20+s15+$0x0] =	vst.idx.add.f32.msk $0xffff, v6  }
0x233: {  	(erf) = vpow2.f32 v10;
	[tilespmem:v20+s16+$0x0] =	vst.idx.add.f32.msk $0xffff, v19;
	v6, _, _ =	vpop (xrf2)  }
0x234: {  	(erf) = vpow2.f32 v7;
	(xrf2) =	vadd.scan.msk.f32 $0xffff, v61;
	v10 =	vld.idx.msk [tilespmem:v2+s0+$0x100 ss:$0x1], $0xffff;
	v7 =	vperm.xlane v6, v1  }
0x235: {  	v16 =	vmul.f32 $7.500000000e-01, v16  }
0x236: {  	v12 =	vperm.xlane v12, v1;
	(erf) = vrcp.f32 v7  }
0x237: {  	v11, v15, _ =	vpop (xrf1)  }
0x238: {  	vm2 =	vlt.f32 v12, $4.999949930e-01;
	vm1 =	vle.f32 v22, v16;
	(xrf2) =	vadd.scan.msk.f32 $0xffff, v11  }
0x239: {  	vm1 =	vmor vm1, vm2;
	v10 =	vmul.f32 $1.442695020e+00, v10  }
0x23a: {  	vm1 =	vmor vm1, vm0  }
0x23b: {  	(erf) = vpow2.f32 v10;
	v10 =	vnsel vm1, $0x0, v9  }
0x23c: {  	v18 =	vpop (erf)  }
0x23d: {  	(xrf1) =	vsort.dscd.msk.f32 $0xffff, v18, v0;
	v12 =	vpop (erf)  }
0x23e: {  	[tilespmem:v4+s15+$0x0] =	vst.idx.add.f32.msk $0xffff, v10;
	v10, _, _ =	vpop (xrf2)  }
0x23f: {  	(xrf1) =	vsort.dscd.msk.f32 $0xffff, v12, v0;
	v12 =	vmul.f32 $7.500000000e-01, v14;
	[tilespmem:v4+s16+$0x0] =	vst.idx.add.f32.msk $0xffff, v9;
	v9 =	vpop (erf)  }
0x240: {  	v4 =	vperm.xlane v10, v1;
	v5 =	vmul.f32 v5, v9  }
0x241: {  	v10 =	vld.idx.msk [tilespmem:v2+s23+$0xFFFFFC80 ss:$0x1], $0xffff  }
0x242: {  	vm1 =	vle.f32 v13, v12;
	vm2 =	vlt.f32 v4, $4.999949930e-01;
	v14, _, _ =	vpop (xrf2);
	v4 =	vmul.f32 v5, v5  }
0x243: {  	vm1 =	vmor vm1, vm2;
	v9 =	vperm.xlane v14, v1  }
0x244: {  	vm1 =	vmor vm1, vm0  }
0x245: {  	v12 =	vnsel vm1, $0x0, v3;
	(erf) = vrcp.f32 v9;
	[tilespmem:$0x1FE90] =	vst v4  }
0x246: {  	v10 =	vmul.f32 $1.442695020e+00, v10;
	(xrf2) =	vadd.scan.msk.f32 $0xffff, v4;
	[tilespmem:v17+s15+$0x0] =	vst.idx.add.f32.msk $0xffff, v12;
	v4 =	vpop (erf)  }
0x247: {  	[tilespmem:v17+s16+$0x0] =	vst.idx.add.f32.msk $0xffff, v3;
	(xrf1) =	vsort.dscd.msk.f32 $0xffff, v4, v0  }
0x248: {  	v4 =	vld.idx.msk [tilespmem:v2+s29+$0xFFFFFF80 ss:$0x1], $0xffff;
	_ =	sdelay $0x1  }
0x249: {  	(erf) = vpow2.f32 v10  }
0x24a: {  	v3, v10, _ =	vpop (xrf1)  }
0x24b: {  	(xrf2) =	vadd.scan.msk.f32 $0xffff, v3  }
0x24c: {  	v4 =	vmul.f32 $1.442695020e+00, v4  }
0x24d: {  	v12 =	vpop (erf)  }
0x24e: {  	v11 =	vmul.f32 v11, v12  }
0x24f: {  	v7 =	vmul.f32 $7.500000000e-01, v7;
	v12, v13, _ =	vpop (xrf1)  }
0x250: {  	(erf) = vpow2.f32 v4;
	v4, _, _ =	vpop (xrf2);
	v17 =	vmul.f32 v11, v11  }
0x251: {  	(xrf2) =	vadd.scan.msk.f32 $0xffff, v12;
	v4 =	vperm.xlane v4, v1  }
0x252: {  	v16 =	vpop (erf);
	(xrf2) =	vadd.scan.msk.f32 $0xffff, v17  }
0x253: {  	vm1 =	vle.f32 v6, v7;
	vm2 =	vlt.f32 v4, $4.999949930e-01  }
0x254: {  	(xrf1) =	vsort.dscd.msk.f32 $0xffff, v16, v0;
	vm1 =	vmor vm1, vm2;
	v7, v16, _ =	vpop (xrf1)  }
0x255: {  	v6, _, _ =	vpop (xrf2);
	vm1 =	vmor vm1, vm0;
	(xrf2) =	vadd.scan.msk.f32 $0xffff, v7  }
0x256: {  	[tilespmem:$0x1FEA0] =	vst v17;
	v17 =	vperm.xlane v6, v1;
	v4 =	vnsel vm1, $0x0, v5  }
0x257: {  	[tilespmem:v8+s15+$0x0] =	vst.idx.add.f32.msk $0xffff, v4  }
0x258: {  	(erf) = vrcp.f32 v17;
	[tilespmem:v8+s16+$0x0] =	vst.idx.add.f32.msk $0xffff, v5  }
0x259: {  	s25 =	simm.s32 $0x3800;
	v4 =	vpop (erf);
	v5 =	vld.idx.msk [tilespmem:v2+s24+$0xFFFFFE00 ss:$0x1], $0xffff  }
0x25a: {  	v8 =	vld.idx.msk [tilespmem:v2+s25+$0xFFFFFC00 ss:$0x1], $0xffff;
	(xrf1) =	vsort.dscd.msk.f32 $0xffff, v4, v0  }
0x25b: {  	v9 =	vmul.f32 $7.500000000e-01, v9;
	v18, _, _ =	vpop (xrf2)  }
0x25c: {  	v19 =	vperm.xlane v18, v1;
	v4, _, _ =	vpop (xrf2)  }
0x25d: {  	v4 =	vperm.xlane v4, v1  }
0x25e: {  	(erf) = vrcp.f32 v19;
	v5 =	vmul.f32 $1.442695020e+00, v5  }
0x25f: {  	vm1 =	vle.f32 v14, v9;
	v8 =	vmul.f32 $1.442695020e+00, v8;
	vm2 =	vlt.f32 v4, $4.999949930e-01;
	v9, _, _ =	vpop (xrf2)  }
0x260: {  	(erf) = vpow2.f32 v5;
	vm1 =	vmor vm1, vm2;
	v5 =	vperm.xlane v9, v1  }
0x261: {  	(erf) = vpow2.f32 v8;
	vm1 =	vmor vm1, vm0;
	v4 =	vpop (erf)  }
0x262: {  	v8 =	vnsel vm1, $0x0, v11;
	v3 =	vmul.f32 v3, v4;
	(erf) = vrcp.f32 v5  }
0x263: {  	[tilespmem:v15+s15+$0x0] =	vst.idx.add.f32.msk $0xffff, v8  }
0x264: {  	[tilespmem:v15+s16+$0x0] =	vst.idx.add.f32.msk $0xffff, v11;
	v15 =	vmul.f32 v3, v3  }
0x265: {  	v8, v4, _ =	vpop (xrf1)  }
0x266: {  	v11 =	vld.idx.msk [tilespmem:v2+s31+$0x80 ss:$0x1], $0xffff;
	(xrf2) =	vadd.scan.msk.f32 $0xffff, v8  }
0x267: {  	v14 =	vpop (erf)  }
0x268: {  	[tilespmem:$0x1FEB0] =	vst v15;
	(xrf2) =	vadd.scan.msk.f32 $0xffff, v15;
	v15, v20, _ =	vpop (xrf1)  }
0x269: {  	v21 =	vpop (erf)  }
0x26a: {  	v12 =	vmul.f32 v12, v14;
	v14 =	vpop (erf)  }
0x26b: {  	(xrf1) =	vsort.dscd.msk.f32 $0xffff, v21, v0;
	v21 =	vpop (erf)  }
0x26c: {  	(xrf2) =	vadd.scan.msk.f32 $0xffff, v15;
	v11 =	vmul.f32 $1.442695020e+00, v11;
	v7 =	vmul.f32 v7, v21  }
0x26d: {  	v22 =	vmul.f32 v12, v12  }
0x26e: {  	(erf) = vpow2.f32 v11;
	v11 =	vmul.f32 v7, v7  }
0x26f: {  	(xrf1) =	vsort.dscd.msk.f32 $0xffff, v14, v0  }
0x270: {  	(xrf2) =	vadd.scan.msk.f32 $0xffff, v22  }
0x271: {  	(xrf2) =	vadd.scan.msk.f32 $0xffff, v11  }
0x272: {  	[tilespmem:$0x1FED0] =	vst v11;
	v11, _, _ =	vpop (xrf2)  }
0x273: {  	v14, _, _ =	vpop (xrf2)  }
0x274: {  	v17 =	vmul.f32 $7.500000000e-01, v17;
	v14 =	vperm.xlane v14, v1;
	_ =	sdelay $0x1  }
0x275: {  	vm1 =	vle.f32 v6, v17;
	v21, _, _ =	vpop (xrf2);
	vm2 =	vlt.f32 v14, $4.999949930e-01  }
0x276: {  	v6 =	vperm.xlane v21, v1;
	vm1 =	vmor vm1, vm2  }
0x277: {  	v14 =	vpop (erf);
	vm1 =	vmor vm1, vm0  }
0x278: {  	[tilespmem:$0x1FEC0] =	vst v22;
	(erf) = vrcp.f32 v6;
	(xrf1) =	vsort.dscd.msk.f32 $0xffff, v14, v0;
	v14 =	vnsel vm1, $0x0, v3  }
0x279: {  	v17, _, _ =	vpop (xrf2);
	[tilespmem:v10+s15+$0x0] =	vst.idx.add.f32.msk $0xffff, v14  }
0x27a: {  	[tilespmem:v10+s16+$0x0] =	vst.idx.add.f32.msk $0xffff, v3;
	v10, _, _ =	vpop (xrf2)  }
0x27b: {  	v5 =	vmul.f32 $7.500000000e-01, v5;
	v10 =	vperm.xlane v10, v1  }
0x27c: {  	v14, v22, _ =	vpop (xrf1);
	v23 =	vld.idx.msk [tilespmem:v2+s26+$0xFFFFFF00 ss:$0x1], $0xffff  }
0x27d: {  	vm1 =	vle.f32 v9, v5;
	(xrf2) =	vadd.scan.msk.f32 $0xffff, v14;
	v24, v3, _ =	vpop (xrf1);
	vm2 =	vlt.f32 v10, $4.999949930e-01  }
0x27e: {  	v5 =	vmul.f32 $7.500000000e-01, v19;
	(xrf2) =	vadd.scan.msk.f32 $0xffff, v24;
	vm1 =	vmor vm1, vm2  }
0x27f: {  	v9 =	vperm.xlane v17, v1;
	vm1 =	vmor vm1, vm0  }
0x280: {  	v10 =	vperm.xlane v11, v1;
	vm2 =	vle.f32 v18, v5;
	v18 =	vnsel vm1, $0x0, v7  }
0x281: {  	v17 =	vpop (erf);
	v5 =	vmul.f32 $1.442695020e+00, v23;
	vm1 =	vlt.f32 v9, $4.999949930e-01;
	[tilespmem:v16+s15+$0x0] =	vst.idx.add.f32.msk $0xffff, v18  }
0x282: {  	(erf) = vrcp.f32 v10;
	v9 =	vmul.f32 v15, v17;
	vm1 =	vmor vm2, vm1;
	[tilespmem:v16+s16+$0x0] =	vst.idx.add.f32.msk $0xffff, v7  }
0x283: {  	(erf) = vpow2.f32 v5;
	vm1 =	vmor vm1, vm0;
	v5 =	vld.idx.msk [tilespmem:v2+s0+$0x180 ss:$0x1], $0xffff  }
0x284: {  	v16 =	vmul.f32 v9, v9;
	v7 =	vnsel vm1, $0x0, v12  }
0x285: {  	[tilespmem:v13+s15+$0x0] =	vst.idx.add.f32.msk $0xffff, v7  }
0x286: {  	[tilespmem:$0x1FEE0] =	vst v16  }
0x287: {  	(xrf2) =	vadd.scan.msk.f32 $0xffff, v16;
	v15, _, _ =	vpop (xrf2);
	[tilespmem:v13+s16+$0x0] =	vst.idx.add.f32.msk $0xffff, v12  }
0x288: {  	v7 =	vperm.xlane v15, v1;
	v12, _, _ =	vpop (xrf2);
	v13 =	vld.idx.msk [tilespmem:v2+s22+$0xFFFFFD80 ss:$0x1], $0xffff;
	v5 =	vmul.f32 $1.442695020e+00, v5  }
0x289: {  	v18 =	vperm.xlane v12, v1  }
0x28a: {  	v16, v17, _ =	vpop (xrf1);
	(erf) = vrcp.f32 v7  }
0x28b: {  	(xrf2) =	vadd.scan.msk.f32 $0xffff, v16;
	v19 =	vpop (erf);
	(erf) = vrcp.f32 v18  }
0x28c: {  	(erf) = vpow2.f32 v5;
	v5 =	vpop (erf)  }
0x28d: {  	(xrf1) =	vsort.dscd.msk.f32 $0xffff, v5, v0;
	v5 =	vmul.f32 $1.442695020e+00, v13;
	_ =	sdelay $0x3  }
0x28e: {  	(erf) = vpow2.f32 v5;
	v5, _, _ =	vpop (xrf2)  }
0x28f: {  	v6 =	vmul.f32 $7.500000000e-01, v6;
	v5 =	vperm.xlane v5, v1  }
0x290: {  	v8 =	vmul.f32 v8, v19  }
0x291: {  	vm1 =	vle.f32 v21, v6;
	v13 =	vpop (erf)  }
0x292: {  	v21 =	vmul.f32 v8, v8;
	v13 =	vmul.f32 v14, v13;
	v14, _, _ =	vpop (xrf2);
	vm2 =	vlt.f32 v5, $4.999949930e-01  }
0x293: {  	vm1 =	vmor vm1, vm2;
	v5 =	vpop (erf)  }
0x294: {  	[tilespmem:$0x1FEF0] =	vst v21;
	vm1 =	vmor vm1, vm0;
	v6 =	vpop (erf)  }
0x295: {  	v19 =	vperm.xlane v14, v1;
	v23 =	vmul.f32 v13, v13;
	(xrf1) =	vsort.dscd.msk.f32 $0xffff, v6, v0;
	v6 =	vnsel vm1, $0x0, v9  }
0x296: {  	[tilespmem:v20+s15+$0x0] =	vst.idx.add.f32.msk $0xffff, v6  }
0x297: {  	(erf) = vrcp.f32 v19;
	[tilespmem:$0x1FF00] =	vst v23  }
0x298: {  	(xrf2) =	vadd.scan.msk.f32 $0xffff, v21;
	[tilespmem:v20+s16+$0x0] =	vst.idx.add.f32.msk $0xffff, v9  }
0x299: {  	(xrf2) =	vadd.scan.msk.f32 $0xffff, v23;
	v9 =	vld.idx.msk [tilespmem:v2+s29+$0x0 ss:$0x1], $0xffff;
	_ =	sdelay $0x2  }
0x29a: {  	v6 =	vpop (erf)  }
0x29b: {  	(xrf1) =	vsort.dscd.msk.f32 $0xffff, v6, v0  }
0x29c: {  	v9 =	vmul.f32 $1.442695020e+00, v9  }
0x29d: {  	v6, v20, _ =	vpop (xrf1)  }
0x29e: {  	v5 =	vmul.f32 v24, v5;
	(xrf2) =	vadd.scan.msk.f32 $0xffff, v6;
	v21 =	vpop (erf)  }
0x29f: {  	v16 =	vmul.f32 v16, v21  }
0x2a0: {  	v23 =	vmul.f32 v5, v5;
	(erf) = vpow2.f32 v9;
	v9, _, _ =	vpop (xrf2)  }
0x2a1: {  	v7 =	vmul.f32 $7.500000000e-01, v7;
	v24 =	vmul.f32 v16, v16;
	v21, _, _ =	vpop (xrf2)  }
0x2a2: {  	(xrf2) =	vadd.scan.msk.f32 $0xffff, v23;
	v21 =	vperm.xlane v21, v1  }
0x2a3: {  	vm1 =	vle.f32 v15, v7;
	(xrf2) =	vadd.scan.msk.f32 $0xffff, v24  }
0x2a4: {  	v7 =	vmul.f32 $7.500000000e-01, v10;
	v9 =	vperm.xlane v9, v1;
	vm2 =	vlt.f32 v21, $4.999949930e-01  }
0x2a5: {  	vm1 =	vmor vm1, vm2  }
0x2a6: {  	[tilespmem:$0x1FF10] =	vst v23;
	v10, v15, _ =	vpop (xrf1);
	vm3 =	vlt.f32 v9, $4.999949930e-01;
	vm2 =	vle.f32 v11, v7;
	vm1 =	vmor vm1, vm0  }
0x2a7: {  	[tilespmem:$0x1FF20] =	vst v24;
	(xrf2) =	vadd.scan.msk.f32 $0xffff, v10;
	vm2 =	vmor vm2, vm3;
	v9 =	vnsel vm1, $0x0, v13  }
0x2a8: {  	v7, _, _ =	vpop (xrf2);
	vm1 =	vmor vm2, vm0;
	[tilespmem:v22+s15+$0x0] =	vst.idx.add.f32.msk $0xffff, v9  }
0x2a9: {  	v11, v21, _ =	vpop (xrf1);
	[tilespmem:v22+s16+$0x0] =	vst.idx.add.f32.msk $0xffff, v13;
	v22 =	vnsel vm1, $0x0, v8  }
0x2aa: {  	(xrf2) =	vadd.scan.msk.f32 $0xffff, v11;
	v9 =	vperm.xlane v7, v1;
	[tilespmem:v4+s15+$0x0] =	vst.idx.add.f32.msk $0xffff, v22  }
0x2ab: {  	v13 =	vpop (erf);
	[tilespmem:v4+s16+$0x0] =	vst.idx.add.f32.msk $0xffff, v8  }
0x2ac: {  	(erf) = vrcp.f32 v9;
	v4, _, _ =	vpop (xrf2);
	v8 =	vld.idx.msk [tilespmem:v2+s24+$0xFFFFFE80 ss:$0x1], $0xffff  }
0x2ad: {  	(xrf1) =	vsort.dscd.msk.f32 $0xffff, v13, v0;
	v13, _, _ =	vpop (xrf2)  }
0x2ae: {  	v19 =	vmul.f32 $7.500000000e-01, v19;
	v22 =	vld.idx.msk [tilespmem:v2+s23+$0xFFFFFD00 ss:$0x1], $0xffff;
	v13 =	vperm.xlane v13, v1;
	_ =	sdelay $0x1  }
0x2af: {  	vm1 =	vle.f32 v14, v19;
	vm2 =	vlt.f32 v13, $4.999949930e-01  }
0x2b0: {  	v23, _, _ =	vpop (xrf2);
	v8 =	vmul.f32 $1.442695020e+00, v8;
	vm1 =	vmor vm1, vm2  }
0x2b1: {  	v13 =	vperm.xlane v23, v1;
	vm1 =	vmor vm1, vm0  }
0x2b2: {  	v14 =	vmul.f32 $1.442695020e+00, v22;
	v22 =	vnsel vm1, $0x0, v16  }
0x2b3: {  	(erf) = vrcp.f32 v13;
	v19, _, _ =	vpop (xrf2);
	[tilespmem:v17+s15+$0x0] =	vst.idx.add.f32.msk $0xffff, v22  }
0x2b4: {  	(erf) = vpow2.f32 v8;
	v24 =	vperm.xlane v19, v1;
	v8 =	vpop (erf);
	[tilespmem:v17+s16+$0x0] =	vst.idx.add.f32.msk $0xffff, v16  }
0x2b5: {  	(erf) = vpow2.f32 v14;
	v6 =	vmul.f32 v6, v8;
	v8 =	vld.idx.msk [tilespmem:v2+s31+$0x100 ss:$0x1], $0xffff  }
0x2b6: {  	(erf) = vrcp.f32 v24;
	_ =	sdelay $0x2  }
0x2b7: {  	v62 =	vmul.f32 v6, v6  }
0x2b8: {  	v8 =	vmul.f32 $1.442695020e+00, v8  }
0x2b9: {  	v14, v16, _ =	vpop (xrf1);
	(xrf2) =	vadd.scan.msk.f32 $0xffff, v62  }
0x2ba: {  	(xrf2) =	vadd.scan.msk.f32 $0xffff, v14;
	v17 =	vpop (erf)  }
0x2bb: {  	v22 =	vpop (erf)  }
0x2bc: {  	(erf) = vpow2.f32 v8;
	v8 =	vpop (erf)  }
0x2bd: {  	v10 =	vmul.f32 v10, v17;
	v17 =	vpop (erf)  }
0x2be: {  	v11 =	vmul.f32 v11, v17  }
0x2bf: {  	v4 =	vperm.xlane v4, v1;
	(xrf1) =	vsort.dscd.msk.f32 $0xffff, v22, v0;
	v63 =	vmul.f32 v10, v10  }
0x2c0: {  	(xrf1) =	vsort.dscd.msk.f32 $0xffff, v8, v0;
	v8 =	vmul.f32 v11, v11  }
0x2c1: {  	(xrf2) =	vadd.scan.msk.f32 $0xffff, v63;
	v17 =	vmul.f32 $7.500000000e-01, v18;
	_ =	sdelay $0x1  }
0x2c2: {  	v9 =	vmul.f32 $7.500000000e-01, v9;
	vm2 =	vlt.f32 v4, $4.999949930e-01;
	vm1 =	vle.f32 v12, v17;
	v4, _, _ =	vpop (xrf2)  }
0x2c3: {  	vm1 =	vmor vm1, vm2;
	v4 =	vperm.xlane v4, v1;
	[tilespmem:$0x1FF30] =	vst v8;
	(xrf2) =	vadd.scan.msk.f32 $0xffff, v8;
	v8, _, _ =	vpop (xrf2)  }
0x2c4: {  	vm1 =	vmor vm1, vm0;
	v12 =	vperm.xlane v8, v1  }
0x2c5: {  	v17 =	vnsel vm1, $0x0, v5;
	vm1 =	vle.f32 v7, v9;
	vm2 =	vlt.f32 v4, $4.999949930e-01  }
0x2c6: {  	[tilespmem:v3+s15+$0x0] =	vst.idx.add.f32.msk $0xffff, v17;
	vm1 =	vmor vm1, vm2;
	(erf) = vrcp.f32 v12  }
0x2c7: {  	[tilespmem:v3+s16+$0x0] =	vst.idx.add.f32.msk $0xffff, v5;
	v4 =	vpop (erf);
	vm1 =	vmor vm1, vm0  }
0x2c8: {  	v3 =	vld.idx.msk [tilespmem:v2+s25+$0xFFFFFC80 ss:$0x1], $0xffff;
	(xrf1) =	vsort.dscd.msk.f32 $0xffff, v4, v0;
	v4 =	vnsel vm1, $0x0, v6  }
0x2c9: {  	v5 =	vmul.f32 $7.500000000e-01, v13;
	[tilespmem:v20+s15+$0x0] =	vst.idx.add.f32.msk $0xffff, v4  }
0x2ca: {  	[tilespmem:v20+s16+$0x0] =	vst.idx.add.f32.msk $0xffff, v6;
	v6, _, _ =	vpop (xrf2)  }
0x2cb: {  	vm1 =	vle.f32 v23, v5;
	v5 =	vmul.f32 $7.500000000e-01, v24;
	v4 =	vld.idx.msk [tilespmem:v2+s26+$0xFFFFFF80 ss:$0x1], $0xffff;
	v6 =	vperm.xlane v6, v1;
	_ =	sdelay $0x1  }
0x2cc: {  	v9, v13, _ =	vpop (xrf1);
	v3 =	vmul.f32 $1.442695020e+00, v3  }
0x2cd: {  	vm3 =	vle.f32 v19, v5;
	v7, _, _ =	vpop (xrf2);
	vm2 =	vlt.f32 v6, $4.999949930e-01  }
0x2ce: {  	(xrf2) =	vadd.scan.msk.f32 $0xffff, v9;
	(erf) = vpow2.f32 v3;
	v3 =	vperm.xlane v7, v1;
	vm1 =	vmor vm1, vm2;
	v6 =	vpop (erf)  }
0x2cf: {  	v7, v5, _ =	vpop (xrf1);
	vm1 =	vmor vm1, vm0;
	v4 =	vmul.f32 $1.442695020e+00, v4;
	v6 =	vmul.f32 v14, v6  }
0x2d0: {  	(xrf2) =	vadd.scan.msk.f32 $0xffff, v7;
	vm2 =	vlt.f32 v3, $4.999949930e-01;
	v3 =	vnsel vm1, $0x0, v10  }
0x2d1: {  	vm1 =	vmor vm3, vm2;
	[tilespmem:v15+s15+$0x0] =	vst.idx.add.f32.msk $0xffff, v3;
	(erf) = vpow2.f32 v4;
	v4 =	vmul.f32 v6, v6  }
0x2d2: {  	vm1 =	vmor vm1, vm0;
	[tilespmem:v15+s16+$0x0] =	vst.idx.add.f32.msk $0xffff, v10  }
0x2d3: {  	v3 =	vnsel vm1, $0x0, v11;
	[tilespmem:$0x1FF40] =	vst v4  }
0x2d4: {  	[tilespmem:v21+s15+$0x0] =	vst.idx.add.f32.msk $0xffff, v3  }
0x2d5: {  	v3 =	vld.idx.msk [tilespmem:v2+s0+$0x200 ss:$0x1], $0xffff  }
0x2d6: {  	(xrf2) =	vadd.scan.msk.f32 $0xffff, v4;
	[tilespmem:v21+s16+$0x0] =	vst.idx.add.f32.msk $0xffff, v11  }
0x2d7: {  	v11 =	vld.idx.msk [tilespmem:v2+s22+$0xFFFFFE00 ss:$0x1], $0xffff  }
0x2d8: {  	s28 =	simm.s32 $0x4000;
	v15, _, _ =	vpop (xrf2)  }
0x2d9: {  	v18 =	vperm.xlane v15, v1;
	v10, v14, _ =	vpop (xrf1);
	v17 =	vld.idx.msk [tilespmem:v2+s28+$0xFFFFFC00 ss:$0x1], $0xffff  }
0x2da: {  	(xrf2) =	vadd.scan.msk.f32 $0xffff, v10;
	v19, _, _ =	vpop (xrf2);
	v3 =	vmul.f32 $1.442695020e+00, v3  }
0x2db: {  	(erf) = vrcp.f32 v18;
	v4 =	vpop (erf);
	v20 =	vperm.xlane v19, v1  }
0x2dc: {  	(xrf1) =	vsort.dscd.msk.f32 $0xffff, v4, v0;
	(erf) = vpow2.f32 v3;
	v3 =	vmul.f32 $1.442695020e+00, v11  }
0x2dd: {  	v4 =	vpop (erf)  }
0x2de: {  	(xrf1) =	vsort.dscd.msk.f32 $0xffff, v4, v0;
	v4 =	vmul.f32 $1.442695020e+00, v17;
	(erf) = vrcp.f32 v20  }
0x2df: {  	(erf) = vpow2.f32 v3  }
0x2e0: {  	(erf) = vpow2.f32 v4;
	v3, _, _ =	vpop (xrf2)  }
0x2e1: {  	v4 =	vmul.f32 $7.500000000e-01, v12;
	v3 =	vperm.xlane v3, v1;
	_ =	sdelay $0x1  }
0x2e2: {  	vm1 =	vle.f32 v8, v4;
	vm2 =	vlt.f32 v3, $4.999949930e-01  }
0x2e3: {  	v11, _, _ =	vpop (xrf2);
	vm1 =	vmor vm1, vm2  }
0x2e4: {  	v12 =	vperm.xlane v11, v1;
	vm1 =	vmor vm1, vm0  }
0x2e5: {  	v4 =	vnsel vm1, $0x0, v6  }
0x2e6: {  	(erf) = vrcp.f32 v12;
	v3 =	vpop (erf)  }
0x2e7: {  	v3 =	vmul.f32 v9, v3  }
0x2e8: {  	v8 =	vpop (erf);
	[tilespmem:v16+s15+$0x0] =	vst.idx.add.f32.msk $0xffff, v4  }
0x2e9: {  	(xrf1) =	vsort.dscd.msk.f32 $0xffff, v8, v0;
	[tilespmem:v16+s16+$0x0] =	vst.idx.add.f32.msk $0xffff, v6;
	v17 =	vmul.f32 v3, v3;
	v16, v4, _ =	vpop (xrf1)  }
0x2ea: {  	(xrf2) =	vadd.scan.msk.f32 $0xffff, v16  }
0x2eb: {  	v9 =	vpop (erf);
	v6 =	vld.idx.msk [tilespmem:v2+s29+$0x80 ss:$0x1], $0xffff;
	(xrf2) =	vadd.scan.msk.f32 $0xffff, v17  }
0x2ec: {  	v21, v22, _ =	vpop (xrf1)  }
0x2ed: {  	v8 =	vpop (erf);
	v9 =	vmul.f32 v7, v9;
	(xrf2) =	vadd.scan.msk.f32 $0xffff, v21  }
0x2ee: {  	[tilespmem:$0x1FF50] =	vst v17;
	v17 =	vpop (erf)  }
0x2ef: {  	(xrf1) =	vsort.dscd.msk.f32 $0xffff, v8, v0;
	v8 =	vmul.f32 v9, v9;
	v7 =	vpop (erf)  }
0x2f0: {  	v7 =	vmul.f32 v10, v7;
	v6 =	vmul.f32 $1.442695020e+00, v6  }
0x2f1: {  	(xrf1) =	vsort.dscd.msk.f32 $0xffff, v17, v0  }
0x2f2: {  	(xrf2) =	vadd.scan.msk.f32 $0xffff, v8;
	v10 =	vmul.f32 v7, v7;
	_ =	sdelay $0x1  }
0x2f3: {  	(erf) = vpow2.f32 v6;
	(xrf2) =	vadd.scan.msk.f32 $0xffff, v10;
	v6, _, _ =	vpop (xrf2)  }
0x2f4: {  	[tilespmem:$0x1FF60] =	vst v8;
	v8, _, _ =	vpop (xrf2)  }
0x2f5: {  	[tilespmem:$0x1FF70] =	vst v10;
	v10 =	vmul.f32 $7.500000000e-01, v18;
	v8 =	vperm.xlane v8, v1  }
0x2f6: {  	v17, _, _ =	vpop (xrf2)  }
0x2f7: {  	vm1 =	vle.f32 v15, v10;
	v10 =	vperm.xlane v17, v1;
	vm2 =	vlt.f32 v8, $4.999949930e-01  }
0x2f8: {  	v15, v18, _ =	vpop (xrf1);
	vm1 =	vmor vm1, vm2  }
0x2f9: {  	(xrf2) =	vadd.scan.msk.f32 $0xffff, v15;
	(erf) = vrcp.f32 v10;
	vm1 =	vmor vm1, vm0  }
0x2fa: {  	v23 =	vnsel vm1, $0x0, v3  }
0x2fb: {  	v24, _, _ =	vpop (xrf2)  }
0x2fc: {  	v8 =	vpop (erf);
	[tilespmem:v13+s15+$0x0] =	vst.idx.add.f32.msk $0xffff, v23  }
0x2fd: {  	(xrf1) =	vsort.dscd.msk.f32 $0xffff, v8, v0;
	v8, _, _ =	vpop (xrf2);
	[tilespmem:v13+s16+$0x0] =	vst.idx.add.f32.msk $0xffff, v3  }
0x2fe: {  	v12 =	vmul.f32 $7.500000000e-01, v12;
	v8 =	vperm.xlane v8, v1;
	v25 =	vld.idx.msk [tilespmem:v2+s24+$0xFFFFFF00 ss:$0x1], $0xffff;
	v13, v23, _ =	vpop (xrf1)  }
0x2ff: {  	(xrf2) =	vadd.scan.msk.f32 $0xffff, v13;
	v26, v3, _ =	vpop (xrf1)  }
0x300: {  	vm1 =	vle.f32 v11, v12;
	vm2 =	vlt.f32 v8, $4.999949930e-01;
	(xrf2) =	vadd.scan.msk.f32 $0xffff, v26  }
0x301: {  	vm1 =	vmor vm1, vm2  }
0x302: {  	v11 =	vperm.xlane v6, v1;
	vm1 =	vmor vm1, vm0;
	v12 =	vpop (erf)  }
0x303: {  	v8 =	vmul.f32 $1.442695020e+00, v25;
	v12 =	vmul.f32 v21, v12;
	v21, _, _ =	vpop (xrf2);
	v25 =	vnsel vm1, $0x0, v7  }
0x304: {  	(erf) = vrcp.f32 v11;
	[tilespmem:v14+s15+$0x0] =	vst.idx.add.f32.msk $0xffff, v25;
	v25 =	vperm.xlane v21, v1  }
0x305: {  	(erf) = vpow2.f32 v8;
	[tilespmem:v14+s16+$0x0] =	vst.idx.add.f32.msk $0xffff, v7;
	v7 =	vmul.f32 $7.500000000e-01, v20  }
0x306: {  	v8 =	vperm.xlane v24, v1;
	(erf) = vrcp.f32 v25  }
0x307: {  	v14 =	vld.idx.msk [tilespmem:v2+s31+$0x180 ss:$0x1], $0xffff  }
0x308: {  	v20 =	vmul.f32 v12, v12;
	vm1 =	vle.f32 v19, v7;
	vm2 =	vlt.f32 v8, $4.999949930e-01  }
0x309: {  	vm1 =	vmor vm1, vm2;
	v19, _, _ =	vpop (xrf2)  }
0x30a: {  	[tilespmem:$0x1FF80] =	vst v20;
	vm1 =	vmor vm1, vm0;
	(xrf2) =	vadd.scan.msk.f32 $0xffff, v20;
	v20 =	vperm.xlane v19, v1;
	v7, _, _ =	vpop (xrf2)  }
0x30b: {  	v24, v27, _ =	vpop (xrf1);
	v28 =	vnsel vm1, $0x0, v9;
	v8 =	vperm.xlane v7, v1  }
0x30c: {  	(xrf2) =	vadd.scan.msk.f32 $0xffff, v24;
	[tilespmem:v5+s15+$0x0] =	vst.idx.add.f32.msk $0xffff, v28;
	v14 =	vmul.f32 $1.442695020e+00, v14;
	(erf) = vrcp.f32 v20  }
0x30d: {  	[tilespmem:v5+s16+$0x0] =	vst.idx.add.f32.msk $0xffff, v9;
	v5 =	vpop (erf);
	(erf) = vrcp.f32 v8  }
0x30e: {  	v9 =	vld.idx.msk [tilespmem:v2+s23+$0xFFFFFD80 ss:$0x1], $0xffff;
	(erf) = vpow2.f32 v14;
	v14 =	vmul.f32 v16, v5;
	v5 =	vpop (erf)  }
0x30f: {  	v16 =	vpop (erf)  }
0x310: {  	v15 =	vmul.f32 v15, v16;
	v16 =	vmul.f32 v14, v14;
	_ =	sdelay $0x1  }
0x311: {  	(xrf1) =	vsort.dscd.msk.f32 $0xffff, v5, v0  }
0x312: {  	v9 =	vmul.f32 $1.442695020e+00, v9;
	(xrf2) =	vadd.scan.msk.f32 $0xffff, v16;
	v5 =	vmul.f32 v15, v15  }
0x313: {  	v10 =	vmul.f32 $7.500000000e-01, v10;
	[tilespmem:$0x1FF90] =	vst v16;
	v16, _, _ =	vpop (xrf2)  }
0x314: {  	(erf) = vpow2.f32 v9;
	(xrf2) =	vadd.scan.msk.f32 $0xffff, v5;
	v28 =	vpop (erf);
	v9 =	vperm.xlane v16, v1  }
0x315: {  	v16, _, _ =	vpop (xrf2);
	v13 =	vmul.f32 v13, v28  }
0x316: {  	vm1 =	vle.f32 v17, v10;
	v29 =	vperm.xlane v16, v1;
	vm2 =	vlt.f32 v9, $4.999949930e-01  }
0x317: {  	vm1 =	vmor vm1, vm2;
	v9 =	vmul.f32 v13, v13  }
0x318: {  	v30 =	vpop (erf);
	(erf) = vrcp.f32 v29;
	vm1 =	vmor vm1, vm0  }
0x319: {  	v28 =	vpop (erf);
	[tilespmem:$0x1FFA0] =	vst v9;
	(xrf2) =	vadd.scan.msk.f32 $0xffff, v9;
	v9 =	vnsel vm1, $0x0, v12  }
0x31a: {  	(xrf1) =	vsort.dscd.msk.f32 $0xffff, v28, v0;
	[tilespmem:v22+s15+$0x0] =	vst.idx.add.f32.msk $0xffff, v9  }
0x31b: {  	[tilespmem:v22+s16+$0x0] =	vst.idx.add.f32.msk $0xffff, v12  }
0x31c: {  	v10, _, _ =	vpop (xrf2);
	v12 =	vld.idx.msk [tilespmem:v2+s26+$0x0 ss:$0x1], $0xffff  }
0x31d: {  	v9 =	vpop (erf)  }
0x31e: {  	v22, _, _ =	vpop (xrf2)  }
0x31f: {  	(xrf1) =	vsort.dscd.msk.f32 $0xffff, v9, v0;
	v9 =	vperm.xlane v22, v1  }
0x320: {  	v17 =	vmul.f32 v26, v30;
	v22 =	vmul.f32 $7.500000000e-01, v25;
	v25, v26, _ =	vpop (xrf1)  }
0x321: {  	(xrf2) =	vadd.scan.msk.f32 $0xffff, v25;
	v28 =	vpop (erf);
	vm2 =	vlt.f32 v9, $4.999949930e-01;
	v9 =	vmul.f32 $1.442695020e+00, v12  }
0x322: {  	vm1 =	vle.f32 v21, v22;
	v21 =	vmul.f32 v24, v28  }
0x323: {  	v30 =	vmul.f32 v17, v17;
	vm1 =	vmor vm1, vm2  }
0x324: {  	vm1 =	vmor vm1, vm0;
	v22 =	vmul.f32 v21, v21  }
0x325: {  	[tilespmem:$0x1FFB0] =	vst v30;
	(erf) = vpow2.f32 v9;
	v12 =	vnsel vm1, $0x0, v15;
	v9, _, _ =	vpop (xrf2)  }
0x326: {  	v20 =	vmul.f32 $7.500000000e-01, v20;
	(xrf2) =	vadd.scan.msk.f32 $0xffff, v30;
	[tilespmem:v18+s15+$0x0] =	vst.idx.add.f32.msk $0xffff, v12;
	v12 =	vperm.xlane v9, v1  }
0x327: {  	[tilespmem:$0x1FFC0] =	vst v22  }
0x328: {  	vm1 =	vle.f32 v19, v20;
	(xrf2) =	vadd.scan.msk.f32 $0xffff, v22;
	[tilespmem:v18+s16+$0x0] =	vst.idx.add.f32.msk $0xffff, v15;
	v22, v9, _ =	vpop (xrf1);
	vm2 =	vlt.f32 v12, $4.999949930e-01  }
0x329: {  	(xrf2) =	vadd.scan.msk.f32 $0xffff, v22;
	v12 =	vld.idx.msk [tilespmem:v2+s0+$0x280 ss:$0x1], $0xffff;
	vm1 =	vmor vm1, vm2  }
0x32a: {  	v10 =	vperm.xlane v10, v1;
	vm1 =	vmor vm1, vm0  }
0x32b: {  	v11 =	vmul.f32 $7.500000000e-01, v11;
	v15, _, _ =	vpop (xrf2);
	v18 =	vnsel vm1, $0x0, v13  }
0x32c: {  	[tilespmem:v23+s15+$0x0] =	vst.idx.add.f32.msk $0xffff, v18;
	v18 =	vperm.xlane v15, v1  }
0x32d: {  	vm2 =	vlt.f32 v10, $4.999949930e-01  }
0x32e: {  	vm1 =	vle.f32 v6, v11;
	v10, v19, _ =	vpop (xrf1);
	v12 =	vmul.f32 $1.442695020e+00, v12;
	(erf) = vrcp.f32 v18  }
0x32f: {  	vm1 =	vmor vm1, vm2;
	v11 =	vpop (erf);
	[tilespmem:v23+s16+$0x0] =	vst.idx.add.f32.msk $0xffff, v13  }
0x330: {  	v13, _, _ =	vpop (xrf2);
	(xrf2) =	vadd.scan.msk.f32 $0xffff, v10;
	vm1 =	vmor vm1, vm0;
	v6 =	vld.idx.msk [tilespmem:v2+s22+$0xFFFFFE80 ss:$0x1], $0xffff;
	(erf) = vpow2.f32 v12  }
0x331: {  	(xrf1) =	vsort.dscd.msk.f32 $0xffff, v11, v0;
	v11 =	vnsel vm1, $0x0, v14  }
0x332: {  	[tilespmem:v4+s15+$0x0] =	vst.idx.add.f32.msk $0xffff, v11;
	v12, _, _ =	vpop (xrf2)  }
0x333: {  	[tilespmem:v4+s16+$0x0] =	vst.idx.add.f32.msk $0xffff, v14;
	v4 =	vmul.f32 $7.500000000e-01, v29;
	v20, _, _ =	vpop (xrf2)  }
0x334: {  	v11 =	vperm.xlane v12, v1;
	v23 =	vperm.xlane v20, v1  }
0x335: {  	v12 =	vld.idx.msk [tilespmem:v2+s25+$0xFFFFFD00 ss:$0x1], $0xffff;
	v6 =	vmul.f32 $1.442695020e+00, v6  }
0x336: {  	vm1 =	vle.f32 v16, v4;
	vm2 =	vlt.f32 v11, $4.999949930e-01;
	(erf) = vrcp.f32 v23  }
0x337: {  	vm1 =	vmor vm1, vm2;
	(erf) = vpow2.f32 v6;
	v4 =	vpop (erf)  }
0x338: {  	vm1 =	vmor vm1, vm0;
	v4 =	vmul.f32 v25, v4  }
0x339: {  	v11 =	vnsel vm1, $0x0, v21;
	v6 =	vpop (erf)  }
0x33a: {  	[tilespmem:v27+s15+$0x0] =	vst.idx.add.f32.msk $0xffff, v11;
	(xrf1) =	vsort.dscd.msk.f32 $0xffff, v6, v0;
	v6 =	vmul.f32 $1.442695020e+00, v12;
	v11 =	vmul.f32 v4, v4  }
0x33b: {  	v12, _, _ =	vpop (xrf2);
	[tilespmem:v27+s16+$0x0] =	vst.idx.add.f32.msk $0xffff, v21  }
0x33c: {  	v14 =	vperm.xlane v12, v1;
	(erf) = vpow2.f32 v6;
	[tilespmem:$0x1FFD0] =	vst v11  }
0x33d: {  	v6 =	vld.idx.msk [tilespmem:v2+s29+$0x100 ss:$0x1], $0xffff  }
0x33e: {  	(xrf2) =	vadd.scan.msk.f32 $0xffff, v11;
	(erf) = vrcp.f32 v14  }
0x33f: {  	v11 =	vpop (erf)  }
0x340: {  	v16 =	vpop (erf)  }
0x341: {  	v8 =	vmul.f32 $7.500000000e-01, v8;
	v13 =	vperm.xlane v13, v1;
	(xrf1) =	vsort.dscd.msk.f32 $0xffff, v16, v0;
	v16, v21, _ =	vpop (xrf1)  }
0x342: {  	(xrf2) =	vadd.scan.msk.f32 $0xffff, v16;
	v6 =	vmul.f32 $1.442695020e+00, v6  }
0x343: {  	vm2 =	vlt.f32 v13, $4.999949930e-01;
	vm1 =	vle.f32 v7, v8  }
0x344: {  	vm1 =	vmor vm1, vm2;
	(erf) = vpow2.f32 v6  }
0x345: {  	vm1 =	vmor vm1, vm0;
	v7 =	vmul.f32 v22, v11;
	v8 =	vpop (erf)  }
0x346: {  	(xrf1) =	vsort.dscd.msk.f32 $0xffff, v8, v0;
	v8 =	vnsel vm1, $0x0, v17  }
0x347: {  	v6 =	vmul.f32 v7, v7;
	v11 =	vpop (erf);
	[tilespmem:v3+s15+$0x0] =	vst.idx.add.f32.msk $0xffff, v8  }
0x348: {  	v10 =	vmul.f32 v10, v11;
	v11, _, _ =	vpop (xrf2);
	[tilespmem:v3+s16+$0x0] =	vst.idx.add.f32.msk $0xffff, v17;
	v3 =	vmul.f32 $7.500000000e-01, v18  }
0x349: {  	(xrf2) =	vadd.scan.msk.f32 $0xffff, v6;
	v8 =	vperm.xlane v11, v1  }
0x34a: {  	v17 =	vld.idx.msk [tilespmem:v2+s28+$0xFFFFFC80 ss:$0x1], $0xffff  }
0x34b: {  	v13, v11, _ =	vpop (xrf1);
	v18 =	vmul.f32 v10, v10;
	vm1 =	vle.f32 v15, v3;
	vm2 =	vlt.f32 v8, $4.999949930e-01  }
0x34c: {  	(xrf2) =	vadd.scan.msk.f32 $0xffff, v13;
	vm1 =	vmor vm1, vm2;
	v3, _, _ =	vpop (xrf2)  }
0x34d: {  	(xrf2) =	vadd.scan.msk.f32 $0xffff, v18;
	vm1 =	vmor vm1, vm0;
	v15 =	vperm.xlane v3, v1;
	v8 =	vpop (erf)  }
0x34e: {  	[tilespmem:$0x1FFE0] =	vst v18;
	(xrf1) =	vsort.dscd.msk.f32 $0xffff, v8, v0;
	v8 =	vnsel vm1, $0x0, v4  }
0x34f: {  	(erf) = vrcp.f32 v15;
	[tilespmem:v26+s15+$0x0] =	vst.idx.add.f32.msk $0xffff, v8;
	v8 =	vmul.f32 $1.442695020e+00, v17;
	_ =	sdelay $0x1  }
0x350: {  	[tilespmem:v26+s16+$0x0] =	vst.idx.add.f32.msk $0xffff, v4  }
0x351: {  	v18, v24, _ =	vpop (xrf1);
	(erf) = vpow2.f32 v8;
	v4 =	vld.idx.msk [tilespmem:v2+s24+$0xFFFFFF80 ss:$0x1], $0xffff  }
0x352: {  	(xrf2) =	vadd.scan.msk.f32 $0xffff, v18;
	v17 =	vmul.f32 $7.500000000e-01, v23;
	v8, _, _ =	vpop (xrf2)  }
0x353: {  	v8 =	vperm.xlane v8, v1;
	_ =	sdelay $0x1  }
0x354: {  	vm1 =	vle.f32 v20, v17;
	v22, _, _ =	vpop (xrf2);
	vm2 =	vlt.f32 v8, $4.999949930e-01  }
0x355: {  	v23 =	vperm.xlane v22, v1;
	v17, _, _ =	vpop (xrf2);
	v4 =	vmul.f32 $1.442695020e+00, v4;
	vm1 =	vmor vm1, vm2  }
0x356: {  	v14 =	vmul.f32 $7.500000000e-01, v14;
	v17 =	vperm.xlane v17, v1;
	v25 =	vpop (erf);
	vm1 =	vmor vm1, vm0  }
0x357: {  	(erf) = vrcp.f32 v23;
	v25 =	vmul.f32 v16, v25;
	v16 =	vnsel vm1, $0x0, v7  }
0x358: {  	(erf) = vpow2.f32 v4;
	v20, v8, _ =	vpop (xrf1);
	[tilespmem:v9+s15+$0x0] =	vst.idx.add.f32.msk $0xffff, v16  }
0x359: {  	vm2 =	vlt.f32 v17, $4.999949930e-01;
	vm1 =	vle.f32 v12, v14;
	(xrf2) =	vadd.scan.msk.f32 $0xffff, v20;
	v4 =	vpop (erf);
	[tilespmem:v9+s16+$0x0] =	vst.idx.add.f32.msk $0xffff, v7  }
0x35a: {  	vm1 =	vmor vm1, vm2;
	(xrf1) =	vsort.dscd.msk.f32 $0xffff, v4, v0;
	v4 =	vld.idx.msk [tilespmem:v2+s31+$0x200 ss:$0x1], $0xffff  }
0x35b: {  	v12, _, _ =	vpop (xrf2);
	vm1 =	vmor vm1, vm0  }
0x35c: {  	v7 =	vmul.f32 v25, v25;
	v9 =	vperm.xlane v12, v1;
	v14 =	vnsel vm1, $0x0, v10  }
0x35d: {  	[tilespmem:v19+s15+$0x0] =	vst.idx.add.f32.msk $0xffff, v14  }
0x35e: {  	v17, v26, _ =	vpop (xrf1);
	(xrf2) =	vadd.scan.msk.f32 $0xffff, v7;
	(erf) = vrcp.f32 v9;
	[tilespmem:v19+s16+$0x0] =	vst.idx.add.f32.msk $0xffff, v10  }
0x35f: {  	(xrf2) =	vadd.scan.msk.f32 $0xffff, v17;
	v14 =	vld.idx.msk [tilespmem:v2+s23+$0xFFFFFE00 ss:$0x1], $0xffff;
	v4 =	vmul.f32 $1.442695020e+00, v4;
	_ =	sdelay $0x1  }
0x360: {  	s30 =	simm.s32 $0x4800  }
0x361: {  	v16 =	vld.idx.msk [tilespmem:v2+s30+$0xFFFFFC00 ss:$0x1], $0xffff;
	v10 =	vpop (erf)  }
0x362: {  	(erf) = vpow2.f32 v4;
	v4 =	vpop (erf)  }
0x363: {  	v13 =	vmul.f32 v13, v10;
	v27, _, _ =	vpop (xrf2);
	(xrf1) =	vsort.dscd.msk.f32 $0xffff, v4, v0;
	v4 =	vmul.f32 $1.442695020e+00, v14  }
0x364: {  	v28 =	vperm.xlane v27, v1  }
0x365: {  	v10 =	vmul.f32 v13, v13  }
0x366: {  	v14 =	vmul.f32 $1.442695020e+00, v16;
	v16 =	vpop (erf);
	(erf) = vrcp.f32 v28  }
0x367: {  	v15 =	vmul.f32 $7.500000000e-01, v15;
	(xrf2) =	vadd.scan.msk.f32 $0xffff, v10;
	(erf) = vpow2.f32 v4;
	v4, _, _ =	vpop (xrf2)  }
0x368: {  	v19 =	vmul.f32 v18, v16;
	(erf) = vpow2.f32 v14;
	v29, _, _ =	vpop (xrf2)  }
0x369: {  	v14 =	vperm.xlane v4, v1;
	v30 =	vperm.xlane v29, v1  }
0x36a: {  	v31, v44, _ =	vpop (xrf1);
	v4 =	vmul.f32 v19, v19  }
0x36b: {  	vm1 =	vle.f32 v3, v15;
	(xrf2) =	vadd.scan.msk.f32 $0xffff, v31;
	vm2 =	vlt.f32 v14, $4.999949930e-01;
	(erf) = vrcp.f32 v30  }
0x36c: {  	(xrf2) =	vadd.scan.msk.f32 $0xffff, v4;
	vm1 =	vmor vm1, vm2  }
0x36d: {  	v3 =	vpop (erf);
	vm1 =	vmor vm1, vm0  }
0x36e: {  	(xrf1) =	vsort.dscd.msk.f32 $0xffff, v3, v0;
	v3 =	vnsel vm1, $0x0, v25  }
0x36f: {  	v14 =	vpop (erf)  }
0x370: {  	[tilespmem:v21+s15+$0x0] =	vst.idx.add.f32.msk $0xffff, v3;
	v18 =	vpop (erf)  }
0x371: {  	[tilespmem:v21+s16+$0x0] =	vst.idx.add.f32.msk $0xffff, v25;
	v3, _, _ =	vpop (xrf2)  }
0x372: {  	v21 =	vmul.f32 $7.500000000e-01, v23;
	v23 =	vpop (erf);
	v15 =	vld.idx.msk [tilespmem:v2+s26+$0x80 ss:$0x1], $0xffff;
	v3 =	vperm.xlane v3, v1  }
0x373: {  	v25, v32, _ =	vpop (xrf1)  }
0x374: {  	v14 =	vmul.f32 v20, v14;
	(xrf1) =	vsort.dscd.msk.f32 $0xffff, v18, v0;
	v18 =	vpop (erf)  }
0x375: {  	vm1 =	vle.f32 v22, v21;
	vm2 =	vlt.f32 v3, $4.999949930e-01;
	v20 =	vmul.f32 v17, v18;
	v18, _, _ =	vpop (xrf2)  }
0x376: {  	v9 =	vmul.f32 $7.500000000e-01, v9;
	(xrf2) =	vadd.scan.msk.f32 $0xffff, v25;
	vm1 =	vmor vm1, vm2;
	v3, _, _ =	vpop (xrf2)  }
0x377: {  	v15 =	vmul.f32 $1.442695020e+00, v15;
	vm1 =	vmor vm1, vm0;
	v17 =	vperm.xlane v3, v1  }
0x378: {  	vm2 =	vle.f32 v12, v9;
	v9 =	vnsel vm1, $0x0, v13;
	v3 =	vmul.f32 v14, v14  }
0x379: {  	(xrf1) =	vsort.dscd.msk.f32 $0xffff, v23, v0;
	(erf) = vpow2.f32 v15;
	[tilespmem:v11+s15+$0x0] =	vst.idx.add.f32.msk $0xffff, v9;
	vm1 =	vlt.f32 v17, $4.999949930e-01  }
0x37a: {  	v9 =	vmul.f32 v20, v20;
	[tilespmem:$0x1FFF0] =	vst v3;
	(xrf2) =	vadd.scan.msk.f32 $0xffff, v3;
	vm1 =	vmor vm2, vm1  }
0x37b: {  	[tilespmem:v11+s16+$0x0] =	vst.idx.add.f32.msk $0xffff, v13;
	vm1 =	vmor vm1, vm0  }
0x37c: {  	(xrf2) =	vadd.scan.msk.f32 $0xffff, v9;
	v11 =	vld.idx.msk [tilespmem:v2+s0+$0x300 ss:$0x1], $0xffff;
	v12 =	vnsel vm1, $0x0, v19  }
0x37d: {  	v13, v22, _ =	vpop (xrf1);
	[tilespmem:v24+s15+$0x0] =	vst.idx.add.f32.msk $0xffff, v12  }
0x37e: {  	(xrf2) =	vadd.scan.msk.f32 $0xffff, v13;
	[tilespmem:v24+s16+$0x0] =	vst.idx.add.f32.msk $0xffff, v19  }
0x37f: {  	v12 =	vld.idx.msk [tilespmem:v2+s22+$0xFFFFFF00 ss:$0x1], $0xffff  }
0x380: {  	v21, _, _ =	vpop (xrf2)  }
0x381: {  	v33 =	vperm.xlane v21, v1;
	v11 =	vmul.f32 $1.442695020e+00, v11  }
0x382: {  	v15 =	vpop (erf)  }
0x383: {  	v34 =	vperm.xlane v18, v1;
	(erf) = vrcp.f32 v33;
	(xrf1) =	vsort.dscd.msk.f32 $0xffff, v15, v0  }
0x384: {  	(erf) = vpow2.f32 v11;
	v15, _, _ =	vpop (xrf2);
	v12 =	vmul.f32 $1.442695020e+00, v12  }
0x385: {  	(erf) = vrcp.f32 v34;
	v11, v19, _ =	vpop (xrf1)  }
0x386: {  	v23, _, _ =	vpop (xrf2);
	(xrf2) =	vadd.scan.msk.f32 $0xffff, v11;
	(erf) = vpow2.f32 v12  }
0x387: {  	v35, v3, _ =	vpop (xrf1);
	v12 =	vperm.xlane v23, v1;
	v23 =	vmul.f32 $7.500000000e-01, v30  }
0x388: {  	v36, _, _ =	vpop (xrf2);
	(xrf2) =	vadd.scan.msk.f32 $0xffff, v35  }
0x389: {  	v37 =	vperm.xlane v36, v1;
	vm1 =	vle.f32 v29, v23;
	vm2 =	vlt.f32 v12, $4.999949930e-01  }
0x38a: {  	v15 =	vperm.xlane v15, v1;
	v12 =	vmul.f32 $7.500000000e-01, v28;
	vm1 =	vmor vm1, vm2  }
0x38b: {  	(erf) = vrcp.f32 v37;
	vm1 =	vmor vm1, vm0  }
0x38c: {  	vm3 =	vlt.f32 v15, $4.999949930e-01;
	vm2 =	vle.f32 v27, v12;
	v12 =	vnsel vm1, $0x0, v20  }
0x38d: {  	v23 =	vpop (erf);
	vm1 =	vmor vm2, vm3;
	[tilespmem:v26+s15+$0x0] =	vst.idx.add.f32.msk $0xffff, v12  }
0x38e: {  	v24 =	vpop (erf);
	v25 =	vmul.f32 v25, v23;
	vm1 =	vmor vm1, vm0;
	[tilespmem:v26+s16+$0x0] =	vst.idx.add.f32.msk $0xffff, v20  }
0x38f: {  	(xrf1) =	vsort.dscd.msk.f32 $0xffff, v24, v0;
	v15 =	vpop (erf);
	v20 =	vnsel vm1, $0x0, v14;
	v24 =	vld.idx.msk [tilespmem:v2+s29+$0x180 ss:$0x1], $0xffff  }
0x390: {  	v12 =	vmul.f32 v25, v25;
	[tilespmem:v8+s15+$0x0] =	vst.idx.add.f32.msk $0xffff, v20;
	v27, _, _ =	vpop (xrf2)  }
0x391: {  	[tilespmem:v8+s16+$0x0] =	vst.idx.add.f32.msk $0xffff, v14;
	v14, v23, _ =	vpop (xrf1)  }
0x392: {  	(xrf2) =	vadd.scan.msk.f32 $0xffff, v12;
	v30, _, _ =	vpop (xrf2)  }
0x393: {  	v26 =	vmul.f32 v31, v15;
	v20 =	vpop (erf);
	v15 =	vld.idx.msk [tilespmem:v2+s25+$0xFFFFFD80 ss:$0x1], $0xffff  }
0x394: {  	(xrf2) =	vadd.scan.msk.f32 $0xffff, v14;
	v28 =	vperm.xlane v27, v1;
	v8 =	vpop (erf)  }
0x395: {  	v31 =	vperm.xlane v30, v1;
	v29 =	vmul.f32 v13, v8  }
0x396: {  	(erf) = vrcp.f32 v28;
	v13 =	vmul.f32 $1.442695020e+00, v24  }
0x397: {  	(erf) = vrcp.f32 v31  }
0x398: {  	(xrf1) =	vsort.dscd.msk.f32 $0xffff, v20, v0;
	(erf) = vpow2.f32 v13;
	v13 =	vmul.f32 $1.442695020e+00, v15  }
0x399: {  	v8 =	vmul.f32 v26, v26;
	_ =	sdelay $0x1  }
0x39a: {  	(xrf2) =	vadd.scan.msk.f32 $0xffff, v8  }
0x39b: {  	v15 =	vmul.f32 v29, v29;
	(erf) = vpow2.f32 v13;
	v13, _, _ =	vpop (xrf2)  }
0x39c: {  	v38, v24, _ =	vpop (xrf1)  }
0x39d: {  	(xrf2) =	vadd.scan.msk.f32 $0xffff, v15;
	v39, _, _ =	vpop (xrf2)  }
0x39e: {  	(xrf2) =	vadd.scan.msk.f32 $0xffff, v38;
	v40 =	vperm.xlane v39, v1  }
0x39f: {  	v33 =	vmul.f32 $7.500000000e-01, v33;
	v13 =	vperm.xlane v13, v1;
	v20 =	vpop (erf)  }
0x3a0: {  	v41 =	vpop (erf);
	(erf) = vrcp.f32 v40  }
0x3a1: {  	vm1 =	vle.f32 v21, v33;
	vm2 =	vlt.f32 v13, $4.999949930e-01  }
0x3a2: {  	v42 =	vmul.f32 v11, v20;
	vm1 =	vmor vm1, vm2  }
0x3a3: {  	v11 =	vpop (erf);
	vm1 =	vmor vm1, vm0  }
0x3a4: {  	v13 =	vmul.f32 v42, v42;
	v33, _, _ =	vpop (xrf2);
	(xrf1) =	vsort.dscd.msk.f32 $0xffff, v11, v0;
	v20 =	vnsel vm1, $0x0, v25  }
0x3a5: {  	v16, v21, _ =	vpop (xrf1);
	[tilespmem:v32+s15+$0x0] =	vst.idx.add.f32.msk $0xffff, v20  }
0x3a6: {  	v11 =	vpop (erf);
	(xrf2) =	vadd.scan.msk.f32 $0xffff, v13;
	[tilespmem:v32+s16+$0x0] =	vst.idx.add.f32.msk $0xffff, v25  }
0x3a7: {  	v43, _, _ =	vpop (xrf2);
	v20 =	vld.idx.msk [tilespmem:v2+s24+$0x0 ss:$0x1], $0xffff  }
0x3a8: {  	(xrf2) =	vadd.scan.msk.f32 $0xffff, v16;
	v32, _, _ =	vpop (xrf2)  }
0x3a9: {  	v35 =	vmul.f32 v35, v41;
	(xrf1) =	vsort.dscd.msk.f32 $0xffff, v11, v0;
	v17 =	vperm.xlane v32, v1;
	v11 =	vpop (erf)  }
0x3aa: {  	v25 =	vmul.f32 $7.500000000e-01, v37;
	v41 =	vmul.f32 v14, v11  }
0x3ab: {  	v14 =	vperm.xlane v43, v1;
	(erf) = vrcp.f32 v17  }
0x3ac: {  	v20 =	vmul.f32 $1.442695020e+00, v20  }
0x3ad: {  	vm1 =	vle.f32 v36, v25;
	vm2 =	vlt.f32 v14, $4.999949930e-01  }
0x3ae: {  	vm1 =	vmor vm1, vm2  }
0x3af: {  	v11 =	vmul.f32 v35, v35;
	vm1 =	vmor vm1, vm0  }
0x3b0: {  	v14 =	vmul.f32 v41, v41;
	(erf) = vpow2.f32 v20;
	v20, _, _ =	vpop (xrf2);
	v46 =	vnsel vm1, $0x0, v29  }
0x3b1: {  	v28 =	vmul.f32 $7.500000000e-01, v28;
	(xrf2) =	vadd.scan.msk.f32 $0xffff, v11;
	v45 =	vperm.xlane v20, v1;
	[tilespmem:v22+s15+$0x0] =	vst.idx.add.f32.msk $0xffff, v46  }
0x3b2: {  	(xrf2) =	vadd.scan.msk.f32 $0xffff, v14;
	v37, v20, _ =	vpop (xrf1);
	[tilespmem:v22+s16+$0x0] =	vst.idx.add.f32.msk $0xffff, v29;
	v22 =	vmul.f32 $7.500000000e-01, v34  }
0x3b3: {  	v25, _, _ =	vpop (xrf2);
	vm1 =	vle.f32 v27, v28;
	(xrf2) =	vadd.scan.msk.f32 $0xffff, v37;
	vm2 =	vlt.f32 v45, $4.999949930e-01  }
0x3b4: {  	v27 =	vperm.xlane v25, v1;
	vm1 =	vmor vm1, vm2;
	v29 =	vpop (erf)  }
0x3b5: {  	v28 =	vperm.xlane v33, v1;
	vm1 =	vmor vm1, vm0;
	v34 =	vmul.f32 v38, v29  }
0x3b6: {  	v45 =	vld.idx.msk [tilespmem:v2+s31+$0x280 ss:$0x1], $0xffff;
	vm2 =	vle.f32 v18, v22;
	(erf) = vrcp.f32 v27;
	v18 =	vnsel vm1, $0x0, v42  }
0x3b7: {  	vm3 =	vlt.f32 v28, $4.999949930e-01;
	[tilespmem:v19+s15+$0x0] =	vst.idx.add.f32.msk $0xffff, v18;
	v29, v22, _ =	vpop (xrf1);
	v18 =	vmul.f32 v34, v34  }
0x3b8: {  	vm1 =	vmor vm2, vm3;
	(xrf2) =	vadd.scan.msk.f32 $0xffff, v29  }
0x3b9: {  	vm1 =	vmor vm1, vm0;
	[tilespmem:v19+s16+$0x0] =	vst.idx.add.f32.msk $0xffff, v42;
	(xrf2) =	vadd.scan.msk.f32 $0xffff, v18  }
0x3ba: {  	v46 =	vpop (erf);
	v28 =	vnsel vm1, $0x0, v26;
	v36 =	vld.idx.msk [tilespmem:v2+s23+$0xFFFFFE80 ss:$0x1], $0xffff  }
0x3bb: {  	v19, _, _ =	vpop (xrf2);
	[tilespmem:v44+s15+$0x0] =	vst.idx.add.f32.msk $0xffff, v28  }
0x3bc: {  	(xrf1) =	vsort.dscd.msk.f32 $0xffff, v46, v0;
	v46 =	vmul.f32 $7.500000000e-01, v40;
	v28 =	vmul.f32 $1.442695020e+00, v45;
	[tilespmem:v44+s16+$0x0] =	vst.idx.add.f32.msk $0xffff, v26;
	v38, _, _ =	vpop (xrf2)  }
0x3bd: {  	v31 =	vmul.f32 $7.500000000e-01, v31;
	v45 =	vld.idx.msk [tilespmem:v2+s28+$0xFFFFFD00 ss:$0x1], $0xffff;
	v38 =	vperm.xlane v38, v1;
	v26, _, _ =	vpop (xrf2)  }
0x3be: {  	vm1 =	vle.f32 v39, v46;
	(erf) = vpow2.f32 v28;
	v28 =	vperm.xlane v26, v1  }
0x3bf: {  	v46 =	vperm.xlane v19, v1;
	vm2 =	vlt.f32 v38, $4.999949930e-01;
	v36 =	vmul.f32 $1.442695020e+00, v36;
	v44 =	vpop (erf)  }
0x3c0: {  	vm1 =	vmor vm1, vm2;
	v33 =	vmul.f32 v16, v44;
	(erf) = vrcp.f32 v28  }
0x3c1: {  	vm2 =	vle.f32 v30, v31;
	vm1 =	vmor vm1, vm0;
	(erf) = vpow2.f32 v36  }
0x3c2: {  	v45 =	vmul.f32 $1.442695020e+00, v45;
	v30 =	vnsel vm1, $0x0, v41;
	v16 =	vmul.f32 v33, v33;
	v19, _, _ =	vpop (xrf2)  }
0x3c3: {  	vm1 =	vlt.f32 v46, $4.999949930e-01;
	[tilespmem:v23+s15+$0x0] =	vst.idx.add.f32.msk $0xffff, v30;
	v31, _, _ =	vpop (xrf2)  }
0x3c4: {  	vm1 =	vmor vm2, vm1;
	(erf) = vpow2.f32 v45;
	(xrf2) =	vadd.scan.msk.f32 $0xffff, v16;
	v30 =	vperm.xlane v31, v1  }
0x3c5: {  	v17 =	vmul.f32 $7.500000000e-01, v17;
	vm1 =	vmor vm1, vm0  }
0x3c6: {  	[tilespmem:v23+s16+$0x0] =	vst.idx.add.f32.msk $0xffff, v41;
	vm3 =	vlt.f32 v30, $4.999949930e-01;
	v30 =	vnsel vm1, $0x0, v35  }
0x3c7: {  	vm2 =	vle.f32 v32, v17;
	v17 =	vld.idx.msk [tilespmem:v2+s26+$0x100 ss:$0x1], $0xffff  }
0x3c8: {  	v23 =	vpop (erf);
	vm2 =	vmor vm2, vm3  }
0x3c9: {  	[tilespmem:v3+s15+$0x0] =	vst.idx.add.f32.msk $0xffff, v30;
	vm1 =	vmor vm2, vm0;
	v30 =	vpop (erf)  }
0x3ca: {  	(xrf1) =	vsort.dscd.msk.f32 $0xffff, v23, v0;
	[tilespmem:v3+s16+$0x0] =	vst.idx.add.f32.msk $0xffff, v35;
	v31 =	vnsel vm1, $0x0, v34;
	v30 =	vmul.f32 v37, v30;
	v23 =	vpop (erf)  }
0x3cb: {  	[tilespmem:v24+s15+$0x0] =	vst.idx.add.f32.msk $0xffff, v31;
	v31 =	vperm.xlane v19, v1  }
0x3cc: {  	[tilespmem:v24+s16+$0x0] =	vst.idx.add.f32.msk $0xffff, v34;
	(xrf1) =	vsort.dscd.msk.f32 $0xffff, v23, v0;
	v24 =	vmul.f32 $1.442695020e+00, v17;
	v17 =	vmul.f32 v30, v30;
	v34, v23, _ =	vpop (xrf1)  }
0x3cd: {  	v35 =	vld.idx.msk [tilespmem:v2+s30+$0xFFFFFC80 ss:$0x1], $0xffff;
	v36 =	vpop (erf);
	(erf) = vrcp.f32 v31;
	(xrf2) =	vadd.scan.msk.f32 $0xffff, v34  }
0x3ce: {  	s12 =	simm.s32 $0x14000;
	s1 =	sshll.u32 s1, $0xF;
	v37, _, _ =	vpop (xrf2);
	v32 =	vld.idx.msk [tilespmem:v2+s0+$0x380 ss:$0x1], $0xffff;
	(erf) = vpow2.f32 v24;
	(xrf2) =	vadd.scan.msk.f32 $0xffff, v17  }
.LBB2_3:
0x3cf: {  	_ =	sdelay $0x6  }
0x3d0: {  	(xrf1) =	vsort.dscd.msk.f32 $0xffff, v36, v0  }
0x3d1: {  	v45 =	vperm.xlane v37, v1;
	v27 =	vmul.f32 $7.500000000e-01, v27;
	v38 =	vpop (erf)  }
0x3d2: {  	v37, v24, _ =	vpop (xrf1)  }
0x3d3: {  	vm1 =	vle.f32 v25, v27;
	vm2 =	vlt.f32 v45, $4.999949930e-01;
	v40, _, _ =	vpop (xrf2);
	(xrf2) =	vadd.scan.msk.f32 $0xffff, v37  }
0x3d4: {  	vm1 =	vmor vm1, vm2;
	v38 =	vmul.f32 v29, v38;
	v42 =	vperm.xlane v40, v1  }
0x3d5: {  	v25 =	vmul.f32 $1.442695020e+00, v35;
	vm1 =	vmor vm1, vm0;
	v29 =	vmul.f32 $1.442695020e+00, v32  }
0x3d6: {  	v27 =	vnsel vm1, $0x0, v33;
	v35 =	vmul.f32 v38, v38;
	(erf) = vrcp.f32 v42  }
0x3d7: {  	[tilespmem:v21+s15+$0x0] =	vst.idx.add.f32.msk $0xffff, v27;
	(erf) = vpow2.f32 v29  }
0x3d8: {  	s0 =	smov.u32 s26;
	s26 =	smov.u32 s24;
	s24 =	smov.u32 s22;
	[tilespmem:v21+s16+$0x0] =	vst.idx.add.f32.msk $0xffff, v33;
	(xrf2) =	vadd.scan.msk.f32 $0xffff, v35;
	(erf) = vpow2.f32 v25  }
0x3d9: {  	v21 =	vpop (erf);
	v25 =	vld.idx.msk [tilespmem:v2+s24+$0xFFFFFF80 ss:$0x1], $0xffff  }
0x3da: {  	(xrf1) =	vsort.dscd.msk.f32 $0xffff, v21, v0;
	v21, _, _ =	vpop (xrf2)  }
0x3db: {  	v46 =	vperm.xlane v21, v1  }
0x3dc: {  	v44, v27, _ =	vpop (xrf1);
	v29 =	vmul.f32 $7.500000000e-01, v28  }
0x3dd: {  	vm2 =	vlt.f32 v46, $4.999949930e-01;
	(xrf2) =	vadd.scan.msk.f32 $0xffff, v44;
	v28, _, _ =	vpop (xrf2)  }
0x3de: {  	v36, v21, _ =	vpop (xrf1);
	vm1 =	vle.f32 v26, v29;
	v25 =	vmul.f32 $1.442695020e+00, v25;
	v33 =	vperm.xlane v28, v1  }
0x3df: {  	vm1 =	vmor vm1, vm2;
	v39 =	vpop (erf)  }
0x3e0: {  	vm1 =	vmor vm1, vm0;
	v26 =	vpop (erf);
	(erf) = vrcp.f32 v33  }
0x3e1: {  	v29 =	vpop (erf);
	(xrf1) =	vsort.dscd.msk.f32 $0xffff, v26, v0;
	v26 =	vnsel vm1, $0x0, v30;
	(erf) = vpow2.f32 v25  }
0x3e2: {  	(xrf1) =	vsort.dscd.msk.f32 $0xffff, v29, v0;
	v29 =	vmul.f32 $7.500000000e-01, v31;
	[tilespmem:v20+s15+$0x0] =	vst.idx.add.f32.msk $0xffff, v26;
	v25, _, _ =	vpop (xrf2)  }
0x3e3: {  	v45 =	vmul.f32 v34, v39;
	[tilespmem:v20+s16+$0x0] =	vst.idx.add.f32.msk $0xffff, v30;
	v3 =	vperm.xlane v25, v1  }
0x3e4: {  	vm1 =	vle.f32 v19, v29;
	v19 =	vld.idx.msk [tilespmem:v2+s29+$0x200 ss:$0x1], $0xffff  }
0x3e5: {  	(xrf2) =	vadd.scan.msk.f32 $0xffff, v36;
	v32 =	vmul.f32 v45, v45;
	vm2 =	vlt.f32 v3, $4.999949930e-01  }
0x3e6: {  	s22 =	smov.u32 s23;
	s23 =	smov.u32 s25;
	vm1 =	vmor vm1, vm2  }
0x3e7: {  	s25 =	smov.u32 s28;
	s28 =	smov.u32 s30;
	s30 =	sshra.s32 s12, $0x2;
	(xrf2) =	vadd.scan.msk.f32 $0xffff, v32;
	v31, _, _ =	vpop (xrf2);
	vm1 =	vmor vm1, vm0  }
0x3e8: {  	v34 =	vld.idx.msk [tilespmem:v2+s30+$0xFFFFFC00 ss:$0x1], $0xffff;
	v46 =	vperm.xlane v31, v1;
	v3 =	vnsel vm1, $0x0, v38  }
0x3e9: {  	v19 =	vmul.f32 $1.442695020e+00, v19;
	[tilespmem:v22+s15+$0x0] =	vst.idx.add.f32.msk $0xffff, v3;
	v26 =	vpop (erf)  }
0x3ea: {  	(erf) = vrcp.f32 v46;
	[tilespmem:v22+s16+$0x0] =	vst.idx.add.f32.msk $0xffff, v38;
	v20 =	vpop (erf)  }
0x3eb: {  	(erf) = vpow2.f32 v19;
	v19 =	vadd.f32 v47, v51;
	v47 =	vmovc v60;
	v60 =	vmovc v58;
	v58 =	vmov v52  }
0x3ec: {  	v22 =	vld.idx.msk [tilespmem:v2+s23+$0xFFFFFE00 ss:$0x1], $0xffff;
	v52 =	vmovc v50;
	v50 =	vmovc v54;
	v3 =	vmov v62;
	v62 =	vmov v61;
	v61 =	vmov v59  }
0x3ed: {  	v59 =	vmovc v57;
	v57 =	vmovc v55;
	v55 =	vmov v47;
	v47 =	vadd.f32 v49, v19;
	v49 =	vmov v50;
	v50 =	vld [tilespmem:$0x1FD30];
	_ =	sdelay $0x1  }
0x3ee: {  	v29, _, _ =	vpop (xrf2);
	v51 =	vmov v48;
	v48 =	vmul.f32 $7.500000000e-01, v42  }
0x3ef: {  	v30 =	vperm.xlane v29, v1;
	v19 =	vld [tilespmem:$0x1FD40]  }
0x3f0: {  	v39 =	vmul.f32 v37, v26;
	v37, _, _ =	vpop (xrf2);
	vm1 =	vle.f32 v40, v48;
	v40 =	vld [tilespmem:$0x1FD60];
	v22 =	vmul.f32 $1.442695020e+00, v22  }
0x3f1: {  	(erf) = vrcp.f32 v30;
	v37 =	vperm.xlane v37, v1;
	v47 =	vadd.f32 v50, v47;
	v50 =	vld [tilespmem:$0x1FD70]  }
0x3f2: {  	[tilespmem:$0x1FD40] =	vst v49;
	v49 =	vmul.f32 $1.442695020e+00, v34;
	v34 =	vpop (erf);
	(erf) = vpow2.f32 v22;
	v22 =	vld [tilespmem:$0x1FD50];
	_ =	sdelay $0x1  }
0x3f3: {  	vm2 =	vlt.f32 v37, $4.999949930e-01  }
0x3f4: {  	vm1 =	vmor vm1, vm2  }
0x3f5: {  	v42 =	vmul.f32 v44, v34;
	v44 =	vmovc v40;
	vm1 =	vmor vm1, vm0;
	v40 =	vmov v50;
	v50 =	vld [tilespmem:$0x1FDB0]  }
0x3f6: {  	(erf) = vpow2.f32 v49;
	v49 =	vnsel vm1, $0x0, v45;
	v22 =	vadd.f32 v22, v47;
	v47 =	vld [tilespmem:$0x1FE90]  }
0x3f7: {  	[tilespmem:v23+s15+$0x0] =	vst.idx.add.f32.msk $0xffff, v49  }
0x3f8: {  	v22 =	vadd.f32 v56, v22;
	v56 =	vld [tilespmem:$0x1FE00]  }
0x3f9: {  	v49 =	vld [tilespmem:$0x1FFE0]  }
0x3fa: {  	[tilespmem:$0x1FD50] =	vst v40;
	v40 =	vmov v50  }
0x3fb: {  	v43, v25, _ =	vpop (xrf1);
	v50 =	vmov v47  }
0x3fc: {  	(xrf1) =	vsort.dscd.msk.f32 $0xffff, v20, v0;
	v41, v20, _ =	vpop (xrf1)  }
0x3fd: {  	v54 =	vmov v53;
	v47 =	vld [tilespmem:$0x1FF30];
	[tilespmem:$0x1FD70] =	vst v40;
	v40 =	vmov v56;
	v56 =	vpop (erf)  }
0x3fe: {  	v53 =	vmov v19;
	v26, v19, _ =	vpop (xrf1);
	[tilespmem:$0x1FE00] =	vst v50;
	v50 =	vmov v49;
	(xrf1) =	vsort.dscd.msk.f32 $0xffff, v56, v0;
	v56 =	vld [tilespmem:$0x1FDC0]  }
0x3ff: {  	[tilespmem:$0x1FF30] =	vst v50;
	v50 =	vld [tilespmem:$0x1FE20];
	_ =	sdelay $0x1  }
0x400: {  	[tilespmem:$0x1FDB0] =	vst v40;
	v40 =	vmov v35  }
0x401: {  	[tilespmem:v23+s16+$0x0] =	vst.idx.add.f32.msk $0xffff, v45  }
0x402: {  	v23 =	vld [tilespmem:$0x1FD80]  }
0x403: {  	[tilespmem:$0x1FFE0] =	vst v40;
	v40 =	vmov v56;
	v35 =	vmov v50;
	v56 =	vld [tilespmem:$0x1FDA0]  }
0x404: {  	[tilespmem:$0x1FDC0] =	vst v35;
	v35 =	vld [tilespmem:$0x1FEB0];
	_ =	sdelay $0x2  }
0x405: {  	v22 =	vadd.f32 v23, v22;
	_ =	sdelay $0x1  }
0x406: {  	v22 =	vadd.f32 v56, v22;
	v56 =	vmov v35;
	v35 =	vld [tilespmem:$0x1FF50];
	_ =	sdelay $0x4  }
0x407: {  	(xrf2) =	vadd.scan.msk.f32 $0xffff, v43;
	v50 =	vmov v35  }
0x408: {  	[tilespmem:$0x1FEB0] =	vst v50;
	v50 =	vld [tilespmem:$0x1FDD0];
	_ =	sdelay $0x2  }
0x409: {  	v38 =	vmul.f32 v39, v39  }
0x40a: {  	v48 =	vld [tilespmem:$0x1FD90]  }
0x40b: {  	(xrf2) =	vadd.scan.msk.f32 $0xffff, v38;
	[tilespmem:$0x1FE20] =	vst v56;
	v56 =	vmov v50;
	v50 =	vld [tilespmem:$0x1FDE0]  }
0x40c: {  	[tilespmem:$0x1FD90] =	vst v56;
	v56 =	vld [tilespmem:$0x1FE30]  }
0x40d: {  	(xrf2) =	vadd.scan.msk.f32 $0xffff, v41;
	_ =	sdelay $0x1  }
0x40e: {  	v37 =	vmov v48;
	v34, _, _ =	vpop (xrf2)  }
0x40f: {  	[tilespmem:$0x1FD60] =	vst v37;
	v37 =	vperm.xlane v34, v1;
	v48 =	vmov v47;
	v47 =	vpop (erf);
	v35 =	vmov v4  }
0x410: {  	[tilespmem:$0x1FF50] =	vst v35;
	v35 =	vmul.f32 v36, v47;
	v36 =	vadd.f32 v50, v22;
	v22 =	vmovc v56;
	v56 =	vmul.f32 $7.500000000e-01, v33;
	v33 =	vld [tilespmem:$0x1FEC0]  }
0x411: {  	(erf) = vrcp.f32 v37;
	[tilespmem:$0x1FE90] =	vst v48;
	v48 =	vld.idx.msk [tilespmem:v2+s26+$0x80 ss:$0x1], $0xffff  }
0x412: {  	[tilespmem:$0x1FD30] =	vst v44;
	v44 =	vmul.f32 v42, v42  }
0x413: {  	(xrf2) =	vadd.scan.msk.f32 $0xffff, v26  }
0x414: {  	(xrf2) =	vadd.scan.msk.f32 $0xffff, v44;
	v45, _, _ =	vpop (xrf2);
	[tilespmem:$0x1FD80] =	vst v40  }
0x415: {  	v45 =	vperm.xlane v45, v1;
	v40, v23, _ =	vpop (xrf1);
	[tilespmem:$0x1FDD0] =	vst v22;
	v22 =	vmov v33;
	v33 =	vld [tilespmem:$0x1FE10]  }
0x416: {  	v49, _, _ =	vpop (xrf2);
	v48 =	vmul.f32 $1.442695020e+00, v48;
	(xrf2) =	vadd.scan.msk.f32 $0xffff, v40  }
0x417: {  	vm2 =	vlt.f32 v45, $4.999949930e-01;
	v45 =	vld [tilespmem:$0x1FEA0];
	v4 =	vmov v44;
	v44 =	vperm.xlane v49, v1  }
0x418: {  	v47 =	vpop (erf);
	vm1 =	vle.f32 v28, v56;
	v56 =	vld [tilespmem:$0x1FE80]  }
0x419: {  	(xrf1) =	vsort.dscd.msk.f32 $0xffff, v47, v0;
	(erf) = vrcp.f32 v44;
	v47 =	vpop (erf);
	vm1 =	vmor vm1, vm2  }
0x41a: {  	v36 =	vadd.f32 v33, v36;
	v33 =	vpop (erf);
	(erf) = vpow2.f32 v48;
	v48 =	vmov v52;
	v52 =	vld [tilespmem:$0x1FED0]  }
0x41b: {  	vm1 =	vmor vm1, vm0  }
0x41c: {  	(xrf1) =	vsort.dscd.msk.f32 $0xffff, v47, v0;
	v47 =	vmov v51;
	v51 =	vnsel vm1, $0x0, v39  }
0x41d: {  	[tilespmem:$0x1FE30] =	vst v22;
	v22, _, _ =	vpop (xrf2);
	v43 =	vmul.f32 v43, v33;
	v33 =	vmov v45;
	v36 =	vadd.f32 v56, v36  }
0x41e: {  	v28 =	vmul.f32 $7.500000000e-01, v46;
	[tilespmem:v24+s15+$0x0] =	vst.idx.add.f32.msk $0xffff, v51;
	v56, _, _ =	vpop (xrf2)  }
0x41f: {  	v45 =	vld [tilespmem:$0x1FF40];
	v56 =	vperm.xlane v56, v1;
	v36 =	vadd.f32 v52, v36  }
0x420: {  	vm1 =	vle.f32 v31, v28;
	[tilespmem:$0x1FE10] =	vst v33;
	v33, _, _ =	vpop (xrf2)  }
0x421: {  	[tilespmem:v24+s16+$0x0] =	vst.idx.add.f32.msk $0xffff, v39;
	vm2 =	vlt.f32 v56, $4.999949930e-01;
	v24 =	vadd.f32 v63, v36;
	v36 =	vperm.xlane v33, v1  }
0x422: {  	v44 =	vmul.f32 $7.500000000e-01, v44;
	v51 =	vld [tilespmem:$0x1FF70];
	vm2 =	vmor vm1, vm2  }
0x423: {  	v50 =	vmul.f32 v35, v35;
	v31 =	vpop (erf);
	v56 =	vld [tilespmem:$0x1FF60];
	vm2 =	vmor vm2, vm0;
	(erf) = vrcp.f32 v36  }
0x424: {  	v52 =	vmov v45;
	v45 =	vld.idx.msk [tilespmem:v2+s31+$0x300 ss:$0x1], $0xffff;
	v5 =	vadd.f32 v5, v24;
	v24 =	vnsel vm2, $0x0, v42  }
0x425: {  	[tilespmem:v27+s15+$0x0] =	vst.idx.add.f32.msk $0xffff, v24  }
0x426: {  	(xrf2) =	vadd.scan.msk.f32 $0xffff, v50;
	[tilespmem:v27+s16+$0x0] =	vst.idx.add.f32.msk $0xffff, v42  }
0x427: {  	vm1 =	vle.f32 v49, v44;
	v44 =	vmovc v50;
	v50 =	vmovc v54;
	v54 =	vmov v9;
	v5 =	vadd.f32 v10, v5;
	v27 =	vld [tilespmem:$0x1FE40]  }
0x428: {  	[tilespmem:$0x1FF70] =	vst v54;
	v54 =	vld [tilespmem:$0x1FF80];
	v24 =	vpop (erf)  }
0x429: {  	v39, v28, _ =	vpop (xrf1);
	v63 =	vmov v56;
	v10 =	vmov v38;
	v38 =	vld [tilespmem:$0x1FFF0];
	(xrf1) =	vsort.dscd.msk.f32 $0xffff, v24, v0;
	v24 =	vmul.f32 $1.442695020e+00, v45  }
0x42a: {  	v30 =	vmul.f32 $7.500000000e-01, v30;
	v49 =	vmovc v53;
	v53 =	vmov v55;
	v55 =	vmov v7;
	[tilespmem:$0x1FEC0] =	vst v63;
	v63 =	vld.idx.msk [tilespmem:v2+s22+$0xFFFFFF00 ss:$0x1], $0xffff  }
0x42b: {  	[tilespmem:$0x1FF40] =	vst v55;
	v55 =	vadd.f32 v18, v5;
	v5 =	vmov v12;
	(erf) = vpow2.f32 v24;
	v24 =	vld [tilespmem:$0x1FEF0]  }
0x42c: {  	vm2 =	vle.f32 v29, v30;
	v56 =	vmov v27;
	[tilespmem:$0x1FF80] =	vst v5;
	v5 =	vld [tilespmem:$0x1FE50];
	v29 =	vpop (erf)  }
0x42d: {  	v40 =	vmul.f32 v40, v29;
	v29 =	vld [tilespmem:$0x1FE60]  }
0x42e: {  	v46 =	vmul.f32 v43, v43;
	[tilespmem:$0x1FEA0] =	vst v52  }
0x42f: {  	v52 =	vmov v51;
	v51 =	vld [tilespmem:$0x1FEE0];
	[tilespmem:$0x1FDE0] =	vst v56;
	v56 =	vmov v8  }
0x430: {  	v31 =	vmul.f32 v41, v31;
	(xrf2) =	vadd.scan.msk.f32 $0xffff, v46;
	v27, _, _ =	vpop (xrf2)  }
0x431: {  	v41 =	vmovc v38;
	v38 =	vmovc v54;
	v54 =	vmov v58;
	v12 =	vperm.xlane v27, v1;
	v27 =	vmov v24;
	v24 =	vld [tilespmem:$0x1FF90]  }
0x432: {  	[tilespmem:$0x1FF90] =	vst v56;
	v58 =	vmovc v5;
	v5 =	vmovc v15;
	v15 =	vmul.f32 $1.442695020e+00, v63;
	v56 =	vmov v57;
	v57 =	vmov v29;
	v29 =	vld [tilespmem:$0x1FF00]  }
0x433: {  	[tilespmem:$0x1FE50] =	vst v27;
	v27 =	vperm.xlane v22, v1  }
0x434: {  	[tilespmem:$0x1FED0] =	vst v52;
	v52 =	vmov v51  }
0x435: {  	(erf) = vrcp.f32 v27  }
0x436: {  	(erf) = vpow2.f32 v15;
	v15 =	vmov v13;
	v13 =	vld [tilespmem:$0x1FE70]  }
0x437: {  	[tilespmem:$0x1FE40] =	vst v52;
	v52 =	vmov v60;
	v60 =	vmov v29;
	v29 =	vld [tilespmem:$0x1FFA0]  }
0x438: {  	[tilespmem:$0x1FFA0] =	vst v15;
	v15 =	vld [tilespmem:$0x1FF10];
	_ =	sdelay $0x2  }
0x439: {  	vm3 =	vlt.f32 v12, $4.999949930e-01;
	v12 =	vmul.f32 $7.500000000e-01, v37  }
0x43a: {  	(xrf2) =	vadd.scan.msk.f32 $0xffff, v39;
	v8, _, _ =	vpop (xrf2);
	vm2 =	vmor vm2, vm3  }
0x43b: {  	v8 =	vperm.xlane v8, v1;
	vm3 =	vle.f32 v34, v12;
	v12 =	vld [tilespmem:$0x1FDF0];
	[tilespmem:$0x1FDF0] =	vst v57;
	v57 =	vmovc v13;
	v13 =	vmov v15  }
0x43c: {  	vm2 =	vmor vm2, vm0;
	[tilespmem:$0x1FE70] =	vst v13;
	v13 =	vld [tilespmem:$0x1FFB0]  }
0x43d: {  	vm4 =	vlt.f32 v8, $4.999949930e-01;
	v8 =	vnsel vm2, $0x0, v35  }
0x43e: {  	v7 =	vmov v32;
	v32 =	vmul.f32 v31, v31  }
0x43f: {  	v42, v18, _ =	vpop (xrf1)  }
0x440: {  	v51 =	vadd.f32 v32, v55;
	[tilespmem:v21+s15+$0x0] =	vst.idx.add.f32.msk $0xffff, v8;
	v8 =	vpop (erf)  }
0x441: {  	[tilespmem:$0x1FEE0] =	vst v38;
	v55 =	vmov v24;
	v38, v24, _ =	vpop (xrf1);
	(xrf1) =	vsort.dscd.msk.f32 $0xffff, v8, v0;
	v8 =	vmov v13;
	v13 =	vld [tilespmem:$0x1FF20]  }
0x442: {  	(xrf2) =	vadd.scan.msk.f32 $0xffff, v42;
	_ =	sdelay $0x1  }
0x443: {  	(xrf2) =	vadd.scan.msk.f32 $0xffff, v38  }
0x444: {  	v37, _, _ =	vpop (xrf2)  }
0x445: {  	[tilespmem:$0x1FF60] =	vst v41;
	v41 =	vperm.xlane v37, v1;
	vm2 =	vmor vm3, vm4;
	v34 =	vmov v13;
	v13 =	vld [tilespmem:$0x1FFC0]  }
0x446: {  	vm2 =	vmor vm2, vm0  }
0x447: {  	v30 =	vnsel vm2, $0x0, v43;
	(erf) = vrcp.f32 v41;
	[tilespmem:$0x1FEF0] =	vst v55  }
0x448: {  	[tilespmem:v25+s15+$0x0] =	vst.idx.add.f32.msk $0xffff, v30  }
0x449: {  	[tilespmem:v25+s16+$0x0] =	vst.idx.add.f32.msk $0xffff, v43;
	v55 =	vmov v12;
	v12 =	vmul.f32 v40, v40  }
0x44a: {  	[tilespmem:$0x1FFF0] =	vst v44;
	v63 =	vmovc v29;
	v44 =	vmov v13;
	v13 =	vmov v61;
	v61 =	vmov v3;
	v3 =	vld [tilespmem:$0x1FFD0]  }
0x44b: {  	(xrf2) =	vadd.scan.msk.f32 $0xffff, v12;
	v29, _, _ =	vpop (xrf2);
	[tilespmem:$0x1FF10] =	vst v8;
	v8 =	vmov v11;
	v11 =	vld.idx.msk [tilespmem:v2+s0+$0x180 ss:$0x1], $0xffff  }
0x44c: {  	[tilespmem:$0x1FE60] =	vst v60;
	v60 =	vmov v59;
	v15 =	vmov v14;
	v14, v30, _ =	vpop (xrf1);
	v25 =	vperm.xlane v29, v1  }
0x44d: {  	[tilespmem:$0x1FF00] =	vst v63;
	(xrf2) =	vadd.scan.msk.f32 $0xffff, v14;
	v63 =	vmov v6;
	v6 =	vmov v17;
	v17, _, _ =	vpop (xrf2)  }
0x44e: {  	v59 =	vmov v62;
	(xrf2) =	vadd.scan.msk.f32 $0xffff, v32;
	[tilespmem:$0x1FFB0] =	vst v8;
	v8 =	vpop (erf);
	(erf) = vrcp.f32 v25  }
0x44f: {  	[tilespmem:$0x1FFC0] =	vst v15;
	v15 =	vpop (erf);
	v62 =	vmov v3;
	v3 =	vmov v16;
	v16 =	vperm.xlane v17, v1  }
0x450: {  	v26 =	vmul.f32 v26, v8;
	(xrf1) =	vsort.dscd.msk.f32 $0xffff, v15, v0;
	v11 =	vmul.f32 $1.442695020e+00, v11;
	v15 =	vpop (erf)  }
0x451: {  	[tilespmem:v21+s16+$0x0] =	vst.idx.add.f32.msk $0xffff, v35;
	v39 =	vmul.f32 v39, v15;
	(erf) = vrcp.f32 v16  }
0x452: {  	v8 =	vmul.f32 v26, v26;
	[tilespmem:$0x1FDA0] =	vst v13;
	v13 =	vld.idx.msk [tilespmem:v2+s25+$0xFFFFFD80 ss:$0x1], $0xffff;
	(erf) = vpow2.f32 v11  }
0x453: {  	v15 =	vmul.f32 v39, v39  }
0x454: {  	(xrf2) =	vadd.scan.msk.f32 $0xffff, v8  }
0x455: {  	v21, _, _ =	vpop (xrf2);
	(xrf2) =	vadd.scan.msk.f32 $0xffff, v15  }
0x456: {  	[tilespmem:$0x1FFD0] =	vst v3;
	v3 =	vperm.xlane v21, v1;
	v21 =	vmul.f32 $7.500000000e-01, v36;
	v36, v32, _ =	vpop (xrf1)  }
0x457: {  	[tilespmem:$0x1FE80] =	vst v34;
	v34, _, _ =	vpop (xrf2);
	v13 =	vmul.f32 $1.442695020e+00, v13;
	(xrf2) =	vadd.scan.msk.f32 $0xffff, v36  }
0x458: {  	v43 =	vperm.xlane v34, v1;
	v11 =	vpop (erf);
	vm2 =	vle.f32 v33, v21  }
0x459: {  	vm3 =	vlt.f32 v3, $4.999949930e-01;
	(erf) = vpow2.f32 v13;
	v42 =	vmul.f32 v42, v11;
	v11, _, _ =	vpop (xrf2)  }
0x45a: {  	vm2 =	vmor vm2, vm3;
	v33 =	vpop (erf)  }
0x45b: {  	v11 =	vperm.xlane v11, v1;
	vm2 =	vmor vm2, vm0;
	(erf) = vrcp.f32 v43;
	v21 =	vpop (erf)  }
0x45c: {  	[tilespmem:$0x1FF20] =	vst v44;
	v13 =	vmul.f32 v42, v42;
	v35 =	vnsel vm2, $0x0, v40;
	(xrf1) =	vsort.dscd.msk.f32 $0xffff, v21, v0  }
0x45d: {  	[tilespmem:v23+s15+$0x0] =	vst.idx.add.f32.msk $0xffff, v35  }
0x45e: {  	v44, _, _ =	vpop (xrf2);
	vm2 =	vlt.f32 v11, $4.999949930e-01;
	(xrf2) =	vadd.scan.msk.f32 $0xffff, v13;
	[tilespmem:v23+s16+$0x0] =	vst.idx.add.f32.msk $0xffff, v40  }
0x45f: {  	vm1 =	vmor vm1, vm2;
	v40 =	vmul.f32 $7.500000000e-01, v41;
	v23 =	vld.idx.msk [tilespmem:v2+s24+$0x0 ss:$0x1], $0xffff;
	v11, _, _ =	vpop (xrf2)  }
0x460: {  	v9 =	vmov v46;
	vm1 =	vmor vm1, vm0;
	v35 =	vmul.f32 v38, v33;
	v46, v21, _ =	vpop (xrf1)  }
0x461: {  	v33 =	vnsel vm1, $0x0, v31;
	v38 =	vperm.xlane v11, v1;
	vm1 =	vle.f32 v37, v40;
	v37, _, _ =	vpop (xrf2);
	(xrf2) =	vadd.scan.msk.f32 $0xffff, v46  }
0x462: {  	v45 =	vpop (erf)  }
0x463: {  	[tilespmem:v20+s15+$0x0] =	vst.idx.add.f32.msk $0xffff, v33;
	(xrf1) =	vsort.dscd.msk.f32 $0xffff, v45, v0;
	vm2 =	vlt.f32 v38, $4.999949930e-01;
	v38 =	vperm.xlane v37, v1  }
0x464: {  	[tilespmem:v20+s16+$0x0] =	vst.idx.add.f32.msk $0xffff, v31;
	v23 =	vmul.f32 $1.442695020e+00, v23;
	v20 =	vpop (erf)  }
0x465: {  	vm1 =	vmor vm1, vm2;
	(erf) = vrcp.f32 v38;
	v40 =	vmul.f32 v14, v20  }
0x466: {  	v11 =	vmul.f32 v35, v35;
	vm1 =	vmor vm1, vm0  }
0x467: {  	v31 =	vnsel vm1, $0x0, v39;
	(erf) = vpow2.f32 v23;
	v14 =	vmul.f32 v40, v40  }
0x468: {  	(xrf2) =	vadd.scan.msk.f32 $0xffff, v11;
	[tilespmem:v28+s15+$0x0] =	vst.idx.add.f32.msk $0xffff, v31;
	v20, _, _ =	vpop (xrf2)  }
0x469: {  	v31 =	vmul.f32 $7.500000000e-01, v25;
	[tilespmem:v28+s16+$0x0] =	vst.idx.add.f32.msk $0xffff, v39;
	v28 =	vperm.xlane v20, v1;
	(xrf2) =	vadd.scan.msk.f32 $0xffff, v14  }
0x46a: {  	v23 =	vld.idx.msk [tilespmem:v2+s29+$0x280 ss:$0x1], $0xffff;
	v39, v20, _ =	vpop (xrf1)  }
0x46b: {  	v45 =	vmul.f32 $7.500000000e-01, v27;
	vm1 =	vle.f32 v29, v31;
	vm2 =	vlt.f32 v28, $4.999949930e-01;
	v25, _, _ =	vpop (xrf2);
	(xrf2) =	vadd.scan.msk.f32 $0xffff, v39  }
0x46c: {  	v28 =	vperm.xlane v44, v1;
	vm1 =	vmor vm1, vm2;
	v27 =	vperm.xlane v25, v1  }
0x46d: {  	vm1 =	vmor vm1, vm0  }
0x46e: {  	vm3 =	vlt.f32 v28, $4.999949930e-01;
	v28 =	vnsel vm1, $0x0, v42;
	(erf) = vrcp.f32 v27;
	v44 =	vpop (erf)  }
0x46f: {  	vm2 =	vle.f32 v22, v45;
	v23 =	vmul.f32 $1.442695020e+00, v23;
	[tilespmem:v18+s15+$0x0] =	vst.idx.add.f32.msk $0xffff, v28;
	v41 =	vmul.f32 v36, v44  }
0x470: {  	vm1 =	vmor vm2, vm3;
	[tilespmem:v18+s16+$0x0] =	vst.idx.add.f32.msk $0xffff, v42;
	v18 =	vpop (erf)  }
0x471: {  	v29, v22, _ =	vpop (xrf1);
	vm1 =	vmor vm1, vm0;
	(xrf1) =	vsort.dscd.msk.f32 $0xffff, v18, v0;
	v18 =	vmul.f32 v41, v41  }
0x472: {  	v31, _, _ =	vpop (xrf2);
	(xrf2) =	vadd.scan.msk.f32 $0xffff, v29;
	v3 =	vnsel vm1, $0x0, v26;
	(erf) = vpow2.f32 v23;
	v45 =	vld.idx.msk [tilespmem:v2+s23+$0xFFFFFE80 ss:$0x1], $0xffff  }
0x473: {  	[tilespmem:v19+s15+$0x0] =	vst.idx.add.f32.msk $0xffff, v3;
	v23, _, _ =	vpop (xrf2);
	(xrf2) =	vadd.scan.msk.f32 $0xffff, v18  }
0x474: {  	[tilespmem:v19+s16+$0x0] =	vst.idx.add.f32.msk $0xffff, v26  }
0x475: {  	v36 =	vmul.f32 $7.500000000e-01, v16;
	v19 =	vld.idx.msk [tilespmem:v2+s28+$0xFFFFFD00 ss:$0x1], $0xffff;
	v26, _, _ =	vpop (xrf2)  }
0x476: {  	v16 =	vmul.f32 $7.500000000e-01, v43;
	v28 =	vperm.xlane v26, v1  }
0x477: {  	v45 =	vmul.f32 $1.442695020e+00, v45;
	v23 =	vperm.xlane v23, v1;
	v42 =	vpop (erf)  }
0x478: {  	v33 =	vmul.f32 v46, v42;
	(erf) = vrcp.f32 v28  }
0x479: {  	vm1 =	vle.f32 v34, v16;
	vm2 =	vlt.f32 v23, $4.999949930e-01;
	(erf) = vpow2.f32 v45  }
0x47a: {  	v43 =	vmul.f32 $1.442695020e+00, v19;
	vm1 =	vmor vm1, vm2;
	v16 =	vmul.f32 v33, v33  }
0x47b: {  	v23 =	vperm.xlane v31, v1;
	v31 =	vpop (erf);
	vm1 =	vmor vm1, vm0  }
0x47c: {  	v19, _, _ =	vpop (xrf2);
	v3 =	vnsel vm1, $0x0, v40;
	(xrf2) =	vadd.scan.msk.f32 $0xffff, v16;
	(erf) = vpow2.f32 v43  }
0x47d: {  	vm2 =	vle.f32 v17, v36;
	vm1 =	vlt.f32 v23, $4.999949930e-01;
	[tilespmem:v30+s15+$0x0] =	vst.idx.add.f32.msk $0xffff, v3;
	v17, _, _ =	vpop (xrf2)  }
0x47e: {  	vm1 =	vmor vm2, vm1;
	[tilespmem:v30+s16+$0x0] =	vst.idx.add.f32.msk $0xffff, v40;
	v30 =	vmul.f32 $7.500000000e-01, v38;
	v3 =	vperm.xlane v17, v1  }
0x47f: {  	vm1 =	vmor vm1, vm0;
	v44 =	vld.idx.msk [tilespmem:v2+s26+$0x100 ss:$0x1], $0xffff  }
0x480: {  	v45 =	vnsel vm1, $0x0, v35;
	vm1 =	vle.f32 v37, v30;
	vm2 =	vlt.f32 v3, $4.999949930e-01  }
0x481: {  	p1 =	sne.s32 s12, $0x1E000;
	[tilespmem:v24+s15+$0x0] =	vst.idx.add.f32.msk $0xffff, v45;
	vm1 =	vmor vm1, vm2;
	v17 =	vpop (erf)  }
.Ltmp0:
0x482: {  	(xrf1) =	vsort.dscd.msk.f32 $0xffff, v31, v0;
	[tilespmem:v24+s16+$0x0] =	vst.idx.add.f32.msk $0xffff, v35;
	vm1 =	vmor vm1, vm0;
	v24 =	vpop (erf);
	v30 =	vmul.f32 v39, v17;
	(pc) =	sbr.rel @p1 .LBB2_3-.Ltmp0, $4  }
0x483: {  	v31 =	vperm.xlane v19, v1;
	v34, v23, _ =	vpop (xrf1);
	v35 =	vld.idx.msk [tilespmem:v2+s30+$0xFFFFFC80 ss:$0x1], $0xffff;
	(xrf1) =	vsort.dscd.msk.f32 $0xffff, v24, v0;
	v24 =	vnsel vm1, $0x0, v41  }
0x484: {  	v46 =	vmul.f32 $1.442695020e+00, v44;
	v17 =	vmul.f32 v30, v30;
	[tilespmem:v32+s15+$0x0] =	vst.idx.add.f32.msk $0xffff, v24  }
0x485: {  	(erf) = vrcp.f32 v31;
	(xrf2) =	vadd.scan.msk.f32 $0xffff, v34;
	v36 =	vpop (erf);
	[tilespmem:v32+s16+$0x0] =	vst.idx.add.f32.msk $0xffff, v41  }
0x486: {  	s12 =	sadd.s32 $0x2000, s12;
	v37, _, _ =	vpop (xrf2);
	(erf) = vpow2.f32 v46;
	(xrf2) =	vadd.scan.msk.f32 $0xffff, v17;
	v32 =	vld.idx.msk [tilespmem:v2+s31+$0x380 ss:$0x1], $0xffff;
	s31 =	smov.u32 s29;
	s29 =	smov.u32 s0  }
0x487: {  	_ =	sdelay $0x7  }
0x488: {  	v27 =	vmul.f32 $7.500000000e-01, v27;
	v37 =	vperm.xlane v37, v1;
	v38 =	vpop (erf)  }
0x489: {  	v29 =	vmul.f32 v29, v38;
	v39, v24, _ =	vpop (xrf1)  }
0x48a: {  	vm1 =	vle.f32 v25, v27;
	vm2 =	vlt.f32 v37, $4.999949930e-01;
	(xrf2) =	vadd.scan.msk.f32 $0xffff, v39  }
0x48b: {  	vm1 =	vmor vm1, vm2;
	v38, _, _ =	vpop (xrf2);
	v3 =	vmul.f32 v29, v29  }
0x48c: {  	vm1 =	vmor vm1, vm0;
	(xrf1) =	vsort.dscd.msk.f32 $0xffff, v36, v0;
	v25 =	vperm.xlane v38, v1  }
0x48d: {  	v37 =	vmul.f32 $1.442695020e+00, v32;
	v41 =	vnsel vm1, $0x0, v33;
	[tilespmem:$0x1FAA0] =	vst v3  }
0x48e: {  	(erf) = vrcp.f32 v25;
	[tilespmem:v21+s15+$0x0] =	vst.idx.add.f32.msk $0xffff, v41  }
0x48f: {  	v42 =	vpop (erf);
	(erf) = vpow2.f32 v37;
	(xrf2) =	vadd.scan.msk.f32 $0xffff, v3;
	[tilespmem:v21+s16+$0x0] =	vst.idx.add.f32.msk $0xffff, v33  }
0x490: {  	(xrf1) =	vsort.dscd.msk.f32 $0xffff, v42, v0;
	v21 =	vld.idx.msk [tilespmem:v2+s22+$0xFFFFFF80 ss:$0x1], $0xffff;
	_ =	sdelay $0x1  }
0x491: {  	v40 =	vmul.f32 $1.442695020e+00, v35;
	v43, _, _ =	vpop (xrf2)  }
0x492: {  	v32, v33, _ =	vpop (xrf1)  }
0x493: {  	(erf) = vpow2.f32 v40;
	v35, _, _ =	vpop (xrf2)  }
0x494: {  	(xrf2) =	vadd.scan.msk.f32 $0xffff, v32;
	v21 =	vmul.f32 $1.442695020e+00, v21;
	v36 =	vperm.xlane v35, v1  }
0x495: {  	v28 =	vmul.f32 $7.500000000e-01, v28;
	v27 =	vperm.xlane v43, v1  }
0x496: {  	v44 =	vpop (erf);
	(erf) = vrcp.f32 v36  }
0x497: {  	vm1 =	vle.f32 v26, v28;
	vm2 =	vlt.f32 v27, $4.999949930e-01;
	v40 =	vpop (erf)  }
0x498: {  	v31 =	vmul.f32 $7.500000000e-01, v31;
	vm1 =	vmor vm1, vm2;
	v27 =	vmul.f32 v34, v44;
	v45, _, _ =	vpop (xrf2)  }
0x499: {  	vm1 =	vmor vm1, vm0;
	(xrf1) =	vsort.dscd.msk.f32 $0xffff, v40, v0;
	v26 =	vperm.xlane v45, v1;
	(erf) = vpow2.f32 v21;
	v28, v21, _ =	vpop (xrf1)  }
0x49a: {  	v37 =	vnsel vm1, $0x0, v30;
	v3 =	vmul.f32 v27, v27;
	(xrf2) =	vadd.scan.msk.f32 $0xffff, v28  }
0x49b: {  	vm1 =	vle.f32 v19, v31;
	[tilespmem:v20+s15+$0x0] =	vst.idx.add.f32.msk $0xffff, v37;
	vm2 =	vlt.f32 v26, $4.999949930e-01  }
0x49c: {  	v46 =	vpop (erf);
	[tilespmem:$0x1F920] =	vst v3;
	vm1 =	vmor vm1, vm2  }
0x49d: {  	[tilespmem:v20+s16+$0x0] =	vst.idx.add.f32.msk $0xffff, v30;
	v30, v31, _ =	vpop (xrf1);
	vm1 =	vmor vm1, vm0  }
0x49e: {  	(xrf1) =	vsort.dscd.msk.f32 $0xffff, v46, v0;
	v26, _, _ =	vpop (xrf2);
	v40 =	vld.idx.msk [tilespmem:v2+s29+$0x200 ss:$0x1], $0xffff;
	v41 =	vnsel vm1, $0x0, v29  }
0x49f: {  	(xrf2) =	vadd.scan.msk.f32 $0xffff, v3;
	[tilespmem:v22+s15+$0x0] =	vst.idx.add.f32.msk $0xffff, v41;
	v42 =	vpop (erf)  }
0x4a0: {  	(xrf2) =	vadd.scan.msk.f32 $0xffff, v30;
	v34 =	vperm.xlane v26, v1;
	[tilespmem:v22+s16+$0x0] =	vst.idx.add.f32.msk $0xffff, v29;
	v22 =	vmul.f32 v39, v42  }
0x4a1: {  	v43 =	vld.idx.msk [tilespmem:v2+s25+$0xFFFFFE00 ss:$0x1], $0xffff  }
0x4a2: {  	(erf) = vrcp.f32 v34;
	v3 =	vmul.f32 v22, v22  }
0x4a3: {  	v19 =	vmul.f32 $1.442695020e+00, v40  }
0x4a4: {  	v29, _, _ =	vpop (xrf2)  }
0x4a5: {  	v44 =	vpop (erf);
	(erf) = vpow2.f32 v19;
	(xrf2) =	vadd.scan.msk.f32 $0xffff, v3;
	v37 =	vperm.xlane v29, v1  }
0x4a6: {  	(xrf1) =	vsort.dscd.msk.f32 $0xffff, v44, v0;
	v45 =	vmul.f32 $1.442695020e+00, v43  }
0x4a7: {  	[tilespmem:$0x1F850] =	vst v3;
	(erf) = vrcp.f32 v37;
	v39, v3, _ =	vpop (xrf1)  }
0x4a8: {  	(erf) = vpow2.f32 v45;
	(xrf2) =	vadd.scan.msk.f32 $0xffff, v39  }
0x4a9: {  	v46, _, _ =	vpop (xrf2)  }
0x4aa: {  	v25 =	vmul.f32 $7.500000000e-01, v25;
	v41, _, _ =	vpop (xrf2)  }
0x4ab: {  	v42 =	vperm.xlane v41, v1;
	v43 =	vpop (erf)  }
0x4ac: {  	vm1 =	vle.f32 v38, v25;
	v20 =	vperm.xlane v46, v1;
	v25 =	vmul.f32 v32, v43  }
0x4ad: {  	v40, v19, _ =	vpop (xrf1);
	(erf) = vrcp.f32 v42  }
0x4ae: {  	vm2 =	vlt.f32 v20, $4.999949930e-01;
	[tilespmem:$0x1F820] =	vst v3;
	v3 =	vmul.f32 v25, v25;
	v44 =	vpop (erf)  }
0x4af: {  	vm1 =	vmor vm1, vm2;
	v32, _, _ =	vpop (xrf2)  }
0x4b0: {  	vm1 =	vmor vm1, vm0;
	v46 =	vpop (erf)  }
0x4b1: {  	(xrf2) =	vadd.scan.msk.f32 $0xffff, v40;
	v45 =	vnsel vm1, $0x0, v27;
	[tilespmem:$0x1FA20] =	vst v3;
	v43 =	vpop (erf)  }
0x4b2: {  	(xrf2) =	vadd.scan.msk.f32 $0xffff, v3;
	[tilespmem:v23+s15+$0x0] =	vst.idx.add.f32.msk $0xffff, v45;
	v3, _, _ =	vpop (xrf2)  }
0x4b3: {  	(xrf1) =	vsort.dscd.msk.f32 $0xffff, v44, v0;
	[tilespmem:$0x1F7E0] =	vst v3  }
0x4b4: {  	(xrf1) =	vsort.dscd.msk.f32 $0xffff, v43, v0;
	[tilespmem:v23+s16+$0x0] =	vst.idx.add.f32.msk $0xffff, v27;
	v27, v43, _ =	vpop (xrf1)  }
0x4b5: {  	v36 =	vmul.f32 $7.500000000e-01, v36;
	v23 =	vld.idx.msk [tilespmem:v2+s24+$0x80 ss:$0x1], $0xffff;
	(xrf2) =	vadd.scan.msk.f32 $0xffff, v27  }
0x4b6: {  	v32 =	vperm.xlane v32, v1;
	v28 =	vmul.f32 v28, v46;
	v44 =	vpop (erf)  }
0x4b7: {  	v30 =	vmul.f32 v30, v44;
	v3 =	vperm.xlane v3, v1  }
0x4b8: {  	vm1 =	vle.f32 v35, v36;
	vm2 =	vlt.f32 v32, $4.999949930e-01;
	v45 =	vmul.f32 v28, v28  }
0x4b9: {  	vm1 =	vmor vm1, vm2;
	[tilespmem:$0x1F7D0] =	vst v3;
	(erf) = vrcp.f32 v3;
	v3 =	vmul.f32 v30, v30  }
0x4ba: {  	vm1 =	vmor vm1, vm0;
	[tilespmem:$0x1FB30] =	vst v45;
	(xrf2) =	vadd.scan.msk.f32 $0xffff, v45;
	v23 =	vmul.f32 $1.442695020e+00, v23  }
0x4bb: {  	v46 =	vnsel vm1, $0x0, v22;
	[tilespmem:$0x1F8C0] =	vst v3  }
0x4bc: {  	v20, _, _ =	vpop (xrf2);
	(xrf2) =	vadd.scan.msk.f32 $0xffff, v3;
	[tilespmem:v24+s15+$0x0] =	vst.idx.add.f32.msk $0xffff, v46;
	(erf) = vpow2.f32 v23  }
0x4bd: {  	v32, _, _ =	vpop (xrf2);
	[tilespmem:v24+s16+$0x0] =	vst.idx.add.f32.msk $0xffff, v22  }
0x4be: {  	v35 =	vmul.f32 $7.500000000e-01, v34;
	v24 =	vld.idx.msk [tilespmem:v2+s31+$0x300 ss:$0x1], $0xffff;
	v23 =	vperm.xlane v32, v1  }
0x4bf: {  	v32, _, _ =	vpop (xrf2)  }
0x4c0: {  	vm1 =	vle.f32 v26, v35;
	vm2 =	vlt.f32 v23, $4.999949930e-01;
	v34 =	vperm.xlane v32, v1  }
0x4c1: {  	vm1 =	vmor vm1, vm2  }
0x4c2: {  	v23, v26, _ =	vpop (xrf1);
	vm1 =	vmor vm1, vm0;
	(erf) = vrcp.f32 v34  }
0x4c3: {  	v38 =	vmul.f32 $1.442695020e+00, v24;
	v24 =	vpop (erf);
	(xrf2) =	vadd.scan.msk.f32 $0xffff, v23;
	v36 =	vnsel vm1, $0x0, v25  }
0x4c4: {  	v22, _, _ =	vpop (xrf2)  }
0x4c5: {  	[tilespmem:v33+s15+$0x0] =	vst.idx.add.f32.msk $0xffff, v36;
	(erf) = vpow2.f32 v38;
	v44 =	vpop (erf)  }
0x4c6: {  	v45, _, _ =	vpop (xrf2);
	[tilespmem:v33+s16+$0x0] =	vst.idx.add.f32.msk $0xffff, v25;
	(xrf1) =	vsort.dscd.msk.f32 $0xffff, v44, v0  }
0x4c7: {  	v25 =	vld.idx.msk [tilespmem:v2+s23+$0xFFFFFF00 ss:$0x1], $0xffff;
	v35, v36, _ =	vpop (xrf1)  }
0x4c8: {  	v46 =	vmul.f32 $7.500000000e-01, v42;
	v33 =	vperm.xlane v45, v1;
	(xrf2) =	vadd.scan.msk.f32 $0xffff, v35  }
0x4c9: {  	v42 =	vperm.xlane v20, v1  }
0x4ca: {  	v37 =	vmul.f32 $7.500000000e-01, v37;
	vm1 =	vle.f32 v41, v46;
	vm2 =	vlt.f32 v33, $4.999949930e-01  }
0x4cb: {  	v22 =	vperm.xlane v22, v1;
	(erf) = vrcp.f32 v42;
	vm1 =	vmor vm1, vm2;
	v44 =	vpop (erf)  }
0x4cc: {  	vm1 =	vmor vm1, vm0;
	v25 =	vmul.f32 $1.442695020e+00, v25;
	v27 =	vmul.f32 v27, v44  }
0x4cd: {  	vm2 =	vlt.f32 v22, $4.999949930e-01;
	v45 =	vnsel vm1, $0x0, v30;
	v33, _, _ =	vpop (xrf2)  }
0x4ce: {  	vm1 =	vle.f32 v29, v37;
	[tilespmem:v31+s15+$0x0] =	vst.idx.add.f32.msk $0xffff, v45;
	(erf) = vpow2.f32 v25;
	v46 =	vpop (erf);
	v3 =	vmul.f32 v27, v27  }
0x4cf: {  	vm1 =	vmor vm1, vm2;
	[tilespmem:v31+s16+$0x0] =	vst.idx.add.f32.msk $0xffff, v30;
	v25 =	vperm.xlane v33, v1;
	(xrf1) =	vsort.dscd.msk.f32 $0xffff, v46, v0  }
0x4d0: {  	vm1 =	vmor vm1, vm0;
	[tilespmem:$0x1F9A0] =	vst v3  }
0x4d1: {  	v44 =	vnsel vm1, $0x0, v28;
	(erf) = vrcp.f32 v25;
	v41 =	vld.idx.msk [tilespmem:v2+s26+$0x180 ss:$0x1], $0xffff  }
0x4d2: {  	(xrf2) =	vadd.scan.msk.f32 $0xffff, v3;
	v30, _, _ =	vpop (xrf2);
	[tilespmem:v21+s15+$0x0] =	vst.idx.add.f32.msk $0xffff, v44  }
0x4d3: {  	[tilespmem:v21+s16+$0x0] =	vst.idx.add.f32.msk $0xffff, v28;
	v28 =	vperm.xlane v30, v1  }
0x4d4: {  	v31, v22, _ =	vpop (xrf1)  }
0x4d5: {  	v46 =	vmul.f32 v39, v24;
	v39 =	vpop (erf);
	(erf) = vrcp.f32 v28;
	(xrf2) =	vadd.scan.msk.f32 $0xffff, v31  }
0x4d6: {  	v45 =	vmul.f32 $1.442695020e+00, v41  }
0x4d7: {  	v44 =	vpop (erf)  }
0x4d8: {  	(xrf1) =	vsort.dscd.msk.f32 $0xffff, v44, v0;
	v41 =	vld.idx.msk [tilespmem:v2+s28+$0xFFFFFD80 ss:$0x1], $0xffff;
	(erf) = vpow2.f32 v45;
	v45 =	vmul.f32 v46, v46  }
0x4d9: {  	v24 =	vmul.f32 v40, v39  }
0x4da: {  	v40 =	vpop (erf);
	(xrf2) =	vadd.scan.msk.f32 $0xffff, v45  }
0x4db: {  	v3 =	vmul.f32 v24, v24;
	v37 =	vmul.f32 v23, v40  }
0x4dc: {  	[tilespmem:$0x1F840] =	vst v45;
	v44, _, _ =	vpop (xrf2);
	v45 =	vmul.f32 $7.500000000e-01, v34  }
0x4dd: {  	[tilespmem:$0x1FBC0] =	vst v3;
	(xrf2) =	vadd.scan.msk.f32 $0xffff, v3;
	v41 =	vmul.f32 $1.442695020e+00, v41;
	v3 =	vmul.f32 v37, v37;
	v29, v34, _ =	vpop (xrf1)  }
0x4de: {  	v21 =	vperm.xlane v44, v1;
	v39 =	vpop (erf)  }
0x4df: {  	(erf) = vpow2.f32 v41;
	(xrf2) =	vadd.scan.msk.f32 $0xffff, v3;
	v35 =	vmul.f32 v35, v39;
	v38, _, _ =	vpop (xrf2)  }
0x4e0: {  	vm1 =	vle.f32 v32, v45;
	vm2 =	vlt.f32 v21, $4.999949930e-01;
	(xrf2) =	vadd.scan.msk.f32 $0xffff, v29;
	v32 =	vperm.xlane v38, v1  }
0x4e1: {  	[tilespmem:$0x1F880] =	vst v3;
	vm1 =	vmor vm1, vm2;
	v3 =	vmul.f32 v35, v35  }
0x4e2: {  	vm1 =	vmor vm1, vm0;
	v40 =	vpop (erf);
	(erf) = vrcp.f32 v32  }
0x4e3: {  	v41 =	vnsel vm1, $0x0, v27;
	(xrf1) =	vsort.dscd.msk.f32 $0xffff, v40, v0;
	[tilespmem:$0x1FAB0] =	vst v3  }
0x4e4: {  	[tilespmem:v43+s15+$0x0] =	vst.idx.add.f32.msk $0xffff, v41;
	v44, _, _ =	vpop (xrf2)  }
0x4e5: {  	[tilespmem:$0x1F7F0] =	vst v44  }
0x4e6: {  	v41, v21, _ =	vpop (xrf1);
	(xrf2) =	vadd.scan.msk.f32 $0xffff, v3;
	[tilespmem:v43+s16+$0x0] =	vst.idx.add.f32.msk $0xffff, v27  }
0x4e7: {  	v27, _, _ =	vpop (xrf2);
	v39 =	vld.idx.msk [tilespmem:v2+s22+$0x0 ss:$0x1], $0xffff  }
0x4e8: {  	v23 =	vpop (erf);
	(xrf2) =	vadd.scan.msk.f32 $0xffff, v41  }
0x4e9: {  	v45, _, _ =	vpop (xrf2)  }
0x4ea: {  	v25 =	vmul.f32 $7.500000000e-01, v25;
	v43, _, _ =	vpop (xrf2)  }
0x4eb: {  	(xrf1) =	vsort.dscd.msk.f32 $0xffff, v23, v0;
	v23 =	vperm.xlane v45, v1;
	v40 =	vperm.xlane v43, v1;
	v45 =	vpop (erf)  }
0x4ec: {  	v44 =	vmul.f32 $1.442695020e+00, v39;
	v31 =	vmul.f32 v31, v45  }
0x4ed: {  	vm1 =	vle.f32 v33, v25;
	vm2 =	vlt.f32 v23, $4.999949930e-01;
	(erf) = vrcp.f32 v40  }
0x4ee: {  	vm1 =	vmor vm1, vm2;
	(erf) = vpow2.f32 v44;
	v3 =	vmul.f32 v31, v31  }
0x4ef: {  	vm1 =	vmor vm1, vm0  }
0x4f0: {  	v39 =	vnsel vm1, $0x0, v37;
	v33, _, _ =	vpop (xrf2);
	[tilespmem:$0x1F930] =	vst v3  }
0x4f1: {  	v28 =	vmul.f32 $7.500000000e-01, v28;
	v44 =	vperm.xlane v33, v1;
	(xrf2) =	vadd.scan.msk.f32 $0xffff, v3;
	v33, v23, _ =	vpop (xrf1);
	[tilespmem:v26+s15+$0x0] =	vst.idx.add.f32.msk $0xffff, v39  }
0x4f2: {  	v45 =	vmul.f32 $7.500000000e-01, v42;
	(xrf2) =	vadd.scan.msk.f32 $0xffff, v33;
	[tilespmem:v26+s16+$0x0] =	vst.idx.add.f32.msk $0xffff, v37;
	v26, _, _ =	vpop (xrf2)  }
0x4f3: {  	vm1 =	vle.f32 v30, v28;
	vm2 =	vlt.f32 v44, $4.999949930e-01;
	v25 =	vld.idx.msk [tilespmem:v2+s29+$0x280 ss:$0x1], $0xffff;
	v30 =	vperm.xlane v26, v1  }
0x4f4: {  	vm1 =	vmor vm1, vm2  }
0x4f5: {  	vm1 =	vmor vm1, vm0;
	(erf) = vrcp.f32 v30  }
0x4f6: {  	v27 =	vperm.xlane v27, v1;
	v42 =	vnsel vm1, $0x0, v35;
	v44 =	vpop (erf)  }
0x4f7: {  	vm1 =	vle.f32 v20, v45;
	[tilespmem:v36+s15+$0x0] =	vst.idx.add.f32.msk $0xffff, v42;
	v20 =	vmul.f32 v29, v44;
	v45 =	vpop (erf)  }
0x4f8: {  	vm2 =	vlt.f32 v27, $4.999949930e-01;
	[tilespmem:v36+s16+$0x0] =	vst.idx.add.f32.msk $0xffff, v35;
	(xrf1) =	vsort.dscd.msk.f32 $0xffff, v45, v0;
	v25 =	vmul.f32 $1.442695020e+00, v25  }
0x4f9: {  	vm1 =	vmor vm1, vm2;
	v28, v29, _ =	vpop (xrf1);
	v36 =	vld.idx.msk [tilespmem:v2+s25+$0xFFFFFE80 ss:$0x1], $0xffff;
	v3 =	vmul.f32 v20, v20  }
0x4fa: {  	vm1 =	vmor vm1, vm0;
	(xrf2) =	vadd.scan.msk.f32 $0xffff, v28;
	(erf) = vpow2.f32 v25  }
0x4fb: {  	v37 =	vnsel vm1, $0x0, v24;
	[tilespmem:$0x1F860] =	vst v3;
	v39, _, _ =	vpop (xrf2)  }
0x4fc: {  	[tilespmem:v19+s15+$0x0] =	vst.idx.add.f32.msk $0xffff, v37;
	v25, _, _ =	vpop (xrf2)  }
0x4fd: {  	v42 =	vmul.f32 $7.500000000e-01, v32;
	(xrf2) =	vadd.scan.msk.f32 $0xffff, v3;
	[tilespmem:v19+s16+$0x0] =	vst.idx.add.f32.msk $0xffff, v24;
	v19 =	vperm.xlane v25, v1  }
0x4fe: {  	v35 =	vperm.xlane v39, v1;
	v27 =	vmul.f32 $1.442695020e+00, v36;
	v44 =	vld.idx.msk [tilespmem:v2+s30+$0xFFFFFD00 ss:$0x1], $0xffff;
	v45 =	vpop (erf)  }
0x4ff: {  	(erf) = vrcp.f32 v19;
	v24 =	vmul.f32 v41, v45  }
0x500: {  	vm1 =	vle.f32 v38, v42;
	vm2 =	vlt.f32 v35, $4.999949930e-01;
	(erf) = vpow2.f32 v27  }
0x501: {  	vm1 =	vmor vm1, vm2;
	v3 =	vmul.f32 v24, v24  }
0x502: {  	vm1 =	vmor vm1, vm0  }
0x503: {  	v38 =	vnsel vm1, $0x0, v31;
	v36 =	vmul.f32 $1.442695020e+00, v44;
	v37 =	vpop (erf);
	[tilespmem:$0x1FA30] =	vst v3  }
0x504: {  	v32, _, _ =	vpop (xrf2);
	(xrf1) =	vsort.dscd.msk.f32 $0xffff, v37, v0;
	[tilespmem:v22+s15+$0x0] =	vst.idx.add.f32.msk $0xffff, v38  }
0x505: {  	v27 =	vperm.xlane v32, v1;
	(erf) = vpow2.f32 v36;
	(xrf2) =	vadd.scan.msk.f32 $0xffff, v3;
	[tilespmem:v22+s16+$0x0] =	vst.idx.add.f32.msk $0xffff, v31  }
0x506: {  	v31, v35, _ =	vpop (xrf1);
	v44 =	vld.idx.msk [tilespmem:v2+s24+$0x100 ss:$0x1], $0xffff  }
0x507: {  	v39, _, _ =	vpop (xrf2);
	(erf) = vrcp.f32 v27;
	(xrf2) =	vadd.scan.msk.f32 $0xffff, v31  }
0x508: {  	v45 =	vpop (erf)  }
0x509: {  	v42 =	vmul.f32 $7.500000000e-01, v40;
	v41 =	vperm.xlane v39, v1;
	v39 =	vpop (erf)  }
0x50a: {  	(xrf1) =	vsort.dscd.msk.f32 $0xffff, v39, v0  }
0x50b: {  	vm1 =	vle.f32 v43, v42;
	vm2 =	vlt.f32 v41, $4.999949930e-01;
	v40 =	vmul.f32 $1.442695020e+00, v44  }
0x50c: {  	vm1 =	vmor vm1, vm2;
	v33 =	vmul.f32 v33, v45  }
0x50d: {  	vm1 =	vmor vm1, vm0;
	(erf) = vpow2.f32 v40  }
0x50e: {  	v41 =	vnsel vm1, $0x0, v20;
	v3 =	vmul.f32 v33, v33;
	v42 =	vpop (erf)  }
0x50f: {  	[tilespmem:v34+s15+$0x0] =	vst.idx.add.f32.msk $0xffff, v41;
	v43, _, _ =	vpop (xrf2)  }
0x510: {  	[tilespmem:v34+s16+$0x0] =	vst.idx.add.f32.msk $0xffff, v20;
	v44 =	vpop (erf);
	(xrf2) =	vadd.scan.msk.f32 $0xffff, v3  }
0x511: {  	v30 =	vmul.f32 $7.500000000e-01, v30;
	[tilespmem:$0x1F8D0] =	vst v3;
	(xrf1) =	vsort.dscd.msk.f32 $0xffff, v42, v0;
	v37, _, _ =	vpop (xrf2)  }
0x512: {  	v34 =	vld.idx.msk [tilespmem:v2+s31+$0x380 ss:$0x1], $0xffff;
	v28 =	vmul.f32 v28, v44;
	v22 =	vperm.xlane v43, v1;
	v36, v38, _ =	vpop (xrf1)  }
0x513: {  	v39 =	vperm.xlane v37, v1;
	(xrf2) =	vadd.scan.msk.f32 $0xffff, v36  }
0x514: {  	vm1 =	vle.f32 v26, v30;
	vm2 =	vlt.f32 v22, $4.999949930e-01;
	v3 =	vmul.f32 v28, v28  }
0x515: {  	vm1 =	vmor vm1, vm2;
	(erf) = vrcp.f32 v39  }
0x516: {  	vm1 =	vmor vm1, vm0;
	(xrf2) =	vadd.scan.msk.f32 $0xffff, v3;
	v26 =	vpop (erf)  }
0x517: {  	[tilespmem:$0x1FB40] =	vst v3;
	v45 =	vmul.f32 $1.442695020e+00, v34;
	v30 =	vnsel vm1, $0x0, v24;
	(xrf1) =	vsort.dscd.msk.f32 $0xffff, v26, v0  }
0x518: {  	[tilespmem:v21+s15+$0x0] =	vst.idx.add.f32.msk $0xffff, v30;
	v22, v26, _ =	vpop (xrf1)  }
0x519: {  	(erf) = vpow2.f32 v45;
	[tilespmem:v21+s16+$0x0] =	vst.idx.add.f32.msk $0xffff, v24;
	(xrf2) =	vadd.scan.msk.f32 $0xffff, v22  }
0x51a: {  	v19 =	vmul.f32 $7.500000000e-01, v19;
	v20 =	vld.idx.msk [tilespmem:v2+s23+$0xFFFFFF80 ss:$0x1], $0xffff  }
0x51b: {  	v34, _, _ =	vpop (xrf2)  }
0x51c: {  	v21 =	vperm.xlane v34, v1  }
0x51d: {  	v24, _, _ =	vpop (xrf2)  }
0x51e: {  	vm1 =	vle.f32 v25, v19;
	vm2 =	vlt.f32 v21, $4.999949930e-01;
	v40 =	vpop (erf);
	v21 =	vperm.xlane v24, v1  }
0x51f: {  	vm1 =	vmor vm1, vm2;
	v41 =	vmul.f32 $1.442695020e+00, v20;
	v20, v19, _ =	vpop (xrf1);
	v25 =	vmul.f32 v31, v40  }
0x520: {  	v27 =	vmul.f32 $7.500000000e-01, v27;
	vm1 =	vmor vm1, vm0;
	v43, _, _ =	vpop (xrf2);
	(erf) = vrcp.f32 v21  }
0x521: {  	v44 =	vnsel vm1, $0x0, v33;
	(xrf2) =	vadd.scan.msk.f32 $0xffff, v20;
	v45 =	vperm.xlane v43, v1;
	v3 =	vmul.f32 v25, v25  }
0x522: {  	vm1 =	vle.f32 v32, v27;
	v42 =	vpop (erf);
	[tilespmem:v23+s15+$0x0] =	vst.idx.add.f32.msk $0xffff, v44  }
0x523: {  	(xrf1) =	vsort.dscd.msk.f32 $0xffff, v42, v0;
	(erf) = vpow2.f32 v41;
	vm2 =	vlt.f32 v45, $4.999949930e-01;
	[tilespmem:$0x1F9B0] =	vst v3;
	v30, _, _ =	vpop (xrf2)  }
0x524: {  	(xrf2) =	vadd.scan.msk.f32 $0xffff, v3;
	vm1 =	vmor vm1, vm2;
	[tilespmem:v23+s16+$0x0] =	vst.idx.add.f32.msk $0xffff, v33;
	v33 =	vperm.xlane v30, v1  }
0x525: {  	vm1 =	vmor vm1, vm0;
	v23, v27, _ =	vpop (xrf1)  }
0x526: {  	v31 =	vld.idx.msk [tilespmem:v2+s26+$0x200 ss:$0x1], $0xffff;
	v40 =	vnsel vm1, $0x0, v28;
	(erf) = vrcp.f32 v33;
	(xrf2) =	vadd.scan.msk.f32 $0xffff, v23  }
0x527: {  	[tilespmem:v29+s15+$0x0] =	vst.idx.add.f32.msk $0xffff, v40  }
0x528: {  	[tilespmem:v29+s16+$0x0] =	vst.idx.add.f32.msk $0xffff, v28  }
0x529: {  	v28 =	vld.idx.msk [tilespmem:v2+s28+$0xFFFFFE00 ss:$0x1], $0xffff;
	v41 =	vpop (erf)  }
0x52a: {  	v32 =	vmul.f32 v36, v41  }
0x52b: {  	v29, _, _ =	vpop (xrf2);
	v31 =	vmul.f32 $1.442695020e+00, v31  }
0x52c: {  	v42 =	vpop (erf);
	v3 =	vmul.f32 v32, v32  }
0x52d: {  	(erf) = vpow2.f32 v31;
	(xrf1) =	vsort.dscd.msk.f32 $0xffff, v42, v0;
	v31 =	vperm.xlane v29, v1  }
0x52e: {  	v43, _, _ =	vpop (xrf2);
	v28 =	vmul.f32 $1.442695020e+00, v28  }
0x52f: {  	v44 =	vmul.f32 $7.500000000e-01, v39;
	(erf) = vrcp.f32 v31;
	v45 =	vpop (erf)  }
0x530: {  	v34 =	vperm.xlane v43, v1;
	(xrf2) =	vadd.scan.msk.f32 $0xffff, v3;
	(erf) = vpow2.f32 v28;
	v36, _, _ =	vpop (xrf2)  }
0x531: {  	[tilespmem:$0x1F890] =	vst v3;
	v22 =	vmul.f32 v22, v45;
	v40, v3, _ =	vpop (xrf1)  }
0x532: {  	vm1 =	vle.f32 v37, v44;
	vm2 =	vlt.f32 v34, $4.999949930e-01;
	v34 =	vperm.xlane v36, v1;
	(xrf2) =	vadd.scan.msk.f32 $0xffff, v40  }
0x533: {  	vm1 =	vmor vm1, vm2;
	[tilespmem:$0x1F830] =	vst v3;
	v3 =	vmul.f32 v22, v22  }
0x534: {  	vm1 =	vmor vm1, vm0;
	(erf) = vrcp.f32 v34  }
0x535: {  	v41 =	vnsel vm1, $0x0, v25;
	[tilespmem:$0x1FAC0] =	vst v3  }
0x536: {  	v39 =	vpop (erf);
	(xrf2) =	vadd.scan.msk.f32 $0xffff, v3;
	[tilespmem:v35+s15+$0x0] =	vst.idx.add.f32.msk $0xffff, v41  }
0x537: {  	(xrf1) =	vsort.dscd.msk.f32 $0xffff, v39, v0;
	[tilespmem:v35+s16+$0x0] =	vst.idx.add.f32.msk $0xffff, v25  }
0x538: {  	v35 =	vpop (erf);
	v28 =	vld.idx.msk [tilespmem:v2+s22+$0x80 ss:$0x1], $0xffff  }
0x539: {  	v43 =	vpop (erf)  }
0x53a: {  	v21 =	vmul.f32 $7.500000000e-01, v21;
	v42, _, _ =	vpop (xrf2)  }
0x53b: {  	v25 =	vperm.xlane v42, v1;
	v37, v39, _ =	vpop (xrf1)  }
0x53c: {  	vm1 =	vle.f32 v24, v21;
	v20 =	vmul.f32 v20, v35;
	(xrf2) =	vadd.scan.msk.f32 $0xffff, v37;
	v3, _, _ =	vpop (xrf2)  }
0x53d: {  	vm2 =	vlt.f32 v25, $4.999949930e-01;
	v45 =	vmul.f32 $1.442695020e+00, v28;
	v28 =	vpop (erf);
	v44 =	vperm.xlane v3, v1  }
0x53e: {  	vm1 =	vmor vm1, vm2;
	[tilespmem:$0x1F800] =	vst v3;
	v23 =	vmul.f32 v23, v28;
	v3 =	vmul.f32 v20, v20  }
0x53f: {  	vm1 =	vmor vm1, vm0  }
0x540: {  	v35 =	vnsel vm1, $0x0, v32;
	v41, _, _ =	vpop (xrf2);
	(erf) = vrcp.f32 v44;
	[tilespmem:$0x1FBD0] =	vst v3;
	v25 =	vmul.f32 v23, v23  }
0x541: {  	(xrf1) =	vsort.dscd.msk.f32 $0xffff, v43, v0;
	v21 =	vperm.xlane v41, v1;
	(erf) = vpow2.f32 v45;
	[tilespmem:v38+s15+$0x0] =	vst.idx.add.f32.msk $0xffff, v35  }
0x542: {  	[tilespmem:$0x1F940] =	vst v25  }
0x543: {  	[tilespmem:v38+s16+$0x0] =	vst.idx.add.f32.msk $0xffff, v32;
	(xrf2) =	vadd.scan.msk.f32 $0xffff, v3  }
0x544: {  	v42 =	vmul.f32 $7.500000000e-01, v33;
	(xrf2) =	vadd.scan.msk.f32 $0xffff, v25;
	v43 =	vld.idx.msk [tilespmem:v2+s29+$0x300 ss:$0x1], $0xffff  }
0x545: {  	vm2 =	vlt.f32 v21, $4.999949930e-01;
	v21, v24, _ =	vpop (xrf1)  }
0x546: {  	vm1 =	vle.f32 v30, v42;
	v28, _, _ =	vpop (xrf2)  }
0x547: {  	vm1 =	vmor vm1, vm2;
	(xrf2) =	vadd.scan.msk.f32 $0xffff, v21;
	v30 =	vperm.xlane v28, v1  }
0x548: {  	vm1 =	vmor vm1, vm0  }
0x549: {  	v45 =	vnsel vm1, $0x0, v22;
	(erf) = vrcp.f32 v30;
	v25 =	vmul.f32 $1.442695020e+00, v43;
	v32 =	vpop (erf)  }
0x54a: {  	[tilespmem:v26+s15+$0x0] =	vst.idx.add.f32.msk $0xffff, v45;
	v35 =	vpop (erf)  }
0x54b: {  	[tilespmem:v26+s16+$0x0] =	vst.idx.add.f32.msk $0xffff, v22;
	(xrf1) =	vsort.dscd.msk.f32 $0xffff, v35, v0;
	(erf) = vpow2.f32 v25  }
0x54c: {  	v38 =	vld.idx.msk [tilespmem:v2+s25+$0xFFFFFF00 ss:$0x1], $0xffff  }
0x54d: {  	v25, _, _ =	vpop (xrf2)  }
0x54e: {  	v41, _, _ =	vpop (xrf2)  }
0x54f: {  	v42 =	vmul.f32 $7.500000000e-01, v34;
	v34, v35, _ =	vpop (xrf1);
	v26 =	vperm.xlane v41, v1  }
0x550: {  	(xrf2) =	vadd.scan.msk.f32 $0xffff, v34  }
0x551: {  	vm1 =	vle.f32 v36, v42;
	v22 =	vmul.f32 $1.442695020e+00, v38;
	v38, _, _ =	vpop (xrf2);
	vm2 =	vlt.f32 v26, $4.999949930e-01  }
0x552: {  	v26 =	vperm.xlane v38, v1;
	v43 =	vpop (erf);
	vm1 =	vmor vm1, vm2  }
0x553: {  	(erf) = vpow2.f32 v22;
	v22 =	vmul.f32 v37, v43;
	vm1 =	vmor vm1, vm0  }
0x554: {  	v25 =	vperm.xlane v25, v1;
	(erf) = vrcp.f32 v26;
	v45 =	vnsel vm1, $0x0, v23;
	v41 =	vpop (erf)  }
0x555: {  	v3 =	vmul.f32 v22, v22;
	[tilespmem:v27+s15+$0x0] =	vst.idx.add.f32.msk $0xffff, v45;
	(xrf1) =	vsort.dscd.msk.f32 $0xffff, v41, v0  }
0x556: {  	v31 =	vmul.f32 $7.500000000e-01, v31;
	[tilespmem:v27+s16+$0x0] =	vst.idx.add.f32.msk $0xffff, v23  }
0x557: {  	[tilespmem:$0x1FA40] =	vst v3  }
0x558: {  	(xrf2) =	vadd.scan.msk.f32 $0xffff, v3;
	v23 =	vld.idx.msk [tilespmem:v2+s24+$0x180 ss:$0x1], $0xffff  }
0x559: {  	vm2 =	vlt.f32 v25, $4.999949930e-01;
	vm1 =	vle.f32 v29, v31;
	v25, v27, _ =	vpop (xrf1)  }
0x55a: {  	vm1 =	vmor vm1, vm2;
	v31, _, _ =	vpop (xrf2);
	(xrf2) =	vadd.scan.msk.f32 $0xffff, v25  }
0x55b: {  	vm1 =	vmor vm1, vm0;
	v29 =	vperm.xlane v31, v1  }
0x55c: {  	v45 =	vmul.f32 v40, v32;
	v42 =	vnsel vm1, $0x0, v20;
	v43 =	vpop (erf)  }
0x55d: {  	[tilespmem:v19+s15+$0x0] =	vst.idx.add.f32.msk $0xffff, v42;
	(xrf1) =	vsort.dscd.msk.f32 $0xffff, v43, v0;
	v36 =	vpop (erf);
	(erf) = vrcp.f32 v29;
	v32 =	vmul.f32 $1.442695020e+00, v23  }
0x55e: {  	v40 =	vmul.f32 v45, v45;
	[tilespmem:v19+s16+$0x0] =	vst.idx.add.f32.msk $0xffff, v20;
	v20 =	vmul.f32 v21, v36  }
0x55f: {  	v37 =	vld.idx.msk [tilespmem:v2+s30+$0xFFFFFD80 ss:$0x1], $0xffff;
	(erf) = vpow2.f32 v32  }
0x560: {  	(xrf2) =	vadd.scan.msk.f32 $0xffff, v40;
	v3 =	vmul.f32 v20, v20;
	_ =	sdelay $0x1  }
0x561: {  	v42, _, _ =	vpop (xrf2);
	(xrf2) =	vadd.scan.msk.f32 $0xffff, v3  }
0x562: {  	v43 =	vmul.f32 $7.500000000e-01, v30;
	v21 =	vperm.xlane v42, v1;
	v30, v32, _ =	vpop (xrf1)  }
0x563: {  	v41 =	vmul.f32 $1.442695020e+00, v37;
	(xrf2) =	vadd.scan.msk.f32 $0xffff, v30;
	v19, _, _ =	vpop (xrf2)  }
0x564: {  	vm2 =	vlt.f32 v21, $4.999949930e-01;
	v21 =	vperm.xlane v19, v1  }
0x565: {  	vm1 =	vle.f32 v28, v43;
	(erf) = vpow2.f32 v41;
	v36 =	vpop (erf)  }
0x566: {  	vm1 =	vmor vm1, vm2;
	v23 =	vmul.f32 v34, v36;
	(erf) = vrcp.f32 v21  }
0x567: {  	[tilespmem:$0x1F870] =	vst v40;
	vm1 =	vmor vm1, vm0;
	v37 =	vpop (erf)  }
0x568: {  	[tilespmem:$0x1F8E0] =	vst v3;
	v40 =	vnsel vm1, $0x0, v22;
	v3 =	vmul.f32 v23, v23;
	(xrf1) =	vsort.dscd.msk.f32 $0xffff, v37, v0  }
0x569: {  	v26 =	vmul.f32 $7.500000000e-01, v26;
	v41, _, _ =	vpop (xrf2);
	[tilespmem:v39+s15+$0x0] =	vst.idx.add.f32.msk $0xffff, v40  }
0x56a: {  	v33, v34, _ =	vpop (xrf1);
	[tilespmem:$0x1FB50] =	vst v3;
	(xrf2) =	vadd.scan.msk.f32 $0xffff, v3  }
0x56b: {  	[tilespmem:v39+s16+$0x0] =	vst.idx.add.f32.msk $0xffff, v22;
	v42, _, _ =	vpop (xrf2);
	(xrf2) =	vadd.scan.msk.f32 $0xffff, v33  }
0x56c: {  	[tilespmem:$0x1F810] =	vst v41;
	v28 =	vperm.xlane v42, v1  }
0x56d: {  	vm1 =	vle.f32 v38, v26;
	v22 =	vld.idx.msk [tilespmem:v2+s23+$0x0 ss:$0x1], $0xffff;
	v26, _, _ =	vpop (xrf2)  }
0x56e: {  	v43 =	vpop (erf);
	vm2 =	vlt.f32 v28, $4.999949930e-01;
	v28 =	vperm.xlane v26, v1  }
0x56f: {  	vm1 =	vmor vm1, vm2;
	v40 =	vpop (erf)  }
0x570: {  	(xrf1) =	vsort.dscd.msk.f32 $0xffff, v43, v0;
	vm1 =	vmor vm1, vm0;
	v25 =	vmul.f32 v25, v40;
	(erf) = vrcp.f32 v28  }
0x571: {  	v41 =	vnsel vm1, $0x0, v20  }
0x572: {  	v22 =	vmul.f32 $1.442695020e+00, v22;
	[tilespmem:v24+s15+$0x0] =	vst.idx.add.f32.msk $0xffff, v41;
	v3 =	vmul.f32 v25, v25  }
0x573: {  	[tilespmem:v24+s16+$0x0] =	vst.idx.add.f32.msk $0xffff, v20  }
0x574: {  	(erf) = vpow2.f32 v22;
	v42, _, _ =	vpop (xrf2);
	[tilespmem:$0x1F9C0] =	vst v3  }
0x575: {  	(xrf2) =	vadd.scan.msk.f32 $0xffff, v3;
	v22 =	vperm.xlane v42, v1;
	v37, _, _ =	vpop (xrf2);
	v20 =	vld.idx.msk [tilespmem:v2+s26+$0x280 ss:$0x1], $0xffff  }
0x576: {  	v43 =	vmul.f32 $7.500000000e-01, v29;
	v29, v36, _ =	vpop (xrf1)  }
0x577: {  	vm2 =	vlt.f32 v22, $4.999949930e-01;
	v22 =	vperm.xlane v37, v1;
	(xrf2) =	vadd.scan.msk.f32 $0xffff, v29  }
0x578: {  	vm1 =	vle.f32 v31, v43  }
0x579: {  	vm1 =	vmor vm1, vm2;
	(erf) = vrcp.f32 v22;
	v38 =	vpop (erf)  }
0x57a: {  	vm1 =	vmor vm1, vm0;
	v20 =	vmul.f32 $1.442695020e+00, v20;
	v24 =	vmul.f32 v30, v38  }
0x57b: {  	v39 =	vnsel vm1, $0x0, v23  }
0x57c: {  	[tilespmem:v35+s15+$0x0] =	vst.idx.add.f32.msk $0xffff, v39;
	(erf) = vpow2.f32 v20;
	v3 =	vmul.f32 v24, v24  }
0x57d: {  	[tilespmem:v35+s16+$0x0] =	vst.idx.add.f32.msk $0xffff, v23;
	v40 =	vpop (erf)  }
0x57e: {  	(xrf1) =	vsort.dscd.msk.f32 $0xffff, v40, v0;
	[tilespmem:$0x1F8A0] =	vst v3;
	v20, v23, _ =	vpop (xrf1)  }
0x57f: {  	v42, _, _ =	vpop (xrf2);
	v41 =	vld.idx.msk [tilespmem:v2+s28+$0xFFFFFE80 ss:$0x1], $0xffff  }
0x580: {  	v21 =	vmul.f32 $7.500000000e-01, v21;
	(xrf2) =	vadd.scan.msk.f32 $0xffff, v20;
	v31 =	vperm.xlane v42, v1  }
0x581: {  	v35, _, _ =	vpop (xrf2)  }
0x582: {  	vm1 =	vle.f32 v19, v21;
	vm2 =	vlt.f32 v31, $4.999949930e-01;
	v38 =	vpop (erf)  }
0x583: {  	(xrf2) =	vadd.scan.msk.f32 $0xffff, v3;
	v19 =	vperm.xlane v35, v1;
	vm1 =	vmor vm1, vm2;
	v30 =	vmul.f32 v33, v38  }
0x584: {  	vm1 =	vmor vm1, vm0;
	v43 =	vmul.f32 $1.442695020e+00, v41  }
0x585: {  	(erf) = vrcp.f32 v19;
	v40 =	vnsel vm1, $0x0, v25;
	v3 =	vmul.f32 v30, v30;
	v39 =	vpop (erf)  }
0x586: {  	[tilespmem:v27+s15+$0x0] =	vst.idx.add.f32.msk $0xffff, v40;
	(erf) = vpow2.f32 v43;
	(xrf1) =	vsort.dscd.msk.f32 $0xffff, v39, v0  }
0x587: {  	[tilespmem:$0x1FAD0] =	vst v3  }
0x588: {  	[tilespmem:v27+s16+$0x0] =	vst.idx.add.f32.msk $0xffff, v25  }
0x589: {  	v25 =	vld.idx.msk [tilespmem:v2+s22+$0x100 ss:$0x1], $0xffff  }
0x58a: {  	v21, _, _ =	vpop (xrf2)  }
0x58b: {  	(xrf2) =	vadd.scan.msk.f32 $0xffff, v3;
	v27 =	vperm.xlane v21, v1  }
0x58c: {  	v33, v38, _ =	vpop (xrf1)  }
0x58d: {  	v28 =	vmul.f32 $7.500000000e-01, v28;
	v41, _, _ =	vpop (xrf2);
	(erf) = vrcp.f32 v27;
	(xrf2) =	vadd.scan.msk.f32 $0xffff, v33  }
0x58e: {  	v31 =	vperm.xlane v41, v1;
	v25 =	vmul.f32 $1.442695020e+00, v25;
	v42 =	vpop (erf)  }
0x58f: {  	vm1 =	vle.f32 v26, v28;
	v26 =	vmul.f32 v29, v42;
	v43 =	vpop (erf)  }
0x590: {  	vm2 =	vlt.f32 v31, $4.999949930e-01;
	(erf) = vpow2.f32 v25;
	(xrf1) =	vsort.dscd.msk.f32 $0xffff, v43, v0  }
0x591: {  	vm1 =	vmor vm1, vm2;
	v3 =	vmul.f32 v26, v26  }
0x592: {  	vm1 =	vmor vm1, vm0  }
0x593: {  	v22 =	vmul.f32 $7.500000000e-01, v22;
	v31 =	vnsel vm1, $0x0, v24;
	(xrf2) =	vadd.scan.msk.f32 $0xffff, v3  }
0x594: {  	[tilespmem:v32+s15+$0x0] =	vst.idx.add.f32.msk $0xffff, v31;
	v28, v29, _ =	vpop (xrf1)  }
0x595: {  	v39, _, _ =	vpop (xrf2);
	[tilespmem:$0x1F950] =	vst v3;
	(xrf2) =	vadd.scan.msk.f32 $0xffff, v28  }
0x596: {  	[tilespmem:v32+s16+$0x0] =	vst.idx.add.f32.msk $0xffff, v24;
	v24 =	vperm.xlane v39, v1;
	v40 =	vpop (erf)  }
0x597: {  	vm1 =	vle.f32 v37, v22;
	v22, _, _ =	vpop (xrf2);
	v20 =	vmul.f32 v20, v40  }
0x598: {  	vm2 =	vlt.f32 v24, $4.999949930e-01;
	v24 =	vperm.xlane v22, v1  }
0x599: {  	v25 =	vld.idx.msk [tilespmem:v2+s29+$0x380 ss:$0x1], $0xffff;
	vm1 =	vmor vm1, vm2;
	v3 =	vmul.f32 v20, v20;
	v42 =	vpop (erf)  }
0x59a: {  	vm1 =	vmor vm1, vm0;
	(erf) = vrcp.f32 v24;
	(xrf1) =	vsort.dscd.msk.f32 $0xffff, v42, v0  }
0x59b: {  	v41 =	vnsel vm1, $0x0, v30;
	[tilespmem:$0x1FBF0] =	vst v3;
	(xrf2) =	vadd.scan.msk.f32 $0xffff, v3  }
0x59c: {  	[tilespmem:v34+s15+$0x0] =	vst.idx.add.f32.msk $0xffff, v41  }
0x59d: {  	[tilespmem:v34+s16+$0x0] =	vst.idx.add.f32.msk $0xffff, v30;
	v40, _, _ =	vpop (xrf2)  }
0x59e: {  	v25 =	vmul.f32 $1.442695020e+00, v25;
	v43 =	vld.idx.msk [tilespmem:v2+s25+$0xFFFFFF80 ss:$0x1], $0xffff;
	v31, v32, _ =	vpop (xrf1)  }
0x59f: {  	v34, _, _ =	vpop (xrf2)  }
0x5a0: {  	(erf) = vpow2.f32 v25;
	(xrf2) =	vadd.scan.msk.f32 $0xffff, v31;
	v37 =	vperm.xlane v34, v1  }
0x5a1: {  	v19 =	vmul.f32 $7.500000000e-01, v19  }
0x5a2: {  	v30 =	vperm.xlane v40, v1;
	(erf) = vrcp.f32 v37  }
0x5a3: {  	v25 =	vmul.f32 $1.442695020e+00, v43;
	v41 =	vpop (erf)  }
0x5a4: {  	vm1 =	vle.f32 v35, v19;
	vm2 =	vlt.f32 v30, $4.999949930e-01;
	v30 =	vmul.f32 v33, v41  }
0x5a5: {  	v35 =	vmul.f32 $7.500000000e-01, v27;
	vm1 =	vmor vm1, vm2;
	(erf) = vpow2.f32 v25;
	v43, _, _ =	vpop (xrf2)  }
0x5a6: {  	vm1 =	vmor vm1, vm0;
	v3 =	vmul.f32 v30, v30;
	v19 =	vperm.xlane v43, v1  }
0x5a7: {  	v33 =	vnsel vm1, $0x0, v26  }
0x5a8: {  	vm1 =	vle.f32 v21, v35;
	[tilespmem:$0x1FA50] =	vst v3;
	(xrf2) =	vadd.scan.msk.f32 $0xffff, v3;
	vm2 =	vlt.f32 v19, $4.999949930e-01;
	v21, v25, _ =	vpop (xrf1)  }
0x5a9: {  	v42 =	vpop (erf);
	[tilespmem:v36+s15+$0x0] =	vst.idx.add.f32.msk $0xffff, v33;
	vm1 =	vmor vm1, vm2;
	(xrf2) =	vadd.scan.msk.f32 $0xffff, v21  }
0x5aa: {  	(xrf1) =	vsort.dscd.msk.f32 $0xffff, v42, v0;
	[tilespmem:v36+s16+$0x0] =	vst.idx.add.f32.msk $0xffff, v26;
	v26, _, _ =	vpop (xrf2);
	vm1 =	vmor vm1, vm0  }
0x5ab: {  	v39 =	vld.idx.msk [tilespmem:v2+s24+$0x200 ss:$0x1], $0xffff;
	v27 =	vperm.xlane v26, v1;
	v40 =	vnsel vm1, $0x0, v20;
	v41 =	vpop (erf)  }
0x5ac: {  	[tilespmem:v23+s15+$0x0] =	vst.idx.add.f32.msk $0xffff, v40;
	v28 =	vmul.f32 v28, v41  }
0x5ad: {  	(erf) = vrcp.f32 v27;
	[tilespmem:v23+s16+$0x0] =	vst.idx.add.f32.msk $0xffff, v20  }
0x5ae: {  	v42 =	vpop (erf);
	v20 =	vld.idx.msk [tilespmem:v2+s30+$0xFFFFFE00 ss:$0x1], $0xffff;
	v3 =	vmul.f32 v28, v28  }
0x5af: {  	(xrf1) =	vsort.dscd.msk.f32 $0xffff, v42, v0  }
0x5b0: {  	(xrf2) =	vadd.scan.msk.f32 $0xffff, v3  }
0x5b1: {  	v19 =	vmul.f32 $1.442695020e+00, v39  }
0x5b2: {  	v24 =	vmul.f32 $7.500000000e-01, v24;
	v43, _, _ =	vpop (xrf2)  }
0x5b3: {  	(erf) = vpow2.f32 v19;
	v20 =	vmul.f32 $1.442695020e+00, v20;
	v35, _, _ =	vpop (xrf2)  }
0x5b4: {  	v36 =	vperm.xlane v35, v1  }
0x5b5: {  	(erf) = vpow2.f32 v20  }
0x5b6: {  	vm1 =	vle.f32 v22, v24;
	v24 =	vpop (erf);
	(erf) = vrcp.f32 v36;
	_ =	sdelay $0x1  }
0x5b7: {  	v23 =	vperm.xlane v43, v1;
	v33, v19, _ =	vpop (xrf1)  }
0x5b8: {  	(xrf2) =	vadd.scan.msk.f32 $0xffff, v33;
	v22 =	vmul.f32 v31, v24  }
0x5b9: {  	vm2 =	vlt.f32 v23, $4.999949930e-01;
	v41, _, _ =	vpop (xrf2)  }
0x5ba: {  	[tilespmem:$0x1F8F0] =	vst v3;
	vm1 =	vmor vm1, vm2;
	v3 =	vmul.f32 v22, v22;
	v42 =	vperm.xlane v41, v1  }
0x5bb: {  	vm1 =	vmor vm1, vm0;
	v39 =	vpop (erf)  }
0x5bc: {  	v43 =	vmul.f32 $7.500000000e-01, v37;
	v40 =	vnsel vm1, $0x0, v30;
	[tilespmem:$0x1FB60] =	vst v3;
	(xrf2) =	vadd.scan.msk.f32 $0xffff, v3;
	v23, v24, _ =	vpop (xrf1)  }
0x5bd: {  	(xrf1) =	vsort.dscd.msk.f32 $0xffff, v39, v0;
	[tilespmem:v38+s15+$0x0] =	vst.idx.add.f32.msk $0xffff, v40;
	v41 =	vpop (erf)  }
0x5be: {  	vm1 =	vle.f32 v34, v43;
	[tilespmem:v38+s16+$0x0] =	vst.idx.add.f32.msk $0xffff, v30;
	vm2 =	vlt.f32 v42, $4.999949930e-01;
	v42 =	vpop (erf)  }
0x5bf: {  	(xrf2) =	vadd.scan.msk.f32 $0xffff, v23;
	v40 =	vld.idx.msk [tilespmem:v2+s23+$0x80 ss:$0x1], $0xffff;
	vm1 =	vmor vm1, vm2;
	v31 =	vmul.f32 v21, v42  }
0x5c0: {  	vm1 =	vmor vm1, vm0  }
0x5c1: {  	v37 =	vnsel vm1, $0x0, v28;
	v3 =	vmul.f32 v31, v31  }
0x5c2: {  	v20, _, _ =	vpop (xrf2);
	[tilespmem:v29+s15+$0x0] =	vst.idx.add.f32.msk $0xffff, v37  }
0x5c3: {  	v21 =	vperm.xlane v20, v1;
	[tilespmem:$0x1F9D0] =	vst v3  }
0x5c4: {  	(xrf1) =	vsort.dscd.msk.f32 $0xffff, v41, v0;
	v43 =	vmul.f32 $1.442695020e+00, v40;
	[tilespmem:v29+s16+$0x0] =	vst.idx.add.f32.msk $0xffff, v28  }
0x5c5: {  	(erf) = vrcp.f32 v21;
	v29 =	vld.idx.msk [tilespmem:v2+s26+$0x300 ss:$0x1], $0xffff  }
0x5c6: {  	v27 =	vmul.f32 $7.500000000e-01, v27;
	(erf) = vpow2.f32 v43  }
0x5c7: {  	(xrf2) =	vadd.scan.msk.f32 $0xffff, v3;
	v38, _, _ =	vpop (xrf2)  }
0x5c8: {  	v28 =	vperm.xlane v38, v1  }
0x5c9: {  	v30, _, _ =	vpop (xrf2)  }
0x5ca: {  	vm2 =	vlt.f32 v28, $4.999949930e-01;
	v28 =	vperm.xlane v30, v1;
	v29 =	vmul.f32 $1.442695020e+00, v29  }
0x5cb: {  	vm1 =	vle.f32 v26, v27;
	v26, v27, _ =	vpop (xrf1)  }
0x5cc: {  	vm1 =	vmor vm1, vm2;
	(xrf2) =	vadd.scan.msk.f32 $0xffff, v26;
	(erf) = vrcp.f32 v28  }
0x5cd: {  	vm1 =	vmor vm1, vm0  }
0x5ce: {  	v39 =	vnsel vm1, $0x0, v22;
	(erf) = vpow2.f32 v29;
	v29 =	vpop (erf)  }
0x5cf: {  	[tilespmem:v32+s15+$0x0] =	vst.idx.add.f32.msk $0xffff, v39;
	v40 =	vpop (erf)  }
0x5d0: {  	[tilespmem:v32+s16+$0x0] =	vst.idx.add.f32.msk $0xffff, v22;
	(xrf1) =	vsort.dscd.msk.f32 $0xffff, v40, v0  }
0x5d1: {  	v41 =	vld.idx.msk [tilespmem:v2+s28+$0xFFFFFF00 ss:$0x1], $0xffff;
	v42, _, _ =	vpop (xrf2)  }
0x5d2: {  	v34, v37, _ =	vpop (xrf1);
	v32 =	vperm.xlane v42, v1  }
0x5d3: {  	(xrf2) =	vadd.scan.msk.f32 $0xffff, v34  }
0x5d4: {  	v36 =	vmul.f32 $7.500000000e-01, v36  }
0x5d5: {  	v43 =	vpop (erf)  }
0x5d6: {  	vm1 =	vle.f32 v35, v36;
	vm2 =	vlt.f32 v32, $4.999949930e-01;
	v22 =	vmul.f32 $1.442695020e+00, v41;
	v32, _, _ =	vpop (xrf2)  }
0x5d7: {  	vm1 =	vmor vm1, vm2;
	v23 =	vmul.f32 v23, v43;
	v36 =	vperm.xlane v32, v1  }
0x5d8: {  	vm1 =	vmor vm1, vm0;
	(erf) = vpow2.f32 v22  }
0x5d9: {  	v40 =	vnsel vm1, $0x0, v31;
	v39 =	vpop (erf);
	v3 =	vmul.f32 v23, v23;
	(erf) = vrcp.f32 v36  }
0x5da: {  	[tilespmem:v25+s15+$0x0] =	vst.idx.add.f32.msk $0xffff, v40;
	(xrf1) =	vsort.dscd.msk.f32 $0xffff, v39, v0  }
0x5db: {  	[tilespmem:$0x1FAE0] =	vst v3  }
0x5dc: {  	[tilespmem:v25+s16+$0x0] =	vst.idx.add.f32.msk $0xffff, v31  }
0x5dd: {  	(xrf2) =	vadd.scan.msk.f32 $0xffff, v3;
	v25, _, _ =	vpop (xrf2);
	v22 =	vld.idx.msk [tilespmem:v2+s22+$0x180 ss:$0x1], $0xffff  }
0x5de: {  	v31, v35, _ =	vpop (xrf1)  }
0x5df: {  	v38 =	vperm.xlane v25, v1;
	(xrf2) =	vadd.scan.msk.f32 $0xffff, v31;
	_ =	sdelay $0x1  }
0x5e0: {  	v40 =	vpop (erf);
	(erf) = vrcp.f32 v38  }
0x5e1: {  	v39 =	vmul.f32 $1.442695020e+00, v22;
	v22 =	vmul.f32 v33, v29;
	v41 =	vpop (erf)  }
0x5e2: {  	(xrf1) =	vsort.dscd.msk.f32 $0xffff, v40, v0;
	v26 =	vmul.f32 v26, v41  }
0x5e3: {  	(erf) = vpow2.f32 v39;
	v42 =	vmul.f32 v22, v22  }
0x5e4: {  	v28 =	vmul.f32 $7.500000000e-01, v28  }
0x5e5: {  	v3 =	vmul.f32 v26, v26;
	(xrf2) =	vadd.scan.msk.f32 $0xffff, v42  }
0x5e6: {  	v43, _, _ =	vpop (xrf2)  }
0x5e7: {  	v29 =	vperm.xlane v43, v1;
	(xrf2) =	vadd.scan.msk.f32 $0xffff, v3;
	v33, v39, _ =	vpop (xrf1)  }
0x5e8: {  	vm1 =	vle.f32 v30, v28;
	(xrf2) =	vadd.scan.msk.f32 $0xffff, v33;
	v28, _, _ =	vpop (xrf2)  }
0x5e9: {  	vm2 =	vlt.f32 v29, $4.999949930e-01;
	v41 =	vpop (erf);
	v30 =	vperm.xlane v28, v1  }
0x5ea: {  	vm1 =	vmor vm1, vm2;
	v29 =	vmul.f32 v34, v41  }
0x5eb: {  	[tilespmem:$0x1F8B0] =	vst v42;
	vm1 =	vmor vm1, vm0;
	(erf) = vrcp.f32 v30  }
0x5ec: {  	[tilespmem:$0x1F960] =	vst v3;
	v43 =	vnsel vm1, $0x0, v23;
	v3 =	vmul.f32 v29, v29;
	v42 =	vpop (erf)  }
0x5ed: {  	[tilespmem:v24+s15+$0x0] =	vst.idx.add.f32.msk $0xffff, v43;
	(xrf1) =	vsort.dscd.msk.f32 $0xffff, v42, v0  }
0x5ee: {  	[tilespmem:$0x1FC20] =	vst v3  }
0x5ef: {  	[tilespmem:v24+s16+$0x0] =	vst.idx.add.f32.msk $0xffff, v23;
	v23, _, _ =	vpop (xrf2)  }
0x5f0: {  	v36 =	vmul.f32 $7.500000000e-01, v36;
	(xrf2) =	vadd.scan.msk.f32 $0xffff, v3;
	v41, v42, _ =	vpop (xrf1)  }
0x5f1: {  	v24 =	vld.idx.msk [tilespmem:v2+s25+$0x0 ss:$0x1], $0xffff;
	v34, _, _ =	vpop (xrf2)  }
0x5f2: {  	v40, _, _ =	vpop (xrf2);
	v34 =	vperm.xlane v34, v1;
	(xrf2) =	vadd.scan.msk.f32 $0xffff, v41;
	_ =	sdelay $0x1  }
0x5f3: {  	vm1 =	vle.f32 v32, v36;
	vm2 =	vlt.f32 v34, $4.999949930e-01;
	v36 =	vpop (erf)  }
0x5f4: {  	v43 =	vperm.xlane v40, v1;
	vm1 =	vmor vm1, vm2;
	v31 =	vmul.f32 v31, v36  }
0x5f5: {  	v24 =	vmul.f32 $1.442695020e+00, v24;
	vm1 =	vmor vm1, vm0  }
0x5f6: {  	(erf) = vrcp.f32 v43;
	v32 =	vnsel vm1, $0x0, v26;
	v3 =	vmul.f32 v31, v31  }
0x5f7: {  	(erf) = vpow2.f32 v24  }
0x5f8: {  	[tilespmem:$0x1FA60] =	vst v3  }
0x5f9: {  	v34, _, _ =	vpop (xrf2);
	v36 =	vmul.f32 $7.500000000e-01, v38;
	[tilespmem:v27+s15+$0x0] =	vst.idx.add.f32.msk $0xffff, v32  }
0x5fa: {  	(xrf2) =	vadd.scan.msk.f32 $0xffff, v3;
	[tilespmem:v27+s16+$0x0] =	vst.idx.add.f32.msk $0xffff, v26;
	v27, v32, _ =	vpop (xrf1)  }
0x5fb: {  	vm1 =	vle.f32 v25, v36;
	v25, _, _ =	vpop (xrf2);
	(xrf2) =	vadd.scan.msk.f32 $0xffff, v27  }
0x5fc: {  	v24 =	vperm.xlane v34, v1;
	v26 =	vperm.xlane v25, v1;
	_ =	sdelay $0x1  }
0x5fd: {  	vm2 =	vlt.f32 v24, $4.999949930e-01;
	(erf) = vrcp.f32 v26  }
0x5fe: {  	vm1 =	vmor vm1, vm2;
	v38 =	vpop (erf);
	v34 =	vld.idx.msk [tilespmem:v2+s24+$0x280 ss:$0x1], $0xffff  }
0x5ff: {  	vm1 =	vmor vm1, vm0;
	v24 =	vmul.f32 v33, v38;
	v36 =	vpop (erf)  }
0x600: {  	v33 =	vnsel vm1, $0x0, v29;
	(xrf1) =	vsort.dscd.msk.f32 $0xffff, v36, v0  }
0x601: {  	v3 =	vmul.f32 v24, v24;
	_ =	sdelay $0x1  }
0x602: {  	[tilespmem:v37+s15+$0x0] =	vst.idx.add.f32.msk $0xffff, v33;
	(xrf2) =	vadd.scan.msk.f32 $0xffff, v3;
	v36 =	vmul.f32 $1.442695020e+00, v34;
	v33, _, _ =	vpop (xrf2)  }
0x603: {  	v30 =	vmul.f32 $7.500000000e-01, v30;
	v34, _, _ =	vpop (xrf2)  }
0x604: {  	[tilespmem:v37+s16+$0x0] =	vst.idx.add.f32.msk $0xffff, v29;
	(erf) = vpow2.f32 v36;
	v36 =	vperm.xlane v34, v1  }
0x605: {  	[tilespmem:$0x1F900] =	vst v3;
	v33 =	vperm.xlane v33, v1;
	v38 =	vpop (erf)  }
0x606: {  	vm1 =	vle.f32 v28, v30;
	v29 =	vld.idx.msk [tilespmem:v2+s30+$0xFFFFFE80 ss:$0x1], $0xffff;
	v28 =	vmul.f32 v41, v38;
	(erf) = vrcp.f32 v36  }
0x607: {  	vm2 =	vlt.f32 v33, $4.999949930e-01  }
0x608: {  	vm1 =	vmor vm1, vm2;
	v3 =	vmul.f32 v28, v28  }
0x609: {  	vm1 =	vmor vm1, vm0  }
0x60a: {  	v33 =	vnsel vm1, $0x0, v31;
	[tilespmem:$0x1FB70] =	vst v3  }
0x60b: {  	v29 =	vmul.f32 $1.442695020e+00, v29;
	[tilespmem:v35+s15+$0x0] =	vst.idx.add.f32.msk $0xffff, v33  }
0x60c: {  	v37, _, _ =	vpop (xrf2);
	[tilespmem:v35+s16+$0x0] =	vst.idx.add.f32.msk $0xffff, v31  }
0x60d: {  	(erf) = vpow2.f32 v29;
	(xrf2) =	vadd.scan.msk.f32 $0xffff, v3;
	v30, v31, _ =	vpop (xrf1);
	v35 =	vld.idx.msk [tilespmem:v2+s23+$0x100 ss:$0x1], $0xffff  }
0x60e: {  	v41 =	vpop (erf);
	(xrf2) =	vadd.scan.msk.f32 $0xffff, v30  }
0x60f: {  	v38 =	vmul.f32 $7.500000000e-01, v43;
	v29 =	vperm.xlane v37, v1;
	(xrf1) =	vsort.dscd.msk.f32 $0xffff, v41, v0;
	v41 =	vpop (erf)  }
0x610: {  	v27 =	vmul.f32 v27, v41  }
0x611: {  	vm1 =	vle.f32 v40, v38;
	vm2 =	vlt.f32 v29, $4.999949930e-01  }
0x612: {  	vm1 =	vmor vm1, vm2;
	v37 =	vmul.f32 $1.442695020e+00, v35;
	v3 =	vmul.f32 v27, v27  }
0x613: {  	vm1 =	vmor vm1, vm0  }
0x614: {  	v38 =	vnsel vm1, $0x0, v24;
	(erf) = vpow2.f32 v37;
	(xrf2) =	vadd.scan.msk.f32 $0xffff, v3  }
0x615: {  	[tilespmem:v39+s15+$0x0] =	vst.idx.add.f32.msk $0xffff, v38  }
0x616: {  	[tilespmem:v39+s16+$0x0] =	vst.idx.add.f32.msk $0xffff, v24;
	v43 =	vpop (erf)  }
0x617: {  	v40 =	vld.idx.msk [tilespmem:v2+s26+$0x380 ss:$0x1], $0xffff;
	v41, _, _ =	vpop (xrf2)  }
0x618: {  	v26 =	vmul.f32 $7.500000000e-01, v26;
	v33, _, _ =	vpop (xrf2)  }
0x619: {  	(xrf1) =	vsort.dscd.msk.f32 $0xffff, v43, v0;
	v43 =	vperm.xlane v41, v1;
	v38 =	vperm.xlane v33, v1;
	_ =	sdelay $0x1  }
0x61a: {  	vm1 =	vle.f32 v25, v26;
	vm2 =	vlt.f32 v43, $4.999949930e-01;
	(erf) = vrcp.f32 v38  }
0x61b: {  	v29 =	vmul.f32 $1.442695020e+00, v40;
	vm1 =	vmor vm1, vm2  }
0x61c: {  	vm1 =	vmor vm1, vm0;
	v35 =	vpop (erf)  }
0x61d: {  	[tilespmem:$0x1F9E0] =	vst v3;
	v39 =	vnsel vm1, $0x0, v28;
	(erf) = vpow2.f32 v29;
	v40, _, _ =	vpop (xrf2)  }
0x61e: {  	v37, v24, _ =	vpop (xrf1);
	[tilespmem:v42+s15+$0x0] =	vst.idx.add.f32.msk $0xffff, v39;
	(xrf1) =	vsort.dscd.msk.f32 $0xffff, v35, v0;
	v35 =	vmul.f32 $7.500000000e-01, v36;
	v29 =	vperm.xlane v40, v1  }
0x61f: {  	[tilespmem:v42+s16+$0x0] =	vst.idx.add.f32.msk $0xffff, v28  }
0x620: {  	v3 =	vld [tilespmem:$0x1F7D0];
	vm1 =	vle.f32 v34, v35;
	vm2 =	vlt.f32 v29, $4.999949930e-01  }
0x621: {  	vm1 =	vmor vm1, vm2  }
0x622: {  	vm1 =	vmor vm1, vm0  }
0x623: {  	v40 =	vpop (erf);
	v43 =	vnsel vm1, $0x0, v27  }
0x624: {  	v29 =	vmul.f32 v30, v40;
	[tilespmem:v32+s15+$0x0] =	vst.idx.add.f32.msk $0xffff, v43  }
0x625: {  	v42 =	vmul.f32 $7.500000000e-01, v3;
	v3 =	vld [tilespmem:$0x1F7E0]  }
0x626: {  	v40 =	vmul.f32 v29, v29;
	_ =	sdelay $0x1  }
0x627: {  	v28 =	vld.idx.msk [tilespmem:v2+s28+$0xFFFFFF80 ss:$0x1], $0xffff;
	[tilespmem:$0x1FAF0] =	vst v40  }
0x628: {  	[tilespmem:v32+s16+$0x0] =	vst.idx.add.f32.msk $0xffff, v27  }
0x629: {  	vm1 =	vle.f32 v3, v42;
	v3 =	vld [tilespmem:$0x1F7F0];
	_ =	sdelay $0x3  }
0x62a: {  	v41 =	vpop (erf)  }
0x62b: {  	v25, v26, _ =	vpop (xrf1);
	(xrf1) =	vsort.dscd.msk.f32 $0xffff, v41, v0;
	v41 =	vperm.xlane v3, v1;
	v3 =	vld [tilespmem:$0x1F800]  }
0x62c: {  	(xrf2) =	vadd.scan.msk.f32 $0xffff, v37;
	_ =	sdelay $0x1  }
0x62d: {  	v44 =	vmul.f32 $7.500000000e-01, v44;
	_ =	sdelay $0x1  }
0x62e: {  	vm2 =	vle.f32 v3, v44;
	v3 =	vld [tilespmem:$0x1F810];
	_ =	sdelay $0x4  }
0x62f: {  	(xrf2) =	vadd.scan.msk.f32 $0xffff, v25;
	v43 =	vperm.xlane v3, v1;
	v3 =	vld [tilespmem:$0x1F820]  }
0x630: {  	v36, _, _ =	vpop (xrf2)  }
0x631: {  	v39 =	vperm.xlane v36, v1;
	_ =	sdelay $0x1  }
0x632: {  	(erf) = vrcp.f32 v39;
	vm3 =	vlt.f32 v41, $4.999949930e-01  }
0x633: {  	vm1 =	vmor vm1, vm3  }
0x634: {  	v28 =	vmul.f32 $1.442695020e+00, v28;
	vm1 =	vmor vm1, vm0  }
0x635: {  	v42 =	vld.idx.msk [tilespmem:v2+s22+$0x200 ss:$0x1], $0xffff;
	v44 =	vnsel vm1, $0x0, v46  }
0x636: {  	[tilespmem:v3+s15+$0x0] =	vst.idx.add.f32.msk $0xffff, v44  }
0x637: {  	(erf) = vpow2.f32 v28;
	[tilespmem:v3+s16+$0x0] =	vst.idx.add.f32.msk $0xffff, v46  }
0x638: {  	(xrf2) =	vadd.scan.msk.f32 $0xffff, v40;
	v28, _, _ =	vpop (xrf2);
	vm4 =	vlt.f32 v43, $4.999949930e-01;
	v43 =	vld [tilespmem:$0x1F830]  }
0x639: {  	v32 =	vperm.xlane v28, v1  }
0x63a: {  	v21 =	vmul.f32 $7.500000000e-01, v21;
	v34, v35, _ =	vpop (xrf1)  }
0x63b: {  	(xrf2) =	vadd.scan.msk.f32 $0xffff, v34;
	(erf) = vrcp.f32 v32;
	v27 =	vpop (erf)  }
0x63c: {  	vm3 =	vle.f32 v20, v21;
	v20 =	vmul.f32 v37, v27  }
0x63d: {  	v23 =	vperm.xlane v23, v1;
	v40 =	vmul.f32 $1.442695020e+00, v42;
	vm2 =	vmor vm2, vm4  }
0x63e: {  	vm1 =	vmor vm2, vm0;
	v3 =	vmul.f32 v20, v20  }
0x63f: {  	vm5 =	vlt.f32 v23, $4.999949930e-01;
	(erf) = vpow2.f32 v40;
	v42 =	vnsel vm1, $0x0, v45  }
0x640: {  	vm2 =	vmor vm3, vm5;
	v46 =	vpop (erf);
	[tilespmem:v43+s15+$0x0] =	vst.idx.add.f32.msk $0xffff, v42  }
0x641: {  	v41 =	vmov v45;
	vm1 =	vmor vm2, vm0;
	(xrf1) =	vsort.dscd.msk.f32 $0xffff, v46, v0;
	[tilespmem:$0x1F970] =	vst v3  }
0x642: {  	v30, _, _ =	vpop (xrf2);
	v27 =	vnsel vm1, $0x0, v22;
	[tilespmem:v43+s16+$0x0] =	vst.idx.add.f32.msk $0xffff, v41  }
0x643: {  	(xrf2) =	vadd.scan.msk.f32 $0xffff, v3;
	v21, v3, _ =	vpop (xrf1);
	[tilespmem:v19+s15+$0x0] =	vst.idx.add.f32.msk $0xffff, v27  }
0x644: {  	v37 =	vpop (erf);
	[tilespmem:$0x1FCE0] =	vst v3  }
0x645: {  	v38 =	vmul.f32 $7.500000000e-01, v38;
	v23, _, _ =	vpop (xrf2);
	[tilespmem:v19+s16+$0x0] =	vst.idx.add.f32.msk $0xffff, v22;
	v22 =	vmul.f32 v25, v37  }
0x646: {  	(xrf2) =	vadd.scan.msk.f32 $0xffff, v21;
	v19 =	vperm.xlane v30, v1;
	v25 =	vperm.xlane v23, v1  }
0x647: {  	vm1 =	vle.f32 v33, v38  }
0x648: {  	v40 =	vpop (erf);
	v3 =	vmul.f32 v22, v22;
	(erf) = vrcp.f32 v25;
	vm2 =	vlt.f32 v19, $4.999949930e-01  }
0x649: {  	(xrf1) =	vsort.dscd.msk.f32 $0xffff, v40, v0;
	vm1 =	vmor vm1, vm2  }
0x64a: {  	(xrf2) =	vadd.scan.msk.f32 $0xffff, v3;
	vm1 =	vmor vm1, vm0  }
0x64b: {  	[tilespmem:$0x1FC50] =	vst v3;
	v41 =	vnsel vm1, $0x0, v29  }
0x64c: {  	[tilespmem:v31+s15+$0x0] =	vst.idx.add.f32.msk $0xffff, v41  }
0x64d: {  	v44 =	vmul.f32 $7.500000000e-01, v39;
	[tilespmem:v31+s16+$0x0] =	vst.idx.add.f32.msk $0xffff, v29  }
0x64e: {  	v42, _, _ =	vpop (xrf2);
	v43 =	vld.idx.msk [tilespmem:v2+s25+$0x80 ss:$0x1], $0xffff  }
0x64f: {  	v45 =	vmul.f32 $7.500000000e-01, v32;
	vm1 =	vle.f32 v36, v44;
	v36, v32, _ =	vpop (xrf1)  }
0x650: {  	v3, _, _ =	vpop (xrf2)  }
0x651: {  	v19 =	vperm.xlane v42, v1;
	v46 =	vpop (erf)  }
0x652: {  	(xrf2) =	vadd.scan.msk.f32 $0xffff, v36;
	[tilespmem:$0x1FC10] =	vst v3;
	v3 =	vperm.xlane v3, v1;
	v37 =	vmul.f32 v34, v46  }
0x653: {  	v39 =	vmul.f32 $1.442695020e+00, v43  }
0x654: {  	vm3 =	vlt.f32 v19, $4.999949930e-01;
	[tilespmem:$0x1FBE0] =	vst v3;
	(erf) = vrcp.f32 v3;
	v38, _, _ =	vpop (xrf2);
	v3 =	vmul.f32 v37, v37  }
0x655: {  	vm1 =	vmor vm1, vm3;
	v40 =	vperm.xlane v38, v1;
	(erf) = vpow2.f32 v39  }
0x656: {  	vm1 =	vmor vm1, vm0;
	(xrf2) =	vadd.scan.msk.f32 $0xffff, v3  }
0x657: {  	vm2 =	vle.f32 v28, v45;
	v41 =	vnsel vm1, $0x0, v20;
	[tilespmem:$0x1FA70] =	vst v3;
	vm3 =	vlt.f32 v40, $4.999949930e-01  }
0x658: {  	v42, v27, _ =	vpop (xrf1);
	[tilespmem:v24+s15+$0x0] =	vst.idx.add.f32.msk $0xffff, v41;
	vm2 =	vmor vm2, vm3  }
0x659: {  	(xrf2) =	vadd.scan.msk.f32 $0xffff, v42;
	[tilespmem:v24+s16+$0x0] =	vst.idx.add.f32.msk $0xffff, v20;
	vm1 =	vmor vm2, vm0  }
0x65a: {  	v45 =	vld.idx.msk [tilespmem:v2+s24+$0x300 ss:$0x1], $0xffff;
	v44 =	vnsel vm1, $0x0, v22  }
0x65b: {  	[tilespmem:v26+s15+$0x0] =	vst.idx.add.f32.msk $0xffff, v44  }
0x65c: {  	[tilespmem:v26+s16+$0x0] =	vst.idx.add.f32.msk $0xffff, v22;
	v22, _, _ =	vpop (xrf2)  }
0x65d: {  	v43 =	vpop (erf);
	v33 =	vperm.xlane v22, v1  }
0x65e: {  	v46 =	vld.idx.msk [tilespmem:v2+s30+$0xFFFFFF00 ss:$0x1], $0xffff;
	v44 =	vpop (erf)  }
0x65f: {  	v20 =	vmul.f32 $1.442695020e+00, v45;
	(xrf1) =	vsort.dscd.msk.f32 $0xffff, v44, v0;
	(erf) = vrcp.f32 v33  }
0x660: {  	v45, _, _ =	vpop (xrf2)  }
0x661: {  	v25 =	vmul.f32 $7.500000000e-01, v25;
	v31 =	vperm.xlane v45, v1  }
0x662: {  	(erf) = vpow2.f32 v20  }
0x663: {  	vm1 =	vle.f32 v23, v25;
	v24 =	vmul.f32 $1.442695020e+00, v46;
	v20, _, _ =	vpop (xrf2);
	vm2 =	vlt.f32 v31, $4.999949930e-01  }
0x664: {  	v46 =	vperm.xlane v20, v1;
	vm1 =	vmor vm1, vm2  }
0x665: {  	(erf) = vpow2.f32 v24;
	vm1 =	vmor vm1, vm0  }
0x666: {  	(erf) = vrcp.f32 v46;
	v34 =	vnsel vm1, $0x0, v37  }
0x667: {  	[tilespmem:v35+s15+$0x0] =	vst.idx.add.f32.msk $0xffff, v34  }
0x668: {  	[tilespmem:v35+s16+$0x0] =	vst.idx.add.f32.msk $0xffff, v37;
	v35 =	vpop (erf)  }
0x669: {  	v24 =	vmul.f32 v36, v35;
	_ =	sdelay $0x1  }
0x66a: {  	v37 =	vpop (erf);
	v3 =	vmul.f32 v24, v24  }
0x66b: {  	v36 =	vld.idx.msk [tilespmem:v2+s23+$0x180 ss:$0x1], $0xffff;
	(xrf1) =	vsort.dscd.msk.f32 $0xffff, v37, v0  }
0x66c: {  	(xrf2) =	vadd.scan.msk.f32 $0xffff, v3;
	v39, v31, _ =	vpop (xrf1)  }
0x66d: {  	[tilespmem:$0x1FB80] =	vst v3;
	v38 =	vpop (erf);
	v3 =	vmul.f32 v21, v43;
	(xrf2) =	vadd.scan.msk.f32 $0xffff, v39  }
0x66e: {  	v41 =	vpop (erf)  }
0x66f: {  	[tilespmem:$0x1FCC0] =	vst v3;
	v19 =	vmul.f32 v42, v41;
	v3 =	vmul.f32 v3, v3  }
0x670: {  	v40 =	vmul.f32 $1.442695020e+00, v36;
	(xrf1) =	vsort.dscd.msk.f32 $0xffff, v38, v0  }
0x671: {  	[tilespmem:$0x1F910] =	vst v3;
	(xrf2) =	vadd.scan.msk.f32 $0xffff, v3;
	v3 =	vmul.f32 v19, v19  }
0x672: {  	(erf) = vpow2.f32 v40  }
0x673: {  	(xrf2) =	vadd.scan.msk.f32 $0xffff, v3;
	_ =	sdelay $0x2  }
0x674: {  	v42, _, _ =	vpop (xrf2)  }
0x675: {  	v25, _, _ =	vpop (xrf2)  }
0x676: {  	v28 =	vperm.xlane v25, v1  }
0x677: {  	v26 =	vmul.f32 $7.500000000e-01, v33;
	v21 =	vperm.xlane v42, v1;
	v44, v33, _ =	vpop (xrf1)  }
0x678: {  	(xrf2) =	vadd.scan.msk.f32 $0xffff, v44;
	(erf) = vrcp.f32 v28  }
0x679: {  	vm1 =	vle.f32 v22, v26;
	v43 =	vpop (erf);
	vm2 =	vlt.f32 v21, $4.999949930e-01  }
0x67a: {  	[tilespmem:$0x1F9F0] =	vst v3;
	v3, _, _ =	vpop (xrf2);
	vm1 =	vmor vm1, vm2  }
0x67b: {  	v23 =	vmul.f32 $7.500000000e-01, v46;
	vm1 =	vmor vm1, vm0;
	v45, _, _ =	vpop (xrf2)  }
0x67c: {  	(xrf1) =	vsort.dscd.msk.f32 $0xffff, v43, v0;
	[tilespmem:$0x1FC60] =	vst v3;
	v46 =	vnsel vm1, $0x0, v24;
	v26 =	vperm.xlane v45, v1  }
0x67d: {  	v21, v22, _ =	vpop (xrf1);
	[tilespmem:v32+s15+$0x0] =	vst.idx.add.f32.msk $0xffff, v46  }
0x67e: {  	(xrf2) =	vadd.scan.msk.f32 $0xffff, v21;
	vm1 =	vle.f32 v20, v23;
	[tilespmem:v32+s16+$0x0] =	vst.idx.add.f32.msk $0xffff, v24;
	vm2 =	vlt.f32 v26, $4.999949930e-01  }
0x67f: {  	v36 =	vld.idx.msk [tilespmem:v2+s28+$0x0 ss:$0x1], $0xffff;
	vm1 =	vmor vm1, vm2  }
0x680: {  	vm1 =	vmor vm1, vm0  }
0x681: {  	v38 =	vnsel vm1, $0x0, v19;
	v37 =	vpop (erf)  }
0x682: {  	v24, _, _ =	vpop (xrf2);
	[tilespmem:v27+s15+$0x0] =	vst.idx.add.f32.msk $0xffff, v38;
	v23 =	vmul.f32 v39, v37  }
0x683: {  	[tilespmem:v27+s16+$0x0] =	vst.idx.add.f32.msk $0xffff, v19;
	v19 =	vperm.xlane v24, v1  }
0x684: {  	v20 =	vmul.f32 $1.442695020e+00, v36;
	v3 =	vmul.f32 v23, v23  }
0x685: {  	(erf) = vrcp.f32 v19  }
0x686: {  	(erf) = vpow2.f32 v20;
	[tilespmem:$0x1FB00] =	vst v3  }
0x687: {  	v39 =	vld.idx.msk [tilespmem:v2+s22+$0x280 ss:$0x1], $0xffff  }
0x688: {  	v27, _, _ =	vpop (xrf2)  }
0x689: {  	v41 =	vperm.xlane v27, v1;
	(xrf2) =	vadd.scan.msk.f32 $0xffff, v3  }
0x68a: {  	v40, v29, _ =	vpop (xrf1)  }
0x68b: {  	(xrf2) =	vadd.scan.msk.f32 $0xffff, v40;
	(erf) = vrcp.f32 v41  }
0x68c: {  	v26 =	vmul.f32 $1.442695020e+00, v39;
	_ =	sdelay $0x1  }
0x68d: {  	v42 =	vpop (erf);
	(erf) = vpow2.f32 v26  }
0x68e: {  	v43 =	vpop (erf)  }
0x68f: {  	(xrf1) =	vsort.dscd.msk.f32 $0xffff, v43, v0;
	_ =	sdelay $0x1  }
0x690: {  	v26 =	vmul.f32 v44, v42  }
0x691: {  	v28 =	vmul.f32 $7.500000000e-01, v28;
	v44, _, _ =	vpop (xrf2)  }
0x692: {  	v3 =	vmul.f32 v26, v26;
	v45 =	vpop (erf);
	v34 =	vperm.xlane v44, v1  }
0x693: {  	v30, _, _ =	vpop (xrf2);
	v21 =	vmul.f32 v21, v45  }
0x694: {  	vm1 =	vle.f32 v25, v28;
	(xrf2) =	vadd.scan.msk.f32 $0xffff, v3;
	v35 =	vperm.xlane v30, v1;
	vm2 =	vlt.f32 v34, $4.999949930e-01  }
0x695: {  	[tilespmem:$0x1F980] =	vst v3;
	v3 =	vmul.f32 v21, v21;
	vm1 =	vmor vm1, vm2;
	v46 =	vpop (erf)  }
0x696: {  	vm1 =	vmor vm1, vm0;
	(erf) = vrcp.f32 v35;
	(xrf1) =	vsort.dscd.msk.f32 $0xffff, v46, v0  }
0x697: {  	[tilespmem:$0x1FC90] =	vst v3;
	v28 =	vnsel vm1, $0x0, v23  }
0x698: {  	[tilespmem:v31+s15+$0x0] =	vst.idx.add.f32.msk $0xffff, v28  }
0x699: {  	(xrf2) =	vadd.scan.msk.f32 $0xffff, v3;
	[tilespmem:v31+s16+$0x0] =	vst.idx.add.f32.msk $0xffff, v23  }
0x69a: {  	v23 =	vld.idx.msk [tilespmem:v2+s25+$0x100 ss:$0x1], $0xffff;
	_ =	sdelay $0x1  }
0x69b: {  	v37, v31, _ =	vpop (xrf1)  }
0x69c: {  	(xrf2) =	vadd.scan.msk.f32 $0xffff, v37  }
0x69d: {  	v19 =	vmul.f32 $7.500000000e-01, v19;
	v34, _, _ =	vpop (xrf2)  }
0x69e: {  	v25 =	vperm.xlane v34, v1;
	v23 =	vmul.f32 $1.442695020e+00, v23;
	v36 =	vpop (erf)  }
0x69f: {  	v20 =	vmul.f32 v40, v36  }
0x6a0: {  	vm1 =	vle.f32 v24, v19;
	vm2 =	vlt.f32 v25, $4.999949930e-01;
	(erf) = vpow2.f32 v23  }
0x6a1: {  	vm1 =	vmor vm1, vm2;
	v3 =	vmul.f32 v20, v20  }
0x6a2: {  	v38, _, _ =	vpop (xrf2);
	vm1 =	vmor vm1, vm0  }
0x6a3: {  	v40 =	vnsel vm1, $0x0, v26;
	[tilespmem:$0x1FA80] =	vst v3;
	(xrf2) =	vadd.scan.msk.f32 $0xffff, v3;
	v23, v24, _ =	vpop (xrf1)  }
0x6a4: {  	v39 =	vmul.f32 $7.500000000e-01, v41;
	v19 =	vperm.xlane v38, v1;
	[tilespmem:v33+s15+$0x0] =	vst.idx.add.f32.msk $0xffff, v40;
	(xrf2) =	vadd.scan.msk.f32 $0xffff, v23  }
0x6a5: {  	[tilespmem:v33+s16+$0x0] =	vst.idx.add.f32.msk $0xffff, v26  }
0x6a6: {  	vm1 =	vle.f32 v27, v39;
	vm2 =	vlt.f32 v19, $4.999949930e-01;
	v41 =	vld.idx.msk [tilespmem:v2+s24+$0x380 ss:$0x1], $0xffff;
	v25, _, _ =	vpop (xrf2)  }
0x6a7: {  	vm1 =	vmor vm1, vm2;
	v43 =	vperm.xlane v25, v1  }
0x6a8: {  	vm1 =	vmor vm1, vm0  }
0x6a9: {  	v42 =	vnsel vm1, $0x0, v21;
	v44 =	vpop (erf);
	(erf) = vrcp.f32 v43  }
0x6aa: {  	[tilespmem:v22+s15+$0x0] =	vst.idx.add.f32.msk $0xffff, v42;
	(xrf1) =	vsort.dscd.msk.f32 $0xffff, v44, v0  }
0x6ab: {  	[tilespmem:v22+s16+$0x0] =	vst.idx.add.f32.msk $0xffff, v21;
	v19 =	vmul.f32 $1.442695020e+00, v41  }
0x6ac: {  	v22 =	vld.idx.msk [tilespmem:v2+s30+$0xFFFFFF80 ss:$0x1], $0xffff  }
0x6ad: {  	v45, _, _ =	vpop (xrf2);
	(erf) = vpow2.f32 v19  }
0x6ae: {  	v46 =	vmul.f32 $7.500000000e-01, v35;
	v27, _, _ =	vpop (xrf2)  }
0x6af: {  	v26 =	vperm.xlane v45, v1;
	v19 =	vperm.xlane v27, v1  }
0x6b0: {  	vm1 =	vle.f32 v30, v46  }
0x6b1: {  	v22 =	vmul.f32 $1.442695020e+00, v22;
	vm2 =	vlt.f32 v26, $4.999949930e-01;
	(erf) = vrcp.f32 v19  }
0x6b2: {  	vm1 =	vmor vm1, vm2;
	v34 =	vpop (erf)  }
0x6b3: {  	vm1 =	vmor vm1, vm0;
	(erf) = vpow2.f32 v22;
	v22 =	vmul.f32 v37, v34  }
0x6b4: {  	v35 =	vnsel vm1, $0x0, v20  }
0x6b5: {  	[tilespmem:v29+s15+$0x0] =	vst.idx.add.f32.msk $0xffff, v35;
	v3 =	vmul.f32 v22, v22  }
0x6b6: {  	[tilespmem:v29+s16+$0x0] =	vst.idx.add.f32.msk $0xffff, v20;
	v36 =	vpop (erf)  }
0x6b7: {  	[tilespmem:$0x1FB90] =	vst v3;
	(xrf1) =	vsort.dscd.msk.f32 $0xffff, v36, v0  }
0x6b8: {  	v38, v29, _ =	vpop (xrf1);
	(xrf2) =	vadd.scan.msk.f32 $0xffff, v3;
	v26 =	vld.idx.msk [tilespmem:v2+s23+$0x200 ss:$0x1], $0xffff  }
0x6b9: {  	(xrf2) =	vadd.scan.msk.f32 $0xffff, v38  }
0x6ba: {  	v37 =	vpop (erf)  }
0x6bb: {  	v20 =	vmul.f32 v23, v37  }
0x6bc: {  	v39 =	vpop (erf)  }
0x6bd: {  	(xrf1) =	vsort.dscd.msk.f32 $0xffff, v39, v0;
	v40 =	vmul.f32 $1.442695020e+00, v26;
	v3 =	vmul.f32 v20, v20;
	_ =	sdelay $0x1  }
0x6be: {  	(erf) = vpow2.f32 v40;
	(xrf2) =	vadd.scan.msk.f32 $0xffff, v3;
	_ =	sdelay $0x2  }
0x6bf: {  	v41, _, _ =	vpop (xrf2)  }
0x6c0: {  	v26, _, _ =	vpop (xrf2)  }
0x6c1: {  	v42 =	vperm.xlane v26, v1  }
0x6c2: {  	v21 =	vmul.f32 $7.500000000e-01, v43;
	[tilespmem:$0x1FA00] =	vst v3;
	v32, v3, _ =	vpop (xrf1)  }
0x6c3: {  	v23 =	vperm.xlane v41, v1;
	(erf) = vrcp.f32 v42;
	(xrf2) =	vadd.scan.msk.f32 $0xffff, v32;
	_ =	sdelay $0x1  }
0x6c4: {  	vm1 =	vle.f32 v25, v21;
	vm2 =	vlt.f32 v23, $4.999949930e-01;
	v43 =	vpop (erf)  }
0x6c5: {  	vm1 =	vmor vm1, vm2;
	(xrf1) =	vsort.dscd.msk.f32 $0xffff, v43, v0;
	v45, _, _ =	vpop (xrf2)  }
0x6c6: {  	v19 =	vmul.f32 $7.500000000e-01, v19;
	vm1 =	vmor vm1, vm0;
	v25 =	vperm.xlane v45, v1  }
0x6c7: {  	[tilespmem:$0x1FD00] =	vst v3;
	v46 =	vnsel vm1, $0x0, v22;
	v44, v23, _ =	vpop (xrf1)  }
0x6c8: {  	vm1 =	vle.f32 v27, v19;
	[tilespmem:v31+s15+$0x0] =	vst.idx.add.f32.msk $0xffff, v46;
	(xrf2) =	vadd.scan.msk.f32 $0xffff, v44;
	vm2 =	vlt.f32 v25, $4.999949930e-01  }
0x6c9: {  	[tilespmem:v31+s16+$0x0] =	vst.idx.add.f32.msk $0xffff, v22;
	vm1 =	vmor vm1, vm2  }
0x6ca: {  	v31 =	vld.idx.msk [tilespmem:v2+s28+$0x80 ss:$0x1], $0xffff;
	vm1 =	vmor vm1, vm0  }
0x6cb: {  	v33 =	vpop (erf);
	v34 =	vnsel vm1, $0x0, v20  }
0x6cc: {  	v22 =	vmul.f32 v38, v33;
	v3, _, _ =	vpop (xrf2);
	[tilespmem:v24+s15+$0x0] =	vst.idx.add.f32.msk $0xffff, v34  }
0x6cd: {  	[tilespmem:$0x1FC40] =	vst v3;
	v3 =	vperm.xlane v3, v1  }
0x6ce: {  	v35 =	vmul.f32 v22, v22;
	[tilespmem:v24+s16+$0x0] =	vst.idx.add.f32.msk $0xffff, v20  }
0x6cf: {  	v19 =	vmul.f32 $1.442695020e+00, v31;
	[tilespmem:$0x1FC00] =	vst v3  }
0x6d0: {  	[tilespmem:$0x1FB10] =	vst v35;
	(erf) = vrcp.f32 v3  }
0x6d1: {  	v20 =	vld.idx.msk [tilespmem:v2+s22+$0x300 ss:$0x1], $0xffff;
	(erf) = vpow2.f32 v19  }
0x6d2: {  	v24, _, _ =	vpop (xrf2)  }
0x6d3: {  	(xrf2) =	vadd.scan.msk.f32 $0xffff, v35;
	v25, v27, _ =	vpop (xrf1)  }
0x6d4: {  	v19 =	vperm.xlane v24, v1;
	(xrf2) =	vadd.scan.msk.f32 $0xffff, v25;
	_ =	sdelay $0x1  }
0x6d5: {  	(erf) = vrcp.f32 v19;
	v20 =	vmul.f32 $1.442695020e+00, v20;
	_ =	sdelay $0x1  }
0x6d6: {  	(erf) = vpow2.f32 v20  }
0x6d7: {  	v36 =	vpop (erf)  }
0x6d8: {  	v37 =	vpop (erf)  }
0x6d9: {  	(xrf1) =	vsort.dscd.msk.f32 $0xffff, v37, v0;
	_ =	sdelay $0x1  }
0x6da: {  	v38, _, _ =	vpop (xrf2)  }
0x6db: {  	v30 =	vmul.f32 $7.500000000e-01, v42;
	v40, _, _ =	vpop (xrf2)  }
0x6dc: {  	v31 =	vperm.xlane v38, v1;
	v39 =	vpop (erf);
	v41 =	vperm.xlane v40, v1  }
0x6dd: {  	v21 =	vmul.f32 v44, v39  }
0x6de: {  	vm1 =	vle.f32 v26, v30;
	vm2 =	vlt.f32 v31, $4.999949930e-01;
	v42 =	vpop (erf);
	(erf) = vrcp.f32 v41  }
0x6df: {  	vm1 =	vmor vm1, vm2;
	v3 =	vmul.f32 v21, v21;
	(xrf1) =	vsort.dscd.msk.f32 $0xffff, v42, v0  }
0x6e0: {  	vm1 =	vmor vm1, vm0  }
0x6e1: {  	v43 =	vnsel vm1, $0x0, v22;
	[tilespmem:$0x1FCB0] =	vst v3;
	(xrf2) =	vadd.scan.msk.f32 $0xffff, v3  }
0x6e2: {  	[tilespmem:v29+s15+$0x0] =	vst.idx.add.f32.msk $0xffff, v43  }
0x6e3: {  	[tilespmem:v29+s16+$0x0] =	vst.idx.add.f32.msk $0xffff, v22  }
0x6e4: {  	v22 =	vld.idx.msk [tilespmem:v2+s25+$0x180 ss:$0x1], $0xffff  }
0x6e5: {  	v46 =	vmul.f32 v32, v36  }
0x6e6: {  	v45, v26, _ =	vpop (xrf1)  }
0x6e7: {  	v3 =	vmul.f32 v46, v46;
	v44 =	vpop (erf)  }
0x6e8: {  	(xrf2) =	vadd.scan.msk.f32 $0xffff, v45;
	v20 =	vmul.f32 v25, v44  }
0x6e9: {  	(xrf2) =	vadd.scan.msk.f32 $0xffff, v3;
	v22 =	vmul.f32 $1.442695020e+00, v22  }
0x6ea: {  	[tilespmem:$0x1F990] =	vst v3;
	v3 =	vmul.f32 v20, v20  }
0x6eb: {  	v35, _, _ =	vpop (xrf2);
	(erf) = vpow2.f32 v22  }
0x6ec: {  	v19 =	vmul.f32 $7.500000000e-01, v19;
	v29 =	vperm.xlane v35, v1;
	(xrf2) =	vadd.scan.msk.f32 $0xffff, v3  }
0x6ed: {  	v36, v30, _ =	vpop (xrf1)  }
0x6ee: {  	vm1 =	vle.f32 v24, v19;
	vm2 =	vlt.f32 v29, $4.999949930e-01;
	(xrf2) =	vadd.scan.msk.f32 $0xffff, v36  }
0x6ef: {  	vm1 =	vmor vm1, vm2  }
0x6f0: {  	vm1 =	vmor vm1, vm0  }
0x6f1: {  	[tilespmem:$0x1FA90] =	vst v3;
	v34 =	vnsel vm1, $0x0, v21  }
0x6f2: {  	[tilespmem:v23+s15+$0x0] =	vst.idx.add.f32.msk $0xffff, v34;
	v19, _, _ =	vpop (xrf2)  }
0x6f3: {  	[tilespmem:v23+s16+$0x0] =	vst.idx.add.f32.msk $0xffff, v21;
	v35 =	vperm.xlane v19, v1;
	v3, _, _ =	vpop (xrf2)  }
0x6f4: {  	[tilespmem:$0x1FC80] =	vst v3;
	v37 =	vpop (erf)  }
0x6f5: {  	v38 =	vld.idx.msk [tilespmem:v2+s30+$0x0 ss:$0x1], $0xffff;
	(xrf1) =	vsort.dscd.msk.f32 $0xffff, v37, v0;
	(erf) = vrcp.f32 v35  }
0x6f6: {  	v39, _, _ =	vpop (xrf2)  }
0x6f7: {  	v28 =	vmul.f32 $7.500000000e-01, v41;
	v23 =	vperm.xlane v39, v1  }
0x6f8: {  	v29, _, _ =	vpop (xrf2)  }
0x6f9: {  	vm1 =	vle.f32 v40, v28;
	v31 =	vperm.xlane v29, v1;
	vm2 =	vlt.f32 v23, $4.999949930e-01  }
0x6fa: {  	v24 =	vmul.f32 $1.442695020e+00, v38;
	vm1 =	vmor vm1, vm2  }
0x6fb: {  	(erf) = vrcp.f32 v31;
	vm1 =	vmor vm1, vm0  }
0x6fc: {  	(erf) = vpow2.f32 v24;
	v40 =	vnsel vm1, $0x0, v20  }
0x6fd: {  	[tilespmem:v27+s15+$0x0] =	vst.idx.add.f32.msk $0xffff, v40  }
0x6fe: {  	v41 =	vpop (erf);
	[tilespmem:v27+s16+$0x0] =	vst.idx.add.f32.msk $0xffff, v20  }
0x6ff: {  	v42 =	vmul.f32 v45, v41;
	v43 =	vld.idx.msk [tilespmem:v2+s23+$0x280 ss:$0x1], $0xffff;
	_ =	sdelay $0x1  }
0x700: {  	v3 =	vmul.f32 v42, v42;
	_ =	sdelay $0x1  }
0x701: {  	(xrf2) =	vadd.scan.msk.f32 $0xffff, v3;
	v45, v27, _ =	vpop (xrf1)  }
0x702: {  	(xrf2) =	vadd.scan.msk.f32 $0xffff, v45;
	v44 =	vpop (erf);
	v23 =	vmul.f32 $1.442695020e+00, v43  }
0x703: {  	v22 =	vmul.f32 v36, v44;
	v36 =	vpop (erf)  }
0x704: {  	(xrf1) =	vsort.dscd.msk.f32 $0xffff, v36, v0;
	(erf) = vpow2.f32 v23  }
0x705: {  	[tilespmem:$0x1FBA0] =	vst v3;
	v3 =	vmul.f32 v22, v22;
	_ =	sdelay $0x1  }
0x706: {  	(xrf2) =	vadd.scan.msk.f32 $0xffff, v3;
	_ =	sdelay $0x3  }
0x707: {  	v37, _, _ =	vpop (xrf2)  }
0x708: {  	v24, _, _ =	vpop (xrf2)  }
0x709: {  	v23 =	vperm.xlane v37, v1;
	v28 =	vperm.xlane v24, v1;
	v38 =	vpop (erf)  }
0x70a: {  	v21 =	vmul.f32 $7.500000000e-01, v35;
	(xrf1) =	vsort.dscd.msk.f32 $0xffff, v38, v0  }
0x70b: {  	(erf) = vrcp.f32 v28  }
0x70c: {  	vm1 =	vle.f32 v19, v21;
	vm2 =	vlt.f32 v23, $4.999949930e-01  }
0x70d: {  	vm1 =	vmor vm1, vm2;
	v39, _, _ =	vpop (xrf2)  }
0x70e: {  	v31 =	vmul.f32 $7.500000000e-01, v31;
	vm1 =	vmor vm1, vm0;
	v40, v23, _ =	vpop (xrf1);
	v19 =	vperm.xlane v39, v1  }
0x70f: {  	[tilespmem:$0x1FA10] =	vst v3;
	v41 =	vnsel vm1, $0x0, v42;
	(xrf2) =	vadd.scan.msk.f32 $0xffff, v40  }
0x710: {  	vm1 =	vle.f32 v29, v31;
	[tilespmem:v26+s15+$0x0] =	vst.idx.add.f32.msk $0xffff, v41;
	vm2 =	vlt.f32 v19, $4.999949930e-01  }
0x711: {  	[tilespmem:v26+s16+$0x0] =	vst.idx.add.f32.msk $0xffff, v42;
	vm1 =	vmor vm1, vm2  }
0x712: {  	v42 =	vld.idx.msk [tilespmem:v2+s28+$0x100 ss:$0x1], $0xffff;
	vm1 =	vmor vm1, vm0  }
0x713: {  	v43 =	vnsel vm1, $0x0, v22  }
0x714: {  	v44 =	vpop (erf);
	[tilespmem:v30+s15+$0x0] =	vst.idx.add.f32.msk $0xffff, v43  }
0x715: {  	v20 =	vmul.f32 v45, v44;
	[tilespmem:v30+s16+$0x0] =	vst.idx.add.f32.msk $0xffff, v22  }
0x716: {  	v22 =	vld.idx.msk [tilespmem:v2+s22+$0x380 ss:$0x1], $0xffff  }
0x717: {  	v19 =	vmul.f32 $1.442695020e+00, v42;
	v3 =	vmul.f32 v20, v20  }
0x718: {  	v45, v26, _ =	vpop (xrf1)  }
0x719: {  	(erf) = vpow2.f32 v19;
	(xrf2) =	vadd.scan.msk.f32 $0xffff, v3;
	v25, _, _ =	vpop (xrf2)  }
0x71a: {  	(xrf2) =	vadd.scan.msk.f32 $0xffff, v45;
	v29 =	vperm.xlane v25, v1  }
0x71b: {  	v22 =	vmul.f32 $1.442695020e+00, v22  }
0x71c: {  	(erf) = vrcp.f32 v29  }
0x71d: {  	(erf) = vpow2.f32 v22;
	_ =	sdelay $0x4  }
0x71e: {  	v36 =	vpop (erf)  }
0x71f: {  	(xrf1) =	vsort.dscd.msk.f32 $0xffff, v36, v0;
	v37, _, _ =	vpop (xrf2)  }
0x720: {  	v30, _, _ =	vpop (xrf2)  }
0x721: {  	v38 =	vpop (erf)  }
0x722: {  	v39 =	vpop (erf)  }
0x723: {  	v31 =	vperm.xlane v30, v1;
	(xrf1) =	vsort.dscd.msk.f32 $0xffff, v39, v0  }
0x724: {  	v21 =	vmul.f32 v40, v38  }
0x725: {  	(erf) = vrcp.f32 v31  }
0x726: {  	[tilespmem:$0x1FB20] =	vst v3;
	v3 =	vmul.f32 v21, v21;
	_ =	sdelay $0x1  }
0x727: {  	(xrf2) =	vadd.scan.msk.f32 $0xffff, v3;
	_ =	sdelay $0x2  }
0x728: {  	v28 =	vmul.f32 $7.500000000e-01, v28;
	v22 =	vperm.xlane v37, v1;
	_ =	sdelay $0x1  }
0x729: {  	vm1 =	vle.f32 v24, v28;
	vm2 =	vlt.f32 v22, $4.999949930e-01;
	v41, v24, _ =	vpop (xrf1)  }
0x72a: {  	vm1 =	vmor vm1, vm2;
	v40 =	vpop (erf)  }
0x72b: {  	vm1 =	vmor vm1, vm0;
	(xrf2) =	vadd.scan.msk.f32 $0xffff, v41;
	v19 =	vmul.f32 v45, v40  }
0x72c: {  	v42 =	vnsel vm1, $0x0, v20;
	[tilespmem:$0x1FCF0] =	vst v3  }
0x72d: {  	[tilespmem:v27+s15+$0x0] =	vst.idx.add.f32.msk $0xffff, v42;
	v45 =	vmul.f32 v19, v19;
	v32, v3, _ =	vpop (xrf1)  }
0x72e: {  	v43, _, _ =	vpop (xrf2);
	[tilespmem:$0x1FD10] =	vst v3  }
0x72f: {  	v29 =	vmul.f32 $7.500000000e-01, v29;
	(xrf2) =	vadd.scan.msk.f32 $0xffff, v45;
	v44 =	vperm.xlane v43, v1;
	[tilespmem:v27+s16+$0x0] =	vst.idx.add.f32.msk $0xffff, v20  }
0x730: {  	(xrf2) =	vadd.scan.msk.f32 $0xffff, v32;
	v20 =	vld.idx.msk [tilespmem:v2+s25+$0x200 ss:$0x1], $0xffff  }
0x731: {  	vm1 =	vle.f32 v25, v29;
	vm2 =	vlt.f32 v44, $4.999949930e-01  }
0x732: {  	vm1 =	vmor vm1, vm2  }
0x733: {  	vm1 =	vmor vm1, vm0  }
0x734: {  	v33 =	vnsel vm1, $0x0, v21  }
0x735: {  	v34, _, _ =	vpop (xrf2);
	[tilespmem:v23+s15+$0x0] =	vst.idx.add.f32.msk $0xffff, v33;
	v20 =	vmul.f32 $1.442695020e+00, v20  }
0x736: {  	v35 =	vperm.xlane v34, v1;
	[tilespmem:v23+s16+$0x0] =	vst.idx.add.f32.msk $0xffff, v21  }
0x737: {  	v25 =	vld.idx.msk [tilespmem:v2+s30+$0x80 ss:$0x1], $0xffff;
	(erf) = vpow2.f32 v20  }
0x738: {  	(erf) = vrcp.f32 v35  }
0x739: {  	v36, _, _ =	vpop (xrf2)  }
0x73a: {  	v3, _, _ =	vpop (xrf2)  }
0x73b: {  	[tilespmem:$0x1FC70] =	vst v3;
	v3 =	vperm.xlane v3, v1  }
0x73c: {  	v25 =	vmul.f32 $1.442695020e+00, v25  }
0x73d: {  	(erf) = vrcp.f32 v3  }
0x73e: {  	(erf) = vpow2.f32 v25;
	_ =	sdelay $0x1  }
0x73f: {  	v37 =	vpop (erf)  }
0x740: {  	v38 =	vpop (erf)  }
0x741: {  	v22 =	vmul.f32 v41, v38;
	_ =	sdelay $0x1  }
0x742: {  	[tilespmem:$0x1FC30] =	vst v3;
	(xrf1) =	vsort.dscd.msk.f32 $0xffff, v37, v0;
	v3 =	vmul.f32 v22, v22;
	_ =	sdelay $0x1  }
0x743: {  	v39 =	vpop (erf);
	(xrf2) =	vadd.scan.msk.f32 $0xffff, v3  }
0x744: {  	v40 =	vmul.f32 $7.500000000e-01, v31;
	v20 =	vperm.xlane v36, v1;
	v41 =	vpop (erf)  }
0x745: {  	(xrf1) =	vsort.dscd.msk.f32 $0xffff, v41, v0  }
0x746: {  	vm1 =	vle.f32 v30, v40;
	vm2 =	vlt.f32 v20, $4.999949930e-01  }
0x747: {  	vm1 =	vmor vm1, vm2  }
0x748: {  	vm1 =	vmor vm1, vm0  }
0x749: {  	v42 =	vnsel vm1, $0x0, v19;
	[tilespmem:$0x1FBB0] =	vst v3  }
0x74a: {  	[tilespmem:v26+s15+$0x0] =	vst.idx.add.f32.msk $0xffff, v42  }
0x74b: {  	[tilespmem:v26+s16+$0x0] =	vst.idx.add.f32.msk $0xffff, v19  }
0x74c: {  	v19 =	vld.idx.msk [tilespmem:v2+s23+$0x300 ss:$0x1], $0xffff  }
0x74d: {  	v43, _, _ =	vpop (xrf2)  }
0x74e: {  	v20 =	vperm.xlane v43, v1  }
0x74f: {  	v44, v27, _ =	vpop (xrf1)  }
0x750: {  	(xrf2) =	vadd.scan.msk.f32 $0xffff, v44  }
0x751: {  	v23 =	vmul.f32 $7.500000000e-01, v35;
	v19 =	vmul.f32 $1.442695020e+00, v19;
	_ =	sdelay $0x1  }
0x752: {  	vm1 =	vle.f32 v34, v23;
	(erf) = vpow2.f32 v19;
	vm2 =	vlt.f32 v20, $4.999949930e-01;
	v29, v20, _ =	vpop (xrf1)  }
0x753: {  	vm1 =	vmor vm1, vm2;
	(xrf2) =	vadd.scan.msk.f32 $0xffff, v29  }
0x754: {  	vm1 =	vmor vm1, vm0  }
0x755: {  	v30 =	vnsel vm1, $0x0, v22  }
0x756: {  	[tilespmem:v24+s15+$0x0] =	vst.idx.add.f32.msk $0xffff, v30  }
0x757: {  	[tilespmem:v24+s16+$0x0] =	vst.idx.add.f32.msk $0xffff, v22  }
0x758: {  	v21 =	vld.idx.msk [tilespmem:v2+s28+$0x180 ss:$0x1], $0xffff  }
0x759: {  	v22, _, _ =	vpop (xrf2)  }
0x75a: {  	v23 =	vperm.xlane v22, v1  }
0x75b: {  	v31 =	vpop (erf)  }
0x75c: {  	(xrf1) =	vsort.dscd.msk.f32 $0xffff, v31, v0;
	(erf) = vrcp.f32 v23  }
0x75d: {  	v21 =	vmul.f32 $1.442695020e+00, v21;
	v24, _, _ =	vpop (xrf2)  }
0x75e: {  	v33 =	vperm.xlane v24, v1  }
0x75f: {  	(erf) = vpow2.f32 v21  }
0x760: {  	(erf) = vrcp.f32 v33;
	_ =	sdelay $0x3  }
0x761: {  	v39 =	vmul.f32 v32, v39  }
0x762: {  	v34 =	vpop (erf)  }
0x763: {  	v40 =	vmul.f32 v39, v39;
	v25 =	vmul.f32 v44, v34;
	_ =	sdelay $0x1  }
0x764: {  	(xrf2) =	vadd.scan.msk.f32 $0xffff, v40;
	v35 =	vpop (erf);
	v44 =	vmul.f32 v25, v25  }
0x765: {  	(xrf1) =	vsort.dscd.msk.f32 $0xffff, v35, v0;
	v36 =	vpop (erf)  }
0x766: {  	v37, v28, _ =	vpop (xrf1);
	(xrf2) =	vadd.scan.msk.f32 $0xffff, v44;
	v19 =	vmul.f32 v29, v36  }
0x767: {  	(xrf2) =	vadd.scan.msk.f32 $0xffff, v37  }
0x768: {  	v3 =	vmul.f32 v19, v19;
	_ =	sdelay $0x1  }
0x769: {  	(xrf2) =	vadd.scan.msk.f32 $0xffff, v3;
	_ =	sdelay $0x3  }
0x76a: {  	v23 =	vmul.f32 $7.500000000e-01, v23  }
0x76b: {  	[tilespmem:$0x1FD20] =	vst v3;
	v3, _, _ =	vpop (xrf2)  }
0x76c: {  	v38, _, _ =	vpop (xrf2)  }
0x76d: {  	v29 =	vperm.xlane v38, v1;
	v30, _, _ =	vpop (xrf2)  }
0x76e: {  	v31 =	vperm.xlane v30, v1  }
0x76f: {  	vm1 =	vle.f32 v22, v23;
	vm2 =	vlt.f32 v29, $4.999949930e-01;
	v22, v23, _ =	vpop (xrf1)  }
0x770: {  	vm1 =	vmor vm1, vm2;
	(erf) = vrcp.f32 v31;
	(xrf2) =	vadd.scan.msk.f32 $0xffff, v22;
	v41, _, _ =	vpop (xrf2)  }
0x771: {  	v21 =	vmul.f32 $7.500000000e-01, v33;
	vm1 =	vmor vm1, vm0;
	v29 =	vperm.xlane v41, v1  }
0x772: {  	[tilespmem:$0x1FCA0] =	vst v3;
	v42 =	vnsel vm1, $0x0, v25  }
0x773: {  	vm1 =	vle.f32 v24, v21;
	[tilespmem:v27+s15+$0x0] =	vst.idx.add.f32.msk $0xffff, v42;
	vm2 =	vlt.f32 v29, $4.999949930e-01  }
0x774: {  	[tilespmem:v27+s16+$0x0] =	vst.idx.add.f32.msk $0xffff, v25;
	vm1 =	vmor vm1, vm2  }
0x775: {  	v43 =	vld.idx.msk [tilespmem:v2+s25+$0x280 ss:$0x1], $0xffff;
	vm1 =	vmor vm1, vm0  }
0x776: {  	v29 =	vnsel vm1, $0x0, v19  }
0x777: {  	[tilespmem:v20+s15+$0x0] =	vst.idx.add.f32.msk $0xffff, v29  }
0x778: {  	[tilespmem:v20+s16+$0x0] =	vst.idx.add.f32.msk $0xffff, v19  }
0x779: {  	v32 =	vpop (erf);
	v20 =	vld.idx.msk [tilespmem:v2+s30+$0x100 ss:$0x1], $0xffff  }
0x77a: {  	v21 =	vmul.f32 $1.442695020e+00, v43;
	v33, _, _ =	vpop (xrf2);
	v19 =	vmul.f32 v37, v32  }
0x77b: {  	v34 =	vperm.xlane v33, v1  }
0x77c: {  	(erf) = vpow2.f32 v21;
	v38 =	vmul.f32 v19, v19  }
0x77d: {  	(erf) = vrcp.f32 v34  }
0x77e: {  	(xrf2) =	vadd.scan.msk.f32 $0xffff, v38;
	v20 =	vmul.f32 $1.442695020e+00, v20;
	_ =	sdelay $0x1  }
0x77f: {  	(erf) = vpow2.f32 v20;
	_ =	sdelay $0x4  }
0x780: {  	v35 =	vpop (erf)  }
0x781: {  	(xrf1) =	vsort.dscd.msk.f32 $0xffff, v35, v0;
	v36 =	vpop (erf)  }
0x782: {  	v20 =	vmul.f32 v22, v36  }
0x783: {  	v37, _, _ =	vpop (xrf2)  }
0x784: {  	v41 =	vmul.f32 v20, v20;
	v26 =	vpop (erf)  }
0x785: {  	v27 =	vmul.f32 $7.500000000e-01, v31;
	v21 =	vperm.xlane v37, v1;
	(xrf1) =	vsort.dscd.msk.f32 $0xffff, v26, v0  }
0x786: {  	(xrf2) =	vadd.scan.msk.f32 $0xffff, v41  }
0x787: {  	vm1 =	vle.f32 v30, v27;
	vm2 =	vlt.f32 v21, $4.999949930e-01  }
0x788: {  	vm1 =	vmor vm1, vm2  }
0x789: {  	vm1 =	vmor vm1, vm0  }
0x78a: {  	v29 =	vnsel vm1, $0x0, v19  }
0x78b: {  	[tilespmem:v28+s15+$0x0] =	vst.idx.add.f32.msk $0xffff, v29  }
0x78c: {  	[tilespmem:v28+s16+$0x0] =	vst.idx.add.f32.msk $0xffff, v19  }
0x78d: {  	v19 =	vld.idx.msk [tilespmem:v2+s23+$0x380 ss:$0x1], $0xffff  }
0x78e: {  	v25 =	vmul.f32 $7.500000000e-01, v34  }
0x78f: {  	v30, v22, _ =	vpop (xrf1)  }
0x790: {  	(xrf2) =	vadd.scan.msk.f32 $0xffff, v30;
	v31, _, _ =	vpop (xrf2)  }
0x791: {  	v26 =	vperm.xlane v31, v1  }
0x792: {  	v19 =	vmul.f32 $1.442695020e+00, v19  }
0x793: {  	vm1 =	vle.f32 v33, v25;
	vm2 =	vlt.f32 v26, $4.999949930e-01;
	v24, v25, _ =	vpop (xrf1)  }
0x794: {  	(erf) = vpow2.f32 v19;
	vm1 =	vmor vm1, vm2;
	(xrf2) =	vadd.scan.msk.f32 $0xffff, v24  }
0x795: {  	vm1 =	vmor vm1, vm0  }
0x796: {  	v32 =	vnsel vm1, $0x0, v20  }
0x797: {  	[tilespmem:v23+s15+$0x0] =	vst.idx.add.f32.msk $0xffff, v32  }
0x798: {  	[tilespmem:v23+s16+$0x0] =	vst.idx.add.f32.msk $0xffff, v20  }
0x799: {  	v19 =	vld.idx.msk [tilespmem:v2+s28+$0x200 ss:$0x1], $0xffff  }
0x79a: {  	v20, _, _ =	vpop (xrf2)  }
0x79b: {  	v33 =	vperm.xlane v20, v1;
	_ =	sdelay $0x1  }
0x79c: {  	(erf) = vrcp.f32 v33;
	v34 =	vpop (erf)  }
0x79d: {  	(xrf1) =	vsort.dscd.msk.f32 $0xffff, v34, v0;
	v19 =	vmul.f32 $1.442695020e+00, v19;
	v26, _, _ =	vpop (xrf2)  }
0x79e: {  	v35 =	vperm.xlane v26, v1  }
0x79f: {  	(erf) = vpow2.f32 v19  }
0x7a0: {  	(erf) = vrcp.f32 v35;
	_ =	sdelay $0x4  }
0x7a1: {  	v37 =	vpop (erf)  }
0x7a2: {  	v21 =	vmul.f32 v30, v37;
	_ =	sdelay $0x1  }
0x7a3: {  	v19 =	vmul.f32 v21, v21;
	v42 =	vpop (erf)  }
0x7a4: {  	(xrf1) =	vsort.dscd.msk.f32 $0xffff, v42, v0;
	v43 =	vpop (erf)  }
0x7a5: {  	(xrf2) =	vadd.scan.msk.f32 $0xffff, v19;
	v24 =	vmul.f32 v24, v43  }
0x7a6: {  	v28, v42, _ =	vpop (xrf1)  }
0x7a7: {  	(xrf2) =	vadd.scan.msk.f32 $0xffff, v28;
	v43 =	vmul.f32 v24, v24;
	_ =	sdelay $0x1  }
0x7a8: {  	(xrf2) =	vadd.scan.msk.f32 $0xffff, v43;
	_ =	sdelay $0x3  }
0x7a9: {  	v23 =	vmul.f32 $7.500000000e-01, v33;
	_ =	sdelay $0x1  }
0x7aa: {  	v32, _, _ =	vpop (xrf2)  }
0x7ab: {  	v29 =	vperm.xlane v32, v1  }
0x7ac: {  	v37, _, _ =	vpop (xrf2)  }
0x7ad: {  	vm1 =	vle.f32 v20, v23;
	vm2 =	vlt.f32 v29, $4.999949930e-01;
	v20, v23, _ =	vpop (xrf1)  }
0x7ae: {  	vm1 =	vmor vm1, vm2;
	(xrf2) =	vadd.scan.msk.f32 $0xffff, v20;
	v33, _, _ =	vpop (xrf2)  }
0x7af: {  	v27 =	vmul.f32 $7.500000000e-01, v35;
	vm1 =	vmor vm1, vm0;
	v29 =	vperm.xlane v33, v1  }
0x7b0: {  	v34 =	vnsel vm1, $0x0, v21  }
0x7b1: {  	vm1 =	vle.f32 v26, v27;
	[tilespmem:v22+s15+$0x0] =	vst.idx.add.f32.msk $0xffff, v34;
	vm2 =	vlt.f32 v29, $4.999949930e-01  }
0x7b2: {  	[tilespmem:v22+s16+$0x0] =	vst.idx.add.f32.msk $0xffff, v21;
	vm1 =	vmor vm1, vm2  }
0x7b3: {  	v21 =	vld.idx.msk [tilespmem:v2+s25+$0x300 ss:$0x1], $0xffff;
	vm1 =	vmor vm1, vm0  }
0x7b4: {  	v35 =	vnsel vm1, $0x0, v24  }
0x7b5: {  	[tilespmem:v25+s15+$0x0] =	vst.idx.add.f32.msk $0xffff, v35  }
0x7b6: {  	[tilespmem:v25+s16+$0x0] =	vst.idx.add.f32.msk $0xffff, v24  }
0x7b7: {  	v35 =	vperm.xlane v37, v1;
	v22 =	vld.idx.msk [tilespmem:v2+s30+$0x180 ss:$0x1], $0xffff  }
0x7b8: {  	v21 =	vmul.f32 $1.442695020e+00, v21;
	v24, _, _ =	vpop (xrf2)  }
0x7b9: {  	(erf) = vrcp.f32 v35;
	v36 =	vperm.xlane v24, v1  }
0x7ba: {  	(erf) = vpow2.f32 v21  }
0x7bb: {  	(erf) = vrcp.f32 v36  }
0x7bc: {  	v27 =	vmul.f32 $1.442695020e+00, v22;
	_ =	sdelay $0x1  }
0x7bd: {  	(erf) = vpow2.f32 v27;
	_ =	sdelay $0x3  }
0x7be: {  	v29 =	vpop (erf)  }
0x7bf: {  	v34 =	vmul.f32 v28, v29;
	v30 =	vpop (erf)  }
0x7c0: {  	(xrf1) =	vsort.dscd.msk.f32 $0xffff, v30, v0;
	v31 =	vpop (erf)  }
0x7c1: {  	v22 =	vmul.f32 v20, v31;
	v21 =	vmul.f32 v34, v34;
	_ =	sdelay $0x1  }
0x7c2: {  	(xrf2) =	vadd.scan.msk.f32 $0xffff, v21;
	v20 =	vmul.f32 v22, v22;
	v32 =	vpop (erf)  }
0x7c3: {  	(xrf1) =	vsort.dscd.msk.f32 $0xffff, v32, v0  }
0x7c4: {  	(xrf2) =	vadd.scan.msk.f32 $0xffff, v20;
	_ =	sdelay $0x7  }
0x7c5: {  	v25 =	vmul.f32 $7.500000000e-01, v36;
	v3, _, _ =	vpop (xrf2)  }
0x7c6: {  	v26, v27, _ =	vpop (xrf1)  }
0x7c7: {  	(xrf2) =	vadd.scan.msk.f32 $0xffff, v26;
	v33, _, _ =	vpop (xrf2)  }
0x7c8: {  	v28 =	vperm.xlane v33, v1;
	_ =	sdelay $0x1  }
0x7c9: {  	vm1 =	vle.f32 v24, v25;
	vm2 =	vlt.f32 v28, $4.999949930e-01;
	v24, v25, _ =	vpop (xrf1)  }
0x7ca: {  	vm1 =	vmor vm1, vm2;
	(xrf2) =	vadd.scan.msk.f32 $0xffff, v24  }
0x7cb: {  	vm1 =	vmor vm1, vm0  }
0x7cc: {  	[tilespmem:$0x1FCD0] =	vst v3;
	v36 =	vnsel vm1, $0x0, v22  }
0x7cd: {  	[tilespmem:v23+s15+$0x0] =	vst.idx.add.f32.msk $0xffff, v36  }
0x7ce: {  	[tilespmem:v23+s16+$0x0] =	vst.idx.add.f32.msk $0xffff, v22  }
0x7cf: {  	v22 =	vld.idx.msk [tilespmem:v2+s28+$0x280 ss:$0x1], $0xffff  }
0x7d0: {  	v23, _, _ =	vpop (xrf2)  }
0x7d1: {  	v28 =	vperm.xlane v23, v1;
	_ =	sdelay $0x1  }
0x7d2: {  	(erf) = vrcp.f32 v28  }
0x7d3: {  	v22 =	vmul.f32 $1.442695020e+00, v22;
	v29, _, _ =	vpop (xrf2)  }
0x7d4: {  	v30 =	vperm.xlane v29, v1  }
0x7d5: {  	(erf) = vpow2.f32 v22  }
0x7d6: {  	(erf) = vrcp.f32 v30;
	_ =	sdelay $0x4  }
0x7d7: {  	v32 =	vpop (erf)  }
0x7d8: {  	v26 =	vmul.f32 v26, v32;
	_ =	sdelay $0x1  }
0x7d9: {  	v22 =	vmul.f32 v26, v26;
	v33 =	vpop (erf)  }
0x7da: {  	(xrf1) =	vsort.dscd.msk.f32 $0xffff, v33, v0;
	v36 =	vpop (erf)  }
0x7db: {  	(xrf2) =	vadd.scan.msk.f32 $0xffff, v22;
	v24 =	vmul.f32 v24, v36;
	_ =	sdelay $0x1  }
0x7dc: {  	v36 =	vmul.f32 v24, v24;
	_ =	sdelay $0x1  }
0x7dd: {  	(xrf2) =	vadd.scan.msk.f32 $0xffff, v36;
	_ =	sdelay $0x3  }
0x7de: {  	v28 =	vmul.f32 $7.500000000e-01, v28;
	_ =	sdelay $0x1  }
0x7df: {  	v33, _, _ =	vpop (xrf2)  }
0x7e0: {  	v31 =	vperm.xlane v33, v1;
	_ =	sdelay $0x1  }
0x7e1: {  	vm1 =	vle.f32 v23, v28;
	vm2 =	vlt.f32 v31, $4.999949930e-01;
	v23, v28, _ =	vpop (xrf1)  }
0x7e2: {  	vm1 =	vmor vm1, vm2;
	(xrf2) =	vadd.scan.msk.f32 $0xffff, v23;
	v33, _, _ =	vpop (xrf2)  }
0x7e3: {  	v30 =	vmul.f32 $7.500000000e-01, v30;
	vm1 =	vmor vm1, vm0;
	v31 =	vperm.xlane v33, v1  }
0x7e4: {  	v32 =	vnsel vm1, $0x0, v26  }
0x7e5: {  	vm1 =	vle.f32 v29, v30;
	[tilespmem:v27+s15+$0x0] =	vst.idx.add.f32.msk $0xffff, v32;
	vm2 =	vlt.f32 v31, $4.999949930e-01  }
0x7e6: {  	v51 =	vadd.f32 v47, v51;
	[tilespmem:v27+s16+$0x0] =	vst.idx.add.f32.msk $0xffff, v26;
	vm1 =	vmor vm1, vm2  }
0x7e7: {  	v27 =	vld.idx.msk [tilespmem:v2+s25+$0x380 ss:$0x1], $0xffff;
	vm1 =	vmor vm1, vm0  }
0x7e8: {  	v33 =	vadd.f32 v49, v51;
	v49 =	vld [tilespmem:$0x1FD30];
	v47 =	vnsel vm1, $0x0, v24  }
0x7e9: {  	[tilespmem:v25+s15+$0x0] =	vst.idx.add.f32.msk $0xffff, v47  }
0x7ea: {  	[tilespmem:v25+s16+$0x0] =	vst.idx.add.f32.msk $0xffff, v24  }
0x7eb: {  	v24 =	vld [tilespmem:$0x1FD50]  }
0x7ec: {  	v51 =	vmul.f32 $1.442695020e+00, v27;
	v27, _, _ =	vpop (xrf2)  }
0x7ed: {  	v29 =	vperm.xlane v27, v1  }
0x7ee: {  	v26 =	vadd.f32 v49, v33;
	(erf) = vpow2.f32 v51  }
0x7ef: {  	v30 =	vld [tilespmem:$0x1FD80];
	(erf) = vrcp.f32 v29  }
0x7f0: {  	v24 =	vadd.f32 v24, v26  }
0x7f1: {  	v31 =	vld [tilespmem:$0x1FDA0]  }
0x7f2: {  	v24 =	vadd.f32 v56, v24  }
0x7f3: {  	v32 =	vld [tilespmem:$0x1FDE0]  }
0x7f4: {  	v24 =	vadd.f32 v30, v24  }
0x7f5: {  	v33 =	vld [tilespmem:$0x1FE10]  }
0x7f6: {  	v24 =	vadd.f32 v31, v24  }
0x7f7: {  	v47 =	vld [tilespmem:$0x1FE80];
	v49 =	vpop (erf)  }
0x7f8: {  	v51 =	vpop (erf);
	v24 =	vadd.f32 v32, v24  }
0x7f9: {  	v56 =	vld [tilespmem:$0x1FED0];
	v26 =	vmul.f32 v23, v51  }
0x7fa: {  	v24 =	vadd.f32 v33, v24  }
0x7fb: {  	v25 =	vld.idx.msk [tilespmem:v2+s30+$0x200 ss:$0x1], $0xffff;
	v23 =	vmul.f32 v26, v26  }
0x7fc: {  	v24 =	vadd.f32 v47, v24  }
0x7fd: {  	(xrf2) =	vadd.scan.msk.f32 $0xffff, v23  }
0x7fe: {  	v24 =	vadd.f32 v56, v24;
	_ =	sdelay $0x1  }
0x7ff: {  	v25 =	vmul.f32 $1.442695020e+00, v25;
	v24 =	vadd.f32 v63, v24;
	_ =	sdelay $0x1  }
0x800: {  	(erf) = vpow2.f32 v25;
	v5 =	vadd.f32 v5, v24  }
0x801: {  	v3 =	vld [tilespmem:$0x1F840]  }
0x802: {  	v5 =	vadd.f32 v10, v5;
	_ =	sdelay $0x1  }
0x803: {  	v5 =	vadd.f32 v18, v5  }
0x804: {  	v31, _, _ =	vpop (xrf2)  }
0x805: {  	v30 =	vld [tilespmem:$0x1FD40];
	v33 =	vmul.f32 $7.500000000e-01, v29;
	v32 =	vperm.xlane v31, v1;
	v5 =	vadd.f32 v3, v5;
	_ =	sdelay $0x1  }
0x806: {  	(xrf1) =	vsort.dscd.msk.f32 $0xffff, v49, v0;
	vm1 =	vle.f32 v27, v33;
	vm2 =	vlt.f32 v32, $4.999949930e-01;
	v5 =	vadd.f32 v48, v5;
	v48 =	vld [tilespmem:$0x1FD60]  }
0x807: {  	v63 =	vpop (erf);
	vm1 =	vmor vm1, vm2  }
0x808: {  	v51 =	vld [tilespmem:$0x1FD70];
	(xrf1) =	vsort.dscd.msk.f32 $0xffff, v63, v0;
	vm1 =	vmor vm1, vm0  }
0x809: {  	v56 =	vnsel vm1, $0x0, v26;
	v10 =	vadd.f32 v30, v5  }
0x80a: {  	[tilespmem:v28+s15+$0x0] =	vst.idx.add.f32.msk $0xffff, v56  }
0x80b: {  	[tilespmem:v28+s16+$0x0] =	vst.idx.add.f32.msk $0xffff, v26;
	v10 =	vadd.f32 v48, v10  }
0x80c: {  	v18 =	vld [tilespmem:$0x1FDC0]  }
0x80d: {  	v10 =	vadd.f32 v51, v10;
	_ =	sdelay $0x1  }
0x80e: {  	v10 =	vadd.f32 v55, v10;
	_ =	sdelay $0x1  }
0x80f: {  	v10 =	vadd.f32 v18, v10;
	_ =	sdelay $0x1  }
0x810: {  	v10 =	vadd.f32 v59, v10;
	v59 =	vld [tilespmem:$0x1FE40]  }
0x811: {  	v47, v5, _ =	vpop (xrf1)  }
0x812: {  	v28 =	vld [tilespmem:$0x1FEA0];
	(xrf2) =	vadd.scan.msk.f32 $0xffff, v47  }
0x813: {  	v49, v29, _ =	vpop (xrf1)  }
0x814: {  	v63 =	vld [tilespmem:$0x1FF20];
	(xrf2) =	vadd.scan.msk.f32 $0xffff, v49  }
0x815: {  	v10 =	vadd.f32 v59, v10  }
0x816: {  	v31 =	vld [tilespmem:$0x1FF70]  }
0x817: {  	v10 =	vadd.f32 v28, v10;
	_ =	sdelay $0x1  }
0x818: {  	v26 =	vld.idx.msk [tilespmem:v2+s28+$0x300 ss:$0x1], $0xffff;
	v10 =	vadd.f32 v63, v10;
	_ =	sdelay $0x1  }
0x819: {  	v10 =	vadd.f32 v31, v10  }
0x81a: {  	v3 =	vld [tilespmem:$0x1F850];
	v18, _, _ =	vpop (xrf2)  }
0x81b: {  	v24 =	vperm.xlane v18, v1;
	v6 =	vadd.f32 v6, v10  }
0x81c: {  	v26 =	vmul.f32 $1.442695020e+00, v26;
	v28, _, _ =	vpop (xrf2)  }
0x81d: {  	(erf) = vrcp.f32 v24;
	v30 =	vperm.xlane v28, v1;
	v6 =	vadd.f32 v15, v6  }
0x81e: {  	(erf) = vpow2.f32 v26  }
0x81f: {  	(erf) = vrcp.f32 v30;
	v32 =	vadd.f32 v3, v6;
	v3 =	vld [tilespmem:$0x1F860];
	_ =	sdelay $0x4  }
0x820: {  	v10 =	vadd.f32 v3, v32;
	v3 =	vld [tilespmem:$0x1F870];
	_ =	sdelay $0x1  }
0x821: {  	v33 =	vpop (erf)  }
0x822: {  	v6 =	vmul.f32 v47, v33;
	v47 =	vpop (erf)  }
0x823: {  	v48 =	vpop (erf)  }
0x824: {  	v26 =	vmul.f32 v49, v48;
	v49 =	vadd.f32 v3, v10  }
0x825: {  	v25 =	vmul.f32 v6, v6  }
0x826: {  	v10 =	vmul.f32 v26, v26;
	v15 =	vadd.f32 v50, v49;
	v50 =	vld [tilespmem:$0x1FD90]  }
0x827: {  	(xrf2) =	vadd.scan.msk.f32 $0xffff, v25  }
0x828: {  	v51 =	vld [tilespmem:$0x1FDB0];
	(xrf2) =	vadd.scan.msk.f32 $0xffff, v10  }
0x829: {  	v15 =	vadd.f32 v54, v15  }
0x82a: {  	(xrf1) =	vsort.dscd.msk.f32 $0xffff, v47, v0  }
0x82b: {  	v54 =	vld [tilespmem:$0x1FDF0];
	v15 =	vadd.f32 v50, v15;
	_ =	sdelay $0x1  }
0x82c: {  	v55 =	vld [tilespmem:$0x1FE20];
	v15 =	vadd.f32 v51, v15;
	_ =	sdelay $0x2  }
0x82d: {  	v27 =	vadd.f32 v54, v15  }
0x82e: {  	v63 =	vld [tilespmem:$0x1FEE0];
	v15, _, _ =	vpop (xrf2)  }
0x82f: {  	v27 =	vadd.f32 v55, v27;
	v59, _, _ =	vpop (xrf2)  }
0x830: {  	v30 =	vmul.f32 $7.500000000e-01, v30;
	v47 =	vld [tilespmem:$0x1FF40];
	v33 =	vperm.xlane v59, v1  }
0x831: {  	v27 =	vadd.f32 v61, v27  }
0x832: {  	vm1 =	vle.f32 v28, v30;
	v3 =	vld [tilespmem:$0x1FFC0];
	vm2 =	vlt.f32 v33, $4.999949930e-01  }
0x833: {  	v27 =	vadd.f32 v63, v27;
	vm1 =	vmor vm1, vm2  }
0x834: {  	vm1 =	vmor vm1, vm0  }
0x835: {  	v56, v32, _ =	vpop (xrf1);
	v27 =	vadd.f32 v47, v27;
	v48 =	vnsel vm1, $0x0, v26  }
0x836: {  	(xrf2) =	vadd.scan.msk.f32 $0xffff, v56;
	[tilespmem:v29+s15+$0x0] =	vst.idx.add.f32.msk $0xffff, v48  }
0x837: {  	v27 =	vadd.f32 v3, v27;
	[tilespmem:v29+s16+$0x0] =	vst.idx.add.f32.msk $0xffff, v26  }
0x838: {  	v3 =	vld [tilespmem:$0x1F880]  }
0x839: {  	v9 =	vadd.f32 v9, v27;
	_ =	sdelay $0x1  }
0x83a: {  	v9 =	vadd.f32 v17, v9;
	_ =	sdelay $0x1  }
0x83b: {  	v9 =	vadd.f32 v3, v9;
	v3 =	vld [tilespmem:$0x1F890];
	_ =	sdelay $0x2  }
0x83c: {  	v49, _, _ =	vpop (xrf2)  }
0x83d: {  	v50 =	vperm.xlane v49, v1  }
0x83e: {  	v9 =	vadd.f32 v3, v9;
	v3 =	vld [tilespmem:$0x1F8A0]  }
0x83f: {  	(erf) = vrcp.f32 v50;
	_ =	sdelay $0x3  }
0x840: {  	v9 =	vadd.f32 v3, v9;
	v3 =	vld [tilespmem:$0x1F8B0];
	_ =	sdelay $0x4  }
0x841: {  	v54 =	vpop (erf);
	v9 =	vadd.f32 v3, v9  }
0x842: {  	v55 =	vmul.f32 v56, v54;
	v56 =	vld [tilespmem:$0x1FDD0]  }
0x843: {  	v9 =	vadd.f32 v53, v9  }
0x844: {  	v61 =	vld [tilespmem:$0x1FE00]  }
0x845: {  	v9 =	vadd.f32 v52, v9  }
0x846: {  	v63 =	vld [tilespmem:$0x1FE60]  }
0x847: {  	v17 =	vmul.f32 v55, v55;
	v9 =	vadd.f32 v56, v9  }
0x848: {  	v33 =	vld [tilespmem:$0x1FEB0]  }
0x849: {  	(xrf2) =	vadd.scan.msk.f32 $0xffff, v17;
	v9 =	vadd.f32 v61, v9;
	_ =	sdelay $0x1  }
0x84a: {  	v9 =	vadd.f32 v63, v9  }
0x84b: {  	v47 =	vld [tilespmem:$0x1FF80]  }
0x84c: {  	v9 =	vadd.f32 v33, v9;
	_ =	sdelay $0x1  }
0x84d: {  	v9 =	vadd.f32 v62, v9;
	_ =	sdelay $0x1  }
0x84e: {  	v26 =	vld.idx.msk [tilespmem:v2+s30+$0x280 ss:$0x1], $0xffff;
	v9 =	vadd.f32 v47, v9  }
0x84f: {  	v3 =	vld [tilespmem:$0x1F8C0]  }
0x850: {  	v48, _, _ =	vpop (xrf2);
	v7 =	vadd.f32 v7, v9  }
0x851: {  	v28 =	vmul.f32 $7.500000000e-01, v50;
	v9 =	vperm.xlane v48, v1  }
0x852: {  	v7 =	vadd.f32 v14, v7  }
0x853: {  	vm1 =	vle.f32 v49, v28;
	vm2 =	vlt.f32 v9, $4.999949930e-01  }
0x854: {  	v51 =	vmul.f32 $1.442695020e+00, v26;
	vm1 =	vmor vm1, vm2;
	v7 =	vadd.f32 v3, v7;
	v3 =	vld [tilespmem:$0x1F8D0]  }
0x855: {  	vm1 =	vmor vm1, vm0  }
0x856: {  	(erf) = vpow2.f32 v51;
	v51 =	vnsel vm1, $0x0, v55  }
0x857: {  	[tilespmem:v32+s15+$0x0] =	vst.idx.add.f32.msk $0xffff, v51  }
0x858: {  	[tilespmem:v32+s16+$0x0] =	vst.idx.add.f32.msk $0xffff, v55  }
0x859: {  	v7 =	vadd.f32 v3, v7;
	v3 =	vld [tilespmem:$0x1F8E0];
	_ =	sdelay $0x4  }
0x85a: {  	v7 =	vadd.f32 v3, v7;
	v3 =	vld [tilespmem:$0x1F8F0];
	_ =	sdelay $0x4  }
0x85b: {  	v7 =	vadd.f32 v3, v7;
	v3 =	vld [tilespmem:$0x1F900]  }
0x85c: {  	v59 =	vpop (erf)  }
0x85d: {  	(xrf1) =	vsort.dscd.msk.f32 $0xffff, v59, v0;
	_ =	sdelay $0x2  }
0x85e: {  	v7 =	vadd.f32 v3, v7;
	v3 =	vld [tilespmem:$0x1F910];
	_ =	sdelay $0x4  }
0x85f: {  	v7 =	vadd.f32 v3, v7  }
0x860: {  	v54 =	vld [tilespmem:$0x1FE30]  }
0x861: {  	v7 =	vadd.f32 v60, v7  }
0x862: {  	v55 =	vld [tilespmem:$0x1FE90]  }
0x863: {  	v7 =	vadd.f32 v58, v7  }
0x864: {  	v56 =	vld [tilespmem:$0x1FF00]  }
0x865: {  	v50, v49, _ =	vpop (xrf1);
	v7 =	vadd.f32 v54, v7  }
0x866: {  	(xrf2) =	vadd.scan.msk.f32 $0xffff, v50;
	v59 =	vld [tilespmem:$0x1FF50]  }
0x867: {  	v7 =	vadd.f32 v55, v7  }
0x868: {  	v3 =	vld [tilespmem:$0x1FFD0]  }
0x869: {  	v7 =	vadd.f32 v56, v7;
	_ =	sdelay $0x1  }
0x86a: {  	v26 =	vld.idx.msk [tilespmem:v2+s28+$0x380 ss:$0x1], $0xffff;
	v7 =	vadd.f32 v59, v7;
	_ =	sdelay $0x1  }
0x86b: {  	v61 =	vadd.f32 v3, v7;
	v3 =	vld [tilespmem:$0x1F920];
	_ =	sdelay $0x2  }
0x86c: {  	v52, _, _ =	vpop (xrf2);
	v26 =	vmul.f32 $1.442695020e+00, v26;
	v9 =	vadd.f32 v12, v61  }
0x86d: {  	v53 =	vperm.xlane v52, v1  }
0x86e: {  	(erf) = vpow2.f32 v26;
	v9 =	vadd.f32 v3, v9;
	v3 =	vld [tilespmem:$0x1F930]  }
0x86f: {  	(erf) = vrcp.f32 v53;
	_ =	sdelay $0x3  }
0x870: {  	v9 =	vadd.f32 v3, v9;
	v3 =	vld [tilespmem:$0x1F940];
	_ =	sdelay $0x3  }
0x871: {  	v58 =	vpop (erf)  }
0x872: {  	v60 =	vpop (erf);
	v9 =	vadd.f32 v3, v9;
	v3 =	vld [tilespmem:$0x1F950]  }
0x873: {  	v29 =	vmul.f32 v50, v60;
	_ =	sdelay $0x1  }
0x874: {  	v7 =	vmul.f32 v29, v29;
	_ =	sdelay $0x1  }
0x875: {  	(xrf2) =	vadd.scan.msk.f32 $0xffff, v7;
	v9 =	vadd.f32 v3, v9;
	v3 =	vld [tilespmem:$0x1F960];
	_ =	sdelay $0x4  }
0x876: {  	v9 =	vadd.f32 v3, v9;
	v3 =	vld [tilespmem:$0x1F970];
	_ =	sdelay $0x4  }
0x877: {  	v62, _, _ =	vpop (xrf2);
	v63 =	vadd.f32 v3, v9;
	v3 =	vld [tilespmem:$0x1F980]  }
0x878: {  	v28 =	vmul.f32 $7.500000000e-01, v53;
	v12 =	vperm.xlane v62, v1;
	_ =	sdelay $0x1  }
0x879: {  	vm1 =	vle.f32 v52, v28;
	vm2 =	vlt.f32 v12, $4.999949930e-01  }
0x87a: {  	vm1 =	vmor vm1, vm2  }
0x87b: {  	vm1 =	vmor vm1, vm0;
	v26 =	vadd.f32 v3, v63;
	v3 =	vld [tilespmem:$0x1F990]  }
0x87c: {  	v48 =	vnsel vm1, $0x0, v29  }
0x87d: {  	[tilespmem:v49+s15+$0x0] =	vst.idx.add.f32.msk $0xffff, v48  }
0x87e: {  	[tilespmem:v49+s16+$0x0] =	vst.idx.add.f32.msk $0xffff, v29  }
0x87f: {  	v14 =	vld [tilespmem:$0x1FE50]  }
0x880: {  	v47 =	vadd.f32 v3, v26  }
0x881: {  	v49 =	vld [tilespmem:$0x1FEC0]  }
0x882: {  	v12 =	vadd.f32 v57, v47  }
0x883: {  	v50 =	vld [tilespmem:$0x1FF30]  }
0x884: {  	v12 =	vadd.f32 v14, v12  }
0x885: {  	v51 =	vld [tilespmem:$0x1FFA0]  }
0x886: {  	v14 =	vadd.f32 v49, v12;
	_ =	sdelay $0x1  }
0x887: {  	v27 =	vadd.f32 v50, v14;
	_ =	sdelay $0x1  }
0x888: {  	v27 =	vadd.f32 v51, v27  }
0x889: {  	v3 =	vld [tilespmem:$0x1F9A0]  }
0x88a: {  	v4 =	vadd.f32 v4, v27;
	_ =	sdelay $0x1  }
0x88b: {  	v4 =	vadd.f32 v16, v4;
	_ =	sdelay $0x1  }
0x88c: {  	v4 =	vadd.f32 v3, v4;
	v3 =	vld [tilespmem:$0x1F9B0];
	_ =	sdelay $0x4  }
0x88d: {  	v4 =	vadd.f32 v3, v4;
	v3 =	vld [tilespmem:$0x1F9C0];
	_ =	sdelay $0x2  }
0x88e: {  	(xrf1) =	vsort.dscd.msk.f32 $0xffff, v58, v0;
	_ =	sdelay $0x1  }
0x88f: {  	v4 =	vadd.f32 v3, v4;
	v3 =	vld [tilespmem:$0x1F9D0];
	_ =	sdelay $0x4  }
0x890: {  	v4 =	vadd.f32 v3, v4;
	v3 =	vld [tilespmem:$0x1F9E0];
	_ =	sdelay $0x4  }
0x891: {  	v4 =	vadd.f32 v3, v4;
	v3 =	vld [tilespmem:$0x1F9F0];
	_ =	sdelay $0x1  }
0x892: {  	v33, v9, _ =	vpop (xrf1)  }
0x893: {  	(xrf2) =	vadd.scan.msk.f32 $0xffff, v33;
	_ =	sdelay $0x1  }
0x894: {  	v4 =	vadd.f32 v3, v4;
	v3 =	vld [tilespmem:$0x1FA00];
	_ =	sdelay $0x3  }
0x895: {  	v26 =	vld.idx.msk [tilespmem:v2+s30+$0x300 ss:$0x1], $0xffff  }
0x896: {  	v4 =	vadd.f32 v3, v4;
	v3 =	vld [tilespmem:$0x1FA10];
	_ =	sdelay $0x2  }
0x897: {  	v12, _, _ =	vpop (xrf2)  }
0x898: {  	v55 =	vld [tilespmem:$0x1FE70];
	v14 =	vperm.xlane v12, v1  }
0x899: {  	v26 =	vmul.f32 $1.442695020e+00, v26;
	v53 =	vadd.f32 v3, v4  }
0x89a: {  	v29 =	vld [tilespmem:$0x1FEF0];
	(erf) = vrcp.f32 v14  }
0x89b: {  	(erf) = vpow2.f32 v26;
	v54 =	vadd.f32 v40, v53  }
0x89c: {  	v58 =	vld [tilespmem:$0x1FF60]  }
0x89d: {  	v16 =	vadd.f32 v55, v54  }
0x89e: {  	v3 =	vld [tilespmem:$0x1FFE0]  }
0x89f: {  	v16 =	vadd.f32 v29, v16;
	_ =	sdelay $0x1  }
0x8a0: {  	v16 =	vadd.f32 v58, v16;
	_ =	sdelay $0x1  }
0x8a1: {  	v52 =	vpop (erf);
	v16 =	vadd.f32 v3, v16;
	v3 =	vld [tilespmem:$0x1FA20]  }
0x8a2: {  	v26 =	vpop (erf)  }
0x8a3: {  	(xrf1) =	vsort.dscd.msk.f32 $0xffff, v26, v0  }
0x8a4: {  	v13 =	vadd.f32 v13, v16;
	_ =	sdelay $0x1  }
0x8a5: {  	v13 =	vadd.f32 v3, v13;
	v3 =	vld [tilespmem:$0x1FA30];
	_ =	sdelay $0x4  }
0x8a6: {  	v13 =	vadd.f32 v3, v13;
	v3 =	vld [tilespmem:$0x1FA40];
	_ =	sdelay $0x1  }
0x8a7: {  	v4 =	vmul.f32 v33, v52;
	_ =	sdelay $0x1  }
0x8a8: {  	v26 =	vmul.f32 v4, v4  }
0x8a9: {  	v13 =	vadd.f32 v3, v13;
	v3 =	vld [tilespmem:$0x1FA50]  }
0x8aa: {  	v57, v56, _ =	vpop (xrf1);
	(xrf2) =	vadd.scan.msk.f32 $0xffff, v26  }
0x8ab: {  	(xrf2) =	vadd.scan.msk.f32 $0xffff, v57;
	_ =	sdelay $0x2  }
0x8ac: {  	v13 =	vadd.f32 v3, v13;
	v3 =	vld [tilespmem:$0x1FA60];
	_ =	sdelay $0x4  }
0x8ad: {  	v13 =	vadd.f32 v3, v13;
	v3 =	vld [tilespmem:$0x1FA70]  }
0x8ae: {  	v16, _, _ =	vpop (xrf2)  }
0x8af: {  	v59, _, _ =	vpop (xrf2)  }
0x8b0: {  	v60 =	vperm.xlane v59, v1;
	_ =	sdelay $0x1  }
0x8b1: {  	(erf) = vrcp.f32 v60;
	v13 =	vadd.f32 v3, v13;
	v3 =	vld [tilespmem:$0x1FA80];
	_ =	sdelay $0x4  }
0x8b2: {  	v13 =	vadd.f32 v3, v13;
	v3 =	vld [tilespmem:$0x1FA90];
	_ =	sdelay $0x3  }
0x8b3: {  	v61 =	vpop (erf)  }
0x8b4: {  	v27 =	vmul.f32 v57, v61;
	v13 =	vadd.f32 v3, v13;
	_ =	sdelay $0x1  }
0x8b5: {  	v62 =	vadd.f32 v45, v13;
	v13 =	vmul.f32 v27, v27;
	_ =	sdelay $0x1  }
0x8b6: {  	(xrf2) =	vadd.scan.msk.f32 $0xffff, v13;
	_ =	sdelay $0x1  }
0x8b7: {  	v63 =	vld [tilespmem:$0x1FF10]  }
0x8b8: {  	v31 =	vadd.f32 v38, v62  }
0x8b9: {  	v33 =	vld [tilespmem:$0x1FF90]  }
0x8ba: {  	v21 =	vadd.f32 v21, v31  }
0x8bb: {  	v3 =	vld [tilespmem:$0x1FFF0]  }
0x8bc: {  	v21 =	vadd.f32 v63, v21;
	_ =	sdelay $0x1  }
0x8bd: {  	v38 =	vld [tilespmem:$0x1FAA0];
	v21 =	vadd.f32 v33, v21  }
0x8be: {  	v40, _, _ =	vpop (xrf2)  }
0x8bf: {  	v30 =	vmul.f32 $7.500000000e-01, v60;
	v45 =	vld [tilespmem:$0x1FAB0];
	v3 =	vadd.f32 v3, v21;
	v21 =	vperm.xlane v40, v1;
	_ =	sdelay $0x1  }
0x8c0: {  	v47 =	vld [tilespmem:$0x1FAC0];
	vm1 =	vle.f32 v59, v30;
	vm2 =	vlt.f32 v21, $4.999949930e-01  }
0x8c1: {  	v3 =	vadd.f32 v38, v3;
	vm1 =	vmor vm1, vm2  }
0x8c2: {  	v48 =	vld [tilespmem:$0x1FAD0];
	vm1 =	vmor vm1, vm0  }
0x8c3: {  	v50 =	vld [tilespmem:$0x1FAE0];
	v3 =	vadd.f32 v45, v3;
	v49 =	vnsel vm1, $0x0, v27  }
0x8c4: {  	[tilespmem:v56+s15+$0x0] =	vst.idx.add.f32.msk $0xffff, v49  }
0x8c5: {  	v3 =	vadd.f32 v47, v3;
	[tilespmem:v56+s16+$0x0] =	vst.idx.add.f32.msk $0xffff, v27  }
0x8c6: {  	v21 =	vld [tilespmem:$0x1FAF0]  }
0x8c7: {  	v3 =	vadd.f32 v48, v3  }
0x8c8: {  	v51 =	vld [tilespmem:$0x1FB00]  }
0x8c9: {  	v3 =	vadd.f32 v50, v3  }
0x8ca: {  	v52 =	vld [tilespmem:$0x1FB10]  }
0x8cb: {  	v2 =	vld.idx.msk [tilespmem:v2+s30+$0x380 ss:$0x1], $0xffff;
	v3 =	vadd.f32 v21, v3  }
0x8cc: {  	v53 =	vld [tilespmem:$0x1FB20]  }
0x8cd: {  	v3 =	vadd.f32 v51, v3;
	_ =	sdelay $0x1  }
0x8ce: {  	v3 =	vadd.f32 v52, v3  }
0x8cf: {  	v2 =	vmul.f32 $1.442695020e+00, v2  }
0x8d0: {  	v3 =	vadd.f32 v53, v3  }
0x8d1: {  	(erf) = vpow2.f32 v2  }
0x8d2: {  	v2 =	vadd.f32 v44, v3;
	_ =	sdelay $0x1  }
0x8d3: {  	v2 =	vadd.f32 v19, v2  }
0x8d4: {  	v3 =	vld [tilespmem:$0x1FFB0]  }
0x8d5: {  	v2 =	vadd.f32 v22, v2;
	_ =	sdelay $0x1  }
0x8d6: {  	v2 =	vadd.f32 v25, v2;
	_ =	sdelay $0x1  }
0x8d7: {  	v2 =	vadd.f32 v3, v2;
	v3 =	vpop (erf)  }
0x8d8: {  	(xrf1) =	vsort.dscd.msk.f32 $0xffff, v3, v0;
	v3 =	vld [tilespmem:$0x1FB30];
	_ =	sdelay $0x2  }
0x8d9: {  	v2 =	vadd.f32 v8, v2;
	_ =	sdelay $0x1  }
0x8da: {  	v2 =	vadd.f32 v3, v2;
	v3 =	vld [tilespmem:$0x1FB40];
	_ =	sdelay $0x4  }
0x8db: {  	v2 =	vadd.f32 v3, v2;
	v3 =	vld [tilespmem:$0x1FB50];
	_ =	sdelay $0x4  }
0x8dc: {  	v2 =	vadd.f32 v3, v2;
	v3 =	vld [tilespmem:$0x1FB60];
	_ =	sdelay $0x4  }
0x8dd: {  	v2 =	vadd.f32 v3, v2;
	v3 =	vld [tilespmem:$0x1FB70];
	_ =	sdelay $0x4  }
0x8de: {  	v2 =	vadd.f32 v3, v2;
	v3 =	vld [tilespmem:$0x1FB80];
	_ =	sdelay $0x1  }
0x8df: {  	v54 =	vld [tilespmem:$0x1FB90];
	_ =	sdelay $0x1  }
0x8e0: {  	v55 =	vld [tilespmem:$0x1FBA0]  }
0x8e1: {  	v2 =	vadd.f32 v3, v2  }
0x8e2: {  	v56 =	vld [tilespmem:$0x1FBB0]  }
0x8e3: {  	v2 =	vadd.f32 v54, v2;
	_ =	sdelay $0x1  }
0x8e4: {  	v2 =	vadd.f32 v55, v2;
	_ =	sdelay $0x1  }
0x8e5: {  	v2 =	vadd.f32 v56, v2  }
0x8e6: {  	v57 =	vld [tilespmem:$0x1FBC0]  }
0x8e7: {  	v58 =	vld [tilespmem:$0x1FBD0];
	v2 =	vadd.f32 v41, v2  }
0x8e8: {  	v59 =	vld [tilespmem:$0x1FBE0]  }
0x8e9: {  	v60 =	vld [tilespmem:$0x1FBF0];
	v3, v8, _ =	vpop (xrf1);
	v2 =	vadd.f32 v20, v2  }
0x8ea: {  	v62 =	vld [tilespmem:$0x1FC00];
	(xrf2) =	vadd.scan.msk.f32 $0xffff, v3  }
0x8eb: {  	v63 =	vld [tilespmem:$0x1FC10];
	v2 =	vadd.f32 v23, v2  }
0x8ec: {  	v27 =	vld [tilespmem:$0x1FC40]  }
0x8ed: {  	v31 =	vld [tilespmem:$0x1FC60];
	v2 =	vadd.f32 v17, v2  }
0x8ee: {  	v33 =	vld [tilespmem:$0x1FC70]  }
0x8ef: {  	v2 =	vadd.f32 v26, v2;
	v26 =	vld [tilespmem:$0x1FC30]  }
0x8f0: {  	v28 =	vmul.f32 $7.500000000e-01, v35;
	v35 =	vld [tilespmem:$0x1FC80]  }
0x8f1: {  	v50 =	vld [tilespmem:$0x1FCE0]  }
0x8f2: {  	v38 =	vld [tilespmem:$0x1FCA0];
	v2 =	vadd.f32 v11, v2;
	v11 =	vmul.f32 $7.500000000e-01, v59  }
0x8f3: {  	v22 =	vperm.xlane v31, v1;
	v41 =	vld [tilespmem:$0x1FCC0]  }
0x8f4: {  	v30 =	vld [tilespmem:$0x1FC50];
	v19, _, _ =	vpop (xrf2);
	vm1 =	vle.f32 v63, v11;
	v11 =	vmul.f32 $7.500000000e-01, v26  }
0x8f5: {  	vm12 =	vle.f32 v37, v28;
	v37 =	vld [tilespmem:$0x1FC90];
	vm6 =	vlt.f32 v22, $4.999949930e-01;
	v20 =	vperm.xlane v19, v1  }
0x8f6: {  	v40 =	vld [tilespmem:$0x1FCB0];
	vm1 =	vmor vm1, vm6;
	vm3 =	vle.f32 v33, v11;
	v11 =	vperm.xlane v35, v1  }
0x8f7: {  	v49 =	vld [tilespmem:$0x1FCD0];
	(erf) = vrcp.f32 v20;
	vm1 =	vmor vm1, vm0  }
0x8f8: {  	v25 =	vld [tilespmem:$0x1FC20];
	v48 =	vnsel vm1, $0x0, v41;
	vm7 =	vlt.f32 v11, $4.999949930e-01;
	v11 =	vperm.xlane v38, v1  }
0x8f9: {  	[tilespmem:v50+s15+$0x0] =	vst.idx.add.f32.msk $0xffff, v48  }
0x8fa: {  	vm14 =	vlt.f32 v11, $4.999949930e-01;
	v11 =	vld [tilespmem:$0x1FCF0]  }
0x8fb: {  	[tilespmem:v50+s16+$0x0] =	vst.idx.add.f32.msk $0xffff, v41  }
0x8fc: {  	v52 =	vld [tilespmem:$0x1FD00];
	_ =	sdelay $0x1  }
0x8fd: {  	v17 =	vmul.f32 $7.500000000e-01, v62;
	_ =	sdelay $0x1  }
0x8fe: {  	vm2 =	vle.f32 v27, v17;
	v61 =	vpop (erf)  }
0x8ff: {  	v3 =	vmul.f32 v3, v61;
	vm2 =	vmor vm2, vm7  }
0x900: {  	vm2 =	vmor vm2, vm0  }
0x901: {  	v29 =	vmul.f32 v3, v3;
	v51 =	vnsel vm2, $0x0, v46  }
0x902: {  	[tilespmem:v52+s15+$0x0] =	vst.idx.add.f32.msk $0xffff, v51  }
0x903: {  	v2 =	vadd.f32 v57, v2;
	(xrf2) =	vadd.scan.msk.f32 $0xffff, v29;
	[tilespmem:v52+s16+$0x0] =	vst.idx.add.f32.msk $0xffff, v46  }
0x904: {  	v56 =	vld [tilespmem:$0x1FD10]  }
0x905: {  	v2 =	vadd.f32 v58, v2  }
0x906: {  	v32 =	vmul.f32 $7.500000000e-01, v24  }
0x907: {  	v2 =	vadd.f32 v60, v2  }
0x908: {  	v15 =	vperm.xlane v15, v1;
	vm13 =	vle.f32 v18, v32;
	v55 =	vperm.xlane v16, v1  }
0x909: {  	v17 =	vperm.xlane v49, v1;
	v2 =	vadd.f32 v25, v2;
	vm1 =	vmor vm3, vm14  }
0x90a: {  	v53 =	vmul.f32 $7.500000000e-01, v14;
	vm15 =	vlt.f32 v55, $4.999949930e-01;
	vm1 =	vmor vm1, vm0  }
0x90b: {  	v2 =	vadd.f32 v30, v2;
	vm3 =	vlt.f32 v17, $4.999949930e-01;
	v54 =	vnsel vm1, $0x0, v39  }
0x90c: {  	v60 =	vmul.f32 $7.500000000e-01, v20;
	vm2 =	vmor vm12, vm3;
	vm3 =	vlt.f32 v15, $4.999949930e-01;
	[tilespmem:v56+s15+$0x0] =	vst.idx.add.f32.msk $0xffff, v54  }
0x90d: {  	v2 =	vadd.f32 v37, v2;
	vm1 =	vle.f32 v12, v53;
	vm2 =	vmor vm2, vm0;
	v59, _, _ =	vpop (xrf2);
	[tilespmem:v56+s16+$0x0] =	vst.idx.add.f32.msk $0xffff, v39  }
0x90e: {  	vm3 =	vmor vm13, vm3;
	v57 =	vnsel vm2, $0x0, v34;
	v12 =	vperm.xlane v59, v1;
	v58 =	vld [tilespmem:$0x1FD20]  }
0x90f: {  	vm2 =	vmor vm3, vm0;
	vm1 =	vmor vm1, vm15;
	v2 =	vadd.f32 v40, v2  }
0x910: {  	v61 =	vnsel vm2, $0x0, v6;
	vm2 =	vle.f32 v19, v60;
	vm3 =	vlt.f32 v12, $4.999949930e-01  }
0x911: {  	vm1 =	vmor vm1, vm0;
	v2 =	vadd.f32 v11, v2;
	vm2 =	vmor vm2, vm3;
	[tilespmem:v42+s15+$0x0] =	vst.idx.add.f32.msk $0xffff, v57  }
0x912: {  	v62 =	vnsel vm1, $0x0, v4;
	vm1 =	vmor vm2, vm0;
	[tilespmem:v5+s15+$0x0] =	vst.idx.add.f32.msk $0xffff, v61  }
0x913: {  	v63 =	vnsel vm1, $0x0, v3;
	[tilespmem:v9+s15+$0x0] =	vst.idx.add.f32.msk $0xffff, v62;
	v2 =	vadd.f32 v58, v2  }
0x914: {  	[tilespmem:v8+s15+$0x0] =	vst.idx.add.f32.msk $0xffff, v63  }
0x915: {  	[tilespmem:v42+s16+$0x0] =	vst.idx.add.f32.msk $0xffff, v34;
	v2 =	vadd.f32 v43, v2  }
0x916: {  	p1 =	sgt.u32 s20, $0x1;
	[tilespmem:v5+s16+$0x0] =	vst.idx.add.f32.msk $0xffff, v6  }
0x917: {  	s0 =	sshll.u32 @!p1 s20, $0xC;
	[tilespmem:v9+s16+$0x0] =	vst.idx.add.f32.msk $0xffff, v4;
	v2 =	vadd.f32 v36, v2  }
0x918: {  	s12 =	simm.s32 @!p1 $0x0;
	s20 =	sadd.s32 $0x1, s20;
	s0 =	sadd.s32 @!p1 s0, s6;
	[tilespmem:v8+s16+$0x0] =	vst.idx.add.f32.msk $0xffff, v3  }
0x919: {  	[tilespmem:s1], [sflag:s21] =	stream.linear.gather @!p1 [hbm4b:s0+s12], $0x8000, $0x38;
	v2 =	vadd.f32 v10, v2;
	[tilespmem:$0x10600] =	vst v63  }
0x91a: {  	p1 =	sne.s32 s20, $0x4  }
.Ltmp1:
0x91b: {  	v2 =	vadd.f32 v7, v2;
	(pc) =	sbr.rel @p1 .LBB2_2-.Ltmp1, $3  }
0x91c: {  	_ = 	snop  }
0x91d: {  	v2 =	vadd.f32 v13, v2;
	_ =	sdelay $0x1  }
0x91e: {  	p0 =	por !p0, !p0;
	v51 =	vadd.f32 v29, v2  }
0x91f: {  	s1 =	simm.s32 $0x0  }
0x920: {  	v2 =	vimm.f32 $0.0e+00;
	s0 =	simm.s32 $0x40;
	v3 =	vld [tilespmem:s1+$0x10000]  }
.LBB2_6:
0x921: {  	p0 =	sne.s32 s0, $0xFC0  }
.Ltmp2:
0x922: {  	_ = 	snop;
	(pc) =	sbr.rel @p0 .LBB2_6-.Ltmp2, $3  }
0x923: {  	_ =	sdelay $0x1  }
0x924: {  	s1 =	sshra.s32 s0, $0x2;
	s0 =	sadd.s32 $0x40, s0;
	v2 =	vadd.f32 v3, v2  }
0x925: {  	v3 =	vld [tilespmem:s1+$0x10000]  }
0x926: {  	_ =	sdelay $0x3  }
0x927: {  	v2 =	vadd.f32 v3, v2  }
0x928: {  	[tilespmem:$0x10500] =	vst v51  }
0x929: {  	[tilespmem:$0x10580] =	vst v2  }
0x92a: {  	[hbm4b:s7+s2] =	stream.linear.scatter [tilespmem:s15], [sflag:$0x3], $0x80, $0x38;
	[tilespmem:$0x10600] =	vst v63  }
0x92b: {  	_ =	swait.ge [sflag:s13], $0x80  }
0x92c: {  	[sflag:s13] =	ssyncset.done $0x0  }
0x92d: {  	[sflag:s13] =	ssyncadd.s32 $0xFFFFFF80  }
0x92e: {  	[hbm4b:s8+s2] =	stream.linear.scatter [tilespmem:s16], [sflag:$0x3], $0x80, $0x38;
	[tilespmem:$0x10600] =	vst v63  }
0x92f: {  	_ =	swait.ge [sflag:s13], $0x80  }
0x930: {  	[sflag:s13] =	ssyncset.done $0x0  }
0x931: {  	[sflag:s13] =	ssyncadd.s32 $0xFFFFFF80  }
0x932: {  	[hbm4b:s9+s2] =	stream.linear.scatter [tilespmem:s17], [sflag:$0x3], $0x80, $0x38;
	[tilespmem:$0x10600] =	vst v63  }
0x933: {  	s19 =	sadd.s32 $0x1, s19;
	_ =	swait.ge [sflag:s13], $0x80  }
0x934: {  	p0 =	sne.s32 s19, s11;
	[sflag:s13] =	ssyncset.done $0x0  }
.Ltmp3:
0x935: {  	[sflag:s13] =	ssyncadd.s32 $0xFFFFFF80;
	(pc) =	sbr.rel @p0 .LBB2_1-.Ltmp3, $4  }
0x936: {  	[hbm4b:s10+s2] =	stream.linear.scatter [tilespmem:s18], [sflag:$0x3], $0x80, $0x38;
	[tilespmem:$0x10600] =	vst v63  }
0x937: {  	_ =	swait.ge [sflag:s13], $0x80  }
0x938: {  	[sflag:s13] =	ssyncset.done $0x0  }
0x939: {  	[sflag:s13] =	ssyncadd.s32 $0xFFFFFF80  }
0x93a: {  	_ =	sfence.sel $0x180000  }
0x93b: {  	[bflag:$0x0] =	sbarrier.arrive $0xFFFF  }
0x93c: {  	_ =	strace $0x90000047  }
0x93d: {  	s0 =	stileid.u32;
	[bflag:$0x2] =	sbarrier.arrive $0xFFFF  }
0x93e: {  	p0 =	sne.s32 s0, $0x0;
	s0 =	rddreg [dreg:$0x1]  }
0x93f: {  	s0 =	sadd.s32 @!p0 $0x100000, s0  }
0x940: {  	[sflag:s0] =	ssyncadd.tile.s32 @!p0 $0x1;
	_ =	shalt  }
.Lfunc_end2:
_tile_overlayer_lowered:
.L_overlay_start_2:
0x941: {  	(tag) =	ssettag $0x2  }
0x942: {  	s0 =	rddreg [dreg:$0x0];
	s2 =	stileid.u32  }
0x943: {  	s1 =	rddreg [dreg:$0x1];
	p0 =	sne.s32 s2, $0x0  }
0x944: {  	s3 =	rddreg [dreg:$0x2];
	[bflag:$0x3] =	sbarrier.arrive $0xFFFF;
	s2 =	simm.s32 @!p0 $0x1C03  }
0x945: {  	[timem:s3], [sflag:s2] =	dma.local @!p0 [hbm:s0], s1  }
0x946: {  	s0 =	simm.s32 @!p0 $0x3  }
0x947: {  	_ =	swait.ge @!p0 [sflag:s0], s1  }
0x948: {  	s1 =	ssub.s32 @!p0 $0x0, s1;
	[sflag:s0] =	ssyncset.done @!p0 $0x0  }
0x949: {  	[sflag:s0] =	ssyncadd.s32 @!p0 s1  }
0x94a: {  	[bflag:$0x3] =	sbarrier.arrive $0xFFFF  }
0x94b: {  	_ =	shalt  }

</sc_bundles>
